<compile_context>
chip_gen: v7x
topology: tpu7x:2x2x1
jax: 0.10.2.dev20260603
libtpu: 0.0.44.dev20260713+nightly
codegen_flags: <defaults>
</compile_context>

<pallas_src>
import functools

import jax
import jax.numpy as jnp
from jax.experimental import pallas as pl
from jax.experimental.pallas import tpu as pltpu
from jax.experimental.pallas import tpu_sc as plsc

NH = 16

F32 = jnp.float32
BF16 = jnp.bfloat16


def _ln(x, g, b, eps=1e-5):
    m = jnp.mean(x, axis=-1, keepdims=True)
    v = jnp.mean((x - m) ** 2, axis=-1, keepdims=True)
    return (x - m) / jnp.sqrt(v + eps) * g + b



def _qkv_kernel(x_ref, g_ref, b_ref, w_ref, o_ref):
    h = _ln(x_ref[...], g_ref[...], b_ref[...])
    o_ref[...] = jnp.dot(h.astype(BF16), w_ref[...], preferred_element_type=F32)



def _attn_kernel(q_ref, k_ref, v_ref, o_ref, s_ref, *, blk, hd, hpb):
    qi = pl.program_id(1)
    scale = 1.0 / hd ** 0.5
    rows = jax.lax.broadcasted_iota(jnp.int32, (blk, blk), 0)
    cols = jax.lax.broadcasted_iota(jnp.int32, (blk, blk), 1)
    for p in range(hpb):
        sl = slice(p * hd, (p + 1) * hd)
        q = q_ref[:, sl].astype(BF16)

        def s_body(j, m, q=q, sl=sl):
            k = k_ref[pl.ds(j * blk, blk), sl].astype(BF16)
            s = jax.lax.dot_general(q, k, (((1,), (1,)), ((), ())),
                                    preferred_element_type=F32) * scale
            s = jnp.where((j < qi) | (rows >= cols), s, -jnp.inf)
            s_ref[:, pl.ds(j * blk, blk)] = s
            return jnp.maximum(m, jnp.max(s, axis=-1, keepdims=True))

        m = jax.lax.fori_loop(0, qi + 1, s_body,
                              jnp.full((blk, 1), -jnp.inf, F32))

        def l_body(j, l, m=m):
            p = jnp.exp(s_ref[:, pl.ds(j * blk, blk)] - m)
            s_ref[:, pl.ds(j * blk, blk)] = p
            return l + jnp.sum(p, axis=-1, keepdims=True)

        l = jax.lax.fori_loop(0, qi + 1, l_body, jnp.zeros((blk, 1), F32))
        inv = 1.0 / l

        def pv_body(j, acc, inv=inv, sl=sl):
            pb = (s_ref[:, pl.ds(j * blk, blk)] * inv).astype(BF16)
            v = v_ref[pl.ds(j * blk, blk), sl].astype(BF16)
            return acc + jnp.dot(pb, v, preferred_element_type=F32)

        acc = jax.lax.fori_loop(0, qi + 1, pv_body, jnp.zeros((blk, hd), F32))
        o_ref[:, sl] = acc



def _post_kernel(x_ref, y_ref, wp_ref, g_ref, b_ref, wr_ref,
                 x1_ref, h2_ref, comb_ref, i1_ref, i2_ref, wv1_ref, wv2_ref):
    y = jnp.dot(y_ref[...].astype(BF16), wp_ref[...], preferred_element_type=F32)
    x1 = x_ref[...] + y
    x1_ref[...] = x1
    h2 = _ln(x1, g_ref[...], b_ref[...])
    h2_ref[...] = h2
    logits = jnp.dot(h2.astype(BF16), wr_ref[...],
                     preferred_element_type=F32)
    n_e = logits.shape[-1]
    lane = jax.lax.broadcasted_iota(jnp.int32, logits.shape, 1)
    m1 = jnp.max(logits, axis=-1, keepdims=True)
    i1 = jnp.min(jnp.where(logits == m1, lane, n_e), axis=-1, keepdims=True)
    first1 = lane == i1
    rest = jnp.where(first1, -jnp.inf, logits)
    m2 = jnp.max(rest, axis=-1, keepdims=True)
    i2 = jnp.min(jnp.where(rest == m2, lane, n_e), axis=-1, keepdims=True)
    first2 = lane == i2
    t = jnp.exp(m2 - m1)
    w1 = 1.0 / (1.0 + t)
    w2 = t / (1.0 + t)
    comb_ref[...] = w1 * first1.astype(F32) + w2 * first2.astype(F32)
    i1_ref[...] = i1
    i2_ref[...] = i2
    wv1_ref[...] = w1
    wv2_ref[...] = w2



def _route_kernel(icat_ref, dest_ref, texp_ref, tvalid_ref,
                  csum_ref, coff_ref, *, n_e, blk, n_tiles, chunk):
    na = icat_ref.shape[0]
    n_chunks = na // chunk
    lane = jax.lax.broadcasted_iota(jnp.int32, (chunk, n_e), 1)
    ltri = (jax.lax.broadcasted_iota(jnp.int32, (chunk, chunk), 0) >
            jax.lax.broadcasted_iota(jnp.int32, (chunk, chunk), 1)).astype(F32)

    def sums_body(c, _):
        ids = icat_ref[pl.ds(c * chunk, chunk), :]
        oh = (lane == ids).astype(F32)
        csum_ref[pl.ds(c, 1), :] = jnp.sum(oh, axis=0, keepdims=True)
        return 0

    jax.lax.fori_loop(0, n_chunks, sums_body, 0)

    csum = csum_ref[...]
    ltri_c = (jax.lax.broadcasted_iota(jnp.int32, (n_chunks, n_chunks), 0) >
              jax.lax.broadcasted_iota(jnp.int32, (n_chunks, n_chunks), 1)).astype(F32)
    coff_ref[...] = jnp.dot(ltri_c, csum, preferred_element_type=F32)
    counts = jnp.sum(csum, axis=0, keepdims=True)
    cnt_pad = jnp.ceil(counts / blk) * blk
    utri_e = (jax.lax.broadcasted_iota(jnp.int32, (n_e, n_e), 0) <
              jax.lax.broadcasted_iota(jnp.int32, (n_e, n_e), 1)).astype(F32)
    off = jnp.dot(cnt_pad, utri_e, preferred_element_type=F32)
    total = jnp.sum(cnt_pad)

    def dest_body(c, _):
        ids = icat_ref[pl.ds(c * chunk, chunk), :]
        oh = (lane == ids).astype(F32)
        rank = jnp.dot(ltri, oh, preferred_element_type=F32) + coff_ref[pl.ds(c, 1), :]
        d = jnp.sum((off + rank) * oh, axis=1, keepdims=True)
        dest_ref[pl.ds(c * chunk, chunk), :] = d.astype(jnp.int32)
        return 0

    jax.lax.fori_loop(0, n_chunks, dest_body, 0)

    t_iota = jax.lax.broadcasted_iota(jnp.int32, (n_tiles, 1), 0)
    t_base = (t_iota * blk).astype(F32)
    texp = jnp.sum((t_base >= off).astype(jnp.int32), axis=1, keepdims=True) - 1
    texp_ref[...] = jnp.maximum(texp, 0)
    tvalid_ref[...] = (t_base < total).astype(jnp.int32)



def _moe_half_kernel(texp_sref, tvalid_sref,
                     h2_ref, d0r_ref, d1r_ref, w0r_ref, w1r_ref,
                     w1_ref, b1_ref, w2_ref, b2_ref, *rest,
                     blk, final):
    if final:
        prev_ref, oe_ref = rest
    else:
        prev_ref = None
        (oe_ref,) = rest
    t = pl.program_id(0)
    valid = tvalid_sref[t] == 1

    @pl.when(valid)
    def _():
        base = t * blk
        rcol = jax.lax.broadcasted_iota(jnp.int32, (blk, 1), 0) + base
        dsT = ((d0r_ref[...] == rcol).astype(BF16) +
               (d1r_ref[...] == rcol).astype(BF16))
        xs = jnp.dot(dsT, h2_ref[...], preferred_element_type=F32)
        h1 = jnp.dot(xs.astype(BF16), w1_ref[0],
                     preferred_element_type=F32) + b1_ref[0]
        h1 = h1 * 0.5 * (1.0 + jax.lax.erf(h1 * (2.0 ** -0.5)))
        acc = jnp.dot(h1.astype(BF16), w2_ref[0], preferred_element_type=F32)
        if final:
            wrow = jnp.sum(
                jnp.where(d0r_ref[...] == rcol, w0r_ref[...], 0.0) +
                jnp.where(d1r_ref[...] == rcol, w1r_ref[...], 0.0),
                axis=1, keepdims=True)
            oe_ref[...] = wrow * (prev_ref[...] + acc + b2_ref[0])
        else:
            oe_ref[...] = acc

    if final:
        @pl.when(~valid)
        def _():
            oe_ref[...] = jnp.zeros_like(oe_ref)



def _sc_combine_body(oe_hbm, x1_hbm, d0_hbm, d1_hbm, out_hbm,
                     idx0_v, idx1_v, buf_v, r0_v, r1_v, sem,
                     *, bpw, n_cores, chunk, dim):
    wid = jax.lax.axis_index("s") * n_cores + jax.lax.axis_index("c")
    nj = dim // 16
    for c in range(bpw // chunk):
        base = wid * bpw + c * chunk
        pltpu.sync_copy(x1_hbm.at[pl.ds(base, chunk)], buf_v)
        pltpu.sync_copy(d0_hbm.at[pl.ds(base, chunk)], idx0_v)
        pltpu.sync_copy(d1_hbm.at[pl.ds(base, chunk)], idx1_v)
        cp0 = pltpu.async_copy(oe_hbm.at[idx0_v], r0_v, sem)
        cp1 = pltpu.async_copy(oe_hbm.at[idx1_v], r1_v, sem)
        cp0.wait()
        cp1.wait()
        for i in range(chunk):
            def addbody(j, _, i=i):
                sl = pl.ds(j * 16, 16)
                buf_v[i, sl] = buf_v[i, sl] + r0_v[i, sl] + r1_v[i, sl]
                return 0
            jax.lax.fori_loop(0, nj, addbody, 0)
        pltpu.sync_copy(buf_v, out_hbm.at[pl.ds(base, chunk)])


def kernel(x, ln1_g, ln1_b, W_attn, W_proj, ln2_g, ln2_b, W_router, W1, b1, W2, b2):
    Bb, T, DIM = x.shape
    E = W_router.shape[1]
    HID = W1.shape[2]
    hd = DIM // NH

    x2 = x.reshape(T, DIM)
    g1 = ln1_g.reshape(1, DIM)
    b1v = ln1_b.reshape(1, DIM)
    g2 = ln2_g.reshape(1, DIM)
    b2v = ln2_b.reshape(1, DIM)

    BT = min(256, T)
    nt = T // BT

    qkv = pl.pallas_call(
        _qkv_kernel,
        grid=(nt,),
        in_specs=[
            pl.BlockSpec((BT, DIM), lambda i: (i, 0)),
            pl.BlockSpec((1, DIM), lambda i: (0, 0)),
            pl.BlockSpec((1, DIM), lambda i: (0, 0)),
            pl.BlockSpec((DIM, 3 * DIM), lambda i: (0, 0)),
        ],
        out_specs=pl.BlockSpec((BT, 3 * DIM), lambda i: (i, 0)),
        out_shape=jax.ShapeDtypeStruct((T, 3 * DIM), F32),
    )(x2, g1, b1v, W_attn.astype(BF16))

    BQ = min(512, T)
    nq = T // BQ
    hpb = max(1, 128 // hd)
    WB = hpb * hd
    ng = NH // hpb
    nw = DIM // WB
    y = pl.pallas_call(
        functools.partial(_attn_kernel, blk=BQ, hd=hd, hpb=hpb),
        grid=(ng, nq),
        in_specs=[
            pl.BlockSpec((BQ, WB), lambda h, i: (i, h)),
            pl.BlockSpec((T, WB), lambda h, i: (0, nw + h)),
            pl.BlockSpec((T, WB), lambda h, i: (0, 2 * nw + h)),
        ],
        out_specs=pl.BlockSpec((BQ, WB), lambda h, i: (i, h)),
        out_shape=jax.ShapeDtypeStruct((T, DIM), F32),
        scratch_shapes=[pltpu.VMEM((BQ, T), F32)],
    )(qkv, qkv, qkv)

    x1, h2, comb, i1, i2, wv1, wv2 = pl.pallas_call(
        _post_kernel,
        grid=(nt,),
        in_specs=[
            pl.BlockSpec((BT, DIM), lambda i: (i, 0)),
            pl.BlockSpec((BT, DIM), lambda i: (i, 0)),
            pl.BlockSpec((DIM, DIM), lambda i: (0, 0)),
            pl.BlockSpec((1, DIM), lambda i: (0, 0)),
            pl.BlockSpec((1, DIM), lambda i: (0, 0)),
            pl.BlockSpec((DIM, E), lambda i: (0, 0)),
        ],
        out_specs=[
            pl.BlockSpec((BT, DIM), lambda i: (i, 0)),
            pl.BlockSpec((BT, DIM), lambda i: (i, 0)),
            pl.BlockSpec((BT, E), lambda i: (i, 0)),
            pl.BlockSpec((BT, 1), lambda i: (i, 0)),
            pl.BlockSpec((BT, 1), lambda i: (i, 0)),
            pl.BlockSpec((BT, 1), lambda i: (i, 0)),
            pl.BlockSpec((BT, 1), lambda i: (i, 0)),
        ],
        out_shape=[
            jax.ShapeDtypeStruct((T, DIM), F32),
            jax.ShapeDtypeStruct((T, DIM), F32),
            jax.ShapeDtypeStruct((T, E), F32),
            jax.ShapeDtypeStruct((T, 1), jnp.int32),
            jax.ShapeDtypeStruct((T, 1), jnp.int32),
            jax.ShapeDtypeStruct((T, 1), F32),
            jax.ShapeDtypeStruct((T, 1), F32),
        ],
    )(x2, y, W_proj.astype(BF16), g2, b2v, W_router.astype(BF16))

    KTOP = 2
    NA = KTOP * T
    BLK = 128
    CHUNK = 128
    n_tiles = (NA + E * BLK) // BLK
    icat = jnp.concatenate([i1, i2], axis=0)
    dest, texp, tvalid = pl.pallas_call(
        functools.partial(_route_kernel, n_e=E, blk=BLK, n_tiles=n_tiles,
                          chunk=CHUNK),
        grid=(1,),
        in_specs=[pl.BlockSpec((NA, 1), lambda i: (0, 0))],
        out_specs=[
            pl.BlockSpec((NA, 1), lambda i: (0, 0)),
            pl.BlockSpec((n_tiles, 1), lambda i: (0, 0)),
            pl.BlockSpec((n_tiles, 1), lambda i: (0, 0)),
        ],
        out_shape=[
            jax.ShapeDtypeStruct((NA, 1), jnp.int32),
            jax.ShapeDtypeStruct((n_tiles, 1), jnp.int32),
            jax.ShapeDtypeStruct((n_tiles, 1), jnp.int32),
        ],
        scratch_shapes=[
            pltpu.VMEM((NA // CHUNK, E), F32),
            pltpu.VMEM((NA // CHUNK, E), F32),
        ],
    )(icat)

    drows = dest.reshape(KTOP, T)
    d0r = drows[0:1, :]
    d1r = drows[1:2, :]
    w0r = wv1.reshape(1, T)
    w1r = wv2.reshape(1, T)

    NPAD = n_tiles * BLK
    BH = HID // 2
    texp_f = texp.reshape(n_tiles)
    tval_f = tvalid.reshape(n_tiles)
    h2b = h2.astype(BF16)
    w1b = W1.astype(BF16)
    w2b = W2.astype(BF16)
    b1r3 = b1.reshape(E, 1, HID)
    b2r3 = b2.reshape(E, 1, DIM)

    def _half_specs(hh, final):
        specs = [
            pl.BlockSpec((T, DIM), lambda t, texp, tval: (0, 0)),
            pl.BlockSpec((1, T), lambda t, texp, tval: (0, 0)),
            pl.BlockSpec((1, T), lambda t, texp, tval: (0, 0)),
            pl.BlockSpec((1, T), lambda t, texp, tval: (0, 0)),
            pl.BlockSpec((1, T), lambda t, texp, tval: (0, 0)),
            pl.BlockSpec((1, DIM, BH), lambda t, texp, tval: (texp[t], 0, hh)),
            pl.BlockSpec((1, 1, BH), lambda t, texp, tval: (texp[t], 0, hh)),
            pl.BlockSpec((1, BH, DIM), lambda t, texp, tval: (texp[t], hh, 0)),
            pl.BlockSpec((1, 1, DIM), lambda t, texp, tval: (texp[t], 0, 0)),
        ]
        if final:
            specs.append(pl.BlockSpec((BLK, DIM), lambda t, texp, tval: (t, 0)))
        return specs

    oe_part = pl.pallas_call(
        functools.partial(_moe_half_kernel, blk=BLK, final=False),
        grid_spec=pltpu.PrefetchScalarGridSpec(
            num_scalar_prefetch=2,
            grid=(n_tiles,),
            in_specs=_half_specs(0, False),
            out_specs=pl.BlockSpec((BLK, DIM), lambda t, texp, tval: (t, 0)),
        ),
        out_shape=jax.ShapeDtypeStruct((NPAD, DIM), F32),
        compiler_params=pltpu.CompilerParams(
            dimension_semantics=("arbitrary",),
        ),
    )(texp_f, tval_f, h2b, d0r, d1r, w0r, w1r,
      w1b, b1r3, w2b, b2r3)

    oe_w = pl.pallas_call(
        functools.partial(_moe_half_kernel, blk=BLK, final=True),
        grid_spec=pltpu.PrefetchScalarGridSpec(
            num_scalar_prefetch=2,
            grid=(n_tiles,),
            in_specs=_half_specs(1, True),
            out_specs=pl.BlockSpec((BLK, DIM), lambda t, texp, tval: (t, 0)),
        ),
        out_shape=jax.ShapeDtypeStruct((NPAD, DIM), F32),
        compiler_params=pltpu.CompilerParams(
            dimension_semantics=("arbitrary",),
        ),
    )(texp_f, tval_f, h2b, d0r, d1r, w0r, w1r,
      w1b, b1r3, w2b, b2r3, oe_part)

    n_sc, n_sub = 2, 16
    bpw = T // (n_sc * n_sub)
    chunk = min(32, bpw)
    mesh = plsc.VectorSubcoreMesh(core_axis_name="c", subcore_axis_name="s")
    sc_combine = pl.kernel(
        functools.partial(_sc_combine_body, bpw=bpw, n_cores=n_sc,
                          chunk=chunk, dim=DIM),
        mesh=mesh,
        out_type=jax.ShapeDtypeStruct((T, DIM), F32),
        scratch_types=[
            pltpu.VMEM((chunk,), jnp.int32),
            pltpu.VMEM((chunk,), jnp.int32),
            pltpu.VMEM((chunk, DIM), F32),
            pltpu.VMEM((chunk, DIM), F32),
            pltpu.VMEM((chunk, DIM), F32),
            pltpu.SemaphoreType.DMA,
        ],
    )
    out = sc_combine(oe_w, x1, drows[0], drows[1])

    return out.reshape(Bb, T, DIM)

# --- scband reference (transcript-rebuilt; emitter-appended) ---
"""Pipeline reference for scband-block-84310208020549 (READ-ONLY COPY).

The authoritative reference and input builder live on the scoring server;
editing this copy changes nothing except your own understanding.
"""

import jax, jax.numpy as jnp
import numpy as np

B, T, DIM = 1, 2048, 1024
NH = 16
E, K = 8, 2
HID = 4 * DIM


def setup_inputs(seed: int = 0) -> dict:
    key = jax.random.key(seed)
    ks = jax.random.split(key, 8)
    return {
        "x": jax.random.normal(ks[0], (B, T, DIM), dtype=jnp.float32),
        "ln1_g": jnp.ones((DIM,), jnp.float32),
        "ln1_b": jnp.zeros((DIM,), jnp.float32),
        "W_attn": jax.random.normal(ks[1], (DIM, 3 * DIM), dtype=jnp.float32) * 0.02,
        "W_proj": jax.random.normal(ks[2], (DIM, DIM), dtype=jnp.float32) * 0.02,
        "ln2_g": jnp.ones((DIM,), jnp.float32),
        "ln2_b": jnp.zeros((DIM,), jnp.float32),
        "W_router": jax.random.normal(ks[3], (DIM, E), dtype=jnp.float32) * 0.02,
        "W1": jax.random.normal(ks[4], (E, DIM, HID), dtype=jnp.float32) * 0.02,
        "b1": jnp.zeros((E, HID), jnp.float32),
        "W2": jax.random.normal(ks[5], (E, HID, DIM), dtype=jnp.float32) * 0.02,
        "b2": jnp.zeros((E, DIM), jnp.float32),
    }


def _layernorm(x, g, b):
    m = x.mean(axis=-1, keepdims=True)
    v = ((x - m) ** 2).mean(axis=-1, keepdims=True)
    return (x - m) / jnp.sqrt(v + 1e-5) * g + b


def _forward(x, ln1_g, ln1_b, W_attn, W_proj, ln2_g, ln2_b, W_router, W1, b1, W2, b2):
    Bb, Tt, C = x.shape
    nh = NH
    hd = C // nh
    # attention branch
    h = _layernorm(x, ln1_g, ln1_b)
    qkv = h @ W_attn
    q, k, v = jnp.split(qkv, 3, axis=-1)
    q = q.reshape(Bb, Tt, nh, hd).transpose(0, 2, 1, 3)
    k = k.reshape(Bb, Tt, nh, hd).transpose(0, 2, 1, 3)
    v = v.reshape(Bb, Tt, nh, hd).transpose(0, 2, 1, 3)
    att = (q @ k.transpose(0, 1, 3, 2)) * (1.0 / hd ** 0.5)
    mask = jnp.tril(jnp.ones((Tt, Tt), dtype=bool))
    att = jnp.where(mask[None, None, :, :], att, -jnp.inf)
    att = jax.nn.softmax(att, axis=-1)
    y = (att @ v).transpose(0, 2, 1, 3).reshape(Bb, Tt, C)
    y = y @ W_proj
    x = x + y
    # MoE branch
    h2 = _layernorm(x, ln2_g, ln2_b)
    xf = h2.reshape(-1, C)
    logits = xf @ W_router
    w, idx = jax.lax.top_k(logits, K)
    w = jax.nn.softmax(w, axis=-1)
    combine = jnp.zeros((xf.shape[0], E), dtype=xf.dtype)
    for i in range(K):
        combine = combine + w[:, i:i + 1] * jax.nn.one_hot(idx[:, i], E, dtype=xf.dtype)
    out = jnp.zeros_like(xf)
    for e in range(E):
        h1 = jax.nn.gelu(xf @ W1[e] + b1[e], approximate=False)
        oe = h1 @ W2[e] + b2[e]
        out = out + combine[:, e:e + 1] * oe
    x = x + out.reshape(Bb, Tt, C)
    return x


def reference(x, ln1_g, ln1_b, W_attn, W_proj, ln2_g, ln2_b, W_router, W1, b1, W2, b2):
    return _forward(x, ln1_g, ln1_b, W_attn, W_proj, ln2_g, ln2_b, W_router, W1, b1, W2, b2)

if __name__ == "__main__":
    import jax
    _d = setup_inputs()
    print(jax.jit(kernel)(*tuple(_d.values())))

</pallas_src>

<mosaic_0001>
#map = affine_map<(d0, d1) -> (0, 0)>
#map1 = affine_map<(d0, d1) -> (0)>
module attributes {stable_mosaic.version = 14 : i64} {
  func.func @_sc_combine_body(%arg0: i32, %arg1: i32, %arg2: memref<5120x1024xf32, #tpu.memory_space<hbm>>, %arg3: memref<2048x1024xf32, #tpu.memory_space<hbm>>, %arg4: memref<2048xi32, #tpu.memory_space<hbm>>, %arg5: memref<2048xi32, #tpu.memory_space<hbm>>, %arg6: memref<2048x1024xf32, #tpu.memory_space<hbm>>, %arg7: memref<32xi32, #tpu.memory_space<vmem>>, %arg8: memref<32xi32, #tpu.memory_space<vmem>>, %arg9: memref<32x1024xf32, #tpu.memory_space<vmem>>, %arg10: memref<32x1024xf32, #tpu.memory_space<vmem>>, %arg11: memref<32x1024xf32, #tpu.memory_space<vmem>>, %arg12: memref<!tpu.dma_semaphore, #tpu.memory_space<semaphore_mem>>) attributes {dimension_semantics = [#tpu.dimension_semantics<core_parallel>, #tpu.dimension_semantics<subcore_parallel>], iteration_bounds = array<i64: 2, 16>, scalar_prefetch = 0 : i64, scratch_operands = 6 : i64, tpu.core_type = #tpu.core_type<sc_vector_subcore>, window_params = [{transform_indices = #map}, {transform_indices = #map}, {transform_indices = #map1}, {transform_indices = #map1}, {transform_indices = #map}]} {
    %mul3A = arith.constant 2 : i32
    %mul3A_0 = arith.muli %arg1, %mul3A : i32
    %add3A = arith.addi %mul3A_0, %arg0 : i32
    %mul3A_1 = arith.constant 64 : i32
    %mul3A_2 = arith.muli %add3A, %mul3A_1 : i32
    %add3A_3 = arith.constant 0 : i32
    %add3A_4 = arith.addi %mul3A_2, %add3A_3 : i32
    "tpu.region"() ({
      %run_scoped3A = tpu.sem_alloc : memref<!tpu.dma_semaphore, #tpu.memory_space<semaphore_mem>>
      %dma_start3A_478 = arith.constant 0 : i32
      %dma_start3A_479 = tpu.memref_slice %arg3[%add3A_4, %dma_start3A_478] : memref<2048x1024xf32, #tpu.memory_space<hbm>> -> memref<32x1024xf32, #tpu.memory_space<hbm>>
      %dma_start3A_480 = arith.constant 0 : i32
      %dma_start3A_481 = tpu.memref_slice %arg3[%add3A_4, %dma_start3A_480] : memref<2048x1024xf32, #tpu.memory_space<hbm>> -> memref<32x1024xf32, #tpu.memory_space<hbm>>
      tpu.enqueue_dma source(%dma_start3A_481 : memref<32x1024xf32, #tpu.memory_space<hbm>>) target(%arg9 : memref<32x1024xf32, #tpu.memory_space<vmem>>) target_semaphore(%run_scoped3A : memref<!tpu.dma_semaphore, #tpu.memory_space<semaphore_mem>>)
      %dma_wait3A_482 = arith.constant 0 : i32
      %dma_wait3A_483 = tpu.memref_slice %arg3[%add3A_4, %dma_wait3A_482] : memref<2048x1024xf32, #tpu.memory_space<hbm>> -> memref<32x1024xf32, #tpu.memory_space<hbm>>
      %dma_wait3A_484 = arith.constant 0 : i32
      %dma_wait3A_485 = tpu.memref_slice %arg3[%add3A_4, %dma_wait3A_484] : memref<2048x1024xf32, #tpu.memory_space<hbm>> -> memref<32x1024xf32, #tpu.memory_space<hbm>>
      tpu.wait_dma2 semaphore(%run_scoped3A : memref<!tpu.dma_semaphore, #tpu.memory_space<semaphore_mem>>) src(%dma_wait3A_485 : memref<32x1024xf32, #tpu.memory_space<hbm>>) dst(%arg9 : memref<32x1024xf32, #tpu.memory_space<vmem>>)
      tpu.yield
    }) : () -> ()
    "tpu.region"() ({
      %run_scoped3A = tpu.sem_alloc : memref<!tpu.dma_semaphore, #tpu.memory_space<semaphore_mem>>
      %dma_start3A_478 = tpu.memref_slice %arg4[%add3A_4] : memref<2048xi32, #tpu.memory_space<hbm>> -> memref<32xi32, #tpu.memory_space<hbm>>
      %dma_start3A_479 = tpu.memref_slice %arg4[%add3A_4] : memref<2048xi32, #tpu.memory_space<hbm>> -> memref<32xi32, #tpu.memory_space<hbm>>
      tpu.enqueue_dma source(%dma_start3A_479 : memref<32xi32, #tpu.memory_space<hbm>>) target(%arg7 : memref<32xi32, #tpu.memory_space<vmem>>) target_semaphore(%run_scoped3A : memref<!tpu.dma_semaphore, #tpu.memory_space<semaphore_mem>>)
      %dma_wait3A_480 = tpu.memref_slice %arg4[%add3A_4] : memref<2048xi32, #tpu.memory_space<hbm>> -> memref<32xi32, #tpu.memory_space<hbm>>
      %dma_wait3A_481 = tpu.memref_slice %arg4[%add3A_4] : memref<2048xi32, #tpu.memory_space<hbm>> -> memref<32xi32, #tpu.memory_space<hbm>>
      tpu.wait_dma2 semaphore(%run_scoped3A : memref<!tpu.dma_semaphore, #tpu.memory_space<semaphore_mem>>) src(%dma_wait3A_481 : memref<32xi32, #tpu.memory_space<hbm>>) dst(%arg7 : memref<32xi32, #tpu.memory_space<vmem>>)
      tpu.yield
    }) : () -> ()
    "tpu.region"() ({
      %run_scoped3A = tpu.sem_alloc : memref<!tpu.dma_semaphore, #tpu.memory_space<semaphore_mem>>
      %dma_start3A_478 = tpu.memref_slice %arg5[%add3A_4] : memref<2048xi32, #tpu.memory_space<hbm>> -> memref<32xi32, #tpu.memory_space<hbm>>
      %dma_start3A_479 = tpu.memref_slice %arg5[%add3A_4] : memref<2048xi32, #tpu.memory_space<hbm>> -> memref<32xi32, #tpu.memory_space<hbm>>
      tpu.enqueue_dma source(%dma_start3A_479 : memref<32xi32, #tpu.memory_space<hbm>>) target(%arg8 : memref<32xi32, #tpu.memory_space<vmem>>) target_semaphore(%run_scoped3A : memref<!tpu.dma_semaphore, #tpu.memory_space<semaphore_mem>>)
      %dma_wait3A_480 = tpu.memref_slice %arg5[%add3A_4] : memref<2048xi32, #tpu.memory_space<hbm>> -> memref<32xi32, #tpu.memory_space<hbm>>
      %dma_wait3A_481 = tpu.memref_slice %arg5[%add3A_4] : memref<2048xi32, #tpu.memory_space<hbm>> -> memref<32xi32, #tpu.memory_space<hbm>>
      tpu.wait_dma2 semaphore(%run_scoped3A : memref<!tpu.dma_semaphore, #tpu.memory_space<semaphore_mem>>) src(%dma_wait3A_481 : memref<32xi32, #tpu.memory_space<hbm>>) dst(%arg8 : memref<32xi32, #tpu.memory_space<vmem>>)
      tpu.yield
    }) : () -> ()
    %dma_start3A = arith.constant 0 : i32
    %dma_start3A_5 = arith.constant 0 : i32
    %dma_start3A_6 = tpu.memref_slice %arg2[%dma_start3A, %dma_start3A_5] : memref<5120x1024xf32, #tpu.memory_space<hbm>> -> memref<5120x1024xf32, #tpu.memory_space<hbm>>
    tpu.enqueue_indirect_dma source(%dma_start3A_6 : memref<5120x1024xf32, #tpu.memory_space<hbm>>) target(%arg10 : memref<32x1024xf32, #tpu.memory_space<vmem>>) offsets(%arg7 : memref<32xi32, #tpu.memory_space<vmem>>) semaphore(%arg12 : memref<!tpu.dma_semaphore, #tpu.memory_space<semaphore_mem>>)
    %dma_start3A_7 = arith.constant 0 : i32
    %dma_start3A_8 = arith.constant 0 : i32
    %dma_start3A_9 = tpu.memref_slice %arg2[%dma_start3A_7, %dma_start3A_8] : memref<5120x1024xf32, #tpu.memory_space<hbm>> -> memref<5120x1024xf32, #tpu.memory_space<hbm>>
    tpu.enqueue_indirect_dma source(%dma_start3A_9 : memref<5120x1024xf32, #tpu.memory_space<hbm>>) target(%arg11 : memref<32x1024xf32, #tpu.memory_space<vmem>>) offsets(%arg8 : memref<32xi32, #tpu.memory_space<vmem>>) semaphore(%arg12 : memref<!tpu.dma_semaphore, #tpu.memory_space<semaphore_mem>>)
    %dma_wait3A = arith.constant 0 : i32
    %dma_wait3A_10 = arith.constant 0 : i32
    %dma_wait3A_11 = tpu.memref_slice %arg2[%dma_wait3A, %dma_wait3A_10] : memref<5120x1024xf32, #tpu.memory_space<hbm>> -> memref<5120x1024xf32, #tpu.memory_space<hbm>>
    tpu.wait_indirect_dma semaphore(%arg12 : memref<!tpu.dma_semaphore, #tpu.memory_space<semaphore_mem>>) src(%dma_wait3A_11 : memref<5120x1024xf32, #tpu.memory_space<hbm>>) dst(%arg10 : memref<32x1024xf32, #tpu.memory_space<vmem>>)
    %dma_wait3A_12 = arith.constant 0 : i32
    %dma_wait3A_13 = arith.constant 0 : i32
    %dma_wait3A_14 = tpu.memref_slice %arg2[%dma_wait3A_12, %dma_wait3A_13] : memref<5120x1024xf32, #tpu.memory_space<hbm>> -> memref<5120x1024xf32, #tpu.memory_space<hbm>>
    tpu.wait_indirect_dma semaphore(%arg12 : memref<!tpu.dma_semaphore, #tpu.memory_space<semaphore_mem>>) src(%dma_wait3A_14 : memref<5120x1024xf32, #tpu.memory_space<hbm>>) dst(%arg11 : memref<32x1024xf32, #tpu.memory_space<vmem>>)
    %scan3A = arith.constant 0 : i32
    %scan3A_15 = arith.constant 0 : i32
    %scan3A_16 = arith.constant 64 : i32
    %scan3A_17 = arith.addi %scan3A_15, %scan3A_16 : i32
    %scan3A_18 = arith.constant 1 : i32
    %scan3A_19 = scf.for %scan3A_478 = %scan3A_15 to %scan3A_17 step %scan3A_18 iter_args(%scan3A_479 = %scan3A) -> (i32)  : i32 {
      %mul3A_480 = arith.constant 16 : i32
      %mul3A_481 = arith.muli %scan3A_478, %mul3A_480 : i32
      %get3A = arith.constant 0 : i32
      %get3A_482 = arith.index_cast %get3A : i32 to index
      %get3A_483 = arith.index_cast %mul3A_481 : i32 to index
      %get3A_484 = tpu.vector_load %arg9[%get3A_482, %get3A_483] {strides = array<i32>} : memref<32x1024xf32, #tpu.memory_space<vmem>>, vector<1x16xf32>,
      %get3A_485 = vector.shape_cast %get3A_484 : vector<1x16xf32> to vector<16xf32>
      %get3A_486 = arith.constant 0 : i32
      %get3A_487 = arith.index_cast %get3A_486 : i32 to index
      %get3A_488 = arith.index_cast %mul3A_481 : i32 to index
      %get3A_489 = tpu.vector_load %arg10[%get3A_487, %get3A_488] {strides = array<i32>} : memref<32x1024xf32, #tpu.memory_space<vmem>>, vector<1x16xf32>,
      %get3A_490 = vector.shape_cast %get3A_489 : vector<1x16xf32> to vector<16xf32>
      %add3A_491 = arith.addf %get3A_485, %get3A_490 : vector<16xf32>
      %get3A_492 = arith.constant 0 : i32
      %get3A_493 = arith.index_cast %get3A_492 : i32 to index
      %get3A_494 = arith.index_cast %mul3A_481 : i32 to index
      %get3A_495 = tpu.vector_load %arg11[%get3A_493, %get3A_494] {strides = array<i32>} : memref<32x1024xf32, #tpu.memory_space<vmem>>, vector<1x16xf32>,
      %get3A_496 = vector.shape_cast %get3A_495 : vector<1x16xf32> to vector<16xf32>
      %add3A_497 = arith.addf %add3A_491, %get3A_496 : vector<16xf32>
      %swap3A = arith.constant 0 : i32
      %swap3A_498 = arith.index_cast %swap3A : i32 to index
      %swap3A_499 = arith.index_cast %mul3A_481 : i32 to index
      %swap3A_500 = tpu.vector_load %arg9[%swap3A_498, %swap3A_499] {strides = array<i32>} : memref<32x1024xf32, #tpu.memory_space<vmem>>, vector<1x16xf32>,
      %swap3A_501 = vector.shape_cast %swap3A_500 : vector<1x16xf32> to vector<16xf32>
      %swap3A_502 = vector.shape_cast %add3A_497 : vector<16xf32> to vector<1x16xf32>
      tpu.vector_store %arg9[%swap3A_498, %swap3A_499], %swap3A_502 {strides = array<i32>} : memref<32x1024xf32, #tpu.memory_space<vmem>>, vector<1x16xf32>,
      %scan3A_503 = arith.constant 0 : i32
      scf.yield %scan3A_503 : i32
    }
    %scan3A_20 = arith.constant 64 : i32
    %scan3A_21 = arith.constant 0 : i32
    %scan3A_22 = arith.constant 0 : i32
    %scan3A_23 = arith.constant 64 : i32
    %scan3A_24 = arith.addi %scan3A_22, %scan3A_23 : i32
    %scan3A_25 = arith.constant 1 : i32
    %scan3A_26 = scf.for %scan3A_478 = %scan3A_22 to %scan3A_24 step %scan3A_25 iter_args(%scan3A_479 = %scan3A_21) -> (i32)  : i32 {
      %mul3A_480 = arith.constant 16 : i32
      %mul3A_481 = arith.muli %scan3A_478, %mul3A_480 : i32
      %get3A = arith.constant 1 : i32
      %get3A_482 = arith.index_cast %get3A : i32 to index
      %get3A_483 = arith.index_cast %mul3A_481 : i32 to index
      %get3A_484 = tpu.vector_load %arg9[%get3A_482, %get3A_483] {strides = array<i32>} : memref<32x1024xf32, #tpu.memory_space<vmem>>, vector<1x16xf32>,
      %get3A_485 = vector.shape_cast %get3A_484 : vector<1x16xf32> to vector<16xf32>
      %get3A_486 = arith.constant 1 : i32
      %get3A_487 = arith.index_cast %get3A_486 : i32 to index
      %get3A_488 = arith.index_cast %mul3A_481 : i32 to index
      %get3A_489 = tpu.vector_load %arg10[%get3A_487, %get3A_488] {strides = array<i32>} : memref<32x1024xf32, #tpu.memory_space<vmem>>, vector<1x16xf32>,
      %get3A_490 = vector.shape_cast %get3A_489 : vector<1x16xf32> to vector<16xf32>
      %add3A_491 = arith.addf %get3A_485, %get3A_490 : vector<16xf32>
      %get3A_492 = arith.constant 1 : i32
      %get3A_493 = arith.index_cast %get3A_492 : i32 to index
      %get3A_494 = arith.index_cast %mul3A_481 : i32 to index
      %get3A_495 = tpu.vector_load %arg11[%get3A_493, %get3A_494] {strides = array<i32>} : memref<32x1024xf32, #tpu.memory_space<vmem>>, vector<1x16xf32>,
      %get3A_496 = vector.shape_cast %get3A_495 : vector<1x16xf32> to vector<16xf32>
      %add3A_497 = arith.addf %add3A_491, %get3A_496 : vector<16xf32>
      %swap3A = arith.constant 1 : i32
      %swap3A_498 = arith.index_cast %swap3A : i32 to index
      %swap3A_499 = arith.index_cast %mul3A_481 : i32 to index
      %swap3A_500 = tpu.vector_load %arg9[%swap3A_498, %swap3A_499] {strides = array<i32>} : memref<32x1024xf32, #tpu.memory_space<vmem>>, vector<1x16xf32>,
      %swap3A_501 = vector.shape_cast %swap3A_500 : vector<1x16xf32> to vector<16xf32>
      %swap3A_502 = vector.shape_cast %add3A_497 : vector<16xf32> to vector<1x16xf32>
      tpu.vector_store %arg9[%swap3A_498, %swap3A_499], %swap3A_502 {strides = array<i32>} : memref<32x1024xf32, #tpu.memory_space<vmem>>, vector<1x16xf32>,
      %scan3A_503 = arith.constant 0 : i32
      scf.yield %scan3A_503 : i32
    }
    %scan3A_27 = arith.constant 64 : i32
    %scan3A_28 = arith.constant 0 : i32
    %scan3A_29 = arith.constant 0 : i32
    %scan3A_30 = arith.constant 64 : i32
    %scan3A_31 = arith.addi %scan3A_29, %scan3A_30 : i32
    %scan3A_32 = arith.constant 1 : i32
    %scan3A_33 = scf.for %scan3A_478 = %scan3A_29 to %scan3A_31 step %scan3A_32 iter_args(%scan3A_479 = %scan3A_28) -> (i32)  : i32 {
      %mul3A_480 = arith.constant 16 : i32
      %mul3A_481 = arith.muli %scan3A_478, %mul3A_480 : i32
      %get3A = arith.constant 2 : i32
      %get3A_482 = arith.index_cast %get3A : i32 to index
      %get3A_483 = arith.index_cast %mul3A_481 : i32 to index
      %get3A_484 = tpu.vector_load %arg9[%get3A_482, %get3A_483] {strides = array<i32>} : memref<32x1024xf32, #tpu.memory_space<vmem>>, vector<1x16xf32>,
      %get3A_485 = vector.shape_cast %get3A_484 : vector<1x16xf32> to vector<16xf32>
      %get3A_486 = arith.constant 2 : i32
      %get3A_487 = arith.index_cast %get3A_486 : i32 to index
      %get3A_488 = arith.index_cast %mul3A_481 : i32 to index
      %get3A_489 = tpu.vector_load %arg10[%get3A_487, %get3A_488] {strides = array<i32>} : memref<32x1024xf32, #tpu.memory_space<vmem>>, vector<1x16xf32>,
      %get3A_490 = vector.shape_cast %get3A_489 : vector<1x16xf32> to vector<16xf32>
      %add3A_491 = arith.addf %get3A_485, %get3A_490 : vector<16xf32>
      %get3A_492 = arith.constant 2 : i32
      %get3A_493 = arith.index_cast %get3A_492 : i32 to index
      %get3A_494 = arith.index_cast %mul3A_481 : i32 to index
      %get3A_495 = tpu.vector_load %arg11[%get3A_493, %get3A_494] {strides = array<i32>} : memref<32x1024xf32, #tpu.memory_space<vmem>>, vector<1x16xf32>,
      %get3A_496 = vector.shape_cast %get3A_495 : vector<1x16xf32> to vector<16xf32>
      %add3A_497 = arith.addf %add3A_491, %get3A_496 : vector<16xf32>
      %swap3A = arith.constant 2 : i32
      %swap3A_498 = arith.index_cast %swap3A : i32 to index
      %swap3A_499 = arith.index_cast %mul3A_481 : i32 to index
      %swap3A_500 = tpu.vector_load %arg9[%swap3A_498, %swap3A_499] {strides = array<i32>} : memref<32x1024xf32, #tpu.memory_space<vmem>>, vector<1x16xf32>,
      %swap3A_501 = vector.shape_cast %swap3A_500 : vector<1x16xf32> to vector<16xf32>
      %swap3A_502 = vector.shape_cast %add3A_497 : vector<16xf32> to vector<1x16xf32>
      tpu.vector_store %arg9[%swap3A_498, %swap3A_499], %swap3A_502 {strides = array<i32>} : memref<32x1024xf32, #tpu.memory_space<vmem>>, vector<1x16xf32>,
      %scan3A_503 = arith.constant 0 : i32
      scf.yield %scan3A_503 : i32
    }
    %scan3A_34 = arith.constant 64 : i32
    %scan3A_35 = arith.constant 0 : i32
    %scan3A_36 = arith.constant 0 : i32
    %scan3A_37 = arith.constant 64 : i32
    %scan3A_38 = arith.addi %scan3A_36, %scan3A_37 : i32
    %scan3A_39 = arith.constant 1 : i32
    %scan3A_40 = scf.for %scan3A_478 = %scan3A_36 to %scan3A_38 step %scan3A_39 iter_args(%scan3A_479 = %scan3A_35) -> (i32)  : i32 {
      %mul3A_480 = arith.constant 16 : i32
      %mul3A_481 = arith.muli %scan3A_478, %mul3A_480 : i32
      %get3A = arith.constant 3 : i32
      %get3A_482 = arith.index_cast %get3A : i32 to index
      %get3A_483 = arith.index_cast %mul3A_481 : i32 to index
      %get3A_484 = tpu.vector_load %arg9[%get3A_482, %get3A_483] {strides = array<i32>} : memref<32x1024xf32, #tpu.memory_space<vmem>>, vector<1x16xf32>,
      %get3A_485 = vector.shape_cast %get3A_484 : vector<1x16xf32> to vector<16xf32>
      %get3A_486 = arith.constant 3 : i32
      %get3A_487 = arith.index_cast %get3A_486 : i32 to index
      %get3A_488 = arith.index_cast %mul3A_481 : i32 to index
      %get3A_489 = tpu.vector_load %arg10[%get3A_487, %get3A_488] {strides = array<i32>} : memref<32x1024xf32, #tpu.memory_space<vmem>>, vector<1x16xf32>,
      %get3A_490 = vector.shape_cast %get3A_489 : vector<1x16xf32> to vector<16xf32>
      %add3A_491 = arith.addf %get3A_485, %get3A_490 : vector<16xf32>
      %get3A_492 = arith.constant 3 : i32
      %get3A_493 = arith.index_cast %get3A_492 : i32 to index
      %get3A_494 = arith.index_cast %mul3A_481 : i32 to index
      %get3A_495 = tpu.vector_load %arg11[%get3A_493, %get3A_494] {strides = array<i32>} : memref<32x1024xf32, #tpu.memory_space<vmem>>, vector<1x16xf32>,
      %get3A_496 = vector.shape_cast %get3A_495 : vector<1x16xf32> to vector<16xf32>
      %add3A_497 = arith.addf %add3A_491, %get3A_496 : vector<16xf32>
      %swap3A = arith.constant 3 : i32
      %swap3A_498 = arith.index_cast %swap3A : i32 to index
      %swap3A_499 = arith.index_cast %mul3A_481 : i32 to index
      %swap3A_500 = tpu.vector_load %arg9[%swap3A_498, %swap3A_499] {strides = array<i32>} : memref<32x1024xf32, #tpu.memory_space<vmem>>, vector<1x16xf32>,
      %swap3A_501 = vector.shape_cast %swap3A_500 : vector<1x16xf32> to vector<16xf32>
      %swap3A_502 = vector.shape_cast %add3A_497 : vector<16xf32> to vector<1x16xf32>
      tpu.vector_store %arg9[%swap3A_498, %swap3A_499], %swap3A_502 {strides = array<i32>} : memref<32x1024xf32, #tpu.memory_space<vmem>>, vector<1x16xf32>,
      %scan3A_503 = arith.constant 0 : i32
      scf.yield %scan3A_503 : i32
    }
    %scan3A_41 = arith.constant 64 : i32
    %scan3A_42 = arith.constant 0 : i32
    %scan3A_43 = arith.constant 0 : i32
    %scan3A_44 = arith.constant 64 : i32
    %scan3A_45 = arith.addi %scan3A_43, %scan3A_44 : i32
    %scan3A_46 = arith.constant 1 : i32
    %scan3A_47 = scf.for %scan3A_478 = %scan3A_43 to %scan3A_45 step %scan3A_46 iter_args(%scan3A_479 = %scan3A_42) -> (i32)  : i32 {
      %mul3A_480 = arith.constant 16 : i32
      %mul3A_481 = arith.muli %scan3A_478, %mul3A_480 : i32
      %get3A = arith.constant 4 : i32
      %get3A_482 = arith.index_cast %get3A : i32 to index
      %get3A_483 = arith.index_cast %mul3A_481 : i32 to index
      %get3A_484 = tpu.vector_load %arg9[%get3A_482, %get3A_483] {strides = array<i32>} : memref<32x1024xf32, #tpu.memory_space<vmem>>, vector<1x16xf32>,
      %get3A_485 = vector.shape_cast %get3A_484 : vector<1x16xf32> to vector<16xf32>
      %get3A_486 = arith.constant 4 : i32
      %get3A_487 = arith.index_cast %get3A_486 : i32 to index
      %get3A_488 = arith.index_cast %mul3A_481 : i32 to index
      %get3A_489 = tpu.vector_load %arg10[%get3A_487, %get3A_488] {strides = array<i32>} : memref<32x1024xf32, #tpu.memory_space<vmem>>, vector<1x16xf32>,
      %get3A_490 = vector.shape_cast %get3A_489 : vector<1x16xf32> to vector<16xf32>
      %add3A_491 = arith.addf %get3A_485, %get3A_490 : vector<16xf32>
      %get3A_492 = arith.constant 4 : i32
      %get3A_493 = arith.index_cast %get3A_492 : i32 to index
      %get3A_494 = arith.index_cast %mul3A_481 : i32 to index
      %get3A_495 = tpu.vector_load %arg11[%get3A_493, %get3A_494] {strides = array<i32>} : memref<32x1024xf32, #tpu.memory_space<vmem>>, vector<1x16xf32>,
      %get3A_496 = vector.shape_cast %get3A_495 : vector<1x16xf32> to vector<16xf32>
      %add3A_497 = arith.addf %add3A_491, %get3A_496 : vector<16xf32>
      %swap3A = arith.constant 4 : i32
      %swap3A_498 = arith.index_cast %swap3A : i32 to index
      %swap3A_499 = arith.index_cast %mul3A_481 : i32 to index
      %swap3A_500 = tpu.vector_load %arg9[%swap3A_498, %swap3A_499] {strides = array<i32>} : memref<32x1024xf32, #tpu.memory_space<vmem>>, vector<1x16xf32>,
      %swap3A_501 = vector.shape_cast %swap3A_500 : vector<1x16xf32> to vector<16xf32>
      %swap3A_502 = vector.shape_cast %add3A_497 : vector<16xf32> to vector<1x16xf32>
      tpu.vector_store %arg9[%swap3A_498, %swap3A_499], %swap3A_502 {strides = array<i32>} : memref<32x1024xf32, #tpu.memory_space<vmem>>, vector<1x16xf32>,
      %scan3A_503 = arith.constant 0 : i32
      scf.yield %scan3A_503 : i32
    }
    %scan3A_48 = arith.constant 64 : i32
    %scan3A_49 = arith.constant 0 : i32
    %scan3A_50 = arith.constant 0 : i32
    %scan3A_51 = arith.constant 64 : i32
    %scan3A_52 = arith.addi %scan3A_50, %scan3A_51 : i32
    %scan3A_53 = arith.constant 1 : i32
    %scan3A_54 = scf.for %scan3A_478 = %scan3A_50 to %scan3A_52 step %scan3A_53 iter_args(%scan3A_479 = %scan3A_49) -> (i32)  : i32 {
      %mul3A_480 = arith.constant 16 : i32
      %mul3A_481 = arith.muli %scan3A_478, %mul3A_480 : i32
      %get3A = arith.constant 5 : i32
      %get3A_482 = arith.index_cast %get3A : i32 to index
      %get3A_483 = arith.index_cast %mul3A_481 : i32 to index
      %get3A_484 = tpu.vector_load %arg9[%get3A_482, %get3A_483] {strides = array<i32>} : memref<32x1024xf32, #tpu.memory_space<vmem>>, vector<1x16xf32>,
      %get3A_485 = vector.shape_cast %get3A_484 : vector<1x16xf32> to vector<16xf32>
      %get3A_486 = arith.constant 5 : i32
      %get3A_487 = arith.index_cast %get3A_486 : i32 to index
      %get3A_488 = arith.index_cast %mul3A_481 : i32 to index
      %get3A_489 = tpu.vector_load %arg10[%get3A_487, %get3A_488] {strides = array<i32>} : memref<32x1024xf32, #tpu.memory_space<vmem>>, vector<1x16xf32>,
      %get3A_490 = vector.shape_cast %get3A_489 : vector<1x16xf32> to vector<16xf32>
      %add3A_491 = arith.addf %get3A_485, %get3A_490 : vector<16xf32>
      %get3A_492 = arith.constant 5 : i32
      %get3A_493 = arith.index_cast %get3A_492 : i32 to index
      %get3A_494 = arith.index_cast %mul3A_481 : i32 to index
      %get3A_495 = tpu.vector_load %arg11[%get3A_493, %get3A_494] {strides = array<i32>} : memref<32x1024xf32, #tpu.memory_space<vmem>>, vector<1x16xf32>,
      %get3A_496 = vector.shape_cast %get3A_495 : vector<1x16xf32> to vector<16xf32>
      %add3A_497 = arith.addf %add3A_491, %get3A_496 : vector<16xf32>
      %swap3A = arith.constant 5 : i32
      %swap3A_498 = arith.index_cast %swap3A : i32 to index
      %swap3A_499 = arith.index_cast %mul3A_481 : i32 to index
      %swap3A_500 = tpu.vector_load %arg9[%swap3A_498, %swap3A_499] {strides = array<i32>} : memref<32x1024xf32, #tpu.memory_space<vmem>>, vector<1x16xf32>,
      %swap3A_501 = vector.shape_cast %swap3A_500 : vector<1x16xf32> to vector<16xf32>
      %swap3A_502 = vector.shape_cast %add3A_497 : vector<16xf32> to vector<1x16xf32>
      tpu.vector_store %arg9[%swap3A_498, %swap3A_499], %swap3A_502 {strides = array<i32>} : memref<32x1024xf32, #tpu.memory_space<vmem>>, vector<1x16xf32>,
      %scan3A_503 = arith.constant 0 : i32
      scf.yield %scan3A_503 : i32
    }
    %scan3A_55 = arith.constant 64 : i32
    %scan3A_56 = arith.constant 0 : i32
    %scan3A_57 = arith.constant 0 : i32
    %scan3A_58 = arith.constant 64 : i32
    %scan3A_59 = arith.addi %scan3A_57, %scan3A_58 : i32
    %scan3A_60 = arith.constant 1 : i32
    %scan3A_61 = scf.for %scan3A_478 = %scan3A_57 to %scan3A_59 step %scan3A_60 iter_args(%scan3A_479 = %scan3A_56) -> (i32)  : i32 {
      %mul3A_480 = arith.constant 16 : i32
      %mul3A_481 = arith.muli %scan3A_478, %mul3A_480 : i32
      %get3A = arith.constant 6 : i32
      %get3A_482 = arith.index_cast %get3A : i32 to index
      %get3A_483 = arith.index_cast %mul3A_481 : i32 to index
      %get3A_484 = tpu.vector_load %arg9[%get3A_482, %get3A_483] {strides = array<i32>} : memref<32x1024xf32, #tpu.memory_space<vmem>>, vector<1x16xf32>,
      %get3A_485 = vector.shape_cast %get3A_484 : vector<1x16xf32> to vector<16xf32>
      %get3A_486 = arith.constant 6 : i32
      %get3A_487 = arith.index_cast %get3A_486 : i32 to index
      %get3A_488 = arith.index_cast %mul3A_481 : i32 to index
      %get3A_489 = tpu.vector_load %arg10[%get3A_487, %get3A_488] {strides = array<i32>} : memref<32x1024xf32, #tpu.memory_space<vmem>>, vector<1x16xf32>,
      %get3A_490 = vector.shape_cast %get3A_489 : vector<1x16xf32> to vector<16xf32>
      %add3A_491 = arith.addf %get3A_485, %get3A_490 : vector<16xf32>
      %get3A_492 = arith.constant 6 : i32
      %get3A_493 = arith.index_cast %get3A_492 : i32 to index
      %get3A_494 = arith.index_cast %mul3A_481 : i32 to index
      %get3A_495 = tpu.vector_load %arg11[%get3A_493, %get3A_494] {strides = array<i32>} : memref<32x1024xf32, #tpu.memory_space<vmem>>, vector<1x16xf32>,
      %get3A_496 = vector.shape_cast %get3A_495 : vector<1x16xf32> to vector<16xf32>
      %add3A_497 = arith.addf %add3A_491, %get3A_496 : vector<16xf32>
      %swap3A = arith.constant 6 : i32
      %swap3A_498 = arith.index_cast %swap3A : i32 to index
      %swap3A_499 = arith.index_cast %mul3A_481 : i32 to index
      %swap3A_500 = tpu.vector_load %arg9[%swap3A_498, %swap3A_499] {strides = array<i32>} : memref<32x1024xf32, #tpu.memory_space<vmem>>, vector<1x16xf32>,
      %swap3A_501 = vector.shape_cast %swap3A_500 : vector<1x16xf32> to vector<16xf32>
      %swap3A_502 = vector.shape_cast %add3A_497 : vector<16xf32> to vector<1x16xf32>
      tpu.vector_store %arg9[%swap3A_498, %swap3A_499], %swap3A_502 {strides = array<i32>} : memref<32x1024xf32, #tpu.memory_space<vmem>>, vector<1x16xf32>,
      %scan3A_503 = arith.constant 0 : i32
      scf.yield %scan3A_503 : i32
    }
    %scan3A_62 = arith.constant 64 : i32
    %scan3A_63 = arith.constant 0 : i32
    %scan3A_64 = arith.constant 0 : i32
    %scan3A_65 = arith.constant 64 : i32
    %scan3A_66 = arith.addi %scan3A_64, %scan3A_65 : i32
    %scan3A_67 = arith.constant 1 : i32
    %scan3A_68 = scf.for %scan3A_478 = %scan3A_64 to %scan3A_66 step %scan3A_67 iter_args(%scan3A_479 = %scan3A_63) -> (i32)  : i32 {
      %mul3A_480 = arith.constant 16 : i32
      %mul3A_481 = arith.muli %scan3A_478, %mul3A_480 : i32
      %get3A = arith.constant 7 : i32
      %get3A_482 = arith.index_cast %get3A : i32 to index
      %get3A_483 = arith.index_cast %mul3A_481 : i32 to index
      %get3A_484 = tpu.vector_load %arg9[%get3A_482, %get3A_483] {strides = array<i32>} : memref<32x1024xf32, #tpu.memory_space<vmem>>, vector<1x16xf32>,
      %get3A_485 = vector.shape_cast %get3A_484 : vector<1x16xf32> to vector<16xf32>
      %get3A_486 = arith.constant 7 : i32
      %get3A_487 = arith.index_cast %get3A_486 : i32 to index
      %get3A_488 = arith.index_cast %mul3A_481 : i32 to index
      %get3A_489 = tpu.vector_load %arg10[%get3A_487, %get3A_488] {strides = array<i32>} : memref<32x1024xf32, #tpu.memory_space<vmem>>, vector<1x16xf32>,
      %get3A_490 = vector.shape_cast %get3A_489 : vector<1x16xf32> to vector<16xf32>
      %add3A_491 = arith.addf %get3A_485, %get3A_490 : vector<16xf32>
      %get3A_492 = arith.constant 7 : i32
      %get3A_493 = arith.index_cast %get3A_492 : i32 to index
      %get3A_494 = arith.index_cast %mul3A_481 : i32 to index
      %get3A_495 = tpu.vector_load %arg11[%get3A_493, %get3A_494] {strides = array<i32>} : memref<32x1024xf32, #tpu.memory_space<vmem>>, vector<1x16xf32>,
      %get3A_496 = vector.shape_cast %get3A_495 : vector<1x16xf32> to vector<16xf32>
      %add3A_497 = arith.addf %add3A_491, %get3A_496 : vector<16xf32>
      %swap3A = arith.constant 7 : i32
      %swap3A_498 = arith.index_cast %swap3A : i32 to index
      %swap3A_499 = arith.index_cast %mul3A_481 : i32 to index
      %swap3A_500 = tpu.vector_load %arg9[%swap3A_498, %swap3A_499] {strides = array<i32>} : memref<32x1024xf32, #tpu.memory_space<vmem>>, vector<1x16xf32>,
      %swap3A_501 = vector.shape_cast %swap3A_500 : vector<1x16xf32> to vector<16xf32>
      %swap3A_502 = vector.shape_cast %add3A_497 : vector<16xf32> to vector<1x16xf32>
      tpu.vector_store %arg9[%swap3A_498, %swap3A_499], %swap3A_502 {strides = array<i32>} : memref<32x1024xf32, #tpu.memory_space<vmem>>, vector<1x16xf32>,
      %scan3A_503 = arith.constant 0 : i32
      scf.yield %scan3A_503 : i32
    }
    %scan3A_69 = arith.constant 64 : i32
    %scan3A_70 = arith.constant 0 : i32
    %scan3A_71 = arith.constant 0 : i32
    %scan3A_72 = arith.constant 64 : i32
    %scan3A_73 = arith.addi %scan3A_71, %scan3A_72 : i32
    %scan3A_74 = arith.constant 1 : i32
    %scan3A_75 = scf.for %scan3A_478 = %scan3A_71 to %scan3A_73 step %scan3A_74 iter_args(%scan3A_479 = %scan3A_70) -> (i32)  : i32 {
      %mul3A_480 = arith.constant 16 : i32
      %mul3A_481 = arith.muli %scan3A_478, %mul3A_480 : i32
      %get3A = arith.constant 8 : i32
      %get3A_482 = arith.index_cast %get3A : i32 to index
      %get3A_483 = arith.index_cast %mul3A_481 : i32 to index
      %get3A_484 = tpu.vector_load %arg9[%get3A_482, %get3A_483] {strides = array<i32>} : memref<32x1024xf32, #tpu.memory_space<vmem>>, vector<1x16xf32>,
      %get3A_485 = vector.shape_cast %get3A_484 : vector<1x16xf32> to vector<16xf32>
      %get3A_486 = arith.constant 8 : i32
      %get3A_487 = arith.index_cast %get3A_486 : i32 to index
      %get3A_488 = arith.index_cast %mul3A_481 : i32 to index
      %get3A_489 = tpu.vector_load %arg10[%get3A_487, %get3A_488] {strides = array<i32>} : memref<32x1024xf32, #tpu.memory_space<vmem>>, vector<1x16xf32>,
      %get3A_490 = vector.shape_cast %get3A_489 : vector<1x16xf32> to vector<16xf32>
      %add3A_491 = arith.addf %get3A_485, %get3A_490 : vector<16xf32>
      %get3A_492 = arith.constant 8 : i32
      %get3A_493 = arith.index_cast %get3A_492 : i32 to index
      %get3A_494 = arith.index_cast %mul3A_481 : i32 to index
      %get3A_495 = tpu.vector_load %arg11[%get3A_493, %get3A_494] {strides = array<i32>} : memref<32x1024xf32, #tpu.memory_space<vmem>>, vector<1x16xf32>,
      %get3A_496 = vector.shape_cast %get3A_495 : vector<1x16xf32> to vector<16xf32>
      %add3A_497 = arith.addf %add3A_491, %get3A_496 : vector<16xf32>
      %swap3A = arith.constant 8 : i32
      %swap3A_498 = arith.index_cast %swap3A : i32 to index
      %swap3A_499 = arith.index_cast %mul3A_481 : i32 to index
      %swap3A_500 = tpu.vector_load %arg9[%swap3A_498, %swap3A_499] {strides = array<i32>} : memref<32x1024xf32, #tpu.memory_space<vmem>>, vector<1x16xf32>,
      %swap3A_501 = vector.shape_cast %swap3A_500 : vector<1x16xf32> to vector<16xf32>
      %swap3A_502 = vector.shape_cast %add3A_497 : vector<16xf32> to vector<1x16xf32>
      tpu.vector_store %arg9[%swap3A_498, %swap3A_499], %swap3A_502 {strides = array<i32>} : memref<32x1024xf32, #tpu.memory_space<vmem>>, vector<1x16xf32>,
      %scan3A_503 = arith.constant 0 : i32
      scf.yield %scan3A_503 : i32
    }
    %scan3A_76 = arith.constant 64 : i32
    %scan3A_77 = arith.constant 0 : i32
    %scan3A_78 = arith.constant 0 : i32
    %scan3A_79 = arith.constant 64 : i32
    %scan3A_80 = arith.addi %scan3A_78, %scan3A_79 : i32
    %scan3A_81 = arith.constant 1 : i32
    %scan3A_82 = scf.for %scan3A_478 = %scan3A_78 to %scan3A_80 step %scan3A_81 iter_args(%scan3A_479 = %scan3A_77) -> (i32)  : i32 {
      %mul3A_480 = arith.constant 16 : i32
      %mul3A_481 = arith.muli %scan3A_478, %mul3A_480 : i32
      %get3A = arith.constant 9 : i32
      %get3A_482 = arith.index_cast %get3A : i32 to index
      %get3A_483 = arith.index_cast %mul3A_481 : i32 to index
      %get3A_484 = tpu.vector_load %arg9[%get3A_482, %get3A_483] {strides = array<i32>} : memref<32x1024xf32, #tpu.memory_space<vmem>>, vector<1x16xf32>,
      %get3A_485 = vector.shape_cast %get3A_484 : vector<1x16xf32> to vector<16xf32>
      %get3A_486 = arith.constant 9 : i32
      %get3A_487 = arith.index_cast %get3A_486 : i32 to index
      %get3A_488 = arith.index_cast %mul3A_481 : i32 to index
      %get3A_489 = tpu.vector_load %arg10[%get3A_487, %get3A_488] {strides = array<i32>} : memref<32x1024xf32, #tpu.memory_space<vmem>>, vector<1x16xf32>,
      %get3A_490 = vector.shape_cast %get3A_489 : vector<1x16xf32> to vector<16xf32>
      %add3A_491 = arith.addf %get3A_485, %get3A_490 : vector<16xf32>
      %get3A_492 = arith.constant 9 : i32
      %get3A_493 = arith.index_cast %get3A_492 : i32 to index
      %get3A_494 = arith.index_cast %mul3A_481 : i32 to index
      %get3A_495 = tpu.vector_load %arg11[%get3A_493, %get3A_494] {strides = array<i32>} : memref<32x1024xf32, #tpu.memory_space<vmem>>, vector<1x16xf32>,
      %get3A_496 = vector.shape_cast %get3A_495 : vector<1x16xf32> to vector<16xf32>
      %add3A_497 = arith.addf %add3A_491, %get3A_496 : vector<16xf32>
      %swap3A = arith.constant 9 : i32
      %swap3A_498 = arith.index_cast %swap3A : i32 to index
      %swap3A_499 = arith.index_cast %mul3A_481 : i32 to index
      %swap3A_500 = tpu.vector_load %arg9[%swap3A_498, %swap3A_499] {strides = array<i32>} : memref<32x1024xf32, #tpu.memory_space<vmem>>, vector<1x16xf32>,
      %swap3A_501 = vector.shape_cast %swap3A_500 : vector<1x16xf32> to vector<16xf32>
      %swap3A_502 = vector.shape_cast %add3A_497 : vector<16xf32> to vector<1x16xf32>
      tpu.vector_store %arg9[%swap3A_498, %swap3A_499], %swap3A_502 {strides = array<i32>} : memref<32x1024xf32, #tpu.memory_space<vmem>>, vector<1x16xf32>,
      %scan3A_503 = arith.constant 0 : i32
      scf.yield %scan3A_503 : i32
    }
    %scan3A_83 = arith.constant 64 : i32
    %scan3A_84 = arith.constant 0 : i32
    %scan3A_85 = arith.constant 0 : i32
    %scan3A_86 = arith.constant 64 : i32
    %scan3A_87 = arith.addi %scan3A_85, %scan3A_86 : i32
    %scan3A_88 = arith.constant 1 : i32
    %scan3A_89 = scf.for %scan3A_478 = %scan3A_85 to %scan3A_87 step %scan3A_88 iter_args(%scan3A_479 = %scan3A_84) -> (i32)  : i32 {
      %mul3A_480 = arith.constant 16 : i32
      %mul3A_481 = arith.muli %scan3A_478, %mul3A_480 : i32
      %get3A = arith.constant 10 : i32
      %get3A_482 = arith.index_cast %get3A : i32 to index
      %get3A_483 = arith.index_cast %mul3A_481 : i32 to index
      %get3A_484 = tpu.vector_load %arg9[%get3A_482, %get3A_483] {strides = array<i32>} : memref<32x1024xf32, #tpu.memory_space<vmem>>, vector<1x16xf32>,
      %get3A_485 = vector.shape_cast %get3A_484 : vector<1x16xf32> to vector<16xf32>
      %get3A_486 = arith.constant 10 : i32
      %get3A_487 = arith.index_cast %get3A_486 : i32 to index
      %get3A_488 = arith.index_cast %mul3A_481 : i32 to index
      %get3A_489 = tpu.vector_load %arg10[%get3A_487, %get3A_488] {strides = array<i32>} : memref<32x1024xf32, #tpu.memory_space<vmem>>, vector<1x16xf32>,
      %get3A_490 = vector.shape_cast %get3A_489 : vector<1x16xf32> to vector<16xf32>
      %add3A_491 = arith.addf %get3A_485, %get3A_490 : vector<16xf32>
      %get3A_492 = arith.constant 10 : i32
      %get3A_493 = arith.index_cast %get3A_492 : i32 to index
      %get3A_494 = arith.index_cast %mul3A_481 : i32 to index
      %get3A_495 = tpu.vector_load %arg11[%get3A_493, %get3A_494] {strides = array<i32>} : memref<32x1024xf32, #tpu.memory_space<vmem>>, vector<1x16xf32>,
      %get3A_496 = vector.shape_cast %get3A_495 : vector<1x16xf32> to vector<16xf32>
      %add3A_497 = arith.addf %add3A_491, %get3A_496 : vector<16xf32>
      %swap3A = arith.constant 10 : i32
      %swap3A_498 = arith.index_cast %swap3A : i32 to index
      %swap3A_499 = arith.index_cast %mul3A_481 : i32 to index
      %swap3A_500 = tpu.vector_load %arg9[%swap3A_498, %swap3A_499] {strides = array<i32>} : memref<32x1024xf32, #tpu.memory_space<vmem>>, vector<1x16xf32>,
      %swap3A_501 = vector.shape_cast %swap3A_500 : vector<1x16xf32> to vector<16xf32>
      %swap3A_502 = vector.shape_cast %add3A_497 : vector<16xf32> to vector<1x16xf32>
      tpu.vector_store %arg9[%swap3A_498, %swap3A_499], %swap3A_502 {strides = array<i32>} : memref<32x1024xf32, #tpu.memory_space<vmem>>, vector<1x16xf32>,
      %scan3A_503 = arith.constant 0 : i32
      scf.yield %scan3A_503 : i32
    }
    %scan3A_90 = arith.constant 64 : i32
    %scan3A_91 = arith.constant 0 : i32
    %scan3A_92 = arith.constant 0 : i32
    %scan3A_93 = arith.constant 64 : i32
    %scan3A_94 = arith.addi %scan3A_92, %scan3A_93 : i32
    %scan3A_95 = arith.constant 1 : i32
    %scan3A_96 = scf.for %scan3A_478 = %scan3A_92 to %scan3A_94 step %scan3A_95 iter_args(%scan3A_479 = %scan3A_91) -> (i32)  : i32 {
      %mul3A_480 = arith.constant 16 : i32
      %mul3A_481 = arith.muli %scan3A_478, %mul3A_480 : i32
      %get3A = arith.constant 11 : i32
      %get3A_482 = arith.index_cast %get3A : i32 to index
      %get3A_483 = arith.index_cast %mul3A_481 : i32 to index
      %get3A_484 = tpu.vector_load %arg9[%get3A_482, %get3A_483] {strides = array<i32>} : memref<32x1024xf32, #tpu.memory_space<vmem>>, vector<1x16xf32>,
      %get3A_485 = vector.shape_cast %get3A_484 : vector<1x16xf32> to vector<16xf32>
      %get3A_486 = arith.constant 11 : i32
      %get3A_487 = arith.index_cast %get3A_486 : i32 to index
      %get3A_488 = arith.index_cast %mul3A_481 : i32 to index
      %get3A_489 = tpu.vector_load %arg10[%get3A_487, %get3A_488] {strides = array<i32>} : memref<32x1024xf32, #tpu.memory_space<vmem>>, vector<1x16xf32>,
      %get3A_490 = vector.shape_cast %get3A_489 : vector<1x16xf32> to vector<16xf32>
      %add3A_491 = arith.addf %get3A_485, %get3A_490 : vector<16xf32>
      %get3A_492 = arith.constant 11 : i32
      %get3A_493 = arith.index_cast %get3A_492 : i32 to index
      %get3A_494 = arith.index_cast %mul3A_481 : i32 to index
      %get3A_495 = tpu.vector_load %arg11[%get3A_493, %get3A_494] {strides = array<i32>} : memref<32x1024xf32, #tpu.memory_space<vmem>>, vector<1x16xf32>,
      %get3A_496 = vector.shape_cast %get3A_495 : vector<1x16xf32> to vector<16xf32>
      %add3A_497 = arith.addf %add3A_491, %get3A_496 : vector<16xf32>
      %swap3A = arith.constant 11 : i32
      %swap3A_498 = arith.index_cast %swap3A : i32 to index
      %swap3A_499 = arith.index_cast %mul3A_481 : i32 to index
      %swap3A_500 = tpu.vector_load %arg9[%swap3A_498, %swap3A_499] {strides = array<i32>} : memref<32x1024xf32, #tpu.memory_space<vmem>>, vector<1x16xf32>,
      %swap3A_501 = vector.shape_cast %swap3A_500 : vector<1x16xf32> to vector<16xf32>
      %swap3A_502 = vector.shape_cast %add3A_497 : vector<16xf32> to vector<1x16xf32>
      tpu.vector_store %arg9[%swap3A_498, %swap3A_499], %swap3A_502 {strides = array<i32>} : memref<32x1024xf32, #tpu.memory_space<vmem>>, vector<1x16xf32>,
      %scan3A_503 = arith.constant 0 : i32
      scf.yield %scan3A_503 : i32
    }
    %scan3A_97 = arith.constant 64 : i32
    %scan3A_98 = arith.constant 0 : i32
    %scan3A_99 = arith.constant 0 : i32
    %scan3A_100 = arith.constant 64 : i32
    %scan3A_101 = arith.addi %scan3A_99, %scan3A_100 : i32
    %scan3A_102 = arith.constant 1 : i32
    %scan3A_103 = scf.for %scan3A_478 = %scan3A_99 to %scan3A_101 step %scan3A_102 iter_args(%scan3A_479 = %scan3A_98) -> (i32)  : i32 {
      %mul3A_480 = arith.constant 16 : i32
      %mul3A_481 = arith.muli %scan3A_478, %mul3A_480 : i32
      %get3A = arith.constant 12 : i32
      %get3A_482 = arith.index_cast %get3A : i32 to index
      %get3A_483 = arith.index_cast %mul3A_481 : i32 to index
      %get3A_484 = tpu.vector_load %arg9[%get3A_482, %get3A_483] {strides = array<i32>} : memref<32x1024xf32, #tpu.memory_space<vmem>>, vector<1x16xf32>,
      %get3A_485 = vector.shape_cast %get3A_484 : vector<1x16xf32> to vector<16xf32>
      %get3A_486 = arith.constant 12 : i32
      %get3A_487 = arith.index_cast %get3A_486 : i32 to index
      %get3A_488 = arith.index_cast %mul3A_481 : i32 to index
      %get3A_489 = tpu.vector_load %arg10[%get3A_487, %get3A_488] {strides = array<i32>} : memref<32x1024xf32, #tpu.memory_space<vmem>>, vector<1x16xf32>,
      %get3A_490 = vector.shape_cast %get3A_489 : vector<1x16xf32> to vector<16xf32>
      %add3A_491 = arith.addf %get3A_485, %get3A_490 : vector<16xf32>
      %get3A_492 = arith.constant 12 : i32
      %get3A_493 = arith.index_cast %get3A_492 : i32 to index
      %get3A_494 = arith.index_cast %mul3A_481 : i32 to index
      %get3A_495 = tpu.vector_load %arg11[%get3A_493, %get3A_494] {strides = array<i32>} : memref<32x1024xf32, #tpu.memory_space<vmem>>, vector<1x16xf32>,
      %get3A_496 = vector.shape_cast %get3A_495 : vector<1x16xf32> to vector<16xf32>
      %add3A_497 = arith.addf %add3A_491, %get3A_496 : vector<16xf32>
      %swap3A = arith.constant 12 : i32
      %swap3A_498 = arith.index_cast %swap3A : i32 to index
      %swap3A_499 = arith.index_cast %mul3A_481 : i32 to index
      %swap3A_500 = tpu.vector_load %arg9[%swap3A_498, %swap3A_499] {strides = array<i32>} : memref<32x1024xf32, #tpu.memory_space<vmem>>, vector<1x16xf32>,
      %swap3A_501 = vector.shape_cast %swap3A_500 : vector<1x16xf32> to vector<16xf32>
      %swap3A_502 = vector.shape_cast %add3A_497 : vector<16xf32> to vector<1x16xf32>
      tpu.vector_store %arg9[%swap3A_498, %swap3A_499], %swap3A_502 {strides = array<i32>} : memref<32x1024xf32, #tpu.memory_space<vmem>>, vector<1x16xf32>,
      %scan3A_503 = arith.constant 0 : i32
      scf.yield %scan3A_503 : i32
    }
    %scan3A_104 = arith.constant 64 : i32
    %scan3A_105 = arith.constant 0 : i32
    %scan3A_106 = arith.constant 0 : i32
    %scan3A_107 = arith.constant 64 : i32
    %scan3A_108 = arith.addi %scan3A_106, %scan3A_107 : i32
    %scan3A_109 = arith.constant 1 : i32
    %scan3A_110 = scf.for %scan3A_478 = %scan3A_106 to %scan3A_108 step %scan3A_109 iter_args(%scan3A_479 = %scan3A_105) -> (i32)  : i32 {
      %mul3A_480 = arith.constant 16 : i32
      %mul3A_481 = arith.muli %scan3A_478, %mul3A_480 : i32
      %get3A = arith.constant 13 : i32
      %get3A_482 = arith.index_cast %get3A : i32 to index
      %get3A_483 = arith.index_cast %mul3A_481 : i32 to index
      %get3A_484 = tpu.vector_load %arg9[%get3A_482, %get3A_483] {strides = array<i32>} : memref<32x1024xf32, #tpu.memory_space<vmem>>, vector<1x16xf32>,
      %get3A_485 = vector.shape_cast %get3A_484 : vector<1x16xf32> to vector<16xf32>
      %get3A_486 = arith.constant 13 : i32
      %get3A_487 = arith.index_cast %get3A_486 : i32 to index
      %get3A_488 = arith.index_cast %mul3A_481 : i32 to index
      %get3A_489 = tpu.vector_load %arg10[%get3A_487, %get3A_488] {strides = array<i32>} : memref<32x1024xf32, #tpu.memory_space<vmem>>, vector<1x16xf32>,
      %get3A_490 = vector.shape_cast %get3A_489 : vector<1x16xf32> to vector<16xf32>
      %add3A_491 = arith.addf %get3A_485, %get3A_490 : vector<16xf32>
      %get3A_492 = arith.constant 13 : i32
      %get3A_493 = arith.index_cast %get3A_492 : i32 to index
      %get3A_494 = arith.index_cast %mul3A_481 : i32 to index
      %get3A_495 = tpu.vector_load %arg11[%get3A_493, %get3A_494] {strides = array<i32>} : memref<32x1024xf32, #tpu.memory_space<vmem>>, vector<1x16xf32>,
      %get3A_496 = vector.shape_cast %get3A_495 : vector<1x16xf32> to vector<16xf32>
      %add3A_497 = arith.addf %add3A_491, %get3A_496 : vector<16xf32>
      %swap3A = arith.constant 13 : i32
      %swap3A_498 = arith.index_cast %swap3A : i32 to index
      %swap3A_499 = arith.index_cast %mul3A_481 : i32 to index
      %swap3A_500 = tpu.vector_load %arg9[%swap3A_498, %swap3A_499] {strides = array<i32>} : memref<32x1024xf32, #tpu.memory_space<vmem>>, vector<1x16xf32>,
      %swap3A_501 = vector.shape_cast %swap3A_500 : vector<1x16xf32> to vector<16xf32>
      %swap3A_502 = vector.shape_cast %add3A_497 : vector<16xf32> to vector<1x16xf32>
      tpu.vector_store %arg9[%swap3A_498, %swap3A_499], %swap3A_502 {strides = array<i32>} : memref<32x1024xf32, #tpu.memory_space<vmem>>, vector<1x16xf32>,
      %scan3A_503 = arith.constant 0 : i32
      scf.yield %scan3A_503 : i32
    }
    %scan3A_111 = arith.constant 64 : i32
    %scan3A_112 = arith.constant 0 : i32
    %scan3A_113 = arith.constant 0 : i32
    %scan3A_114 = arith.constant 64 : i32
    %scan3A_115 = arith.addi %scan3A_113, %scan3A_114 : i32
    %scan3A_116 = arith.constant 1 : i32
    %scan3A_117 = scf.for %scan3A_478 = %scan3A_113 to %scan3A_115 step %scan3A_116 iter_args(%scan3A_479 = %scan3A_112) -> (i32)  : i32 {
      %mul3A_480 = arith.constant 16 : i32
      %mul3A_481 = arith.muli %scan3A_478, %mul3A_480 : i32
      %get3A = arith.constant 14 : i32
      %get3A_482 = arith.index_cast %get3A : i32 to index
      %get3A_483 = arith.index_cast %mul3A_481 : i32 to index
      %get3A_484 = tpu.vector_load %arg9[%get3A_482, %get3A_483] {strides = array<i32>} : memref<32x1024xf32, #tpu.memory_space<vmem>>, vector<1x16xf32>,
      %get3A_485 = vector.shape_cast %get3A_484 : vector<1x16xf32> to vector<16xf32>
      %get3A_486 = arith.constant 14 : i32
      %get3A_487 = arith.index_cast %get3A_486 : i32 to index
      %get3A_488 = arith.index_cast %mul3A_481 : i32 to index
      %get3A_489 = tpu.vector_load %arg10[%get3A_487, %get3A_488] {strides = array<i32>} : memref<32x1024xf32, #tpu.memory_space<vmem>>, vector<1x16xf32>,
      %get3A_490 = vector.shape_cast %get3A_489 : vector<1x16xf32> to vector<16xf32>
      %add3A_491 = arith.addf %get3A_485, %get3A_490 : vector<16xf32>
      %get3A_492 = arith.constant 14 : i32
      %get3A_493 = arith.index_cast %get3A_492 : i32 to index
      %get3A_494 = arith.index_cast %mul3A_481 : i32 to index
      %get3A_495 = tpu.vector_load %arg11[%get3A_493, %get3A_494] {strides = array<i32>} : memref<32x1024xf32, #tpu.memory_space<vmem>>, vector<1x16xf32>,
      %get3A_496 = vector.shape_cast %get3A_495 : vector<1x16xf32> to vector<16xf32>
      %add3A_497 = arith.addf %add3A_491, %get3A_496 : vector<16xf32>
      %swap3A = arith.constant 14 : i32
      %swap3A_498 = arith.index_cast %swap3A : i32 to index
      %swap3A_499 = arith.index_cast %mul3A_481 : i32 to index
      %swap3A_500 = tpu.vector_load %arg9[%swap3A_498, %swap3A_499] {strides = array<i32>} : memref<32x1024xf32, #tpu.memory_space<vmem>>, vector<1x16xf32>,
      %swap3A_501 = vector.shape_cast %swap3A_500 : vector<1x16xf32> to vector<16xf32>
      %swap3A_502 = vector.shape_cast %add3A_497 : vector<16xf32> to vector<1x16xf32>
      tpu.vector_store %arg9[%swap3A_498, %swap3A_499], %swap3A_502 {strides = array<i32>} : memref<32x1024xf32, #tpu.memory_space<vmem>>, vector<1x16xf32>,
      %scan3A_503 = arith.constant 0 : i32
      scf.yield %scan3A_503 : i32
    }
    %scan3A_118 = arith.constant 64 : i32
    %scan3A_119 = arith.constant 0 : i32
    %scan3A_120 = arith.constant 0 : i32
    %scan3A_121 = arith.constant 64 : i32
    %scan3A_122 = arith.addi %scan3A_120, %scan3A_121 : i32
    %scan3A_123 = arith.constant 1 : i32
    %scan3A_124 = scf.for %scan3A_478 = %scan3A_120 to %scan3A_122 step %scan3A_123 iter_args(%scan3A_479 = %scan3A_119) -> (i32)  : i32 {
      %mul3A_480 = arith.constant 16 : i32
      %mul3A_481 = arith.muli %scan3A_478, %mul3A_480 : i32
      %get3A = arith.constant 15 : i32
      %get3A_482 = arith.index_cast %get3A : i32 to index
      %get3A_483 = arith.index_cast %mul3A_481 : i32 to index
      %get3A_484 = tpu.vector_load %arg9[%get3A_482, %get3A_483] {strides = array<i32>} : memref<32x1024xf32, #tpu.memory_space<vmem>>, vector<1x16xf32>,
      %get3A_485 = vector.shape_cast %get3A_484 : vector<1x16xf32> to vector<16xf32>
      %get3A_486 = arith.constant 15 : i32
      %get3A_487 = arith.index_cast %get3A_486 : i32 to index
      %get3A_488 = arith.index_cast %mul3A_481 : i32 to index
      %get3A_489 = tpu.vector_load %arg10[%get3A_487, %get3A_488] {strides = array<i32>} : memref<32x1024xf32, #tpu.memory_space<vmem>>, vector<1x16xf32>,
      %get3A_490 = vector.shape_cast %get3A_489 : vector<1x16xf32> to vector<16xf32>
      %add3A_491 = arith.addf %get3A_485, %get3A_490 : vector<16xf32>
      %get3A_492 = arith.constant 15 : i32
      %get3A_493 = arith.index_cast %get3A_492 : i32 to index
      %get3A_494 = arith.index_cast %mul3A_481 : i32 to index
      %get3A_495 = tpu.vector_load %arg11[%get3A_493, %get3A_494] {strides = array<i32>} : memref<32x1024xf32, #tpu.memory_space<vmem>>, vector<1x16xf32>,
      %get3A_496 = vector.shape_cast %get3A_495 : vector<1x16xf32> to vector<16xf32>
      %add3A_497 = arith.addf %add3A_491, %get3A_496 : vector<16xf32>
      %swap3A = arith.constant 15 : i32
      %swap3A_498 = arith.index_cast %swap3A : i32 to index
      %swap3A_499 = arith.index_cast %mul3A_481 : i32 to index
      %swap3A_500 = tpu.vector_load %arg9[%swap3A_498, %swap3A_499] {strides = array<i32>} : memref<32x1024xf32, #tpu.memory_space<vmem>>, vector<1x16xf32>,
      %swap3A_501 = vector.shape_cast %swap3A_500 : vector<1x16xf32> to vector<16xf32>
      %swap3A_502 = vector.shape_cast %add3A_497 : vector<16xf32> to vector<1x16xf32>
      tpu.vector_store %arg9[%swap3A_498, %swap3A_499], %swap3A_502 {strides = array<i32>} : memref<32x1024xf32, #tpu.memory_space<vmem>>, vector<1x16xf32>,
      %scan3A_503 = arith.constant 0 : i32
      scf.yield %scan3A_503 : i32
    }
    %scan3A_125 = arith.constant 64 : i32
    %scan3A_126 = arith.constant 0 : i32
    %scan3A_127 = arith.constant 0 : i32
    %scan3A_128 = arith.constant 64 : i32
    %scan3A_129 = arith.addi %scan3A_127, %scan3A_128 : i32
    %scan3A_130 = arith.constant 1 : i32
    %scan3A_131 = scf.for %scan3A_478 = %scan3A_127 to %scan3A_129 step %scan3A_130 iter_args(%scan3A_479 = %scan3A_126) -> (i32)  : i32 {
      %mul3A_480 = arith.constant 16 : i32
      %mul3A_481 = arith.muli %scan3A_478, %mul3A_480 : i32
      %get3A = arith.constant 16 : i32
      %get3A_482 = arith.index_cast %get3A : i32 to index
      %get3A_483 = arith.index_cast %mul3A_481 : i32 to index
      %get3A_484 = tpu.vector_load %arg9[%get3A_482, %get3A_483] {strides = array<i32>} : memref<32x1024xf32, #tpu.memory_space<vmem>>, vector<1x16xf32>,
      %get3A_485 = vector.shape_cast %get3A_484 : vector<1x16xf32> to vector<16xf32>
      %get3A_486 = arith.constant 16 : i32
      %get3A_487 = arith.index_cast %get3A_486 : i32 to index
      %get3A_488 = arith.index_cast %mul3A_481 : i32 to index
      %get3A_489 = tpu.vector_load %arg10[%get3A_487, %get3A_488] {strides = array<i32>} : memref<32x1024xf32, #tpu.memory_space<vmem>>, vector<1x16xf32>,
      %get3A_490 = vector.shape_cast %get3A_489 : vector<1x16xf32> to vector<16xf32>
      %add3A_491 = arith.addf %get3A_485, %get3A_490 : vector<16xf32>
      %get3A_492 = arith.constant 16 : i32
      %get3A_493 = arith.index_cast %get3A_492 : i32 to index
      %get3A_494 = arith.index_cast %mul3A_481 : i32 to index
      %get3A_495 = tpu.vector_load %arg11[%get3A_493, %get3A_494] {strides = array<i32>} : memref<32x1024xf32, #tpu.memory_space<vmem>>, vector<1x16xf32>,
      %get3A_496 = vector.shape_cast %get3A_495 : vector<1x16xf32> to vector<16xf32>
      %add3A_497 = arith.addf %add3A_491, %get3A_496 : vector<16xf32>
      %swap3A = arith.constant 16 : i32
      %swap3A_498 = arith.index_cast %swap3A : i32 to index
      %swap3A_499 = arith.index_cast %mul3A_481 : i32 to index
      %swap3A_500 = tpu.vector_load %arg9[%swap3A_498, %swap3A_499] {strides = array<i32>} : memref<32x1024xf32, #tpu.memory_space<vmem>>, vector<1x16xf32>,
      %swap3A_501 = vector.shape_cast %swap3A_500 : vector<1x16xf32> to vector<16xf32>
      %swap3A_502 = vector.shape_cast %add3A_497 : vector<16xf32> to vector<1x16xf32>
      tpu.vector_store %arg9[%swap3A_498, %swap3A_499], %swap3A_502 {strides = array<i32>} : memref<32x1024xf32, #tpu.memory_space<vmem>>, vector<1x16xf32>,
      %scan3A_503 = arith.constant 0 : i32
      scf.yield %scan3A_503 : i32
    }
    %scan3A_132 = arith.constant 64 : i32
    %scan3A_133 = arith.constant 0 : i32
    %scan3A_134 = arith.constant 0 : i32
    %scan3A_135 = arith.constant 64 : i32
    %scan3A_136 = arith.addi %scan3A_134, %scan3A_135 : i32
    %scan3A_137 = arith.constant 1 : i32
    %scan3A_138 = scf.for %scan3A_478 = %scan3A_134 to %scan3A_136 step %scan3A_137 iter_args(%scan3A_479 = %scan3A_133) -> (i32)  : i32 {
      %mul3A_480 = arith.constant 16 : i32
      %mul3A_481 = arith.muli %scan3A_478, %mul3A_480 : i32
      %get3A = arith.constant 17 : i32
      %get3A_482 = arith.index_cast %get3A : i32 to index
      %get3A_483 = arith.index_cast %mul3A_481 : i32 to index
      %get3A_484 = tpu.vector_load %arg9[%get3A_482, %get3A_483] {strides = array<i32>} : memref<32x1024xf32, #tpu.memory_space<vmem>>, vector<1x16xf32>,
      %get3A_485 = vector.shape_cast %get3A_484 : vector<1x16xf32> to vector<16xf32>
      %get3A_486 = arith.constant 17 : i32
      %get3A_487 = arith.index_cast %get3A_486 : i32 to index
      %get3A_488 = arith.index_cast %mul3A_481 : i32 to index
      %get3A_489 = tpu.vector_load %arg10[%get3A_487, %get3A_488] {strides = array<i32>} : memref<32x1024xf32, #tpu.memory_space<vmem>>, vector<1x16xf32>,
      %get3A_490 = vector.shape_cast %get3A_489 : vector<1x16xf32> to vector<16xf32>
      %add3A_491 = arith.addf %get3A_485, %get3A_490 : vector<16xf32>
      %get3A_492 = arith.constant 17 : i32
      %get3A_493 = arith.index_cast %get3A_492 : i32 to index
      %get3A_494 = arith.index_cast %mul3A_481 : i32 to index
      %get3A_495 = tpu.vector_load %arg11[%get3A_493, %get3A_494] {strides = array<i32>} : memref<32x1024xf32, #tpu.memory_space<vmem>>, vector<1x16xf32>,
      %get3A_496 = vector.shape_cast %get3A_495 : vector<1x16xf32> to vector<16xf32>
      %add3A_497 = arith.addf %add3A_491, %get3A_496 : vector<16xf32>
      %swap3A = arith.constant 17 : i32
      %swap3A_498 = arith.index_cast %swap3A : i32 to index
      %swap3A_499 = arith.index_cast %mul3A_481 : i32 to index
      %swap3A_500 = tpu.vector_load %arg9[%swap3A_498, %swap3A_499] {strides = array<i32>} : memref<32x1024xf32, #tpu.memory_space<vmem>>, vector<1x16xf32>,
      %swap3A_501 = vector.shape_cast %swap3A_500 : vector<1x16xf32> to vector<16xf32>
      %swap3A_502 = vector.shape_cast %add3A_497 : vector<16xf32> to vector<1x16xf32>
      tpu.vector_store %arg9[%swap3A_498, %swap3A_499], %swap3A_502 {strides = array<i32>} : memref<32x1024xf32, #tpu.memory_space<vmem>>, vector<1x16xf32>,
      %scan3A_503 = arith.constant 0 : i32
      scf.yield %scan3A_503 : i32
    }
    %scan3A_139 = arith.constant 64 : i32
    %scan3A_140 = arith.constant 0 : i32
    %scan3A_141 = arith.constant 0 : i32
    %scan3A_142 = arith.constant 64 : i32
    %scan3A_143 = arith.addi %scan3A_141, %scan3A_142 : i32
    %scan3A_144 = arith.constant 1 : i32
    %scan3A_145 = scf.for %scan3A_478 = %scan3A_141 to %scan3A_143 step %scan3A_144 iter_args(%scan3A_479 = %scan3A_140) -> (i32)  : i32 {
      %mul3A_480 = arith.constant 16 : i32
      %mul3A_481 = arith.muli %scan3A_478, %mul3A_480 : i32
      %get3A = arith.constant 18 : i32
      %get3A_482 = arith.index_cast %get3A : i32 to index
      %get3A_483 = arith.index_cast %mul3A_481 : i32 to index
      %get3A_484 = tpu.vector_load %arg9[%get3A_482, %get3A_483] {strides = array<i32>} : memref<32x1024xf32, #tpu.memory_space<vmem>>, vector<1x16xf32>,
      %get3A_485 = vector.shape_cast %get3A_484 : vector<1x16xf32> to vector<16xf32>
      %get3A_486 = arith.constant 18 : i32
      %get3A_487 = arith.index_cast %get3A_486 : i32 to index
      %get3A_488 = arith.index_cast %mul3A_481 : i32 to index
      %get3A_489 = tpu.vector_load %arg10[%get3A_487, %get3A_488] {strides = array<i32>} : memref<32x1024xf32, #tpu.memory_space<vmem>>, vector<1x16xf32>,
      %get3A_490 = vector.shape_cast %get3A_489 : vector<1x16xf32> to vector<16xf32>
      %add3A_491 = arith.addf %get3A_485, %get3A_490 : vector<16xf32>
      %get3A_492 = arith.constant 18 : i32
      %get3A_493 = arith.index_cast %get3A_492 : i32 to index
      %get3A_494 = arith.index_cast %mul3A_481 : i32 to index
      %get3A_495 = tpu.vector_load %arg11[%get3A_493, %get3A_494] {strides = array<i32>} : memref<32x1024xf32, #tpu.memory_space<vmem>>, vector<1x16xf32>,
      %get3A_496 = vector.shape_cast %get3A_495 : vector<1x16xf32> to vector<16xf32>
      %add3A_497 = arith.addf %add3A_491, %get3A_496 : vector<16xf32>
      %swap3A = arith.constant 18 : i32
      %swap3A_498 = arith.index_cast %swap3A : i32 to index
      %swap3A_499 = arith.index_cast %mul3A_481 : i32 to index
      %swap3A_500 = tpu.vector_load %arg9[%swap3A_498, %swap3A_499] {strides = array<i32>} : memref<32x1024xf32, #tpu.memory_space<vmem>>, vector<1x16xf32>,
      %swap3A_501 = vector.shape_cast %swap3A_500 : vector<1x16xf32> to vector<16xf32>
      %swap3A_502 = vector.shape_cast %add3A_497 : vector<16xf32> to vector<1x16xf32>
      tpu.vector_store %arg9[%swap3A_498, %swap3A_499], %swap3A_502 {strides = array<i32>} : memref<32x1024xf32, #tpu.memory_space<vmem>>, vector<1x16xf32>,
      %scan3A_503 = arith.constant 0 : i32
      scf.yield %scan3A_503 : i32
    }
    %scan3A_146 = arith.constant 64 : i32
    %scan3A_147 = arith.constant 0 : i32
    %scan3A_148 = arith.constant 0 : i32
    %scan3A_149 = arith.constant 64 : i32
    %scan3A_150 = arith.addi %scan3A_148, %scan3A_149 : i32
    %scan3A_151 = arith.constant 1 : i32
    %scan3A_152 = scf.for %scan3A_478 = %scan3A_148 to %scan3A_150 step %scan3A_151 iter_args(%scan3A_479 = %scan3A_147) -> (i32)  : i32 {
      %mul3A_480 = arith.constant 16 : i32
      %mul3A_481 = arith.muli %scan3A_478, %mul3A_480 : i32
      %get3A = arith.constant 19 : i32
      %get3A_482 = arith.index_cast %get3A : i32 to index
      %get3A_483 = arith.index_cast %mul3A_481 : i32 to index
      %get3A_484 = tpu.vector_load %arg9[%get3A_482, %get3A_483] {strides = array<i32>} : memref<32x1024xf32, #tpu.memory_space<vmem>>, vector<1x16xf32>,
      %get3A_485 = vector.shape_cast %get3A_484 : vector<1x16xf32> to vector<16xf32>
      %get3A_486 = arith.constant 19 : i32
      %get3A_487 = arith.index_cast %get3A_486 : i32 to index
      %get3A_488 = arith.index_cast %mul3A_481 : i32 to index
      %get3A_489 = tpu.vector_load %arg10[%get3A_487, %get3A_488] {strides = array<i32>} : memref<32x1024xf32, #tpu.memory_space<vmem>>, vector<1x16xf32>,
      %get3A_490 = vector.shape_cast %get3A_489 : vector<1x16xf32> to vector<16xf32>
      %add3A_491 = arith.addf %get3A_485, %get3A_490 : vector<16xf32>
      %get3A_492 = arith.constant 19 : i32
      %get3A_493 = arith.index_cast %get3A_492 : i32 to index
      %get3A_494 = arith.index_cast %mul3A_481 : i32 to index
      %get3A_495 = tpu.vector_load %arg11[%get3A_493, %get3A_494] {strides = array<i32>} : memref<32x1024xf32, #tpu.memory_space<vmem>>, vector<1x16xf32>,
      %get3A_496 = vector.shape_cast %get3A_495 : vector<1x16xf32> to vector<16xf32>
      %add3A_497 = arith.addf %add3A_491, %get3A_496 : vector<16xf32>
      %swap3A = arith.constant 19 : i32
      %swap3A_498 = arith.index_cast %swap3A : i32 to index
      %swap3A_499 = arith.index_cast %mul3A_481 : i32 to index
      %swap3A_500 = tpu.vector_load %arg9[%swap3A_498, %swap3A_499] {strides = array<i32>} : memref<32x1024xf32, #tpu.memory_space<vmem>>, vector<1x16xf32>,
      %swap3A_501 = vector.shape_cast %swap3A_500 : vector<1x16xf32> to vector<16xf32>
      %swap3A_502 = vector.shape_cast %add3A_497 : vector<16xf32> to vector<1x16xf32>
      tpu.vector_store %arg9[%swap3A_498, %swap3A_499], %swap3A_502 {strides = array<i32>} : memref<32x1024xf32, #tpu.memory_space<vmem>>, vector<1x16xf32>,
      %scan3A_503 = arith.constant 0 : i32
      scf.yield %scan3A_503 : i32
    }
    %scan3A_153 = arith.constant 64 : i32
    %scan3A_154 = arith.constant 0 : i32
    %scan3A_155 = arith.constant 0 : i32
    %scan3A_156 = arith.constant 64 : i32
    %scan3A_157 = arith.addi %scan3A_155, %scan3A_156 : i32
    %scan3A_158 = arith.constant 1 : i32
    %scan3A_159 = scf.for %scan3A_478 = %scan3A_155 to %scan3A_157 step %scan3A_158 iter_args(%scan3A_479 = %scan3A_154) -> (i32)  : i32 {
      %mul3A_480 = arith.constant 16 : i32
      %mul3A_481 = arith.muli %scan3A_478, %mul3A_480 : i32
      %get3A = arith.constant 20 : i32
      %get3A_482 = arith.index_cast %get3A : i32 to index
      %get3A_483 = arith.index_cast %mul3A_481 : i32 to index
      %get3A_484 = tpu.vector_load %arg9[%get3A_482, %get3A_483] {strides = array<i32>} : memref<32x1024xf32, #tpu.memory_space<vmem>>, vector<1x16xf32>,
      %get3A_485 = vector.shape_cast %get3A_484 : vector<1x16xf32> to vector<16xf32>
      %get3A_486 = arith.constant 20 : i32
      %get3A_487 = arith.index_cast %get3A_486 : i32 to index
      %get3A_488 = arith.index_cast %mul3A_481 : i32 to index
      %get3A_489 = tpu.vector_load %arg10[%get3A_487, %get3A_488] {strides = array<i32>} : memref<32x1024xf32, #tpu.memory_space<vmem>>, vector<1x16xf32>,
      %get3A_490 = vector.shape_cast %get3A_489 : vector<1x16xf32> to vector<16xf32>
      %add3A_491 = arith.addf %get3A_485, %get3A_490 : vector<16xf32>
      %get3A_492 = arith.constant 20 : i32
      %get3A_493 = arith.index_cast %get3A_492 : i32 to index
      %get3A_494 = arith.index_cast %mul3A_481 : i32 to index
      %get3A_495 = tpu.vector_load %arg11[%get3A_493, %get3A_494] {strides = array<i32>} : memref<32x1024xf32, #tpu.memory_space<vmem>>, vector<1x16xf32>,
      %get3A_496 = vector.shape_cast %get3A_495 : vector<1x16xf32> to vector<16xf32>
      %add3A_497 = arith.addf %add3A_491, %get3A_496 : vector<16xf32>
      %swap3A = arith.constant 20 : i32
      %swap3A_498 = arith.index_cast %swap3A : i32 to index
      %swap3A_499 = arith.index_cast %mul3A_481 : i32 to index
      %swap3A_500 = tpu.vector_load %arg9[%swap3A_498, %swap3A_499] {strides = array<i32>} : memref<32x1024xf32, #tpu.memory_space<vmem>>, vector<1x16xf32>,
      %swap3A_501 = vector.shape_cast %swap3A_500 : vector<1x16xf32> to vector<16xf32>
      %swap3A_502 = vector.shape_cast %add3A_497 : vector<16xf32> to vector<1x16xf32>
      tpu.vector_store %arg9[%swap3A_498, %swap3A_499], %swap3A_502 {strides = array<i32>} : memref<32x1024xf32, #tpu.memory_space<vmem>>, vector<1x16xf32>,
      %scan3A_503 = arith.constant 0 : i32
      scf.yield %scan3A_503 : i32
    }
    %scan3A_160 = arith.constant 64 : i32
    %scan3A_161 = arith.constant 0 : i32
    %scan3A_162 = arith.constant 0 : i32
    %scan3A_163 = arith.constant 64 : i32
    %scan3A_164 = arith.addi %scan3A_162, %scan3A_163 : i32
    %scan3A_165 = arith.constant 1 : i32
    %scan3A_166 = scf.for %scan3A_478 = %scan3A_162 to %scan3A_164 step %scan3A_165 iter_args(%scan3A_479 = %scan3A_161) -> (i32)  : i32 {
      %mul3A_480 = arith.constant 16 : i32
      %mul3A_481 = arith.muli %scan3A_478, %mul3A_480 : i32
      %get3A = arith.constant 21 : i32
      %get3A_482 = arith.index_cast %get3A : i32 to index
      %get3A_483 = arith.index_cast %mul3A_481 : i32 to index
      %get3A_484 = tpu.vector_load %arg9[%get3A_482, %get3A_483] {strides = array<i32>} : memref<32x1024xf32, #tpu.memory_space<vmem>>, vector<1x16xf32>,
      %get3A_485 = vector.shape_cast %get3A_484 : vector<1x16xf32> to vector<16xf32>
      %get3A_486 = arith.constant 21 : i32
      %get3A_487 = arith.index_cast %get3A_486 : i32 to index
      %get3A_488 = arith.index_cast %mul3A_481 : i32 to index
      %get3A_489 = tpu.vector_load %arg10[%get3A_487, %get3A_488] {strides = array<i32>} : memref<32x1024xf32, #tpu.memory_space<vmem>>, vector<1x16xf32>,
      %get3A_490 = vector.shape_cast %get3A_489 : vector<1x16xf32> to vector<16xf32>
      %add3A_491 = arith.addf %get3A_485, %get3A_490 : vector<16xf32>
      %get3A_492 = arith.constant 21 : i32
      %get3A_493 = arith.index_cast %get3A_492 : i32 to index
      %get3A_494 = arith.index_cast %mul3A_481 : i32 to index
      %get3A_495 = tpu.vector_load %arg11[%get3A_493, %get3A_494] {strides = array<i32>} : memref<32x1024xf32, #tpu.memory_space<vmem>>, vector<1x16xf32>,
      %get3A_496 = vector.shape_cast %get3A_495 : vector<1x16xf32> to vector<16xf32>
      %add3A_497 = arith.addf %add3A_491, %get3A_496 : vector<16xf32>
      %swap3A = arith.constant 21 : i32
      %swap3A_498 = arith.index_cast %swap3A : i32 to index
      %swap3A_499 = arith.index_cast %mul3A_481 : i32 to index
      %swap3A_500 = tpu.vector_load %arg9[%swap3A_498, %swap3A_499] {strides = array<i32>} : memref<32x1024xf32, #tpu.memory_space<vmem>>, vector<1x16xf32>,
      %swap3A_501 = vector.shape_cast %swap3A_500 : vector<1x16xf32> to vector<16xf32>
      %swap3A_502 = vector.shape_cast %add3A_497 : vector<16xf32> to vector<1x16xf32>
      tpu.vector_store %arg9[%swap3A_498, %swap3A_499], %swap3A_502 {strides = array<i32>} : memref<32x1024xf32, #tpu.memory_space<vmem>>, vector<1x16xf32>,
      %scan3A_503 = arith.constant 0 : i32
      scf.yield %scan3A_503 : i32
    }
    %scan3A_167 = arith.constant 64 : i32
    %scan3A_168 = arith.constant 0 : i32
    %scan3A_169 = arith.constant 0 : i32
    %scan3A_170 = arith.constant 64 : i32
    %scan3A_171 = arith.addi %scan3A_169, %scan3A_170 : i32
    %scan3A_172 = arith.constant 1 : i32
    %scan3A_173 = scf.for %scan3A_478 = %scan3A_169 to %scan3A_171 step %scan3A_172 iter_args(%scan3A_479 = %scan3A_168) -> (i32)  : i32 {
      %mul3A_480 = arith.constant 16 : i32
      %mul3A_481 = arith.muli %scan3A_478, %mul3A_480 : i32
      %get3A = arith.constant 22 : i32
      %get3A_482 = arith.index_cast %get3A : i32 to index
      %get3A_483 = arith.index_cast %mul3A_481 : i32 to index
      %get3A_484 = tpu.vector_load %arg9[%get3A_482, %get3A_483] {strides = array<i32>} : memref<32x1024xf32, #tpu.memory_space<vmem>>, vector<1x16xf32>,
      %get3A_485 = vector.shape_cast %get3A_484 : vector<1x16xf32> to vector<16xf32>
      %get3A_486 = arith.constant 22 : i32
      %get3A_487 = arith.index_cast %get3A_486 : i32 to index
      %get3A_488 = arith.index_cast %mul3A_481 : i32 to index
      %get3A_489 = tpu.vector_load %arg10[%get3A_487, %get3A_488] {strides = array<i32>} : memref<32x1024xf32, #tpu.memory_space<vmem>>, vector<1x16xf32>,
      %get3A_490 = vector.shape_cast %get3A_489 : vector<1x16xf32> to vector<16xf32>
      %add3A_491 = arith.addf %get3A_485, %get3A_490 : vector<16xf32>
      %get3A_492 = arith.constant 22 : i32
      %get3A_493 = arith.index_cast %get3A_492 : i32 to index
      %get3A_494 = arith.index_cast %mul3A_481 : i32 to index
      %get3A_495 = tpu.vector_load %arg11[%get3A_493, %get3A_494] {strides = array<i32>} : memref<32x1024xf32, #tpu.memory_space<vmem>>, vector<1x16xf32>,
      %get3A_496 = vector.shape_cast %get3A_495 : vector<1x16xf32> to vector<16xf32>
      %add3A_497 = arith.addf %add3A_491, %get3A_496 : vector<16xf32>
      %swap3A = arith.constant 22 : i32
      %swap3A_498 = arith.index_cast %swap3A : i32 to index
      %swap3A_499 = arith.index_cast %mul3A_481 : i32 to index
      %swap3A_500 = tpu.vector_load %arg9[%swap3A_498, %swap3A_499] {strides = array<i32>} : memref<32x1024xf32, #tpu.memory_space<vmem>>, vector<1x16xf32>,
      %swap3A_501 = vector.shape_cast %swap3A_500 : vector<1x16xf32> to vector<16xf32>
      %swap3A_502 = vector.shape_cast %add3A_497 : vector<16xf32> to vector<1x16xf32>
      tpu.vector_store %arg9[%swap3A_498, %swap3A_499], %swap3A_502 {strides = array<i32>} : memref<32x1024xf32, #tpu.memory_space<vmem>>, vector<1x16xf32>,
      %scan3A_503 = arith.constant 0 : i32
      scf.yield %scan3A_503 : i32
    }
    %scan3A_174 = arith.constant 64 : i32
    %scan3A_175 = arith.constant 0 : i32
    %scan3A_176 = arith.constant 0 : i32
    %scan3A_177 = arith.constant 64 : i32
    %scan3A_178 = arith.addi %scan3A_176, %scan3A_177 : i32
    %scan3A_179 = arith.constant 1 : i32
    %scan3A_180 = scf.for %scan3A_478 = %scan3A_176 to %scan3A_178 step %scan3A_179 iter_args(%scan3A_479 = %scan3A_175) -> (i32)  : i32 {
      %mul3A_480 = arith.constant 16 : i32
      %mul3A_481 = arith.muli %scan3A_478, %mul3A_480 : i32
      %get3A = arith.constant 23 : i32
      %get3A_482 = arith.index_cast %get3A : i32 to index
      %get3A_483 = arith.index_cast %mul3A_481 : i32 to index
      %get3A_484 = tpu.vector_load %arg9[%get3A_482, %get3A_483] {strides = array<i32>} : memref<32x1024xf32, #tpu.memory_space<vmem>>, vector<1x16xf32>,
      %get3A_485 = vector.shape_cast %get3A_484 : vector<1x16xf32> to vector<16xf32>
      %get3A_486 = arith.constant 23 : i32
      %get3A_487 = arith.index_cast %get3A_486 : i32 to index
      %get3A_488 = arith.index_cast %mul3A_481 : i32 to index
      %get3A_489 = tpu.vector_load %arg10[%get3A_487, %get3A_488] {strides = array<i32>} : memref<32x1024xf32, #tpu.memory_space<vmem>>, vector<1x16xf32>,
      %get3A_490 = vector.shape_cast %get3A_489 : vector<1x16xf32> to vector<16xf32>
      %add3A_491 = arith.addf %get3A_485, %get3A_490 : vector<16xf32>
      %get3A_492 = arith.constant 23 : i32
      %get3A_493 = arith.index_cast %get3A_492 : i32 to index
      %get3A_494 = arith.index_cast %mul3A_481 : i32 to index
      %get3A_495 = tpu.vector_load %arg11[%get3A_493, %get3A_494] {strides = array<i32>} : memref<32x1024xf32, #tpu.memory_space<vmem>>, vector<1x16xf32>,
      %get3A_496 = vector.shape_cast %get3A_495 : vector<1x16xf32> to vector<16xf32>
      %add3A_497 = arith.addf %add3A_491, %get3A_496 : vector<16xf32>
      %swap3A = arith.constant 23 : i32
      %swap3A_498 = arith.index_cast %swap3A : i32 to index
      %swap3A_499 = arith.index_cast %mul3A_481 : i32 to index
      %swap3A_500 = tpu.vector_load %arg9[%swap3A_498, %swap3A_499] {strides = array<i32>} : memref<32x1024xf32, #tpu.memory_space<vmem>>, vector<1x16xf32>,
      %swap3A_501 = vector.shape_cast %swap3A_500 : vector<1x16xf32> to vector<16xf32>
      %swap3A_502 = vector.shape_cast %add3A_497 : vector<16xf32> to vector<1x16xf32>
      tpu.vector_store %arg9[%swap3A_498, %swap3A_499], %swap3A_502 {strides = array<i32>} : memref<32x1024xf32, #tpu.memory_space<vmem>>, vector<1x16xf32>,
      %scan3A_503 = arith.constant 0 : i32
      scf.yield %scan3A_503 : i32
    }
    %scan3A_181 = arith.constant 64 : i32
    %scan3A_182 = arith.constant 0 : i32
    %scan3A_183 = arith.constant 0 : i32
    %scan3A_184 = arith.constant 64 : i32
    %scan3A_185 = arith.addi %scan3A_183, %scan3A_184 : i32
    %scan3A_186 = arith.constant 1 : i32
    %scan3A_187 = scf.for %scan3A_478 = %scan3A_183 to %scan3A_185 step %scan3A_186 iter_args(%scan3A_479 = %scan3A_182) -> (i32)  : i32 {
      %mul3A_480 = arith.constant 16 : i32
      %mul3A_481 = arith.muli %scan3A_478, %mul3A_480 : i32
      %get3A = arith.constant 24 : i32
      %get3A_482 = arith.index_cast %get3A : i32 to index
      %get3A_483 = arith.index_cast %mul3A_481 : i32 to index
      %get3A_484 = tpu.vector_load %arg9[%get3A_482, %get3A_483] {strides = array<i32>} : memref<32x1024xf32, #tpu.memory_space<vmem>>, vector<1x16xf32>,
      %get3A_485 = vector.shape_cast %get3A_484 : vector<1x16xf32> to vector<16xf32>
      %get3A_486 = arith.constant 24 : i32
      %get3A_487 = arith.index_cast %get3A_486 : i32 to index
      %get3A_488 = arith.index_cast %mul3A_481 : i32 to index
      %get3A_489 = tpu.vector_load %arg10[%get3A_487, %get3A_488] {strides = array<i32>} : memref<32x1024xf32, #tpu.memory_space<vmem>>, vector<1x16xf32>,
      %get3A_490 = vector.shape_cast %get3A_489 : vector<1x16xf32> to vector<16xf32>
      %add3A_491 = arith.addf %get3A_485, %get3A_490 : vector<16xf32>
      %get3A_492 = arith.constant 24 : i32
      %get3A_493 = arith.index_cast %get3A_492 : i32 to index
      %get3A_494 = arith.index_cast %mul3A_481 : i32 to index
      %get3A_495 = tpu.vector_load %arg11[%get3A_493, %get3A_494] {strides = array<i32>} : memref<32x1024xf32, #tpu.memory_space<vmem>>, vector<1x16xf32>,
      %get3A_496 = vector.shape_cast %get3A_495 : vector<1x16xf32> to vector<16xf32>
      %add3A_497 = arith.addf %add3A_491, %get3A_496 : vector<16xf32>
      %swap3A = arith.constant 24 : i32
      %swap3A_498 = arith.index_cast %swap3A : i32 to index
      %swap3A_499 = arith.index_cast %mul3A_481 : i32 to index
      %swap3A_500 = tpu.vector_load %arg9[%swap3A_498, %swap3A_499] {strides = array<i32>} : memref<32x1024xf32, #tpu.memory_space<vmem>>, vector<1x16xf32>,
      %swap3A_501 = vector.shape_cast %swap3A_500 : vector<1x16xf32> to vector<16xf32>
      %swap3A_502 = vector.shape_cast %add3A_497 : vector<16xf32> to vector<1x16xf32>
      tpu.vector_store %arg9[%swap3A_498, %swap3A_499], %swap3A_502 {strides = array<i32>} : memref<32x1024xf32, #tpu.memory_space<vmem>>, vector<1x16xf32>,
      %scan3A_503 = arith.constant 0 : i32
      scf.yield %scan3A_503 : i32
    }
    %scan3A_188 = arith.constant 64 : i32
    %scan3A_189 = arith.constant 0 : i32
    %scan3A_190 = arith.constant 0 : i32
    %scan3A_191 = arith.constant 64 : i32
    %scan3A_192 = arith.addi %scan3A_190, %scan3A_191 : i32
    %scan3A_193 = arith.constant 1 : i32
    %scan3A_194 = scf.for %scan3A_478 = %scan3A_190 to %scan3A_192 step %scan3A_193 iter_args(%scan3A_479 = %scan3A_189) -> (i32)  : i32 {
      %mul3A_480 = arith.constant 16 : i32
      %mul3A_481 = arith.muli %scan3A_478, %mul3A_480 : i32
      %get3A = arith.constant 25 : i32
      %get3A_482 = arith.index_cast %get3A : i32 to index
      %get3A_483 = arith.index_cast %mul3A_481 : i32 to index
      %get3A_484 = tpu.vector_load %arg9[%get3A_482, %get3A_483] {strides = array<i32>} : memref<32x1024xf32, #tpu.memory_space<vmem>>, vector<1x16xf32>,
      %get3A_485 = vector.shape_cast %get3A_484 : vector<1x16xf32> to vector<16xf32>
      %get3A_486 = arith.constant 25 : i32
      %get3A_487 = arith.index_cast %get3A_486 : i32 to index
      %get3A_488 = arith.index_cast %mul3A_481 : i32 to index
      %get3A_489 = tpu.vector_load %arg10[%get3A_487, %get3A_488] {strides = array<i32>} : memref<32x1024xf32, #tpu.memory_space<vmem>>, vector<1x16xf32>,
      %get3A_490 = vector.shape_cast %get3A_489 : vector<1x16xf32> to vector<16xf32>
      %add3A_491 = arith.addf %get3A_485, %get3A_490 : vector<16xf32>
      %get3A_492 = arith.constant 25 : i32
      %get3A_493 = arith.index_cast %get3A_492 : i32 to index
      %get3A_494 = arith.index_cast %mul3A_481 : i32 to index
      %get3A_495 = tpu.vector_load %arg11[%get3A_493, %get3A_494] {strides = array<i32>} : memref<32x1024xf32, #tpu.memory_space<vmem>>, vector<1x16xf32>,
      %get3A_496 = vector.shape_cast %get3A_495 : vector<1x16xf32> to vector<16xf32>
      %add3A_497 = arith.addf %add3A_491, %get3A_496 : vector<16xf32>
      %swap3A = arith.constant 25 : i32
      %swap3A_498 = arith.index_cast %swap3A : i32 to index
      %swap3A_499 = arith.index_cast %mul3A_481 : i32 to index
      %swap3A_500 = tpu.vector_load %arg9[%swap3A_498, %swap3A_499] {strides = array<i32>} : memref<32x1024xf32, #tpu.memory_space<vmem>>, vector<1x16xf32>,
      %swap3A_501 = vector.shape_cast %swap3A_500 : vector<1x16xf32> to vector<16xf32>
      %swap3A_502 = vector.shape_cast %add3A_497 : vector<16xf32> to vector<1x16xf32>
      tpu.vector_store %arg9[%swap3A_498, %swap3A_499], %swap3A_502 {strides = array<i32>} : memref<32x1024xf32, #tpu.memory_space<vmem>>, vector<1x16xf32>,
      %scan3A_503 = arith.constant 0 : i32
      scf.yield %scan3A_503 : i32
    }
    %scan3A_195 = arith.constant 64 : i32
    %scan3A_196 = arith.constant 0 : i32
    %scan3A_197 = arith.constant 0 : i32
    %scan3A_198 = arith.constant 64 : i32
    %scan3A_199 = arith.addi %scan3A_197, %scan3A_198 : i32
    %scan3A_200 = arith.constant 1 : i32
    %scan3A_201 = scf.for %scan3A_478 = %scan3A_197 to %scan3A_199 step %scan3A_200 iter_args(%scan3A_479 = %scan3A_196) -> (i32)  : i32 {
      %mul3A_480 = arith.constant 16 : i32
      %mul3A_481 = arith.muli %scan3A_478, %mul3A_480 : i32
      %get3A = arith.constant 26 : i32
      %get3A_482 = arith.index_cast %get3A : i32 to index
      %get3A_483 = arith.index_cast %mul3A_481 : i32 to index
      %get3A_484 = tpu.vector_load %arg9[%get3A_482, %get3A_483] {strides = array<i32>} : memref<32x1024xf32, #tpu.memory_space<vmem>>, vector<1x16xf32>,
      %get3A_485 = vector.shape_cast %get3A_484 : vector<1x16xf32> to vector<16xf32>
      %get3A_486 = arith.constant 26 : i32
      %get3A_487 = arith.index_cast %get3A_486 : i32 to index
      %get3A_488 = arith.index_cast %mul3A_481 : i32 to index
      %get3A_489 = tpu.vector_load %arg10[%get3A_487, %get3A_488] {strides = array<i32>} : memref<32x1024xf32, #tpu.memory_space<vmem>>, vector<1x16xf32>,
      %get3A_490 = vector.shape_cast %get3A_489 : vector<1x16xf32> to vector<16xf32>
      %add3A_491 = arith.addf %get3A_485, %get3A_490 : vector<16xf32>
      %get3A_492 = arith.constant 26 : i32
      %get3A_493 = arith.index_cast %get3A_492 : i32 to index
      %get3A_494 = arith.index_cast %mul3A_481 : i32 to index
      %get3A_495 = tpu.vector_load %arg11[%get3A_493, %get3A_494] {strides = array<i32>} : memref<32x1024xf32, #tpu.memory_space<vmem>>, vector<1x16xf32>,
      %get3A_496 = vector.shape_cast %get3A_495 : vector<1x16xf32> to vector<16xf32>
      %add3A_497 = arith.addf %add3A_491, %get3A_496 : vector<16xf32>
      %swap3A = arith.constant 26 : i32
      %swap3A_498 = arith.index_cast %swap3A : i32 to index
      %swap3A_499 = arith.index_cast %mul3A_481 : i32 to index
      %swap3A_500 = tpu.vector_load %arg9[%swap3A_498, %swap3A_499] {strides = array<i32>} : memref<32x1024xf32, #tpu.memory_space<vmem>>, vector<1x16xf32>,
      %swap3A_501 = vector.shape_cast %swap3A_500 : vector<1x16xf32> to vector<16xf32>
      %swap3A_502 = vector.shape_cast %add3A_497 : vector<16xf32> to vector<1x16xf32>
      tpu.vector_store %arg9[%swap3A_498, %swap3A_499], %swap3A_502 {strides = array<i32>} : memref<32x1024xf32, #tpu.memory_space<vmem>>, vector<1x16xf32>,
      %scan3A_503 = arith.constant 0 : i32
      scf.yield %scan3A_503 : i32
    }
    %scan3A_202 = arith.constant 64 : i32
    %scan3A_203 = arith.constant 0 : i32
    %scan3A_204 = arith.constant 0 : i32
    %scan3A_205 = arith.constant 64 : i32
    %scan3A_206 = arith.addi %scan3A_204, %scan3A_205 : i32
    %scan3A_207 = arith.constant 1 : i32
    %scan3A_208 = scf.for %scan3A_478 = %scan3A_204 to %scan3A_206 step %scan3A_207 iter_args(%scan3A_479 = %scan3A_203) -> (i32)  : i32 {
      %mul3A_480 = arith.constant 16 : i32
      %mul3A_481 = arith.muli %scan3A_478, %mul3A_480 : i32
      %get3A = arith.constant 27 : i32
      %get3A_482 = arith.index_cast %get3A : i32 to index
      %get3A_483 = arith.index_cast %mul3A_481 : i32 to index
      %get3A_484 = tpu.vector_load %arg9[%get3A_482, %get3A_483] {strides = array<i32>} : memref<32x1024xf32, #tpu.memory_space<vmem>>, vector<1x16xf32>,
      %get3A_485 = vector.shape_cast %get3A_484 : vector<1x16xf32> to vector<16xf32>
      %get3A_486 = arith.constant 27 : i32
      %get3A_487 = arith.index_cast %get3A_486 : i32 to index
      %get3A_488 = arith.index_cast %mul3A_481 : i32 to index
      %get3A_489 = tpu.vector_load %arg10[%get3A_487, %get3A_488] {strides = array<i32>} : memref<32x1024xf32, #tpu.memory_space<vmem>>, vector<1x16xf32>,
      %get3A_490 = vector.shape_cast %get3A_489 : vector<1x16xf32> to vector<16xf32>
      %add3A_491 = arith.addf %get3A_485, %get3A_490 : vector<16xf32>
      %get3A_492 = arith.constant 27 : i32
      %get3A_493 = arith.index_cast %get3A_492 : i32 to index
      %get3A_494 = arith.index_cast %mul3A_481 : i32 to index
      %get3A_495 = tpu.vector_load %arg11[%get3A_493, %get3A_494] {strides = array<i32>} : memref<32x1024xf32, #tpu.memory_space<vmem>>, vector<1x16xf32>,
      %get3A_496 = vector.shape_cast %get3A_495 : vector<1x16xf32> to vector<16xf32>
      %add3A_497 = arith.addf %add3A_491, %get3A_496 : vector<16xf32>
      %swap3A = arith.constant 27 : i32
      %swap3A_498 = arith.index_cast %swap3A : i32 to index
      %swap3A_499 = arith.index_cast %mul3A_481 : i32 to index
      %swap3A_500 = tpu.vector_load %arg9[%swap3A_498, %swap3A_499] {strides = array<i32>} : memref<32x1024xf32, #tpu.memory_space<vmem>>, vector<1x16xf32>,
      %swap3A_501 = vector.shape_cast %swap3A_500 : vector<1x16xf32> to vector<16xf32>
      %swap3A_502 = vector.shape_cast %add3A_497 : vector<16xf32> to vector<1x16xf32>
      tpu.vector_store %arg9[%swap3A_498, %swap3A_499], %swap3A_502 {strides = array<i32>} : memref<32x1024xf32, #tpu.memory_space<vmem>>, vector<1x16xf32>,
      %scan3A_503 = arith.constant 0 : i32
      scf.yield %scan3A_503 : i32
    }
    %scan3A_209 = arith.constant 64 : i32
    %scan3A_210 = arith.constant 0 : i32
    %scan3A_211 = arith.constant 0 : i32
    %scan3A_212 = arith.constant 64 : i32
    %scan3A_213 = arith.addi %scan3A_211, %scan3A_212 : i32
    %scan3A_214 = arith.constant 1 : i32
    %scan3A_215 = scf.for %scan3A_478 = %scan3A_211 to %scan3A_213 step %scan3A_214 iter_args(%scan3A_479 = %scan3A_210) -> (i32)  : i32 {
      %mul3A_480 = arith.constant 16 : i32
      %mul3A_481 = arith.muli %scan3A_478, %mul3A_480 : i32
      %get3A = arith.constant 28 : i32
      %get3A_482 = arith.index_cast %get3A : i32 to index
      %get3A_483 = arith.index_cast %mul3A_481 : i32 to index
      %get3A_484 = tpu.vector_load %arg9[%get3A_482, %get3A_483] {strides = array<i32>} : memref<32x1024xf32, #tpu.memory_space<vmem>>, vector<1x16xf32>,
      %get3A_485 = vector.shape_cast %get3A_484 : vector<1x16xf32> to vector<16xf32>
      %get3A_486 = arith.constant 28 : i32
      %get3A_487 = arith.index_cast %get3A_486 : i32 to index
      %get3A_488 = arith.index_cast %mul3A_481 : i32 to index
      %get3A_489 = tpu.vector_load %arg10[%get3A_487, %get3A_488] {strides = array<i32>} : memref<32x1024xf32, #tpu.memory_space<vmem>>, vector<1x16xf32>,
      %get3A_490 = vector.shape_cast %get3A_489 : vector<1x16xf32> to vector<16xf32>
      %add3A_491 = arith.addf %get3A_485, %get3A_490 : vector<16xf32>
      %get3A_492 = arith.constant 28 : i32
      %get3A_493 = arith.index_cast %get3A_492 : i32 to index
      %get3A_494 = arith.index_cast %mul3A_481 : i32 to index
      %get3A_495 = tpu.vector_load %arg11[%get3A_493, %get3A_494] {strides = array<i32>} : memref<32x1024xf32, #tpu.memory_space<vmem>>, vector<1x16xf32>,
      %get3A_496 = vector.shape_cast %get3A_495 : vector<1x16xf32> to vector<16xf32>
      %add3A_497 = arith.addf %add3A_491, %get3A_496 : vector<16xf32>
      %swap3A = arith.constant 28 : i32
      %swap3A_498 = arith.index_cast %swap3A : i32 to index
      %swap3A_499 = arith.index_cast %mul3A_481 : i32 to index
      %swap3A_500 = tpu.vector_load %arg9[%swap3A_498, %swap3A_499] {strides = array<i32>} : memref<32x1024xf32, #tpu.memory_space<vmem>>, vector<1x16xf32>,
      %swap3A_501 = vector.shape_cast %swap3A_500 : vector<1x16xf32> to vector<16xf32>
      %swap3A_502 = vector.shape_cast %add3A_497 : vector<16xf32> to vector<1x16xf32>
      tpu.vector_store %arg9[%swap3A_498, %swap3A_499], %swap3A_502 {strides = array<i32>} : memref<32x1024xf32, #tpu.memory_space<vmem>>, vector<1x16xf32>,
      %scan3A_503 = arith.constant 0 : i32
      scf.yield %scan3A_503 : i32
    }
    %scan3A_216 = arith.constant 64 : i32
    %scan3A_217 = arith.constant 0 : i32
    %scan3A_218 = arith.constant 0 : i32
    %scan3A_219 = arith.constant 64 : i32
    %scan3A_220 = arith.addi %scan3A_218, %scan3A_219 : i32
    %scan3A_221 = arith.constant 1 : i32
    %scan3A_222 = scf.for %scan3A_478 = %scan3A_218 to %scan3A_220 step %scan3A_221 iter_args(%scan3A_479 = %scan3A_217) -> (i32)  : i32 {
      %mul3A_480 = arith.constant 16 : i32
      %mul3A_481 = arith.muli %scan3A_478, %mul3A_480 : i32
      %get3A = arith.constant 29 : i32
      %get3A_482 = arith.index_cast %get3A : i32 to index
      %get3A_483 = arith.index_cast %mul3A_481 : i32 to index
      %get3A_484 = tpu.vector_load %arg9[%get3A_482, %get3A_483] {strides = array<i32>} : memref<32x1024xf32, #tpu.memory_space<vmem>>, vector<1x16xf32>,
      %get3A_485 = vector.shape_cast %get3A_484 : vector<1x16xf32> to vector<16xf32>
      %get3A_486 = arith.constant 29 : i32
      %get3A_487 = arith.index_cast %get3A_486 : i32 to index
      %get3A_488 = arith.index_cast %mul3A_481 : i32 to index
      %get3A_489 = tpu.vector_load %arg10[%get3A_487, %get3A_488] {strides = array<i32>} : memref<32x1024xf32, #tpu.memory_space<vmem>>, vector<1x16xf32>,
      %get3A_490 = vector.shape_cast %get3A_489 : vector<1x16xf32> to vector<16xf32>
      %add3A_491 = arith.addf %get3A_485, %get3A_490 : vector<16xf32>
      %get3A_492 = arith.constant 29 : i32
      %get3A_493 = arith.index_cast %get3A_492 : i32 to index
      %get3A_494 = arith.index_cast %mul3A_481 : i32 to index
      %get3A_495 = tpu.vector_load %arg11[%get3A_493, %get3A_494] {strides = array<i32>} : memref<32x1024xf32, #tpu.memory_space<vmem>>, vector<1x16xf32>,
      %get3A_496 = vector.shape_cast %get3A_495 : vector<1x16xf32> to vector<16xf32>
      %add3A_497 = arith.addf %add3A_491, %get3A_496 : vector<16xf32>
      %swap3A = arith.constant 29 : i32
      %swap3A_498 = arith.index_cast %swap3A : i32 to index
      %swap3A_499 = arith.index_cast %mul3A_481 : i32 to index
      %swap3A_500 = tpu.vector_load %arg9[%swap3A_498, %swap3A_499] {strides = array<i32>} : memref<32x1024xf32, #tpu.memory_space<vmem>>, vector<1x16xf32>,
      %swap3A_501 = vector.shape_cast %swap3A_500 : vector<1x16xf32> to vector<16xf32>
      %swap3A_502 = vector.shape_cast %add3A_497 : vector<16xf32> to vector<1x16xf32>
      tpu.vector_store %arg9[%swap3A_498, %swap3A_499], %swap3A_502 {strides = array<i32>} : memref<32x1024xf32, #tpu.memory_space<vmem>>, vector<1x16xf32>,
      %scan3A_503 = arith.constant 0 : i32
      scf.yield %scan3A_503 : i32
    }
    %scan3A_223 = arith.constant 64 : i32
    %scan3A_224 = arith.constant 0 : i32
    %scan3A_225 = arith.constant 0 : i32
    %scan3A_226 = arith.constant 64 : i32
    %scan3A_227 = arith.addi %scan3A_225, %scan3A_226 : i32
    %scan3A_228 = arith.constant 1 : i32
    %scan3A_229 = scf.for %scan3A_478 = %scan3A_225 to %scan3A_227 step %scan3A_228 iter_args(%scan3A_479 = %scan3A_224) -> (i32)  : i32 {
      %mul3A_480 = arith.constant 16 : i32
      %mul3A_481 = arith.muli %scan3A_478, %mul3A_480 : i32
      %get3A = arith.constant 30 : i32
      %get3A_482 = arith.index_cast %get3A : i32 to index
      %get3A_483 = arith.index_cast %mul3A_481 : i32 to index
      %get3A_484 = tpu.vector_load %arg9[%get3A_482, %get3A_483] {strides = array<i32>} : memref<32x1024xf32, #tpu.memory_space<vmem>>, vector<1x16xf32>,
      %get3A_485 = vector.shape_cast %get3A_484 : vector<1x16xf32> to vector<16xf32>
      %get3A_486 = arith.constant 30 : i32
      %get3A_487 = arith.index_cast %get3A_486 : i32 to index
      %get3A_488 = arith.index_cast %mul3A_481 : i32 to index
      %get3A_489 = tpu.vector_load %arg10[%get3A_487, %get3A_488] {strides = array<i32>} : memref<32x1024xf32, #tpu.memory_space<vmem>>, vector<1x16xf32>,
      %get3A_490 = vector.shape_cast %get3A_489 : vector<1x16xf32> to vector<16xf32>
      %add3A_491 = arith.addf %get3A_485, %get3A_490 : vector<16xf32>
      %get3A_492 = arith.constant 30 : i32
      %get3A_493 = arith.index_cast %get3A_492 : i32 to index
      %get3A_494 = arith.index_cast %mul3A_481 : i32 to index
      %get3A_495 = tpu.vector_load %arg11[%get3A_493, %get3A_494] {strides = array<i32>} : memref<32x1024xf32, #tpu.memory_space<vmem>>, vector<1x16xf32>,
      %get3A_496 = vector.shape_cast %get3A_495 : vector<1x16xf32> to vector<16xf32>
      %add3A_497 = arith.addf %add3A_491, %get3A_496 : vector<16xf32>
      %swap3A = arith.constant 30 : i32
      %swap3A_498 = arith.index_cast %swap3A : i32 to index
      %swap3A_499 = arith.index_cast %mul3A_481 : i32 to index
      %swap3A_500 = tpu.vector_load %arg9[%swap3A_498, %swap3A_499] {strides = array<i32>} : memref<32x1024xf32, #tpu.memory_space<vmem>>, vector<1x16xf32>,
      %swap3A_501 = vector.shape_cast %swap3A_500 : vector<1x16xf32> to vector<16xf32>
      %swap3A_502 = vector.shape_cast %add3A_497 : vector<16xf32> to vector<1x16xf32>
      tpu.vector_store %arg9[%swap3A_498, %swap3A_499], %swap3A_502 {strides = array<i32>} : memref<32x1024xf32, #tpu.memory_space<vmem>>, vector<1x16xf32>,
      %scan3A_503 = arith.constant 0 : i32
      scf.yield %scan3A_503 : i32
    }
    %scan3A_230 = arith.constant 64 : i32
    %scan3A_231 = arith.constant 0 : i32
    %scan3A_232 = arith.constant 0 : i32
    %scan3A_233 = arith.constant 64 : i32
    %scan3A_234 = arith.addi %scan3A_232, %scan3A_233 : i32
    %scan3A_235 = arith.constant 1 : i32
    %scan3A_236 = scf.for %scan3A_478 = %scan3A_232 to %scan3A_234 step %scan3A_235 iter_args(%scan3A_479 = %scan3A_231) -> (i32)  : i32 {
      %mul3A_480 = arith.constant 16 : i32
      %mul3A_481 = arith.muli %scan3A_478, %mul3A_480 : i32
      %get3A = arith.constant 31 : i32
      %get3A_482 = arith.index_cast %get3A : i32 to index
      %get3A_483 = arith.index_cast %mul3A_481 : i32 to index
      %get3A_484 = tpu.vector_load %arg9[%get3A_482, %get3A_483] {strides = array<i32>} : memref<32x1024xf32, #tpu.memory_space<vmem>>, vector<1x16xf32>,
      %get3A_485 = vector.shape_cast %get3A_484 : vector<1x16xf32> to vector<16xf32>
      %get3A_486 = arith.constant 31 : i32
      %get3A_487 = arith.index_cast %get3A_486 : i32 to index
      %get3A_488 = arith.index_cast %mul3A_481 : i32 to index
      %get3A_489 = tpu.vector_load %arg10[%get3A_487, %get3A_488] {strides = array<i32>} : memref<32x1024xf32, #tpu.memory_space<vmem>>, vector<1x16xf32>,
      %get3A_490 = vector.shape_cast %get3A_489 : vector<1x16xf32> to vector<16xf32>
      %add3A_491 = arith.addf %get3A_485, %get3A_490 : vector<16xf32>
      %get3A_492 = arith.constant 31 : i32
      %get3A_493 = arith.index_cast %get3A_492 : i32 to index
      %get3A_494 = arith.index_cast %mul3A_481 : i32 to index
      %get3A_495 = tpu.vector_load %arg11[%get3A_493, %get3A_494] {strides = array<i32>} : memref<32x1024xf32, #tpu.memory_space<vmem>>, vector<1x16xf32>,
      %get3A_496 = vector.shape_cast %get3A_495 : vector<1x16xf32> to vector<16xf32>
      %add3A_497 = arith.addf %add3A_491, %get3A_496 : vector<16xf32>
      %swap3A = arith.constant 31 : i32
      %swap3A_498 = arith.index_cast %swap3A : i32 to index
      %swap3A_499 = arith.index_cast %mul3A_481 : i32 to index
      %swap3A_500 = tpu.vector_load %arg9[%swap3A_498, %swap3A_499] {strides = array<i32>} : memref<32x1024xf32, #tpu.memory_space<vmem>>, vector<1x16xf32>,
      %swap3A_501 = vector.shape_cast %swap3A_500 : vector<1x16xf32> to vector<16xf32>
      %swap3A_502 = vector.shape_cast %add3A_497 : vector<16xf32> to vector<1x16xf32>
      tpu.vector_store %arg9[%swap3A_498, %swap3A_499], %swap3A_502 {strides = array<i32>} : memref<32x1024xf32, #tpu.memory_space<vmem>>, vector<1x16xf32>,
      %scan3A_503 = arith.constant 0 : i32
      scf.yield %scan3A_503 : i32
    }
    %scan3A_237 = arith.constant 64 : i32
    "tpu.region"() ({
      %run_scoped3A = tpu.sem_alloc : memref<!tpu.dma_semaphore, #tpu.memory_space<semaphore_mem>>
      %dma_start3A_478 = arith.constant 0 : i32
      %dma_start3A_479 = tpu.memref_slice %arg6[%add3A_4, %dma_start3A_478] : memref<2048x1024xf32, #tpu.memory_space<hbm>> -> memref<32x1024xf32, #tpu.memory_space<hbm>>
      %dma_start3A_480 = arith.constant 0 : i32
      %dma_start3A_481 = tpu.memref_slice %arg6[%add3A_4, %dma_start3A_480] : memref<2048x1024xf32, #tpu.memory_space<hbm>> -> memref<32x1024xf32, #tpu.memory_space<hbm>>
      tpu.enqueue_dma source(%arg9 : memref<32x1024xf32, #tpu.memory_space<vmem>>) target(%dma_start3A_481 : memref<32x1024xf32, #tpu.memory_space<hbm>>) target_semaphore(%run_scoped3A : memref<!tpu.dma_semaphore, #tpu.memory_space<semaphore_mem>>)
      %dma_wait3A_482 = arith.constant 0 : i32
      %dma_wait3A_483 = tpu.memref_slice %arg6[%add3A_4, %dma_wait3A_482] : memref<2048x1024xf32, #tpu.memory_space<hbm>> -> memref<32x1024xf32, #tpu.memory_space<hbm>>
      %dma_wait3A_484 = arith.constant 0 : i32
      %dma_wait3A_485 = tpu.memref_slice %arg6[%add3A_4, %dma_wait3A_484] : memref<2048x1024xf32, #tpu.memory_space<hbm>> -> memref<32x1024xf32, #tpu.memory_space<hbm>>
      tpu.wait_dma2 semaphore(%run_scoped3A : memref<!tpu.dma_semaphore, #tpu.memory_space<semaphore_mem>>) src(%arg9 : memref<32x1024xf32, #tpu.memory_space<vmem>>) dst(%dma_wait3A_485 : memref<32x1024xf32, #tpu.memory_space<hbm>>)
      tpu.yield
    }) : () -> ()
    %mul3A_238 = arith.constant 64 : i32
    %mul3A_239 = arith.muli %add3A, %mul3A_238 : i32
    %add3A_240 = arith.constant 32 : i32
    %add3A_241 = arith.addi %mul3A_239, %add3A_240 : i32
    "tpu.region"() ({
      %run_scoped3A = tpu.sem_alloc : memref<!tpu.dma_semaphore, #tpu.memory_space<semaphore_mem>>
      %dma_start3A_478 = arith.constant 0 : i32
      %dma_start3A_479 = tpu.memref_slice %arg3[%add3A_241, %dma_start3A_478] : memref<2048x1024xf32, #tpu.memory_space<hbm>> -> memref<32x1024xf32, #tpu.memory_space<hbm>>
      %dma_start3A_480 = arith.constant 0 : i32
      %dma_start3A_481 = tpu.memref_slice %arg3[%add3A_241, %dma_start3A_480] : memref<2048x1024xf32, #tpu.memory_space<hbm>> -> memref<32x1024xf32, #tpu.memory_space<hbm>>
      tpu.enqueue_dma source(%dma_start3A_481 : memref<32x1024xf32, #tpu.memory_space<hbm>>) target(%arg9 : memref<32x1024xf32, #tpu.memory_space<vmem>>) target_semaphore(%run_scoped3A : memref<!tpu.dma_semaphore, #tpu.memory_space<semaphore_mem>>)
      %dma_wait3A_482 = arith.constant 0 : i32
      %dma_wait3A_483 = tpu.memref_slice %arg3[%add3A_241, %dma_wait3A_482] : memref<2048x1024xf32, #tpu.memory_space<hbm>> -> memref<32x1024xf32, #tpu.memory_space<hbm>>
      %dma_wait3A_484 = arith.constant 0 : i32
      %dma_wait3A_485 = tpu.memref_slice %arg3[%add3A_241, %dma_wait3A_484] : memref<2048x1024xf32, #tpu.memory_space<hbm>> -> memref<32x1024xf32, #tpu.memory_space<hbm>>
      tpu.wait_dma2 semaphore(%run_scoped3A : memref<!tpu.dma_semaphore, #tpu.memory_space<semaphore_mem>>) src(%dma_wait3A_485 : memref<32x1024xf32, #tpu.memory_space<hbm>>) dst(%arg9 : memref<32x1024xf32, #tpu.memory_space<vmem>>)
      tpu.yield
    }) : () -> ()
    "tpu.region"() ({
      %run_scoped3A = tpu.sem_alloc : memref<!tpu.dma_semaphore, #tpu.memory_space<semaphore_mem>>
      %dma_start3A_478 = tpu.memref_slice %arg4[%add3A_241] : memref<2048xi32, #tpu.memory_space<hbm>> -> memref<32xi32, #tpu.memory_space<hbm>>
      %dma_start3A_479 = tpu.memref_slice %arg4[%add3A_241] : memref<2048xi32, #tpu.memory_space<hbm>> -> memref<32xi32, #tpu.memory_space<hbm>>
      tpu.enqueue_dma source(%dma_start3A_479 : memref<32xi32, #tpu.memory_space<hbm>>) target(%arg7 : memref<32xi32, #tpu.memory_space<vmem>>) target_semaphore(%run_scoped3A : memref<!tpu.dma_semaphore, #tpu.memory_space<semaphore_mem>>)
      %dma_wait3A_480 = tpu.memref_slice %arg4[%add3A_241] : memref<2048xi32, #tpu.memory_space<hbm>> -> memref<32xi32, #tpu.memory_space<hbm>>
      %dma_wait3A_481 = tpu.memref_slice %arg4[%add3A_241] : memref<2048xi32, #tpu.memory_space<hbm>> -> memref<32xi32, #tpu.memory_space<hbm>>
      tpu.wait_dma2 semaphore(%run_scoped3A : memref<!tpu.dma_semaphore, #tpu.memory_space<semaphore_mem>>) src(%dma_wait3A_481 : memref<32xi32, #tpu.memory_space<hbm>>) dst(%arg7 : memref<32xi32, #tpu.memory_space<vmem>>)
      tpu.yield
    }) : () -> ()
    "tpu.region"() ({
      %run_scoped3A = tpu.sem_alloc : memref<!tpu.dma_semaphore, #tpu.memory_space<semaphore_mem>>
      %dma_start3A_478 = tpu.memref_slice %arg5[%add3A_241] : memref<2048xi32, #tpu.memory_space<hbm>> -> memref<32xi32, #tpu.memory_space<hbm>>
      %dma_start3A_479 = tpu.memref_slice %arg5[%add3A_241] : memref<2048xi32, #tpu.memory_space<hbm>> -> memref<32xi32, #tpu.memory_space<hbm>>
      tpu.enqueue_dma source(%dma_start3A_479 : memref<32xi32, #tpu.memory_space<hbm>>) target(%arg8 : memref<32xi32, #tpu.memory_space<vmem>>) target_semaphore(%run_scoped3A : memref<!tpu.dma_semaphore, #tpu.memory_space<semaphore_mem>>)
      %dma_wait3A_480 = tpu.memref_slice %arg5[%add3A_241] : memref<2048xi32, #tpu.memory_space<hbm>> -> memref<32xi32, #tpu.memory_space<hbm>>
      %dma_wait3A_481 = tpu.memref_slice %arg5[%add3A_241] : memref<2048xi32, #tpu.memory_space<hbm>> -> memref<32xi32, #tpu.memory_space<hbm>>
      tpu.wait_dma2 semaphore(%run_scoped3A : memref<!tpu.dma_semaphore, #tpu.memory_space<semaphore_mem>>) src(%dma_wait3A_481 : memref<32xi32, #tpu.memory_space<hbm>>) dst(%arg8 : memref<32xi32, #tpu.memory_space<vmem>>)
      tpu.yield
    }) : () -> ()
    %dma_start3A_242 = arith.constant 0 : i32
    %dma_start3A_243 = arith.constant 0 : i32
    %dma_start3A_244 = tpu.memref_slice %arg2[%dma_start3A_242, %dma_start3A_243] : memref<5120x1024xf32, #tpu.memory_space<hbm>> -> memref<5120x1024xf32, #tpu.memory_space<hbm>>
    tpu.enqueue_indirect_dma source(%dma_start3A_244 : memref<5120x1024xf32, #tpu.memory_space<hbm>>) target(%arg10 : memref<32x1024xf32, #tpu.memory_space<vmem>>) offsets(%arg7 : memref<32xi32, #tpu.memory_space<vmem>>) semaphore(%arg12 : memref<!tpu.dma_semaphore, #tpu.memory_space<semaphore_mem>>)
    %dma_start3A_245 = arith.constant 0 : i32
    %dma_start3A_246 = arith.constant 0 : i32
    %dma_start3A_247 = tpu.memref_slice %arg2[%dma_start3A_245, %dma_start3A_246] : memref<5120x1024xf32, #tpu.memory_space<hbm>> -> memref<5120x1024xf32, #tpu.memory_space<hbm>>
    tpu.enqueue_indirect_dma source(%dma_start3A_247 : memref<5120x1024xf32, #tpu.memory_space<hbm>>) target(%arg11 : memref<32x1024xf32, #tpu.memory_space<vmem>>) offsets(%arg8 : memref<32xi32, #tpu.memory_space<vmem>>) semaphore(%arg12 : memref<!tpu.dma_semaphore, #tpu.memory_space<semaphore_mem>>)
    %dma_wait3A_248 = arith.constant 0 : i32
    %dma_wait3A_249 = arith.constant 0 : i32
    %dma_wait3A_250 = tpu.memref_slice %arg2[%dma_wait3A_248, %dma_wait3A_249] : memref<5120x1024xf32, #tpu.memory_space<hbm>> -> memref<5120x1024xf32, #tpu.memory_space<hbm>>
    tpu.wait_indirect_dma semaphore(%arg12 : memref<!tpu.dma_semaphore, #tpu.memory_space<semaphore_mem>>) src(%dma_wait3A_250 : memref<5120x1024xf32, #tpu.memory_space<hbm>>) dst(%arg10 : memref<32x1024xf32, #tpu.memory_space<vmem>>)
    %dma_wait3A_251 = arith.constant 0 : i32
    %dma_wait3A_252 = arith.constant 0 : i32
    %dma_wait3A_253 = tpu.memref_slice %arg2[%dma_wait3A_251, %dma_wait3A_252] : memref<5120x1024xf32, #tpu.memory_space<hbm>> -> memref<5120x1024xf32, #tpu.memory_space<hbm>>
    tpu.wait_indirect_dma semaphore(%arg12 : memref<!tpu.dma_semaphore, #tpu.memory_space<semaphore_mem>>) src(%dma_wait3A_253 : memref<5120x1024xf32, #tpu.memory_space<hbm>>) dst(%arg11 : memref<32x1024xf32, #tpu.memory_space<vmem>>)
    %scan3A_254 = arith.constant 0 : i32
    %scan3A_255 = arith.constant 0 : i32
    %scan3A_256 = arith.constant 64 : i32
    %scan3A_257 = arith.addi %scan3A_255, %scan3A_256 : i32
    %scan3A_258 = arith.constant 1 : i32
    %scan3A_259 = scf.for %scan3A_478 = %scan3A_255 to %scan3A_257 step %scan3A_258 iter_args(%scan3A_479 = %scan3A_254) -> (i32)  : i32 {
      %mul3A_480 = arith.constant 16 : i32
      %mul3A_481 = arith.muli %scan3A_478, %mul3A_480 : i32
      %get3A = arith.constant 0 : i32
      %get3A_482 = arith.index_cast %get3A : i32 to index
      %get3A_483 = arith.index_cast %mul3A_481 : i32 to index
      %get3A_484 = tpu.vector_load %arg9[%get3A_482, %get3A_483] {strides = array<i32>} : memref<32x1024xf32, #tpu.memory_space<vmem>>, vector<1x16xf32>,
      %get3A_485 = vector.shape_cast %get3A_484 : vector<1x16xf32> to vector<16xf32>
      %get3A_486 = arith.constant 0 : i32
      %get3A_487 = arith.index_cast %get3A_486 : i32 to index
      %get3A_488 = arith.index_cast %mul3A_481 : i32 to index
      %get3A_489 = tpu.vector_load %arg10[%get3A_487, %get3A_488] {strides = array<i32>} : memref<32x1024xf32, #tpu.memory_space<vmem>>, vector<1x16xf32>,
      %get3A_490 = vector.shape_cast %get3A_489 : vector<1x16xf32> to vector<16xf32>
      %add3A_491 = arith.addf %get3A_485, %get3A_490 : vector<16xf32>
      %get3A_492 = arith.constant 0 : i32
      %get3A_493 = arith.index_cast %get3A_492 : i32 to index
      %get3A_494 = arith.index_cast %mul3A_481 : i32 to index
      %get3A_495 = tpu.vector_load %arg11[%get3A_493, %get3A_494] {strides = array<i32>} : memref<32x1024xf32, #tpu.memory_space<vmem>>, vector<1x16xf32>,
      %get3A_496 = vector.shape_cast %get3A_495 : vector<1x16xf32> to vector<16xf32>
      %add3A_497 = arith.addf %add3A_491, %get3A_496 : vector<16xf32>
      %swap3A = arith.constant 0 : i32
      %swap3A_498 = arith.index_cast %swap3A : i32 to index
      %swap3A_499 = arith.index_cast %mul3A_481 : i32 to index
      %swap3A_500 = tpu.vector_load %arg9[%swap3A_498, %swap3A_499] {strides = array<i32>} : memref<32x1024xf32, #tpu.memory_space<vmem>>, vector<1x16xf32>,
      %swap3A_501 = vector.shape_cast %swap3A_500 : vector<1x16xf32> to vector<16xf32>
      %swap3A_502 = vector.shape_cast %add3A_497 : vector<16xf32> to vector<1x16xf32>
      tpu.vector_store %arg9[%swap3A_498, %swap3A_499], %swap3A_502 {strides = array<i32>} : memref<32x1024xf32, #tpu.memory_space<vmem>>, vector<1x16xf32>,
      %scan3A_503 = arith.constant 0 : i32
      scf.yield %scan3A_503 : i32
    }
    %scan3A_260 = arith.constant 64 : i32
    %scan3A_261 = arith.constant 0 : i32
    %scan3A_262 = arith.constant 0 : i32
    %scan3A_263 = arith.constant 64 : i32
    %scan3A_264 = arith.addi %scan3A_262, %scan3A_263 : i32
    %scan3A_265 = arith.constant 1 : i32
    %scan3A_266 = scf.for %scan3A_478 = %scan3A_262 to %scan3A_264 step %scan3A_265 iter_args(%scan3A_479 = %scan3A_261) -> (i32)  : i32 {
      %mul3A_480 = arith.constant 16 : i32
      %mul3A_481 = arith.muli %scan3A_478, %mul3A_480 : i32
      %get3A = arith.constant 1 : i32
      %get3A_482 = arith.index_cast %get3A : i32 to index
      %get3A_483 = arith.index_cast %mul3A_481 : i32 to index
      %get3A_484 = tpu.vector_load %arg9[%get3A_482, %get3A_483] {strides = array<i32>} : memref<32x1024xf32, #tpu.memory_space<vmem>>, vector<1x16xf32>,
      %get3A_485 = vector.shape_cast %get3A_484 : vector<1x16xf32> to vector<16xf32>
      %get3A_486 = arith.constant 1 : i32
      %get3A_487 = arith.index_cast %get3A_486 : i32 to index
      %get3A_488 = arith.index_cast %mul3A_481 : i32 to index
      %get3A_489 = tpu.vector_load %arg10[%get3A_487, %get3A_488] {strides = array<i32>} : memref<32x1024xf32, #tpu.memory_space<vmem>>, vector<1x16xf32>,
      %get3A_490 = vector.shape_cast %get3A_489 : vector<1x16xf32> to vector<16xf32>
      %add3A_491 = arith.addf %get3A_485, %get3A_490 : vector<16xf32>
      %get3A_492 = arith.constant 1 : i32
      %get3A_493 = arith.index_cast %get3A_492 : i32 to index
      %get3A_494 = arith.index_cast %mul3A_481 : i32 to index
      %get3A_495 = tpu.vector_load %arg11[%get3A_493, %get3A_494] {strides = array<i32>} : memref<32x1024xf32, #tpu.memory_space<vmem>>, vector<1x16xf32>,
      %get3A_496 = vector.shape_cast %get3A_495 : vector<1x16xf32> to vector<16xf32>
      %add3A_497 = arith.addf %add3A_491, %get3A_496 : vector<16xf32>
      %swap3A = arith.constant 1 : i32
      %swap3A_498 = arith.index_cast %swap3A : i32 to index
      %swap3A_499 = arith.index_cast %mul3A_481 : i32 to index
      %swap3A_500 = tpu.vector_load %arg9[%swap3A_498, %swap3A_499] {strides = array<i32>} : memref<32x1024xf32, #tpu.memory_space<vmem>>, vector<1x16xf32>,
      %swap3A_501 = vector.shape_cast %swap3A_500 : vector<1x16xf32> to vector<16xf32>
      %swap3A_502 = vector.shape_cast %add3A_497 : vector<16xf32> to vector<1x16xf32>
      tpu.vector_store %arg9[%swap3A_498, %swap3A_499], %swap3A_502 {strides = array<i32>} : memref<32x1024xf32, #tpu.memory_space<vmem>>, vector<1x16xf32>,
      %scan3A_503 = arith.constant 0 : i32
      scf.yield %scan3A_503 : i32
    }
    %scan3A_267 = arith.constant 64 : i32
    %scan3A_268 = arith.constant 0 : i32
    %scan3A_269 = arith.constant 0 : i32
    %scan3A_270 = arith.constant 64 : i32
    %scan3A_271 = arith.addi %scan3A_269, %scan3A_270 : i32
    %scan3A_272 = arith.constant 1 : i32
    %scan3A_273 = scf.for %scan3A_478 = %scan3A_269 to %scan3A_271 step %scan3A_272 iter_args(%scan3A_479 = %scan3A_268) -> (i32)  : i32 {
      %mul3A_480 = arith.constant 16 : i32
      %mul3A_481 = arith.muli %scan3A_478, %mul3A_480 : i32
      %get3A = arith.constant 2 : i32
      %get3A_482 = arith.index_cast %get3A : i32 to index
      %get3A_483 = arith.index_cast %mul3A_481 : i32 to index
      %get3A_484 = tpu.vector_load %arg9[%get3A_482, %get3A_483] {strides = array<i32>} : memref<32x1024xf32, #tpu.memory_space<vmem>>, vector<1x16xf32>,
      %get3A_485 = vector.shape_cast %get3A_484 : vector<1x16xf32> to vector<16xf32>
      %get3A_486 = arith.constant 2 : i32
      %get3A_487 = arith.index_cast %get3A_486 : i32 to index
      %get3A_488 = arith.index_cast %mul3A_481 : i32 to index
      %get3A_489 = tpu.vector_load %arg10[%get3A_487, %get3A_488] {strides = array<i32>} : memref<32x1024xf32, #tpu.memory_space<vmem>>, vector<1x16xf32>,
      %get3A_490 = vector.shape_cast %get3A_489 : vector<1x16xf32> to vector<16xf32>
      %add3A_491 = arith.addf %get3A_485, %get3A_490 : vector<16xf32>
      %get3A_492 = arith.constant 2 : i32
      %get3A_493 = arith.index_cast %get3A_492 : i32 to index
      %get3A_494 = arith.index_cast %mul3A_481 : i32 to index
      %get3A_495 = tpu.vector_load %arg11[%get3A_493, %get3A_494] {strides = array<i32>} : memref<32x1024xf32, #tpu.memory_space<vmem>>, vector<1x16xf32>,
      %get3A_496 = vector.shape_cast %get3A_495 : vector<1x16xf32> to vector<16xf32>
      %add3A_497 = arith.addf %add3A_491, %get3A_496 : vector<16xf32>
      %swap3A = arith.constant 2 : i32
      %swap3A_498 = arith.index_cast %swap3A : i32 to index
      %swap3A_499 = arith.index_cast %mul3A_481 : i32 to index
      %swap3A_500 = tpu.vector_load %arg9[%swap3A_498, %swap3A_499] {strides = array<i32>} : memref<32x1024xf32, #tpu.memory_space<vmem>>, vector<1x16xf32>,
      %swap3A_501 = vector.shape_cast %swap3A_500 : vector<1x16xf32> to vector<16xf32>
      %swap3A_502 = vector.shape_cast %add3A_497 : vector<16xf32> to vector<1x16xf32>
      tpu.vector_store %arg9[%swap3A_498, %swap3A_499], %swap3A_502 {strides = array<i32>} : memref<32x1024xf32, #tpu.memory_space<vmem>>, vector<1x16xf32>,
      %scan3A_503 = arith.constant 0 : i32
      scf.yield %scan3A_503 : i32
    }
    %scan3A_274 = arith.constant 64 : i32
    %scan3A_275 = arith.constant 0 : i32
    %scan3A_276 = arith.constant 0 : i32
    %scan3A_277 = arith.constant 64 : i32
    %scan3A_278 = arith.addi %scan3A_276, %scan3A_277 : i32
    %scan3A_279 = arith.constant 1 : i32
    %scan3A_280 = scf.for %scan3A_478 = %scan3A_276 to %scan3A_278 step %scan3A_279 iter_args(%scan3A_479 = %scan3A_275) -> (i32)  : i32 {
      %mul3A_480 = arith.constant 16 : i32
      %mul3A_481 = arith.muli %scan3A_478, %mul3A_480 : i32
      %get3A = arith.constant 3 : i32
      %get3A_482 = arith.index_cast %get3A : i32 to index
      %get3A_483 = arith.index_cast %mul3A_481 : i32 to index
      %get3A_484 = tpu.vector_load %arg9[%get3A_482, %get3A_483] {strides = array<i32>} : memref<32x1024xf32, #tpu.memory_space<vmem>>, vector<1x16xf32>,
      %get3A_485 = vector.shape_cast %get3A_484 : vector<1x16xf32> to vector<16xf32>
      %get3A_486 = arith.constant 3 : i32
      %get3A_487 = arith.index_cast %get3A_486 : i32 to index
      %get3A_488 = arith.index_cast %mul3A_481 : i32 to index
      %get3A_489 = tpu.vector_load %arg10[%get3A_487, %get3A_488] {strides = array<i32>} : memref<32x1024xf32, #tpu.memory_space<vmem>>, vector<1x16xf32>,
      %get3A_490 = vector.shape_cast %get3A_489 : vector<1x16xf32> to vector<16xf32>
      %add3A_491 = arith.addf %get3A_485, %get3A_490 : vector<16xf32>
      %get3A_492 = arith.constant 3 : i32
      %get3A_493 = arith.index_cast %get3A_492 : i32 to index
      %get3A_494 = arith.index_cast %mul3A_481 : i32 to index
      %get3A_495 = tpu.vector_load %arg11[%get3A_493, %get3A_494] {strides = array<i32>} : memref<32x1024xf32, #tpu.memory_space<vmem>>, vector<1x16xf32>,
      %get3A_496 = vector.shape_cast %get3A_495 : vector<1x16xf32> to vector<16xf32>
      %add3A_497 = arith.addf %add3A_491, %get3A_496 : vector<16xf32>
      %swap3A = arith.constant 3 : i32
      %swap3A_498 = arith.index_cast %swap3A : i32 to index
      %swap3A_499 = arith.index_cast %mul3A_481 : i32 to index
      %swap3A_500 = tpu.vector_load %arg9[%swap3A_498, %swap3A_499] {strides = array<i32>} : memref<32x1024xf32, #tpu.memory_space<vmem>>, vector<1x16xf32>,
      %swap3A_501 = vector.shape_cast %swap3A_500 : vector<1x16xf32> to vector<16xf32>
      %swap3A_502 = vector.shape_cast %add3A_497 : vector<16xf32> to vector<1x16xf32>
      tpu.vector_store %arg9[%swap3A_498, %swap3A_499], %swap3A_502 {strides = array<i32>} : memref<32x1024xf32, #tpu.memory_space<vmem>>, vector<1x16xf32>,
      %scan3A_503 = arith.constant 0 : i32
      scf.yield %scan3A_503 : i32
    }
    %scan3A_281 = arith.constant 64 : i32
    %scan3A_282 = arith.constant 0 : i32
    %scan3A_283 = arith.constant 0 : i32
    %scan3A_284 = arith.constant 64 : i32
    %scan3A_285 = arith.addi %scan3A_283, %scan3A_284 : i32
    %scan3A_286 = arith.constant 1 : i32
    %scan3A_287 = scf.for %scan3A_478 = %scan3A_283 to %scan3A_285 step %scan3A_286 iter_args(%scan3A_479 = %scan3A_282) -> (i32)  : i32 {
      %mul3A_480 = arith.constant 16 : i32
      %mul3A_481 = arith.muli %scan3A_478, %mul3A_480 : i32
      %get3A = arith.constant 4 : i32
      %get3A_482 = arith.index_cast %get3A : i32 to index
      %get3A_483 = arith.index_cast %mul3A_481 : i32 to index
      %get3A_484 = tpu.vector_load %arg9[%get3A_482, %get3A_483] {strides = array<i32>} : memref<32x1024xf32, #tpu.memory_space<vmem>>, vector<1x16xf32>,
      %get3A_485 = vector.shape_cast %get3A_484 : vector<1x16xf32> to vector<16xf32>
      %get3A_486 = arith.constant 4 : i32
      %get3A_487 = arith.index_cast %get3A_486 : i32 to index
      %get3A_488 = arith.index_cast %mul3A_481 : i32 to index
      %get3A_489 = tpu.vector_load %arg10[%get3A_487, %get3A_488] {strides = array<i32>} : memref<32x1024xf32, #tpu.memory_space<vmem>>, vector<1x16xf32>,
      %get3A_490 = vector.shape_cast %get3A_489 : vector<1x16xf32> to vector<16xf32>
      %add3A_491 = arith.addf %get3A_485, %get3A_490 : vector<16xf32>
      %get3A_492 = arith.constant 4 : i32
      %get3A_493 = arith.index_cast %get3A_492 : i32 to index
      %get3A_494 = arith.index_cast %mul3A_481 : i32 to index
      %get3A_495 = tpu.vector_load %arg11[%get3A_493, %get3A_494] {strides = array<i32>} : memref<32x1024xf32, #tpu.memory_space<vmem>>, vector<1x16xf32>,
      %get3A_496 = vector.shape_cast %get3A_495 : vector<1x16xf32> to vector<16xf32>
      %add3A_497 = arith.addf %add3A_491, %get3A_496 : vector<16xf32>
      %swap3A = arith.constant 4 : i32
      %swap3A_498 = arith.index_cast %swap3A : i32 to index
      %swap3A_499 = arith.index_cast %mul3A_481 : i32 to index
      %swap3A_500 = tpu.vector_load %arg9[%swap3A_498, %swap3A_499] {strides = array<i32>} : memref<32x1024xf32, #tpu.memory_space<vmem>>, vector<1x16xf32>,
      %swap3A_501 = vector.shape_cast %swap3A_500 : vector<1x16xf32> to vector<16xf32>
      %swap3A_502 = vector.shape_cast %add3A_497 : vector<16xf32> to vector<1x16xf32>
      tpu.vector_store %arg9[%swap3A_498, %swap3A_499], %swap3A_502 {strides = array<i32>} : memref<32x1024xf32, #tpu.memory_space<vmem>>, vector<1x16xf32>,
      %scan3A_503 = arith.constant 0 : i32
      scf.yield %scan3A_503 : i32
    }
    %scan3A_288 = arith.constant 64 : i32
    %scan3A_289 = arith.constant 0 : i32
    %scan3A_290 = arith.constant 0 : i32
    %scan3A_291 = arith.constant 64 : i32
    %scan3A_292 = arith.addi %scan3A_290, %scan3A_291 : i32
    %scan3A_293 = arith.constant 1 : i32
    %scan3A_294 = scf.for %scan3A_478 = %scan3A_290 to %scan3A_292 step %scan3A_293 iter_args(%scan3A_479 = %scan3A_289) -> (i32)  : i32 {
      %mul3A_480 = arith.constant 16 : i32
      %mul3A_481 = arith.muli %scan3A_478, %mul3A_480 : i32
      %get3A = arith.constant 5 : i32
      %get3A_482 = arith.index_cast %get3A : i32 to index
      %get3A_483 = arith.index_cast %mul3A_481 : i32 to index
      %get3A_484 = tpu.vector_load %arg9[%get3A_482, %get3A_483] {strides = array<i32>} : memref<32x1024xf32, #tpu.memory_space<vmem>>, vector<1x16xf32>,
      %get3A_485 = vector.shape_cast %get3A_484 : vector<1x16xf32> to vector<16xf32>
      %get3A_486 = arith.constant 5 : i32
      %get3A_487 = arith.index_cast %get3A_486 : i32 to index
      %get3A_488 = arith.index_cast %mul3A_481 : i32 to index
      %get3A_489 = tpu.vector_load %arg10[%get3A_487, %get3A_488] {strides = array<i32>} : memref<32x1024xf32, #tpu.memory_space<vmem>>, vector<1x16xf32>,
      %get3A_490 = vector.shape_cast %get3A_489 : vector<1x16xf32> to vector<16xf32>
      %add3A_491 = arith.addf %get3A_485, %get3A_490 : vector<16xf32>
      %get3A_492 = arith.constant 5 : i32
      %get3A_493 = arith.index_cast %get3A_492 : i32 to index
      %get3A_494 = arith.index_cast %mul3A_481 : i32 to index
      %get3A_495 = tpu.vector_load %arg11[%get3A_493, %get3A_494] {strides = array<i32>} : memref<32x1024xf32, #tpu.memory_space<vmem>>, vector<1x16xf32>,
      %get3A_496 = vector.shape_cast %get3A_495 : vector<1x16xf32> to vector<16xf32>
      %add3A_497 = arith.addf %add3A_491, %get3A_496 : vector<16xf32>
      %swap3A = arith.constant 5 : i32
      %swap3A_498 = arith.index_cast %swap3A : i32 to index
      %swap3A_499 = arith.index_cast %mul3A_481 : i32 to index
      %swap3A_500 = tpu.vector_load %arg9[%swap3A_498, %swap3A_499] {strides = array<i32>} : memref<32x1024xf32, #tpu.memory_space<vmem>>, vector<1x16xf32>,
      %swap3A_501 = vector.shape_cast %swap3A_500 : vector<1x16xf32> to vector<16xf32>
      %swap3A_502 = vector.shape_cast %add3A_497 : vector<16xf32> to vector<1x16xf32>
      tpu.vector_store %arg9[%swap3A_498, %swap3A_499], %swap3A_502 {strides = array<i32>} : memref<32x1024xf32, #tpu.memory_space<vmem>>, vector<1x16xf32>,
      %scan3A_503 = arith.constant 0 : i32
      scf.yield %scan3A_503 : i32
    }
    %scan3A_295 = arith.constant 64 : i32
    %scan3A_296 = arith.constant 0 : i32
    %scan3A_297 = arith.constant 0 : i32
    %scan3A_298 = arith.constant 64 : i32
    %scan3A_299 = arith.addi %scan3A_297, %scan3A_298 : i32
    %scan3A_300 = arith.constant 1 : i32
    %scan3A_301 = scf.for %scan3A_478 = %scan3A_297 to %scan3A_299 step %scan3A_300 iter_args(%scan3A_479 = %scan3A_296) -> (i32)  : i32 {
      %mul3A_480 = arith.constant 16 : i32
      %mul3A_481 = arith.muli %scan3A_478, %mul3A_480 : i32
      %get3A = arith.constant 6 : i32
      %get3A_482 = arith.index_cast %get3A : i32 to index
      %get3A_483 = arith.index_cast %mul3A_481 : i32 to index
      %get3A_484 = tpu.vector_load %arg9[%get3A_482, %get3A_483] {strides = array<i32>} : memref<32x1024xf32, #tpu.memory_space<vmem>>, vector<1x16xf32>,
      %get3A_485 = vector.shape_cast %get3A_484 : vector<1x16xf32> to vector<16xf32>
      %get3A_486 = arith.constant 6 : i32
      %get3A_487 = arith.index_cast %get3A_486 : i32 to index
      %get3A_488 = arith.index_cast %mul3A_481 : i32 to index
      %get3A_489 = tpu.vector_load %arg10[%get3A_487, %get3A_488] {strides = array<i32>} : memref<32x1024xf32, #tpu.memory_space<vmem>>, vector<1x16xf32>,
      %get3A_490 = vector.shape_cast %get3A_489 : vector<1x16xf32> to vector<16xf32>
      %add3A_491 = arith.addf %get3A_485, %get3A_490 : vector<16xf32>
      %get3A_492 = arith.constant 6 : i32
      %get3A_493 = arith.index_cast %get3A_492 : i32 to index
      %get3A_494 = arith.index_cast %mul3A_481 : i32 to index
      %get3A_495 = tpu.vector_load %arg11[%get3A_493, %get3A_494] {strides = array<i32>} : memref<32x1024xf32, #tpu.memory_space<vmem>>, vector<1x16xf32>,
      %get3A_496 = vector.shape_cast %get3A_495 : vector<1x16xf32> to vector<16xf32>
      %add3A_497 = arith.addf %add3A_491, %get3A_496 : vector<16xf32>
      %swap3A = arith.constant 6 : i32
      %swap3A_498 = arith.index_cast %swap3A : i32 to index
      %swap3A_499 = arith.index_cast %mul3A_481 : i32 to index
      %swap3A_500 = tpu.vector_load %arg9[%swap3A_498, %swap3A_499] {strides = array<i32>} : memref<32x1024xf32, #tpu.memory_space<vmem>>, vector<1x16xf32>,
      %swap3A_501 = vector.shape_cast %swap3A_500 : vector<1x16xf32> to vector<16xf32>
      %swap3A_502 = vector.shape_cast %add3A_497 : vector<16xf32> to vector<1x16xf32>
      tpu.vector_store %arg9[%swap3A_498, %swap3A_499], %swap3A_502 {strides = array<i32>} : memref<32x1024xf32, #tpu.memory_space<vmem>>, vector<1x16xf32>,
      %scan3A_503 = arith.constant 0 : i32
      scf.yield %scan3A_503 : i32
    }
    %scan3A_302 = arith.constant 64 : i32
    %scan3A_303 = arith.constant 0 : i32
    %scan3A_304 = arith.constant 0 : i32
    %scan3A_305 = arith.constant 64 : i32
    %scan3A_306 = arith.addi %scan3A_304, %scan3A_305 : i32
    %scan3A_307 = arith.constant 1 : i32
    %scan3A_308 = scf.for %scan3A_478 = %scan3A_304 to %scan3A_306 step %scan3A_307 iter_args(%scan3A_479 = %scan3A_303) -> (i32)  : i32 {
      %mul3A_480 = arith.constant 16 : i32
      %mul3A_481 = arith.muli %scan3A_478, %mul3A_480 : i32
      %get3A = arith.constant 7 : i32
      %get3A_482 = arith.index_cast %get3A : i32 to index
      %get3A_483 = arith.index_cast %mul3A_481 : i32 to index
      %get3A_484 = tpu.vector_load %arg9[%get3A_482, %get3A_483] {strides = array<i32>} : memref<32x1024xf32, #tpu.memory_space<vmem>>, vector<1x16xf32>,
      %get3A_485 = vector.shape_cast %get3A_484 : vector<1x16xf32> to vector<16xf32>
      %get3A_486 = arith.constant 7 : i32
      %get3A_487 = arith.index_cast %get3A_486 : i32 to index
      %get3A_488 = arith.index_cast %mul3A_481 : i32 to index
      %get3A_489 = tpu.vector_load %arg10[%get3A_487, %get3A_488] {strides = array<i32>} : memref<32x1024xf32, #tpu.memory_space<vmem>>, vector<1x16xf32>,
      %get3A_490 = vector.shape_cast %get3A_489 : vector<1x16xf32> to vector<16xf32>
      %add3A_491 = arith.addf %get3A_485, %get3A_490 : vector<16xf32>
      %get3A_492 = arith.constant 7 : i32
      %get3A_493 = arith.index_cast %get3A_492 : i32 to index
      %get3A_494 = arith.index_cast %mul3A_481 : i32 to index
      %get3A_495 = tpu.vector_load %arg11[%get3A_493, %get3A_494] {strides = array<i32>} : memref<32x1024xf32, #tpu.memory_space<vmem>>, vector<1x16xf32>,
      %get3A_496 = vector.shape_cast %get3A_495 : vector<1x16xf32> to vector<16xf32>
      %add3A_497 = arith.addf %add3A_491, %get3A_496 : vector<16xf32>
      %swap3A = arith.constant 7 : i32
      %swap3A_498 = arith.index_cast %swap3A : i32 to index
      %swap3A_499 = arith.index_cast %mul3A_481 : i32 to index
      %swap3A_500 = tpu.vector_load %arg9[%swap3A_498, %swap3A_499] {strides = array<i32>} : memref<32x1024xf32, #tpu.memory_space<vmem>>, vector<1x16xf32>,
      %swap3A_501 = vector.shape_cast %swap3A_500 : vector<1x16xf32> to vector<16xf32>
      %swap3A_502 = vector.shape_cast %add3A_497 : vector<16xf32> to vector<1x16xf32>
      tpu.vector_store %arg9[%swap3A_498, %swap3A_499], %swap3A_502 {strides = array<i32>} : memref<32x1024xf32, #tpu.memory_space<vmem>>, vector<1x16xf32>,
      %scan3A_503 = arith.constant 0 : i32
      scf.yield %scan3A_503 : i32
    }
    %scan3A_309 = arith.constant 64 : i32
    %scan3A_310 = arith.constant 0 : i32
    %scan3A_311 = arith.constant 0 : i32
    %scan3A_312 = arith.constant 64 : i32
    %scan3A_313 = arith.addi %scan3A_311, %scan3A_312 : i32
    %scan3A_314 = arith.constant 1 : i32
    %scan3A_315 = scf.for %scan3A_478 = %scan3A_311 to %scan3A_313 step %scan3A_314 iter_args(%scan3A_479 = %scan3A_310) -> (i32)  : i32 {
      %mul3A_480 = arith.constant 16 : i32
      %mul3A_481 = arith.muli %scan3A_478, %mul3A_480 : i32
      %get3A = arith.constant 8 : i32
      %get3A_482 = arith.index_cast %get3A : i32 to index
      %get3A_483 = arith.index_cast %mul3A_481 : i32 to index
      %get3A_484 = tpu.vector_load %arg9[%get3A_482, %get3A_483] {strides = array<i32>} : memref<32x1024xf32, #tpu.memory_space<vmem>>, vector<1x16xf32>,
      %get3A_485 = vector.shape_cast %get3A_484 : vector<1x16xf32> to vector<16xf32>
      %get3A_486 = arith.constant 8 : i32
      %get3A_487 = arith.index_cast %get3A_486 : i32 to index
      %get3A_488 = arith.index_cast %mul3A_481 : i32 to index
      %get3A_489 = tpu.vector_load %arg10[%get3A_487, %get3A_488] {strides = array<i32>} : memref<32x1024xf32, #tpu.memory_space<vmem>>, vector<1x16xf32>,
      %get3A_490 = vector.shape_cast %get3A_489 : vector<1x16xf32> to vector<16xf32>
      %add3A_491 = arith.addf %get3A_485, %get3A_490 : vector<16xf32>
      %get3A_492 = arith.constant 8 : i32
      %get3A_493 = arith.index_cast %get3A_492 : i32 to index
      %get3A_494 = arith.index_cast %mul3A_481 : i32 to index
      %get3A_495 = tpu.vector_load %arg11[%get3A_493, %get3A_494] {strides = array<i32>} : memref<32x1024xf32, #tpu.memory_space<vmem>>, vector<1x16xf32>,
      %get3A_496 = vector.shape_cast %get3A_495 : vector<1x16xf32> to vector<16xf32>
      %add3A_497 = arith.addf %add3A_491, %get3A_496 : vector<16xf32>
      %swap3A = arith.constant 8 : i32
      %swap3A_498 = arith.index_cast %swap3A : i32 to index
      %swap3A_499 = arith.index_cast %mul3A_481 : i32 to index
      %swap3A_500 = tpu.vector_load %arg9[%swap3A_498, %swap3A_499] {strides = array<i32>} : memref<32x1024xf32, #tpu.memory_space<vmem>>, vector<1x16xf32>,
      %swap3A_501 = vector.shape_cast %swap3A_500 : vector<1x16xf32> to vector<16xf32>
      %swap3A_502 = vector.shape_cast %add3A_497 : vector<16xf32> to vector<1x16xf32>
      tpu.vector_store %arg9[%swap3A_498, %swap3A_499], %swap3A_502 {strides = array<i32>} : memref<32x1024xf32, #tpu.memory_space<vmem>>, vector<1x16xf32>,
      %scan3A_503 = arith.constant 0 : i32
      scf.yield %scan3A_503 : i32
    }
    %scan3A_316 = arith.constant 64 : i32
    %scan3A_317 = arith.constant 0 : i32
    %scan3A_318 = arith.constant 0 : i32
    %scan3A_319 = arith.constant 64 : i32
    %scan3A_320 = arith.addi %scan3A_318, %scan3A_319 : i32
    %scan3A_321 = arith.constant 1 : i32
    %scan3A_322 = scf.for %scan3A_478 = %scan3A_318 to %scan3A_320 step %scan3A_321 iter_args(%scan3A_479 = %scan3A_317) -> (i32)  : i32 {
      %mul3A_480 = arith.constant 16 : i32
      %mul3A_481 = arith.muli %scan3A_478, %mul3A_480 : i32
      %get3A = arith.constant 9 : i32
      %get3A_482 = arith.index_cast %get3A : i32 to index
      %get3A_483 = arith.index_cast %mul3A_481 : i32 to index
      %get3A_484 = tpu.vector_load %arg9[%get3A_482, %get3A_483] {strides = array<i32>} : memref<32x1024xf32, #tpu.memory_space<vmem>>, vector<1x16xf32>,
      %get3A_485 = vector.shape_cast %get3A_484 : vector<1x16xf32> to vector<16xf32>
      %get3A_486 = arith.constant 9 : i32
      %get3A_487 = arith.index_cast %get3A_486 : i32 to index
      %get3A_488 = arith.index_cast %mul3A_481 : i32 to index
      %get3A_489 = tpu.vector_load %arg10[%get3A_487, %get3A_488] {strides = array<i32>} : memref<32x1024xf32, #tpu.memory_space<vmem>>, vector<1x16xf32>,
      %get3A_490 = vector.shape_cast %get3A_489 : vector<1x16xf32> to vector<16xf32>
      %add3A_491 = arith.addf %get3A_485, %get3A_490 : vector<16xf32>
      %get3A_492 = arith.constant 9 : i32
      %get3A_493 = arith.index_cast %get3A_492 : i32 to index
      %get3A_494 = arith.index_cast %mul3A_481 : i32 to index
      %get3A_495 = tpu.vector_load %arg11[%get3A_493, %get3A_494] {strides = array<i32>} : memref<32x1024xf32, #tpu.memory_space<vmem>>, vector<1x16xf32>,
      %get3A_496 = vector.shape_cast %get3A_495 : vector<1x16xf32> to vector<16xf32>
      %add3A_497 = arith.addf %add3A_491, %get3A_496 : vector<16xf32>
      %swap3A = arith.constant 9 : i32
      %swap3A_498 = arith.index_cast %swap3A : i32 to index
      %swap3A_499 = arith.index_cast %mul3A_481 : i32 to index
      %swap3A_500 = tpu.vector_load %arg9[%swap3A_498, %swap3A_499] {strides = array<i32>} : memref<32x1024xf32, #tpu.memory_space<vmem>>, vector<1x16xf32>,
      %swap3A_501 = vector.shape_cast %swap3A_500 : vector<1x16xf32> to vector<16xf32>
      %swap3A_502 = vector.shape_cast %add3A_497 : vector<16xf32> to vector<1x16xf32>
      tpu.vector_store %arg9[%swap3A_498, %swap3A_499], %swap3A_502 {strides = array<i32>} : memref<32x1024xf32, #tpu.memory_space<vmem>>, vector<1x16xf32>,
      %scan3A_503 = arith.constant 0 : i32
      scf.yield %scan3A_503 : i32
    }
    %scan3A_323 = arith.constant 64 : i32
    %scan3A_324 = arith.constant 0 : i32
    %scan3A_325 = arith.constant 0 : i32
    %scan3A_326 = arith.constant 64 : i32
    %scan3A_327 = arith.addi %scan3A_325, %scan3A_326 : i32
    %scan3A_328 = arith.constant 1 : i32
    %scan3A_329 = scf.for %scan3A_478 = %scan3A_325 to %scan3A_327 step %scan3A_328 iter_args(%scan3A_479 = %scan3A_324) -> (i32)  : i32 {
      %mul3A_480 = arith.constant 16 : i32
      %mul3A_481 = arith.muli %scan3A_478, %mul3A_480 : i32
      %get3A = arith.constant 10 : i32
      %get3A_482 = arith.index_cast %get3A : i32 to index
      %get3A_483 = arith.index_cast %mul3A_481 : i32 to index
      %get3A_484 = tpu.vector_load %arg9[%get3A_482, %get3A_483] {strides = array<i32>} : memref<32x1024xf32, #tpu.memory_space<vmem>>, vector<1x16xf32>,
      %get3A_485 = vector.shape_cast %get3A_484 : vector<1x16xf32> to vector<16xf32>
      %get3A_486 = arith.constant 10 : i32
      %get3A_487 = arith.index_cast %get3A_486 : i32 to index
      %get3A_488 = arith.index_cast %mul3A_481 : i32 to index
      %get3A_489 = tpu.vector_load %arg10[%get3A_487, %get3A_488] {strides = array<i32>} : memref<32x1024xf32, #tpu.memory_space<vmem>>, vector<1x16xf32>,
      %get3A_490 = vector.shape_cast %get3A_489 : vector<1x16xf32> to vector<16xf32>
      %add3A_491 = arith.addf %get3A_485, %get3A_490 : vector<16xf32>
      %get3A_492 = arith.constant 10 : i32
      %get3A_493 = arith.index_cast %get3A_492 : i32 to index
      %get3A_494 = arith.index_cast %mul3A_481 : i32 to index
      %get3A_495 = tpu.vector_load %arg11[%get3A_493, %get3A_494] {strides = array<i32>} : memref<32x1024xf32, #tpu.memory_space<vmem>>, vector<1x16xf32>,
      %get3A_496 = vector.shape_cast %get3A_495 : vector<1x16xf32> to vector<16xf32>
      %add3A_497 = arith.addf %add3A_491, %get3A_496 : vector<16xf32>
      %swap3A = arith.constant 10 : i32
      %swap3A_498 = arith.index_cast %swap3A : i32 to index
      %swap3A_499 = arith.index_cast %mul3A_481 : i32 to index
      %swap3A_500 = tpu.vector_load %arg9[%swap3A_498, %swap3A_499] {strides = array<i32>} : memref<32x1024xf32, #tpu.memory_space<vmem>>, vector<1x16xf32>,
      %swap3A_501 = vector.shape_cast %swap3A_500 : vector<1x16xf32> to vector<16xf32>
      %swap3A_502 = vector.shape_cast %add3A_497 : vector<16xf32> to vector<1x16xf32>
      tpu.vector_store %arg9[%swap3A_498, %swap3A_499], %swap3A_502 {strides = array<i32>} : memref<32x1024xf32, #tpu.memory_space<vmem>>, vector<1x16xf32>,
      %scan3A_503 = arith.constant 0 : i32
      scf.yield %scan3A_503 : i32
    }
    %scan3A_330 = arith.constant 64 : i32
    %scan3A_331 = arith.constant 0 : i32
    %scan3A_332 = arith.constant 0 : i32
    %scan3A_333 = arith.constant 64 : i32
    %scan3A_334 = arith.addi %scan3A_332, %scan3A_333 : i32
    %scan3A_335 = arith.constant 1 : i32
    %scan3A_336 = scf.for %scan3A_478 = %scan3A_332 to %scan3A_334 step %scan3A_335 iter_args(%scan3A_479 = %scan3A_331) -> (i32)  : i32 {
      %mul3A_480 = arith.constant 16 : i32
      %mul3A_481 = arith.muli %scan3A_478, %mul3A_480 : i32
      %get3A = arith.constant 11 : i32
      %get3A_482 = arith.index_cast %get3A : i32 to index
      %get3A_483 = arith.index_cast %mul3A_481 : i32 to index
      %get3A_484 = tpu.vector_load %arg9[%get3A_482, %get3A_483] {strides = array<i32>} : memref<32x1024xf32, #tpu.memory_space<vmem>>, vector<1x16xf32>,
      %get3A_485 = vector.shape_cast %get3A_484 : vector<1x16xf32> to vector<16xf32>
      %get3A_486 = arith.constant 11 : i32
      %get3A_487 = arith.index_cast %get3A_486 : i32 to index
      %get3A_488 = arith.index_cast %mul3A_481 : i32 to index
      %get3A_489 = tpu.vector_load %arg10[%get3A_487, %get3A_488] {strides = array<i32>} : memref<32x1024xf32, #tpu.memory_space<vmem>>, vector<1x16xf32>,
      %get3A_490 = vector.shape_cast %get3A_489 : vector<1x16xf32> to vector<16xf32>
      %add3A_491 = arith.addf %get3A_485, %get3A_490 : vector<16xf32>
      %get3A_492 = arith.constant 11 : i32
      %get3A_493 = arith.index_cast %get3A_492 : i32 to index
      %get3A_494 = arith.index_cast %mul3A_481 : i32 to index
      %get3A_495 = tpu.vector_load %arg11[%get3A_493, %get3A_494] {strides = array<i32>} : memref<32x1024xf32, #tpu.memory_space<vmem>>, vector<1x16xf32>,
      %get3A_496 = vector.shape_cast %get3A_495 : vector<1x16xf32> to vector<16xf32>
      %add3A_497 = arith.addf %add3A_491, %get3A_496 : vector<16xf32>
      %swap3A = arith.constant 11 : i32
      %swap3A_498 = arith.index_cast %swap3A : i32 to index
      %swap3A_499 = arith.index_cast %mul3A_481 : i32 to index
      %swap3A_500 = tpu.vector_load %arg9[%swap3A_498, %swap3A_499] {strides = array<i32>} : memref<32x1024xf32, #tpu.memory_space<vmem>>, vector<1x16xf32>,
      %swap3A_501 = vector.shape_cast %swap3A_500 : vector<1x16xf32> to vector<16xf32>
      %swap3A_502 = vector.shape_cast %add3A_497 : vector<16xf32> to vector<1x16xf32>
      tpu.vector_store %arg9[%swap3A_498, %swap3A_499], %swap3A_502 {strides = array<i32>} : memref<32x1024xf32, #tpu.memory_space<vmem>>, vector<1x16xf32>,
      %scan3A_503 = arith.constant 0 : i32
      scf.yield %scan3A_503 : i32
    }
    %scan3A_337 = arith.constant 64 : i32
    %scan3A_338 = arith.constant 0 : i32
    %scan3A_339 = arith.constant 0 : i32
    %scan3A_340 = arith.constant 64 : i32
    %scan3A_341 = arith.addi %scan3A_339, %scan3A_340 : i32
    %scan3A_342 = arith.constant 1 : i32
    %scan3A_343 = scf.for %scan3A_478 = %scan3A_339 to %scan3A_341 step %scan3A_342 iter_args(%scan3A_479 = %scan3A_338) -> (i32)  : i32 {
      %mul3A_480 = arith.constant 16 : i32
      %mul3A_481 = arith.muli %scan3A_478, %mul3A_480 : i32
      %get3A = arith.constant 12 : i32
      %get3A_482 = arith.index_cast %get3A : i32 to index
      %get3A_483 = arith.index_cast %mul3A_481 : i32 to index
      %get3A_484 = tpu.vector_load %arg9[%get3A_482, %get3A_483] {strides = array<i32>} : memref<32x1024xf32, #tpu.memory_space<vmem>>, vector<1x16xf32>,
      %get3A_485 = vector.shape_cast %get3A_484 : vector<1x16xf32> to vector<16xf32>
      %get3A_486 = arith.constant 12 : i32
      %get3A_487 = arith.index_cast %get3A_486 : i32 to index
      %get3A_488 = arith.index_cast %mul3A_481 : i32 to index
      %get3A_489 = tpu.vector_load %arg10[%get3A_487, %get3A_488] {strides = array<i32>} : memref<32x1024xf32, #tpu.memory_space<vmem>>, vector<1x16xf32>,
      %get3A_490 = vector.shape_cast %get3A_489 : vector<1x16xf32> to vector<16xf32>
      %add3A_491 = arith.addf %get3A_485, %get3A_490 : vector<16xf32>
      %get3A_492 = arith.constant 12 : i32
      %get3A_493 = arith.index_cast %get3A_492 : i32 to index
      %get3A_494 = arith.index_cast %mul3A_481 : i32 to index
      %get3A_495 = tpu.vector_load %arg11[%get3A_493, %get3A_494] {strides = array<i32>} : memref<32x1024xf32, #tpu.memory_space<vmem>>, vector<1x16xf32>,
      %get3A_496 = vector.shape_cast %get3A_495 : vector<1x16xf32> to vector<16xf32>
      %add3A_497 = arith.addf %add3A_491, %get3A_496 : vector<16xf32>
      %swap3A = arith.constant 12 : i32
      %swap3A_498 = arith.index_cast %swap3A : i32 to index
      %swap3A_499 = arith.index_cast %mul3A_481 : i32 to index
      %swap3A_500 = tpu.vector_load %arg9[%swap3A_498, %swap3A_499] {strides = array<i32>} : memref<32x1024xf32, #tpu.memory_space<vmem>>, vector<1x16xf32>,
      %swap3A_501 = vector.shape_cast %swap3A_500 : vector<1x16xf32> to vector<16xf32>
      %swap3A_502 = vector.shape_cast %add3A_497 : vector<16xf32> to vector<1x16xf32>
      tpu.vector_store %arg9[%swap3A_498, %swap3A_499], %swap3A_502 {strides = array<i32>} : memref<32x1024xf32, #tpu.memory_space<vmem>>, vector<1x16xf32>,
      %scan3A_503 = arith.constant 0 : i32
      scf.yield %scan3A_503 : i32
    }
    %scan3A_344 = arith.constant 64 : i32
    %scan3A_345 = arith.constant 0 : i32
    %scan3A_346 = arith.constant 0 : i32
    %scan3A_347 = arith.constant 64 : i32
    %scan3A_348 = arith.addi %scan3A_346, %scan3A_347 : i32
    %scan3A_349 = arith.constant 1 : i32
    %scan3A_350 = scf.for %scan3A_478 = %scan3A_346 to %scan3A_348 step %scan3A_349 iter_args(%scan3A_479 = %scan3A_345) -> (i32)  : i32 {
      %mul3A_480 = arith.constant 16 : i32
      %mul3A_481 = arith.muli %scan3A_478, %mul3A_480 : i32
      %get3A = arith.constant 13 : i32
      %get3A_482 = arith.index_cast %get3A : i32 to index
      %get3A_483 = arith.index_cast %mul3A_481 : i32 to index
      %get3A_484 = tpu.vector_load %arg9[%get3A_482, %get3A_483] {strides = array<i32>} : memref<32x1024xf32, #tpu.memory_space<vmem>>, vector<1x16xf32>,
      %get3A_485 = vector.shape_cast %get3A_484 : vector<1x16xf32> to vector<16xf32>
      %get3A_486 = arith.constant 13 : i32
      %get3A_487 = arith.index_cast %get3A_486 : i32 to index
      %get3A_488 = arith.index_cast %mul3A_481 : i32 to index
      %get3A_489 = tpu.vector_load %arg10[%get3A_487, %get3A_488] {strides = array<i32>} : memref<32x1024xf32, #tpu.memory_space<vmem>>, vector<1x16xf32>,
      %get3A_490 = vector.shape_cast %get3A_489 : vector<1x16xf32> to vector<16xf32>
      %add3A_491 = arith.addf %get3A_485, %get3A_490 : vector<16xf32>
      %get3A_492 = arith.constant 13 : i32
      %get3A_493 = arith.index_cast %get3A_492 : i32 to index
      %get3A_494 = arith.index_cast %mul3A_481 : i32 to index
      %get3A_495 = tpu.vector_load %arg11[%get3A_493, %get3A_494] {strides = array<i32>} : memref<32x1024xf32, #tpu.memory_space<vmem>>, vector<1x16xf32>,
      %get3A_496 = vector.shape_cast %get3A_495 : vector<1x16xf32> to vector<16xf32>
      %add3A_497 = arith.addf %add3A_491, %get3A_496 : vector<16xf32>
      %swap3A = arith.constant 13 : i32
      %swap3A_498 = arith.index_cast %swap3A : i32 to index
      %swap3A_499 = arith.index_cast %mul3A_481 : i32 to index
      %swap3A_500 = tpu.vector_load %arg9[%swap3A_498, %swap3A_499] {strides = array<i32>} : memref<32x1024xf32, #tpu.memory_space<vmem>>, vector<1x16xf32>,
      %swap3A_501 = vector.shape_cast %swap3A_500 : vector<1x16xf32> to vector<16xf32>
      %swap3A_502 = vector.shape_cast %add3A_497 : vector<16xf32> to vector<1x16xf32>
      tpu.vector_store %arg9[%swap3A_498, %swap3A_499], %swap3A_502 {strides = array<i32>} : memref<32x1024xf32, #tpu.memory_space<vmem>>, vector<1x16xf32>,
      %scan3A_503 = arith.constant 0 : i32
      scf.yield %scan3A_503 : i32
    }
    %scan3A_351 = arith.constant 64 : i32
    %scan3A_352 = arith.constant 0 : i32
    %scan3A_353 = arith.constant 0 : i32
    %scan3A_354 = arith.constant 64 : i32
    %scan3A_355 = arith.addi %scan3A_353, %scan3A_354 : i32
    %scan3A_356 = arith.constant 1 : i32
    %scan3A_357 = scf.for %scan3A_478 = %scan3A_353 to %scan3A_355 step %scan3A_356 iter_args(%scan3A_479 = %scan3A_352) -> (i32)  : i32 {
      %mul3A_480 = arith.constant 16 : i32
      %mul3A_481 = arith.muli %scan3A_478, %mul3A_480 : i32
      %get3A = arith.constant 14 : i32
      %get3A_482 = arith.index_cast %get3A : i32 to index
      %get3A_483 = arith.index_cast %mul3A_481 : i32 to index
      %get3A_484 = tpu.vector_load %arg9[%get3A_482, %get3A_483] {strides = array<i32>} : memref<32x1024xf32, #tpu.memory_space<vmem>>, vector<1x16xf32>,
      %get3A_485 = vector.shape_cast %get3A_484 : vector<1x16xf32> to vector<16xf32>
      %get3A_486 = arith.constant 14 : i32
      %get3A_487 = arith.index_cast %get3A_486 : i32 to index
      %get3A_488 = arith.index_cast %mul3A_481 : i32 to index
      %get3A_489 = tpu.vector_load %arg10[%get3A_487, %get3A_488] {strides = array<i32>} : memref<32x1024xf32, #tpu.memory_space<vmem>>, vector<1x16xf32>,
      %get3A_490 = vector.shape_cast %get3A_489 : vector<1x16xf32> to vector<16xf32>
      %add3A_491 = arith.addf %get3A_485, %get3A_490 : vector<16xf32>
      %get3A_492 = arith.constant 14 : i32
      %get3A_493 = arith.index_cast %get3A_492 : i32 to index
      %get3A_494 = arith.index_cast %mul3A_481 : i32 to index
      %get3A_495 = tpu.vector_load %arg11[%get3A_493, %get3A_494] {strides = array<i32>} : memref<32x1024xf32, #tpu.memory_space<vmem>>, vector<1x16xf32>,
      %get3A_496 = vector.shape_cast %get3A_495 : vector<1x16xf32> to vector<16xf32>
      %add3A_497 = arith.addf %add3A_491, %get3A_496 : vector<16xf32>
      %swap3A = arith.constant 14 : i32
      %swap3A_498 = arith.index_cast %swap3A : i32 to index
      %swap3A_499 = arith.index_cast %mul3A_481 : i32 to index
      %swap3A_500 = tpu.vector_load %arg9[%swap3A_498, %swap3A_499] {strides = array<i32>} : memref<32x1024xf32, #tpu.memory_space<vmem>>, vector<1x16xf32>,
      %swap3A_501 = vector.shape_cast %swap3A_500 : vector<1x16xf32> to vector<16xf32>
      %swap3A_502 = vector.shape_cast %add3A_497 : vector<16xf32> to vector<1x16xf32>
      tpu.vector_store %arg9[%swap3A_498, %swap3A_499], %swap3A_502 {strides = array<i32>} : memref<32x1024xf32, #tpu.memory_space<vmem>>, vector<1x16xf32>,
      %scan3A_503 = arith.constant 0 : i32
      scf.yield %scan3A_503 : i32
    }
    %scan3A_358 = arith.constant 64 : i32
    %scan3A_359 = arith.constant 0 : i32
    %scan3A_360 = arith.constant 0 : i32
    %scan3A_361 = arith.constant 64 : i32
    %scan3A_362 = arith.addi %scan3A_360, %scan3A_361 : i32
    %scan3A_363 = arith.constant 1 : i32
    %scan3A_364 = scf.for %scan3A_478 = %scan3A_360 to %scan3A_362 step %scan3A_363 iter_args(%scan3A_479 = %scan3A_359) -> (i32)  : i32 {
      %mul3A_480 = arith.constant 16 : i32
      %mul3A_481 = arith.muli %scan3A_478, %mul3A_480 : i32
      %get3A = arith.constant 15 : i32
      %get3A_482 = arith.index_cast %get3A : i32 to index
      %get3A_483 = arith.index_cast %mul3A_481 : i32 to index
      %get3A_484 = tpu.vector_load %arg9[%get3A_482, %get3A_483] {strides = array<i32>} : memref<32x1024xf32, #tpu.memory_space<vmem>>, vector<1x16xf32>,
      %get3A_485 = vector.shape_cast %get3A_484 : vector<1x16xf32> to vector<16xf32>
      %get3A_486 = arith.constant 15 : i32
      %get3A_487 = arith.index_cast %get3A_486 : i32 to index
      %get3A_488 = arith.index_cast %mul3A_481 : i32 to index
      %get3A_489 = tpu.vector_load %arg10[%get3A_487, %get3A_488] {strides = array<i32>} : memref<32x1024xf32, #tpu.memory_space<vmem>>, vector<1x16xf32>,
      %get3A_490 = vector.shape_cast %get3A_489 : vector<1x16xf32> to vector<16xf32>
      %add3A_491 = arith.addf %get3A_485, %get3A_490 : vector<16xf32>
      %get3A_492 = arith.constant 15 : i32
      %get3A_493 = arith.index_cast %get3A_492 : i32 to index
      %get3A_494 = arith.index_cast %mul3A_481 : i32 to index
      %get3A_495 = tpu.vector_load %arg11[%get3A_493, %get3A_494] {strides = array<i32>} : memref<32x1024xf32, #tpu.memory_space<vmem>>, vector<1x16xf32>,
      %get3A_496 = vector.shape_cast %get3A_495 : vector<1x16xf32> to vector<16xf32>
      %add3A_497 = arith.addf %add3A_491, %get3A_496 : vector<16xf32>
      %swap3A = arith.constant 15 : i32
      %swap3A_498 = arith.index_cast %swap3A : i32 to index
      %swap3A_499 = arith.index_cast %mul3A_481 : i32 to index
      %swap3A_500 = tpu.vector_load %arg9[%swap3A_498, %swap3A_499] {strides = array<i32>} : memref<32x1024xf32, #tpu.memory_space<vmem>>, vector<1x16xf32>,
      %swap3A_501 = vector.shape_cast %swap3A_500 : vector<1x16xf32> to vector<16xf32>
      %swap3A_502 = vector.shape_cast %add3A_497 : vector<16xf32> to vector<1x16xf32>
      tpu.vector_store %arg9[%swap3A_498, %swap3A_499], %swap3A_502 {strides = array<i32>} : memref<32x1024xf32, #tpu.memory_space<vmem>>, vector<1x16xf32>,
      %scan3A_503 = arith.constant 0 : i32
      scf.yield %scan3A_503 : i32
    }
    %scan3A_365 = arith.constant 64 : i32
    %scan3A_366 = arith.constant 0 : i32
    %scan3A_367 = arith.constant 0 : i32
    %scan3A_368 = arith.constant 64 : i32
    %scan3A_369 = arith.addi %scan3A_367, %scan3A_368 : i32
    %scan3A_370 = arith.constant 1 : i32
    %scan3A_371 = scf.for %scan3A_478 = %scan3A_367 to %scan3A_369 step %scan3A_370 iter_args(%scan3A_479 = %scan3A_366) -> (i32)  : i32 {
      %mul3A_480 = arith.constant 16 : i32
      %mul3A_481 = arith.muli %scan3A_478, %mul3A_480 : i32
      %get3A = arith.constant 16 : i32
      %get3A_482 = arith.index_cast %get3A : i32 to index
      %get3A_483 = arith.index_cast %mul3A_481 : i32 to index
      %get3A_484 = tpu.vector_load %arg9[%get3A_482, %get3A_483] {strides = array<i32>} : memref<32x1024xf32, #tpu.memory_space<vmem>>, vector<1x16xf32>,
      %get3A_485 = vector.shape_cast %get3A_484 : vector<1x16xf32> to vector<16xf32>
      %get3A_486 = arith.constant 16 : i32
      %get3A_487 = arith.index_cast %get3A_486 : i32 to index
      %get3A_488 = arith.index_cast %mul3A_481 : i32 to index
      %get3A_489 = tpu.vector_load %arg10[%get3A_487, %get3A_488] {strides = array<i32>} : memref<32x1024xf32, #tpu.memory_space<vmem>>, vector<1x16xf32>,
      %get3A_490 = vector.shape_cast %get3A_489 : vector<1x16xf32> to vector<16xf32>
      %add3A_491 = arith.addf %get3A_485, %get3A_490 : vector<16xf32>
      %get3A_492 = arith.constant 16 : i32
      %get3A_493 = arith.index_cast %get3A_492 : i32 to index
      %get3A_494 = arith.index_cast %mul3A_481 : i32 to index
      %get3A_495 = tpu.vector_load %arg11[%get3A_493, %get3A_494] {strides = array<i32>} : memref<32x1024xf32, #tpu.memory_space<vmem>>, vector<1x16xf32>,
      %get3A_496 = vector.shape_cast %get3A_495 : vector<1x16xf32> to vector<16xf32>
      %add3A_497 = arith.addf %add3A_491, %get3A_496 : vector<16xf32>
      %swap3A = arith.constant 16 : i32
      %swap3A_498 = arith.index_cast %swap3A : i32 to index
      %swap3A_499 = arith.index_cast %mul3A_481 : i32 to index
      %swap3A_500 = tpu.vector_load %arg9[%swap3A_498, %swap3A_499] {strides = array<i32>} : memref<32x1024xf32, #tpu.memory_space<vmem>>, vector<1x16xf32>,
      %swap3A_501 = vector.shape_cast %swap3A_500 : vector<1x16xf32> to vector<16xf32>
      %swap3A_502 = vector.shape_cast %add3A_497 : vector<16xf32> to vector<1x16xf32>
      tpu.vector_store %arg9[%swap3A_498, %swap3A_499], %swap3A_502 {strides = array<i32>} : memref<32x1024xf32, #tpu.memory_space<vmem>>, vector<1x16xf32>,
      %scan3A_503 = arith.constant 0 : i32
      scf.yield %scan3A_503 : i32
    }
    %scan3A_372 = arith.constant 64 : i32
    %scan3A_373 = arith.constant 0 : i32
    %scan3A_374 = arith.constant 0 : i32
    %scan3A_375 = arith.constant 64 : i32
    %scan3A_376 = arith.addi %scan3A_374, %scan3A_375 : i32
    %scan3A_377 = arith.constant 1 : i32
    %scan3A_378 = scf.for %scan3A_478 = %scan3A_374 to %scan3A_376 step %scan3A_377 iter_args(%scan3A_479 = %scan3A_373) -> (i32)  : i32 {
      %mul3A_480 = arith.constant 16 : i32
      %mul3A_481 = arith.muli %scan3A_478, %mul3A_480 : i32
      %get3A = arith.constant 17 : i32
      %get3A_482 = arith.index_cast %get3A : i32 to index
      %get3A_483 = arith.index_cast %mul3A_481 : i32 to index
      %get3A_484 = tpu.vector_load %arg9[%get3A_482, %get3A_483] {strides = array<i32>} : memref<32x1024xf32, #tpu.memory_space<vmem>>, vector<1x16xf32>,
      %get3A_485 = vector.shape_cast %get3A_484 : vector<1x16xf32> to vector<16xf32>
      %get3A_486 = arith.constant 17 : i32
      %get3A_487 = arith.index_cast %get3A_486 : i32 to index
      %get3A_488 = arith.index_cast %mul3A_481 : i32 to index
      %get3A_489 = tpu.vector_load %arg10[%get3A_487, %get3A_488] {strides = array<i32>} : memref<32x1024xf32, #tpu.memory_space<vmem>>, vector<1x16xf32>,
      %get3A_490 = vector.shape_cast %get3A_489 : vector<1x16xf32> to vector<16xf32>
      %add3A_491 = arith.addf %get3A_485, %get3A_490 : vector<16xf32>
      %get3A_492 = arith.constant 17 : i32
      %get3A_493 = arith.index_cast %get3A_492 : i32 to index
      %get3A_494 = arith.index_cast %mul3A_481 : i32 to index
      %get3A_495 = tpu.vector_load %arg11[%get3A_493, %get3A_494] {strides = array<i32>} : memref<32x1024xf32, #tpu.memory_space<vmem>>, vector<1x16xf32>,
      %get3A_496 = vector.shape_cast %get3A_495 : vector<1x16xf32> to vector<16xf32>
      %add3A_497 = arith.addf %add3A_491, %get3A_496 : vector<16xf32>
      %swap3A = arith.constant 17 : i32
      %swap3A_498 = arith.index_cast %swap3A : i32 to index
      %swap3A_499 = arith.index_cast %mul3A_481 : i32 to index
      %swap3A_500 = tpu.vector_load %arg9[%swap3A_498, %swap3A_499] {strides = array<i32>} : memref<32x1024xf32, #tpu.memory_space<vmem>>, vector<1x16xf32>,
      %swap3A_501 = vector.shape_cast %swap3A_500 : vector<1x16xf32> to vector<16xf32>
      %swap3A_502 = vector.shape_cast %add3A_497 : vector<16xf32> to vector<1x16xf32>
      tpu.vector_store %arg9[%swap3A_498, %swap3A_499], %swap3A_502 {strides = array<i32>} : memref<32x1024xf32, #tpu.memory_space<vmem>>, vector<1x16xf32>,
      %scan3A_503 = arith.constant 0 : i32
      scf.yield %scan3A_503 : i32
    }
    %scan3A_379 = arith.constant 64 : i32
    %scan3A_380 = arith.constant 0 : i32
    %scan3A_381 = arith.constant 0 : i32
    %scan3A_382 = arith.constant 64 : i32
    %scan3A_383 = arith.addi %scan3A_381, %scan3A_382 : i32
    %scan3A_384 = arith.constant 1 : i32
    %scan3A_385 = scf.for %scan3A_478 = %scan3A_381 to %scan3A_383 step %scan3A_384 iter_args(%scan3A_479 = %scan3A_380) -> (i32)  : i32 {
      %mul3A_480 = arith.constant 16 : i32
      %mul3A_481 = arith.muli %scan3A_478, %mul3A_480 : i32
      %get3A = arith.constant 18 : i32
      %get3A_482 = arith.index_cast %get3A : i32 to index
      %get3A_483 = arith.index_cast %mul3A_481 : i32 to index
      %get3A_484 = tpu.vector_load %arg9[%get3A_482, %get3A_483] {strides = array<i32>} : memref<32x1024xf32, #tpu.memory_space<vmem>>, vector<1x16xf32>,
      %get3A_485 = vector.shape_cast %get3A_484 : vector<1x16xf32> to vector<16xf32>
      %get3A_486 = arith.constant 18 : i32
      %get3A_487 = arith.index_cast %get3A_486 : i32 to index
      %get3A_488 = arith.index_cast %mul3A_481 : i32 to index
      %get3A_489 = tpu.vector_load %arg10[%get3A_487, %get3A_488] {strides = array<i32>} : memref<32x1024xf32, #tpu.memory_space<vmem>>, vector<1x16xf32>,
      %get3A_490 = vector.shape_cast %get3A_489 : vector<1x16xf32> to vector<16xf32>
      %add3A_491 = arith.addf %get3A_485, %get3A_490 : vector<16xf32>
      %get3A_492 = arith.constant 18 : i32
      %get3A_493 = arith.index_cast %get3A_492 : i32 to index
      %get3A_494 = arith.index_cast %mul3A_481 : i32 to index
      %get3A_495 = tpu.vector_load %arg11[%get3A_493, %get3A_494] {strides = array<i32>} : memref<32x1024xf32, #tpu.memory_space<vmem>>, vector<1x16xf32>,
      %get3A_496 = vector.shape_cast %get3A_495 : vector<1x16xf32> to vector<16xf32>
      %add3A_497 = arith.addf %add3A_491, %get3A_496 : vector<16xf32>
      %swap3A = arith.constant 18 : i32
      %swap3A_498 = arith.index_cast %swap3A : i32 to index
      %swap3A_499 = arith.index_cast %mul3A_481 : i32 to index
      %swap3A_500 = tpu.vector_load %arg9[%swap3A_498, %swap3A_499] {strides = array<i32>} : memref<32x1024xf32, #tpu.memory_space<vmem>>, vector<1x16xf32>,
      %swap3A_501 = vector.shape_cast %swap3A_500 : vector<1x16xf32> to vector<16xf32>
      %swap3A_502 = vector.shape_cast %add3A_497 : vector<16xf32> to vector<1x16xf32>
      tpu.vector_store %arg9[%swap3A_498, %swap3A_499], %swap3A_502 {strides = array<i32>} : memref<32x1024xf32, #tpu.memory_space<vmem>>, vector<1x16xf32>,
      %scan3A_503 = arith.constant 0 : i32
      scf.yield %scan3A_503 : i32
    }
    %scan3A_386 = arith.constant 64 : i32
    %scan3A_387 = arith.constant 0 : i32
    %scan3A_388 = arith.constant 0 : i32
    %scan3A_389 = arith.constant 64 : i32
    %scan3A_390 = arith.addi %scan3A_388, %scan3A_389 : i32
    %scan3A_391 = arith.constant 1 : i32
    %scan3A_392 = scf.for %scan3A_478 = %scan3A_388 to %scan3A_390 step %scan3A_391 iter_args(%scan3A_479 = %scan3A_387) -> (i32)  : i32 {
      %mul3A_480 = arith.constant 16 : i32
      %mul3A_481 = arith.muli %scan3A_478, %mul3A_480 : i32
      %get3A = arith.constant 19 : i32
      %get3A_482 = arith.index_cast %get3A : i32 to index
      %get3A_483 = arith.index_cast %mul3A_481 : i32 to index
      %get3A_484 = tpu.vector_load %arg9[%get3A_482, %get3A_483] {strides = array<i32>} : memref<32x1024xf32, #tpu.memory_space<vmem>>, vector<1x16xf32>,
      %get3A_485 = vector.shape_cast %get3A_484 : vector<1x16xf32> to vector<16xf32>
      %get3A_486 = arith.constant 19 : i32
      %get3A_487 = arith.index_cast %get3A_486 : i32 to index
      %get3A_488 = arith.index_cast %mul3A_481 : i32 to index
      %get3A_489 = tpu.vector_load %arg10[%get3A_487, %get3A_488] {strides = array<i32>} : memref<32x1024xf32, #tpu.memory_space<vmem>>, vector<1x16xf32>,
      %get3A_490 = vector.shape_cast %get3A_489 : vector<1x16xf32> to vector<16xf32>
      %add3A_491 = arith.addf %get3A_485, %get3A_490 : vector<16xf32>
      %get3A_492 = arith.constant 19 : i32
      %get3A_493 = arith.index_cast %get3A_492 : i32 to index
      %get3A_494 = arith.index_cast %mul3A_481 : i32 to index
      %get3A_495 = tpu.vector_load %arg11[%get3A_493, %get3A_494] {strides = array<i32>} : memref<32x1024xf32, #tpu.memory_space<vmem>>, vector<1x16xf32>,
      %get3A_496 = vector.shape_cast %get3A_495 : vector<1x16xf32> to vector<16xf32>
      %add3A_497 = arith.addf %add3A_491, %get3A_496 : vector<16xf32>
      %swap3A = arith.constant 19 : i32
      %swap3A_498 = arith.index_cast %swap3A : i32 to index
      %swap3A_499 = arith.index_cast %mul3A_481 : i32 to index
      %swap3A_500 = tpu.vector_load %arg9[%swap3A_498, %swap3A_499] {strides = array<i32>} : memref<32x1024xf32, #tpu.memory_space<vmem>>, vector<1x16xf32>,
      %swap3A_501 = vector.shape_cast %swap3A_500 : vector<1x16xf32> to vector<16xf32>
      %swap3A_502 = vector.shape_cast %add3A_497 : vector<16xf32> to vector<1x16xf32>
      tpu.vector_store %arg9[%swap3A_498, %swap3A_499], %swap3A_502 {strides = array<i32>} : memref<32x1024xf32, #tpu.memory_space<vmem>>, vector<1x16xf32>,
      %scan3A_503 = arith.constant 0 : i32
      scf.yield %scan3A_503 : i32
    }
    %scan3A_393 = arith.constant 64 : i32
    %scan3A_394 = arith.constant 0 : i32
    %scan3A_395 = arith.constant 0 : i32
    %scan3A_396 = arith.constant 64 : i32
    %scan3A_397 = arith.addi %scan3A_395, %scan3A_396 : i32
    %scan3A_398 = arith.constant 1 : i32
    %scan3A_399 = scf.for %scan3A_478 = %scan3A_395 to %scan3A_397 step %scan3A_398 iter_args(%scan3A_479 = %scan3A_394) -> (i32)  : i32 {
      %mul3A_480 = arith.constant 16 : i32
      %mul3A_481 = arith.muli %scan3A_478, %mul3A_480 : i32
      %get3A = arith.constant 20 : i32
      %get3A_482 = arith.index_cast %get3A : i32 to index
      %get3A_483 = arith.index_cast %mul3A_481 : i32 to index
      %get3A_484 = tpu.vector_load %arg9[%get3A_482, %get3A_483] {strides = array<i32>} : memref<32x1024xf32, #tpu.memory_space<vmem>>, vector<1x16xf32>,
      %get3A_485 = vector.shape_cast %get3A_484 : vector<1x16xf32> to vector<16xf32>
      %get3A_486 = arith.constant 20 : i32
      %get3A_487 = arith.index_cast %get3A_486 : i32 to index
      %get3A_488 = arith.index_cast %mul3A_481 : i32 to index
      %get3A_489 = tpu.vector_load %arg10[%get3A_487, %get3A_488] {strides = array<i32>} : memref<32x1024xf32, #tpu.memory_space<vmem>>, vector<1x16xf32>,
      %get3A_490 = vector.shape_cast %get3A_489 : vector<1x16xf32> to vector<16xf32>
      %add3A_491 = arith.addf %get3A_485, %get3A_490 : vector<16xf32>
      %get3A_492 = arith.constant 20 : i32
      %get3A_493 = arith.index_cast %get3A_492 : i32 to index
      %get3A_494 = arith.index_cast %mul3A_481 : i32 to index
      %get3A_495 = tpu.vector_load %arg11[%get3A_493, %get3A_494] {strides = array<i32>} : memref<32x1024xf32, #tpu.memory_space<vmem>>, vector<1x16xf32>,
      %get3A_496 = vector.shape_cast %get3A_495 : vector<1x16xf32> to vector<16xf32>
      %add3A_497 = arith.addf %add3A_491, %get3A_496 : vector<16xf32>
      %swap3A = arith.constant 20 : i32
      %swap3A_498 = arith.index_cast %swap3A : i32 to index
      %swap3A_499 = arith.index_cast %mul3A_481 : i32 to index
      %swap3A_500 = tpu.vector_load %arg9[%swap3A_498, %swap3A_499] {strides = array<i32>} : memref<32x1024xf32, #tpu.memory_space<vmem>>, vector<1x16xf32>,
      %swap3A_501 = vector.shape_cast %swap3A_500 : vector<1x16xf32> to vector<16xf32>
      %swap3A_502 = vector.shape_cast %add3A_497 : vector<16xf32> to vector<1x16xf32>
      tpu.vector_store %arg9[%swap3A_498, %swap3A_499], %swap3A_502 {strides = array<i32>} : memref<32x1024xf32, #tpu.memory_space<vmem>>, vector<1x16xf32>,
      %scan3A_503 = arith.constant 0 : i32
      scf.yield %scan3A_503 : i32
    }
    %scan3A_400 = arith.constant 64 : i32
    %scan3A_401 = arith.constant 0 : i32
    %scan3A_402 = arith.constant 0 : i32
    %scan3A_403 = arith.constant 64 : i32
    %scan3A_404 = arith.addi %scan3A_402, %scan3A_403 : i32
    %scan3A_405 = arith.constant 1 : i32
    %scan3A_406 = scf.for %scan3A_478 = %scan3A_402 to %scan3A_404 step %scan3A_405 iter_args(%scan3A_479 = %scan3A_401) -> (i32)  : i32 {
      %mul3A_480 = arith.constant 16 : i32
      %mul3A_481 = arith.muli %scan3A_478, %mul3A_480 : i32
      %get3A = arith.constant 21 : i32
      %get3A_482 = arith.index_cast %get3A : i32 to index
      %get3A_483 = arith.index_cast %mul3A_481 : i32 to index
      %get3A_484 = tpu.vector_load %arg9[%get3A_482, %get3A_483] {strides = array<i32>} : memref<32x1024xf32, #tpu.memory_space<vmem>>, vector<1x16xf32>,
      %get3A_485 = vector.shape_cast %get3A_484 : vector<1x16xf32> to vector<16xf32>
      %get3A_486 = arith.constant 21 : i32
      %get3A_487 = arith.index_cast %get3A_486 : i32 to index
      %get3A_488 = arith.index_cast %mul3A_481 : i32 to index
      %get3A_489 = tpu.vector_load %arg10[%get3A_487, %get3A_488] {strides = array<i32>} : memref<32x1024xf32, #tpu.memory_space<vmem>>, vector<1x16xf32>,
      %get3A_490 = vector.shape_cast %get3A_489 : vector<1x16xf32> to vector<16xf32>
      %add3A_491 = arith.addf %get3A_485, %get3A_490 : vector<16xf32>
      %get3A_492 = arith.constant 21 : i32
      %get3A_493 = arith.index_cast %get3A_492 : i32 to index
      %get3A_494 = arith.index_cast %mul3A_481 : i32 to index
      %get3A_495 = tpu.vector_load %arg11[%get3A_493, %get3A_494] {strides = array<i32>} : memref<32x1024xf32, #tpu.memory_space<vmem>>, vector<1x16xf32>,
      %get3A_496 = vector.shape_cast %get3A_495 : vector<1x16xf32> to vector<16xf32>
      %add3A_497 = arith.addf %add3A_491, %get3A_496 : vector<16xf32>
      %swap3A = arith.constant 21 : i32
      %swap3A_498 = arith.index_cast %swap3A : i32 to index
      %swap3A_499 = arith.index_cast %mul3A_481 : i32 to index
      %swap3A_500 = tpu.vector_load %arg9[%swap3A_498, %swap3A_499] {strides = array<i32>} : memref<32x1024xf32, #tpu.memory_space<vmem>>, vector<1x16xf32>,
      %swap3A_501 = vector.shape_cast %swap3A_500 : vector<1x16xf32> to vector<16xf32>
      %swap3A_502 = vector.shape_cast %add3A_497 : vector<16xf32> to vector<1x16xf32>
      tpu.vector_store %arg9[%swap3A_498, %swap3A_499], %swap3A_502 {strides = array<i32>} : memref<32x1024xf32, #tpu.memory_space<vmem>>, vector<1x16xf32>,
      %scan3A_503 = arith.constant 0 : i32
      scf.yield %scan3A_503 : i32
    }
    %scan3A_407 = arith.constant 64 : i32
    %scan3A_408 = arith.constant 0 : i32
    %scan3A_409 = arith.constant 0 : i32
    %scan3A_410 = arith.constant 64 : i32
    %scan3A_411 = arith.addi %scan3A_409, %scan3A_410 : i32
    %scan3A_412 = arith.constant 1 : i32
    %scan3A_413 = scf.for %scan3A_478 = %scan3A_409 to %scan3A_411 step %scan3A_412 iter_args(%scan3A_479 = %scan3A_408) -> (i32)  : i32 {
      %mul3A_480 = arith.constant 16 : i32
      %mul3A_481 = arith.muli %scan3A_478, %mul3A_480 : i32
      %get3A = arith.constant 22 : i32
      %get3A_482 = arith.index_cast %get3A : i32 to index
      %get3A_483 = arith.index_cast %mul3A_481 : i32 to index
      %get3A_484 = tpu.vector_load %arg9[%get3A_482, %get3A_483] {strides = array<i32>} : memref<32x1024xf32, #tpu.memory_space<vmem>>, vector<1x16xf32>,
      %get3A_485 = vector.shape_cast %get3A_484 : vector<1x16xf32> to vector<16xf32>
      %get3A_486 = arith.constant 22 : i32
      %get3A_487 = arith.index_cast %get3A_486 : i32 to index
      %get3A_488 = arith.index_cast %mul3A_481 : i32 to index
      %get3A_489 = tpu.vector_load %arg10[%get3A_487, %get3A_488] {strides = array<i32>} : memref<32x1024xf32, #tpu.memory_space<vmem>>, vector<1x16xf32>,
      %get3A_490 = vector.shape_cast %get3A_489 : vector<1x16xf32> to vector<16xf32>
      %add3A_491 = arith.addf %get3A_485, %get3A_490 : vector<16xf32>
      %get3A_492 = arith.constant 22 : i32
      %get3A_493 = arith.index_cast %get3A_492 : i32 to index
      %get3A_494 = arith.index_cast %mul3A_481 : i32 to index
      %get3A_495 = tpu.vector_load %arg11[%get3A_493, %get3A_494] {strides = array<i32>} : memref<32x1024xf32, #tpu.memory_space<vmem>>, vector<1x16xf32>,
      %get3A_496 = vector.shape_cast %get3A_495 : vector<1x16xf32> to vector<16xf32>
      %add3A_497 = arith.addf %add3A_491, %get3A_496 : vector<16xf32>
      %swap3A = arith.constant 22 : i32
      %swap3A_498 = arith.index_cast %swap3A : i32 to index
      %swap3A_499 = arith.index_cast %mul3A_481 : i32 to index
      %swap3A_500 = tpu.vector_load %arg9[%swap3A_498, %swap3A_499] {strides = array<i32>} : memref<32x1024xf32, #tpu.memory_space<vmem>>, vector<1x16xf32>,
      %swap3A_501 = vector.shape_cast %swap3A_500 : vector<1x16xf32> to vector<16xf32>
      %swap3A_502 = vector.shape_cast %add3A_497 : vector<16xf32> to vector<1x16xf32>
      tpu.vector_store %arg9[%swap3A_498, %swap3A_499], %swap3A_502 {strides = array<i32>} : memref<32x1024xf32, #tpu.memory_space<vmem>>, vector<1x16xf32>,
      %scan3A_503 = arith.constant 0 : i32
      scf.yield %scan3A_503 : i32
    }
    %scan3A_414 = arith.constant 64 : i32
    %scan3A_415 = arith.constant 0 : i32
    %scan3A_416 = arith.constant 0 : i32
    %scan3A_417 = arith.constant 64 : i32
    %scan3A_418 = arith.addi %scan3A_416, %scan3A_417 : i32
    %scan3A_419 = arith.constant 1 : i32
    %scan3A_420 = scf.for %scan3A_478 = %scan3A_416 to %scan3A_418 step %scan3A_419 iter_args(%scan3A_479 = %scan3A_415) -> (i32)  : i32 {
      %mul3A_480 = arith.constant 16 : i32
      %mul3A_481 = arith.muli %scan3A_478, %mul3A_480 : i32
      %get3A = arith.constant 23 : i32
      %get3A_482 = arith.index_cast %get3A : i32 to index
      %get3A_483 = arith.index_cast %mul3A_481 : i32 to index
      %get3A_484 = tpu.vector_load %arg9[%get3A_482, %get3A_483] {strides = array<i32>} : memref<32x1024xf32, #tpu.memory_space<vmem>>, vector<1x16xf32>,
      %get3A_485 = vector.shape_cast %get3A_484 : vector<1x16xf32> to vector<16xf32>
      %get3A_486 = arith.constant 23 : i32
      %get3A_487 = arith.index_cast %get3A_486 : i32 to index
      %get3A_488 = arith.index_cast %mul3A_481 : i32 to index
      %get3A_489 = tpu.vector_load %arg10[%get3A_487, %get3A_488] {strides = array<i32>} : memref<32x1024xf32, #tpu.memory_space<vmem>>, vector<1x16xf32>,
      %get3A_490 = vector.shape_cast %get3A_489 : vector<1x16xf32> to vector<16xf32>
      %add3A_491 = arith.addf %get3A_485, %get3A_490 : vector<16xf32>
      %get3A_492 = arith.constant 23 : i32
      %get3A_493 = arith.index_cast %get3A_492 : i32 to index
      %get3A_494 = arith.index_cast %mul3A_481 : i32 to index
      %get3A_495 = tpu.vector_load %arg11[%get3A_493, %get3A_494] {strides = array<i32>} : memref<32x1024xf32, #tpu.memory_space<vmem>>, vector<1x16xf32>,
      %get3A_496 = vector.shape_cast %get3A_495 : vector<1x16xf32> to vector<16xf32>
      %add3A_497 = arith.addf %add3A_491, %get3A_496 : vector<16xf32>
      %swap3A = arith.constant 23 : i32
      %swap3A_498 = arith.index_cast %swap3A : i32 to index
      %swap3A_499 = arith.index_cast %mul3A_481 : i32 to index
      %swap3A_500 = tpu.vector_load %arg9[%swap3A_498, %swap3A_499] {strides = array<i32>} : memref<32x1024xf32, #tpu.memory_space<vmem>>, vector<1x16xf32>,
      %swap3A_501 = vector.shape_cast %swap3A_500 : vector<1x16xf32> to vector<16xf32>
      %swap3A_502 = vector.shape_cast %add3A_497 : vector<16xf32> to vector<1x16xf32>
      tpu.vector_store %arg9[%swap3A_498, %swap3A_499], %swap3A_502 {strides = array<i32>} : memref<32x1024xf32, #tpu.memory_space<vmem>>, vector<1x16xf32>,
      %scan3A_503 = arith.constant 0 : i32
      scf.yield %scan3A_503 : i32
    }
    %scan3A_421 = arith.constant 64 : i32
    %scan3A_422 = arith.constant 0 : i32
    %scan3A_423 = arith.constant 0 : i32
    %scan3A_424 = arith.constant 64 : i32
    %scan3A_425 = arith.addi %scan3A_423, %scan3A_424 : i32
    %scan3A_426 = arith.constant 1 : i32
    %scan3A_427 = scf.for %scan3A_478 = %scan3A_423 to %scan3A_425 step %scan3A_426 iter_args(%scan3A_479 = %scan3A_422) -> (i32)  : i32 {
      %mul3A_480 = arith.constant 16 : i32
      %mul3A_481 = arith.muli %scan3A_478, %mul3A_480 : i32
      %get3A = arith.constant 24 : i32
      %get3A_482 = arith.index_cast %get3A : i32 to index
      %get3A_483 = arith.index_cast %mul3A_481 : i32 to index
      %get3A_484 = tpu.vector_load %arg9[%get3A_482, %get3A_483] {strides = array<i32>} : memref<32x1024xf32, #tpu.memory_space<vmem>>, vector<1x16xf32>,
      %get3A_485 = vector.shape_cast %get3A_484 : vector<1x16xf32> to vector<16xf32>
      %get3A_486 = arith.constant 24 : i32
      %get3A_487 = arith.index_cast %get3A_486 : i32 to index
      %get3A_488 = arith.index_cast %mul3A_481 : i32 to index
      %get3A_489 = tpu.vector_load %arg10[%get3A_487, %get3A_488] {strides = array<i32>} : memref<32x1024xf32, #tpu.memory_space<vmem>>, vector<1x16xf32>,
      %get3A_490 = vector.shape_cast %get3A_489 : vector<1x16xf32> to vector<16xf32>
      %add3A_491 = arith.addf %get3A_485, %get3A_490 : vector<16xf32>
      %get3A_492 = arith.constant 24 : i32
      %get3A_493 = arith.index_cast %get3A_492 : i32 to index
      %get3A_494 = arith.index_cast %mul3A_481 : i32 to index
      %get3A_495 = tpu.vector_load %arg11[%get3A_493, %get3A_494] {strides = array<i32>} : memref<32x1024xf32, #tpu.memory_space<vmem>>, vector<1x16xf32>,
      %get3A_496 = vector.shape_cast %get3A_495 : vector<1x16xf32> to vector<16xf32>
      %add3A_497 = arith.addf %add3A_491, %get3A_496 : vector<16xf32>
      %swap3A = arith.constant 24 : i32
      %swap3A_498 = arith.index_cast %swap3A : i32 to index
      %swap3A_499 = arith.index_cast %mul3A_481 : i32 to index
      %swap3A_500 = tpu.vector_load %arg9[%swap3A_498, %swap3A_499] {strides = array<i32>} : memref<32x1024xf32, #tpu.memory_space<vmem>>, vector<1x16xf32>,
      %swap3A_501 = vector.shape_cast %swap3A_500 : vector<1x16xf32> to vector<16xf32>
      %swap3A_502 = vector.shape_cast %add3A_497 : vector<16xf32> to vector<1x16xf32>
      tpu.vector_store %arg9[%swap3A_498, %swap3A_499], %swap3A_502 {strides = array<i32>} : memref<32x1024xf32, #tpu.memory_space<vmem>>, vector<1x16xf32>,
      %scan3A_503 = arith.constant 0 : i32
      scf.yield %scan3A_503 : i32
    }
    %scan3A_428 = arith.constant 64 : i32
    %scan3A_429 = arith.constant 0 : i32
    %scan3A_430 = arith.constant 0 : i32
    %scan3A_431 = arith.constant 64 : i32
    %scan3A_432 = arith.addi %scan3A_430, %scan3A_431 : i32
    %scan3A_433 = arith.constant 1 : i32
    %scan3A_434 = scf.for %scan3A_478 = %scan3A_430 to %scan3A_432 step %scan3A_433 iter_args(%scan3A_479 = %scan3A_429) -> (i32)  : i32 {
      %mul3A_480 = arith.constant 16 : i32
      %mul3A_481 = arith.muli %scan3A_478, %mul3A_480 : i32
      %get3A = arith.constant 25 : i32
      %get3A_482 = arith.index_cast %get3A : i32 to index
      %get3A_483 = arith.index_cast %mul3A_481 : i32 to index
      %get3A_484 = tpu.vector_load %arg9[%get3A_482, %get3A_483] {strides = array<i32>} : memref<32x1024xf32, #tpu.memory_space<vmem>>, vector<1x16xf32>,
      %get3A_485 = vector.shape_cast %get3A_484 : vector<1x16xf32> to vector<16xf32>
      %get3A_486 = arith.constant 25 : i32
      %get3A_487 = arith.index_cast %get3A_486 : i32 to index
      %get3A_488 = arith.index_cast %mul3A_481 : i32 to index
      %get3A_489 = tpu.vector_load %arg10[%get3A_487, %get3A_488] {strides = array<i32>} : memref<32x1024xf32, #tpu.memory_space<vmem>>, vector<1x16xf32>,
      %get3A_490 = vector.shape_cast %get3A_489 : vector<1x16xf32> to vector<16xf32>
      %add3A_491 = arith.addf %get3A_485, %get3A_490 : vector<16xf32>
      %get3A_492 = arith.constant 25 : i32
      %get3A_493 = arith.index_cast %get3A_492 : i32 to index
      %get3A_494 = arith.index_cast %mul3A_481 : i32 to index
      %get3A_495 = tpu.vector_load %arg11[%get3A_493, %get3A_494] {strides = array<i32>} : memref<32x1024xf32, #tpu.memory_space<vmem>>, vector<1x16xf32>,
      %get3A_496 = vector.shape_cast %get3A_495 : vector<1x16xf32> to vector<16xf32>
      %add3A_497 = arith.addf %add3A_491, %get3A_496 : vector<16xf32>
      %swap3A = arith.constant 25 : i32
      %swap3A_498 = arith.index_cast %swap3A : i32 to index
      %swap3A_499 = arith.index_cast %mul3A_481 : i32 to index
      %swap3A_500 = tpu.vector_load %arg9[%swap3A_498, %swap3A_499] {strides = array<i32>} : memref<32x1024xf32, #tpu.memory_space<vmem>>, vector<1x16xf32>,
      %swap3A_501 = vector.shape_cast %swap3A_500 : vector<1x16xf32> to vector<16xf32>
      %swap3A_502 = vector.shape_cast %add3A_497 : vector<16xf32> to vector<1x16xf32>
      tpu.vector_store %arg9[%swap3A_498, %swap3A_499], %swap3A_502 {strides = array<i32>} : memref<32x1024xf32, #tpu.memory_space<vmem>>, vector<1x16xf32>,
      %scan3A_503 = arith.constant 0 : i32
      scf.yield %scan3A_503 : i32
    }
    %scan3A_435 = arith.constant 64 : i32
    %scan3A_436 = arith.constant 0 : i32
    %scan3A_437 = arith.constant 0 : i32
    %scan3A_438 = arith.constant 64 : i32
    %scan3A_439 = arith.addi %scan3A_437, %scan3A_438 : i32
    %scan3A_440 = arith.constant 1 : i32
    %scan3A_441 = scf.for %scan3A_478 = %scan3A_437 to %scan3A_439 step %scan3A_440 iter_args(%scan3A_479 = %scan3A_436) -> (i32)  : i32 {
      %mul3A_480 = arith.constant 16 : i32
      %mul3A_481 = arith.muli %scan3A_478, %mul3A_480 : i32
      %get3A = arith.constant 26 : i32
      %get3A_482 = arith.index_cast %get3A : i32 to index
      %get3A_483 = arith.index_cast %mul3A_481 : i32 to index
      %get3A_484 = tpu.vector_load %arg9[%get3A_482, %get3A_483] {strides = array<i32>} : memref<32x1024xf32, #tpu.memory_space<vmem>>, vector<1x16xf32>,
      %get3A_485 = vector.shape_cast %get3A_484 : vector<1x16xf32> to vector<16xf32>
      %get3A_486 = arith.constant 26 : i32
      %get3A_487 = arith.index_cast %get3A_486 : i32 to index
      %get3A_488 = arith.index_cast %mul3A_481 : i32 to index
      %get3A_489 = tpu.vector_load %arg10[%get3A_487, %get3A_488] {strides = array<i32>} : memref<32x1024xf32, #tpu.memory_space<vmem>>, vector<1x16xf32>,
      %get3A_490 = vector.shape_cast %get3A_489 : vector<1x16xf32> to vector<16xf32>
      %add3A_491 = arith.addf %get3A_485, %get3A_490 : vector<16xf32>
      %get3A_492 = arith.constant 26 : i32
      %get3A_493 = arith.index_cast %get3A_492 : i32 to index
      %get3A_494 = arith.index_cast %mul3A_481 : i32 to index
      %get3A_495 = tpu.vector_load %arg11[%get3A_493, %get3A_494] {strides = array<i32>} : memref<32x1024xf32, #tpu.memory_space<vmem>>, vector<1x16xf32>,
      %get3A_496 = vector.shape_cast %get3A_495 : vector<1x16xf32> to vector<16xf32>
      %add3A_497 = arith.addf %add3A_491, %get3A_496 : vector<16xf32>
      %swap3A = arith.constant 26 : i32
      %swap3A_498 = arith.index_cast %swap3A : i32 to index
      %swap3A_499 = arith.index_cast %mul3A_481 : i32 to index
      %swap3A_500 = tpu.vector_load %arg9[%swap3A_498, %swap3A_499] {strides = array<i32>} : memref<32x1024xf32, #tpu.memory_space<vmem>>, vector<1x16xf32>,
      %swap3A_501 = vector.shape_cast %swap3A_500 : vector<1x16xf32> to vector<16xf32>
      %swap3A_502 = vector.shape_cast %add3A_497 : vector<16xf32> to vector<1x16xf32>
      tpu.vector_store %arg9[%swap3A_498, %swap3A_499], %swap3A_502 {strides = array<i32>} : memref<32x1024xf32, #tpu.memory_space<vmem>>, vector<1x16xf32>,
      %scan3A_503 = arith.constant 0 : i32
      scf.yield %scan3A_503 : i32
    }
    %scan3A_442 = arith.constant 64 : i32
    %scan3A_443 = arith.constant 0 : i32
    %scan3A_444 = arith.constant 0 : i32
    %scan3A_445 = arith.constant 64 : i32
    %scan3A_446 = arith.addi %scan3A_444, %scan3A_445 : i32
    %scan3A_447 = arith.constant 1 : i32
    %scan3A_448 = scf.for %scan3A_478 = %scan3A_444 to %scan3A_446 step %scan3A_447 iter_args(%scan3A_479 = %scan3A_443) -> (i32)  : i32 {
      %mul3A_480 = arith.constant 16 : i32
      %mul3A_481 = arith.muli %scan3A_478, %mul3A_480 : i32
      %get3A = arith.constant 27 : i32
      %get3A_482 = arith.index_cast %get3A : i32 to index
      %get3A_483 = arith.index_cast %mul3A_481 : i32 to index
      %get3A_484 = tpu.vector_load %arg9[%get3A_482, %get3A_483] {strides = array<i32>} : memref<32x1024xf32, #tpu.memory_space<vmem>>, vector<1x16xf32>,
      %get3A_485 = vector.shape_cast %get3A_484 : vector<1x16xf32> to vector<16xf32>
      %get3A_486 = arith.constant 27 : i32
      %get3A_487 = arith.index_cast %get3A_486 : i32 to index
      %get3A_488 = arith.index_cast %mul3A_481 : i32 to index
      %get3A_489 = tpu.vector_load %arg10[%get3A_487, %get3A_488] {strides = array<i32>} : memref<32x1024xf32, #tpu.memory_space<vmem>>, vector<1x16xf32>,
      %get3A_490 = vector.shape_cast %get3A_489 : vector<1x16xf32> to vector<16xf32>
      %add3A_491 = arith.addf %get3A_485, %get3A_490 : vector<16xf32>
      %get3A_492 = arith.constant 27 : i32
      %get3A_493 = arith.index_cast %get3A_492 : i32 to index
      %get3A_494 = arith.index_cast %mul3A_481 : i32 to index
      %get3A_495 = tpu.vector_load %arg11[%get3A_493, %get3A_494] {strides = array<i32>} : memref<32x1024xf32, #tpu.memory_space<vmem>>, vector<1x16xf32>,
      %get3A_496 = vector.shape_cast %get3A_495 : vector<1x16xf32> to vector<16xf32>
      %add3A_497 = arith.addf %add3A_491, %get3A_496 : vector<16xf32>
      %swap3A = arith.constant 27 : i32
      %swap3A_498 = arith.index_cast %swap3A : i32 to index
      %swap3A_499 = arith.index_cast %mul3A_481 : i32 to index
      %swap3A_500 = tpu.vector_load %arg9[%swap3A_498, %swap3A_499] {strides = array<i32>} : memref<32x1024xf32, #tpu.memory_space<vmem>>, vector<1x16xf32>,
      %swap3A_501 = vector.shape_cast %swap3A_500 : vector<1x16xf32> to vector<16xf32>
      %swap3A_502 = vector.shape_cast %add3A_497 : vector<16xf32> to vector<1x16xf32>
      tpu.vector_store %arg9[%swap3A_498, %swap3A_499], %swap3A_502 {strides = array<i32>} : memref<32x1024xf32, #tpu.memory_space<vmem>>, vector<1x16xf32>,
      %scan3A_503 = arith.constant 0 : i32
      scf.yield %scan3A_503 : i32
    }
    %scan3A_449 = arith.constant 64 : i32
    %scan3A_450 = arith.constant 0 : i32
    %scan3A_451 = arith.constant 0 : i32
    %scan3A_452 = arith.constant 64 : i32
    %scan3A_453 = arith.addi %scan3A_451, %scan3A_452 : i32
    %scan3A_454 = arith.constant 1 : i32
    %scan3A_455 = scf.for %scan3A_478 = %scan3A_451 to %scan3A_453 step %scan3A_454 iter_args(%scan3A_479 = %scan3A_450) -> (i32)  : i32 {
      %mul3A_480 = arith.constant 16 : i32
      %mul3A_481 = arith.muli %scan3A_478, %mul3A_480 : i32
      %get3A = arith.constant 28 : i32
      %get3A_482 = arith.index_cast %get3A : i32 to index
      %get3A_483 = arith.index_cast %mul3A_481 : i32 to index
      %get3A_484 = tpu.vector_load %arg9[%get3A_482, %get3A_483] {strides = array<i32>} : memref<32x1024xf32, #tpu.memory_space<vmem>>, vector<1x16xf32>,
      %get3A_485 = vector.shape_cast %get3A_484 : vector<1x16xf32> to vector<16xf32>
      %get3A_486 = arith.constant 28 : i32
      %get3A_487 = arith.index_cast %get3A_486 : i32 to index
      %get3A_488 = arith.index_cast %mul3A_481 : i32 to index
      %get3A_489 = tpu.vector_load %arg10[%get3A_487, %get3A_488] {strides = array<i32>} : memref<32x1024xf32, #tpu.memory_space<vmem>>, vector<1x16xf32>,
      %get3A_490 = vector.shape_cast %get3A_489 : vector<1x16xf32> to vector<16xf32>
      %add3A_491 = arith.addf %get3A_485, %get3A_490 : vector<16xf32>
      %get3A_492 = arith.constant 28 : i32
      %get3A_493 = arith.index_cast %get3A_492 : i32 to index
      %get3A_494 = arith.index_cast %mul3A_481 : i32 to index
      %get3A_495 = tpu.vector_load %arg11[%get3A_493, %get3A_494] {strides = array<i32>} : memref<32x1024xf32, #tpu.memory_space<vmem>>, vector<1x16xf32>,
      %get3A_496 = vector.shape_cast %get3A_495 : vector<1x16xf32> to vector<16xf32>
      %add3A_497 = arith.addf %add3A_491, %get3A_496 : vector<16xf32>
      %swap3A = arith.constant 28 : i32
      %swap3A_498 = arith.index_cast %swap3A : i32 to index
      %swap3A_499 = arith.index_cast %mul3A_481 : i32 to index
      %swap3A_500 = tpu.vector_load %arg9[%swap3A_498, %swap3A_499] {strides = array<i32>} : memref<32x1024xf32, #tpu.memory_space<vmem>>, vector<1x16xf32>,
      %swap3A_501 = vector.shape_cast %swap3A_500 : vector<1x16xf32> to vector<16xf32>
      %swap3A_502 = vector.shape_cast %add3A_497 : vector<16xf32> to vector<1x16xf32>
      tpu.vector_store %arg9[%swap3A_498, %swap3A_499], %swap3A_502 {strides = array<i32>} : memref<32x1024xf32, #tpu.memory_space<vmem>>, vector<1x16xf32>,
      %scan3A_503 = arith.constant 0 : i32
      scf.yield %scan3A_503 : i32
    }
    %scan3A_456 = arith.constant 64 : i32
    %scan3A_457 = arith.constant 0 : i32
    %scan3A_458 = arith.constant 0 : i32
    %scan3A_459 = arith.constant 64 : i32
    %scan3A_460 = arith.addi %scan3A_458, %scan3A_459 : i32
    %scan3A_461 = arith.constant 1 : i32
    %scan3A_462 = scf.for %scan3A_478 = %scan3A_458 to %scan3A_460 step %scan3A_461 iter_args(%scan3A_479 = %scan3A_457) -> (i32)  : i32 {
      %mul3A_480 = arith.constant 16 : i32
      %mul3A_481 = arith.muli %scan3A_478, %mul3A_480 : i32
      %get3A = arith.constant 29 : i32
      %get3A_482 = arith.index_cast %get3A : i32 to index
      %get3A_483 = arith.index_cast %mul3A_481 : i32 to index
      %get3A_484 = tpu.vector_load %arg9[%get3A_482, %get3A_483] {strides = array<i32>} : memref<32x1024xf32, #tpu.memory_space<vmem>>, vector<1x16xf32>,
      %get3A_485 = vector.shape_cast %get3A_484 : vector<1x16xf32> to vector<16xf32>
      %get3A_486 = arith.constant 29 : i32
      %get3A_487 = arith.index_cast %get3A_486 : i32 to index
      %get3A_488 = arith.index_cast %mul3A_481 : i32 to index
      %get3A_489 = tpu.vector_load %arg10[%get3A_487, %get3A_488] {strides = array<i32>} : memref<32x1024xf32, #tpu.memory_space<vmem>>, vector<1x16xf32>,
      %get3A_490 = vector.shape_cast %get3A_489 : vector<1x16xf32> to vector<16xf32>
      %add3A_491 = arith.addf %get3A_485, %get3A_490 : vector<16xf32>
      %get3A_492 = arith.constant 29 : i32
      %get3A_493 = arith.index_cast %get3A_492 : i32 to index
      %get3A_494 = arith.index_cast %mul3A_481 : i32 to index
      %get3A_495 = tpu.vector_load %arg11[%get3A_493, %get3A_494] {strides = array<i32>} : memref<32x1024xf32, #tpu.memory_space<vmem>>, vector<1x16xf32>,
      %get3A_496 = vector.shape_cast %get3A_495 : vector<1x16xf32> to vector<16xf32>
      %add3A_497 = arith.addf %add3A_491, %get3A_496 : vector<16xf32>
      %swap3A = arith.constant 29 : i32
      %swap3A_498 = arith.index_cast %swap3A : i32 to index
      %swap3A_499 = arith.index_cast %mul3A_481 : i32 to index
      %swap3A_500 = tpu.vector_load %arg9[%swap3A_498, %swap3A_499] {strides = array<i32>} : memref<32x1024xf32, #tpu.memory_space<vmem>>, vector<1x16xf32>,
      %swap3A_501 = vector.shape_cast %swap3A_500 : vector<1x16xf32> to vector<16xf32>
      %swap3A_502 = vector.shape_cast %add3A_497 : vector<16xf32> to vector<1x16xf32>
      tpu.vector_store %arg9[%swap3A_498, %swap3A_499], %swap3A_502 {strides = array<i32>} : memref<32x1024xf32, #tpu.memory_space<vmem>>, vector<1x16xf32>,
      %scan3A_503 = arith.constant 0 : i32
      scf.yield %scan3A_503 : i32
    }
    %scan3A_463 = arith.constant 64 : i32
    %scan3A_464 = arith.constant 0 : i32
    %scan3A_465 = arith.constant 0 : i32
    %scan3A_466 = arith.constant 64 : i32
    %scan3A_467 = arith.addi %scan3A_465, %scan3A_466 : i32
    %scan3A_468 = arith.constant 1 : i32
    %scan3A_469 = scf.for %scan3A_478 = %scan3A_465 to %scan3A_467 step %scan3A_468 iter_args(%scan3A_479 = %scan3A_464) -> (i32)  : i32 {
      %mul3A_480 = arith.constant 16 : i32
      %mul3A_481 = arith.muli %scan3A_478, %mul3A_480 : i32
      %get3A = arith.constant 30 : i32
      %get3A_482 = arith.index_cast %get3A : i32 to index
      %get3A_483 = arith.index_cast %mul3A_481 : i32 to index
      %get3A_484 = tpu.vector_load %arg9[%get3A_482, %get3A_483] {strides = array<i32>} : memref<32x1024xf32, #tpu.memory_space<vmem>>, vector<1x16xf32>,
      %get3A_485 = vector.shape_cast %get3A_484 : vector<1x16xf32> to vector<16xf32>
      %get3A_486 = arith.constant 30 : i32
      %get3A_487 = arith.index_cast %get3A_486 : i32 to index
      %get3A_488 = arith.index_cast %mul3A_481 : i32 to index
      %get3A_489 = tpu.vector_load %arg10[%get3A_487, %get3A_488] {strides = array<i32>} : memref<32x1024xf32, #tpu.memory_space<vmem>>, vector<1x16xf32>,
      %get3A_490 = vector.shape_cast %get3A_489 : vector<1x16xf32> to vector<16xf32>
      %add3A_491 = arith.addf %get3A_485, %get3A_490 : vector<16xf32>
      %get3A_492 = arith.constant 30 : i32
      %get3A_493 = arith.index_cast %get3A_492 : i32 to index
      %get3A_494 = arith.index_cast %mul3A_481 : i32 to index
      %get3A_495 = tpu.vector_load %arg11[%get3A_493, %get3A_494] {strides = array<i32>} : memref<32x1024xf32, #tpu.memory_space<vmem>>, vector<1x16xf32>,
      %get3A_496 = vector.shape_cast %get3A_495 : vector<1x16xf32> to vector<16xf32>
      %add3A_497 = arith.addf %add3A_491, %get3A_496 : vector<16xf32>
      %swap3A = arith.constant 30 : i32
      %swap3A_498 = arith.index_cast %swap3A : i32 to index
      %swap3A_499 = arith.index_cast %mul3A_481 : i32 to index
      %swap3A_500 = tpu.vector_load %arg9[%swap3A_498, %swap3A_499] {strides = array<i32>} : memref<32x1024xf32, #tpu.memory_space<vmem>>, vector<1x16xf32>,
      %swap3A_501 = vector.shape_cast %swap3A_500 : vector<1x16xf32> to vector<16xf32>
      %swap3A_502 = vector.shape_cast %add3A_497 : vector<16xf32> to vector<1x16xf32>
      tpu.vector_store %arg9[%swap3A_498, %swap3A_499], %swap3A_502 {strides = array<i32>} : memref<32x1024xf32, #tpu.memory_space<vmem>>, vector<1x16xf32>,
      %scan3A_503 = arith.constant 0 : i32
      scf.yield %scan3A_503 : i32
    }
    %scan3A_470 = arith.constant 64 : i32
    %scan3A_471 = arith.constant 0 : i32
    %scan3A_472 = arith.constant 0 : i32
    %scan3A_473 = arith.constant 64 : i32
    %scan3A_474 = arith.addi %scan3A_472, %scan3A_473 : i32
    %scan3A_475 = arith.constant 1 : i32
    %scan3A_476 = scf.for %scan3A_478 = %scan3A_472 to %scan3A_474 step %scan3A_475 iter_args(%scan3A_479 = %scan3A_471) -> (i32)  : i32 {
      %mul3A_480 = arith.constant 16 : i32
      %mul3A_481 = arith.muli %scan3A_478, %mul3A_480 : i32
      %get3A = arith.constant 31 : i32
      %get3A_482 = arith.index_cast %get3A : i32 to index
      %get3A_483 = arith.index_cast %mul3A_481 : i32 to index
      %get3A_484 = tpu.vector_load %arg9[%get3A_482, %get3A_483] {strides = array<i32>} : memref<32x1024xf32, #tpu.memory_space<vmem>>, vector<1x16xf32>,
      %get3A_485 = vector.shape_cast %get3A_484 : vector<1x16xf32> to vector<16xf32>
      %get3A_486 = arith.constant 31 : i32
      %get3A_487 = arith.index_cast %get3A_486 : i32 to index
      %get3A_488 = arith.index_cast %mul3A_481 : i32 to index
      %get3A_489 = tpu.vector_load %arg10[%get3A_487, %get3A_488] {strides = array<i32>} : memref<32x1024xf32, #tpu.memory_space<vmem>>, vector<1x16xf32>,
      %get3A_490 = vector.shape_cast %get3A_489 : vector<1x16xf32> to vector<16xf32>
      %add3A_491 = arith.addf %get3A_485, %get3A_490 : vector<16xf32>
      %get3A_492 = arith.constant 31 : i32
      %get3A_493 = arith.index_cast %get3A_492 : i32 to index
      %get3A_494 = arith.index_cast %mul3A_481 : i32 to index
      %get3A_495 = tpu.vector_load %arg11[%get3A_493, %get3A_494] {strides = array<i32>} : memref<32x1024xf32, #tpu.memory_space<vmem>>, vector<1x16xf32>,
      %get3A_496 = vector.shape_cast %get3A_495 : vector<1x16xf32> to vector<16xf32>
      %add3A_497 = arith.addf %add3A_491, %get3A_496 : vector<16xf32>
      %swap3A = arith.constant 31 : i32
      %swap3A_498 = arith.index_cast %swap3A : i32 to index
      %swap3A_499 = arith.index_cast %mul3A_481 : i32 to index
      %swap3A_500 = tpu.vector_load %arg9[%swap3A_498, %swap3A_499] {strides = array<i32>} : memref<32x1024xf32, #tpu.memory_space<vmem>>, vector<1x16xf32>,
      %swap3A_501 = vector.shape_cast %swap3A_500 : vector<1x16xf32> to vector<16xf32>
      %swap3A_502 = vector.shape_cast %add3A_497 : vector<16xf32> to vector<1x16xf32>
      tpu.vector_store %arg9[%swap3A_498, %swap3A_499], %swap3A_502 {strides = array<i32>} : memref<32x1024xf32, #tpu.memory_space<vmem>>, vector<1x16xf32>,
      %scan3A_503 = arith.constant 0 : i32
      scf.yield %scan3A_503 : i32
    }
    %scan3A_477 = arith.constant 64 : i32
    "tpu.region"() ({
      %run_scoped3A = tpu.sem_alloc : memref<!tpu.dma_semaphore, #tpu.memory_space<semaphore_mem>>
      %dma_start3A_478 = arith.constant 0 : i32
      %dma_start3A_479 = tpu.memref_slice %arg6[%add3A_241, %dma_start3A_478] : memref<2048x1024xf32, #tpu.memory_space<hbm>> -> memref<32x1024xf32, #tpu.memory_space<hbm>>
      %dma_start3A_480 = arith.constant 0 : i32
      %dma_start3A_481 = tpu.memref_slice %arg6[%add3A_241, %dma_start3A_480] : memref<2048x1024xf32, #tpu.memory_space<hbm>> -> memref<32x1024xf32, #tpu.memory_space<hbm>>
      tpu.enqueue_dma source(%arg9 : memref<32x1024xf32, #tpu.memory_space<vmem>>) target(%dma_start3A_481 : memref<32x1024xf32, #tpu.memory_space<hbm>>) target_semaphore(%run_scoped3A : memref<!tpu.dma_semaphore, #tpu.memory_space<semaphore_mem>>)
      %dma_wait3A_482 = arith.constant 0 : i32
      %dma_wait3A_483 = tpu.memref_slice %arg6[%add3A_241, %dma_wait3A_482] : memref<2048x1024xf32, #tpu.memory_space<hbm>> -> memref<32x1024xf32, #tpu.memory_space<hbm>>
      %dma_wait3A_484 = arith.constant 0 : i32
      %dma_wait3A_485 = tpu.memref_slice %arg6[%add3A_241, %dma_wait3A_484] : memref<2048x1024xf32, #tpu.memory_space<hbm>> -> memref<32x1024xf32, #tpu.memory_space<hbm>>
      tpu.wait_dma2 semaphore(%run_scoped3A : memref<!tpu.dma_semaphore, #tpu.memory_space<semaphore_mem>>) src(%arg9 : memref<32x1024xf32, #tpu.memory_space<vmem>>) dst(%dma_wait3A_485 : memref<32x1024xf32, #tpu.memory_space<hbm>>)
      tpu.yield
    }) : () -> ()
    return
  }
}

module attributes {stable_mosaic.version = 14 : i64} {
  func.func @_qkv_kernel(%arg0: i32, %arg1: memref<256x1024xf32, #tpu.memory_space<vmem>>, %arg2: memref<1x1024xf32, #tpu.memory_space<vmem>>, %arg3: memref<1x1024xf32, #tpu.memory_space<vmem>>, %arg4: memref<1024x3072xbf16, #tpu.memory_space<vmem>>, %arg5: memref<256x3072xf32, #tpu.memory_space<vmem>>) attributes {dimension_semantics = [#tpu.dimension_semantics<arbitrary>], iteration_bounds = array<i64: 8>, scalar_prefetch = 0 : i64, scratch_operands = 0 : i64, tpu.core_type = #tpu.core_type<tc>, window_params = [{transform_indices = @transform_0, window_bounds = array<i64: 256, 1024>}, {pipeline_mode = #tpu.pipeline_mode<synchronous>, transform_indices = @transform_1, window_bounds = array<i64: 1, 1024>}, {pipeline_mode = #tpu.pipeline_mode<synchronous>, transform_indices = @transform_2, window_bounds = array<i64: 1, 1024>}, {pipeline_mode = #tpu.pipeline_mode<synchronous>, transform_indices = @transform_3, window_bounds = array<i64: 1024, 3072>}, {transform_indices = @transform_4, window_bounds = array<i64: 256, 3072>}]} {
    %get3A = arith.constant 0 : index
    %get3A_0 = arith.constant 0 : index
    %get3A_1 = vector.load %arg1[%get3A, %get3A_0] : memref<256x1024xf32, #tpu.memory_space<vmem>>, vector<256x1024xf32>
    %get3A_2 = arith.constant 0 : index
    %get3A_3 = arith.constant 0 : index
    %get3A_4 = vector.load %arg2[%get3A_2, %get3A_3] : memref<1x1024xf32, #tpu.memory_space<vmem>>, vector<1x1024xf32>
    %get3A_5 = arith.constant 0 : index
    %get3A_6 = arith.constant 0 : index
    %get3A_7 = vector.load %arg3[%get3A_5, %get3A_6] : memref<1x1024xf32, #tpu.memory_space<vmem>>, vector<1x1024xf32>
    %reduce_sum3A = arith.constant dense<0.000000e+00> : vector<256xf32>
    %reduce_sum3A_8 = vector.multi_reduction <add>, %get3A_1, %reduce_sum3A [1] : vector<256x1024xf32> to vector<256xf32>
    %broadcast_in_dim3A = vector.shape_cast %reduce_sum3A_8 : vector<256xf32> to vector<256x1xf32>
    %div3A = arith.constant 1.024000e+03 : f32
    %div3A_9 = vector.broadcast %div3A : f32 to vector<256x1xf32>
    %div3A_10 = arith.divf %broadcast_in_dim3A, %div3A_9 : vector<256x1xf32>
    %sub3A = vector.broadcast %div3A_10 : vector<256x1xf32> to vector<256x1024xf32>
    %sub3A_11 = arith.subf %get3A_1, %sub3A : vector<256x1024xf32>
    %integer_pow3A = arith.mulf %sub3A_11, %sub3A_11 : vector<256x1024xf32>
    %reduce_sum3A_12 = arith.constant dense<0.000000e+00> : vector<256xf32>
    %reduce_sum3A_13 = vector.multi_reduction <add>, %integer_pow3A, %reduce_sum3A_12 [1] : vector<256x1024xf32> to vector<256xf32>
    %broadcast_in_dim3A_14 = vector.shape_cast %reduce_sum3A_13 : vector<256xf32> to vector<256x1xf32>
    %div3A_15 = arith.constant 1.024000e+03 : f32
    %div3A_16 = vector.broadcast %div3A_15 : f32 to vector<256x1xf32>
    %div3A_17 = arith.divf %broadcast_in_dim3A_14, %div3A_16 : vector<256x1xf32>
    %sub3A_18 = vector.broadcast %div3A_10 : vector<256x1xf32> to vector<256x1024xf32>
    %sub3A_19 = arith.subf %get3A_1, %sub3A_18 : vector<256x1024xf32>
    %add3A = arith.constant 9.99999974E-6 : f32
    %add3A_20 = vector.broadcast %add3A : f32 to vector<256x1xf32>
    %add3A_21 = arith.addf %div3A_17, %add3A_20 : vector<256x1xf32>
    %sqrt3A = math.sqrt %add3A_21 : vector<256x1xf32>
    %div3A_22 = vector.broadcast %sqrt3A : vector<256x1xf32> to vector<256x1024xf32>
    %div3A_23 = arith.divf %sub3A_19, %div3A_22 : vector<256x1024xf32>
    %mul3A = vector.broadcast %get3A_4 : vector<1x1024xf32> to vector<256x1024xf32>
    %mul3A_24 = arith.mulf %div3A_23, %mul3A : vector<256x1024xf32>
    %add3A_25 = vector.broadcast %get3A_7 : vector<1x1024xf32> to vector<256x1024xf32>
    %add3A_26 = arith.addf %mul3A_24, %add3A_25 : vector<256x1024xf32>
    %convert_element_type3A = arith.truncf %add3A_26 : vector<256x1024xf32> to vector<256x1024xbf16>
    %get3A_27 = arith.constant 0 : index
    %get3A_28 = arith.constant 0 : index
    %get3A_29 = vector.load %arg4[%get3A_27, %get3A_28] : memref<1024x3072xbf16, #tpu.memory_space<vmem>>, vector<1024x3072xbf16>
    %dot_general3A = arith.constant dense<0.000000e+00> : vector<256x3072xf32>
    %dot_general3A_30 = tpu.matmul %convert_element_type3A, %get3A_29, %dot_general3A {dimension_numbers = #tpu.dot_dimension_numbers<[1], [0], [0], [1], [0, 0, 1, 1], [], []>, transpose_lhs_hint = false} : vector<256x1024xbf16>, vector<1024x3072xbf16>, vector<256x3072xf32> -> vector<256x3072xf32>
    %swap3A = arith.constant 0 : index
    %swap3A_31 = arith.constant 0 : index
    %swap3A_32 = vector.load %arg5[%swap3A, %swap3A_31] : memref<256x3072xf32, #tpu.memory_space<vmem>>, vector<256x3072xf32>
    tpu.vector_store %arg5[%swap3A, %swap3A_31], %dot_general3A_30 {strides = array<i32>} : memref<256x3072xf32, #tpu.memory_space<vmem>>, vector<256x3072xf32>,
    return
  }
  func.func @transform_0(%arg0: i32) -> (i32, i32) {
    %c0_i32 = arith.constant 0 : i32
    %c0_i32_0 = arith.constant 0 : i32
    return %arg0, %c0_i32 : i32, i32
  }
  func.func @transform_1(%arg0: i32) -> (i32, i32) {
    %c0_i32 = arith.constant 0 : i32
    %c0_i32_0 = arith.constant 0 : i32
    %c0_i32_1 = arith.constant 0 : i32
    return %c0_i32, %c0_i32_0 : i32, i32
  }
  func.func @transform_2(%arg0: i32) -> (i32, i32) {
    %c0_i32 = arith.constant 0 : i32
    %c0_i32_0 = arith.constant 0 : i32
    %c0_i32_1 = arith.constant 0 : i32
    return %c0_i32, %c0_i32_0 : i32, i32
  }
  func.func @transform_3(%arg0: i32) -> (i32, i32) {
    %c0_i32 = arith.constant 0 : i32
    %c0_i32_0 = arith.constant 0 : i32
    %c0_i32_1 = arith.constant 0 : i32
    return %c0_i32, %c0_i32_0 : i32, i32
  }
  func.func @transform_4(%arg0: i32) -> (i32, i32) {
    %c0_i32 = arith.constant 0 : i32
    %c0_i32_0 = arith.constant 0 : i32
    return %arg0, %c0_i32 : i32, i32
  }
}

module attributes {stable_mosaic.version = 14 : i64} {
  func.func @_attn_kernel(%arg0: i32, %arg1: i32, %arg2: memref<512x128xf32, #tpu.memory_space<vmem>>, %arg3: memref<2048x128xf32, #tpu.memory_space<vmem>>, %arg4: memref<2048x128xf32, #tpu.memory_space<vmem>>, %arg5: memref<512x128xf32, #tpu.memory_space<vmem>>, %arg6: memref<512x2048xf32, #tpu.memory_space<vmem>>) attributes {dimension_semantics = [#tpu.dimension_semantics<arbitrary>, #tpu.dimension_semantics<arbitrary>], iteration_bounds = array<i64: 8, 4>, scalar_prefetch = 0 : i64, scratch_operands = 1 : i64, tpu.core_type = #tpu.core_type<tc>, window_params = [{transform_indices = @transform_0, window_bounds = array<i64: 512, 128>}, {transform_indices = @transform_1, window_bounds = array<i64: 2048, 128>}, {transform_indices = @transform_2, window_bounds = array<i64: 2048, 128>}, {transform_indices = @transform_3, window_bounds = array<i64: 512, 128>}]} {
    %iota3A = tpu.iota {dimensions = array<i32: 0>} : vector<512x512xi32>
    %iota3A_0 = tpu.iota {dimensions = array<i32: 1>} : vector<512x512xi32>
    %get3A = arith.constant 0 : index
    %get3A_1 = arith.constant 0 : index
    %get3A_2 = vector.load %arg2[%get3A, %get3A_1] : memref<512x128xf32, #tpu.memory_space<vmem>>, vector<512x64xf32>
    %convert_element_type3A = arith.truncf %get3A_2 : vector<512x64xf32> to vector<512x64xbf16>
    %add3A = arith.constant 1 : i32
    %add3A_3 = arith.addi %arg1, %add3A : i32
    %broadcast_in_dim3A = arith.constant 0xFF800000 : f32
    %broadcast_in_dim3A_4 = vector.broadcast %broadcast_in_dim3A : f32 to vector<512x1xf32>
    %while3A = arith.constant 0 : i32
    %while3A_5 = arith.subi %add3A_3, %while3A : i32
    %while3A_6 = arith.addi %while3A, %while3A_5 : i32
    %while3A_7 = arith.constant 1 : i32
    %while3A_8 = arith.divsi %while3A_5, %while3A_7 : i32
    %while3A_9 = arith.muli %while3A_8, %while3A_7 : i32
    %while3A_10 = arith.addi %while3A, %while3A_9 : i32
    %while3A_11 = arith.constant 1 : i32
    %while3A_12 = scf.for %while3A_104 = %while3A to %while3A_10 step %while3A_11 iter_args(%while3A_105 = %broadcast_in_dim3A_4) -> (vector<512x1xf32>)  : i32 {
      %mul3A = arith.constant 512 : i32
      %mul3A_106 = arith.muli %while3A_104, %mul3A : i32
      %get3A_107 = arith.index_cast %mul3A_106 : i32 to index
      %get3A_108 = arith.constant 0 : index
      %get3A_109 = vector.load %arg3[%get3A_107, %get3A_108] : memref<2048x128xf32, #tpu.memory_space<vmem>>, vector<512x64xf32>
      %convert_element_type3A_110 = arith.truncf %get3A_109 : vector<512x64xf32> to vector<512x64xbf16>
      %dot_general3A = arith.constant dense<0.000000e+00> : vector<512x512xf32>
      %dot_general3A_111 = tpu.matmul %convert_element_type3A, %convert_element_type3A_110, %dot_general3A {dimension_numbers = #tpu.dot_dimension_numbers<[1], [1], [0], [0], [0, 0, 1, 0], [], []>, transpose_lhs_hint = false} : vector<512x64xbf16>, vector<512x64xbf16>, vector<512x512xf32> -> vector<512x512xf32>
      %mul3A_112 = arith.constant 1.250000e-01 : f32
      %mul3A_113 = vector.broadcast %mul3A_112 : f32 to vector<512x512xf32>
      %mul3A_114 = arith.mulf %dot_general3A_111, %mul3A_113 : vector<512x512xf32>
      %lt3A = arith.cmpi slt, %while3A_104, %arg1 : i32
      %ge3A = arith.cmpi sge, %iota3A, %iota3A_0 : vector<512x512xi32>
      %or3A = vector.broadcast %lt3A : i1 to vector<512x512xi1>
      %or3A_115 = arith.ori %or3A, %ge3A : vector<512x512xi1>
      %jit3A = arith.constant 0xFF800000 : f32
      %broadcast_in_dim3A_116 = vector.broadcast %jit3A : f32 to vector<512x512xf32>
      %select_n3A = arith.select %or3A_115, %mul3A_114, %broadcast_in_dim3A_116 : vector<512x512xi1>, vector<512x512xf32>
      %mul3A_117 = arith.constant 512 : i32
      %mul3A_118 = arith.muli %while3A_104, %mul3A_117 : i32
      %swap3A_119 = arith.constant 0 : index
      %swap3A_120 = arith.index_cast %mul3A_118 : i32 to index
      %swap3A_121 = vector.load %arg6[%swap3A_119, %swap3A_120] : memref<512x2048xf32, #tpu.memory_space<vmem>>, vector<512x512xf32>
      tpu.vector_store %arg6[%swap3A_119, %swap3A_120], %select_n3A {strides = array<i32>} : memref<512x2048xf32, #tpu.memory_space<vmem>>, vector<512x512xf32>,
      %reduce_max3A = arith.constant dense<0xFF800000> : vector<512xf32>
      %reduce_max3A_122 = vector.multi_reduction <maximumf>, %select_n3A, %reduce_max3A [1] : vector<512x512xf32> to vector<512xf32>
      %broadcast_in_dim3A_123 = vector.shape_cast %reduce_max3A_122 : vector<512xf32> to vector<512x1xf32>
      %max3A = arith.maximumf %while3A_105, %broadcast_in_dim3A_123 : vector<512x1xf32>
      scf.yield %max3A : vector<512x1xf32>
    }
    %while3A_13 = arith.constant 1 : i32
    %while3A_14 = scf.for %while3A_104 = %while3A_10 to %while3A_6 step %while3A_13 iter_args(%while3A_105 = %while3A_12) -> (vector<512x1xf32>)  : i32 {
      %mul3A = arith.constant 512 : i32
      %mul3A_106 = arith.muli %while3A_104, %mul3A : i32
      %get3A_107 = arith.index_cast %mul3A_106 : i32 to index
      %get3A_108 = arith.constant 0 : index
      %get3A_109 = vector.load %arg3[%get3A_107, %get3A_108] : memref<2048x128xf32, #tpu.memory_space<vmem>>, vector<512x64xf32>
      %convert_element_type3A_110 = arith.truncf %get3A_109 : vector<512x64xf32> to vector<512x64xbf16>
      %dot_general3A = arith.constant dense<0.000000e+00> : vector<512x512xf32>
      %dot_general3A_111 = tpu.matmul %convert_element_type3A, %convert_element_type3A_110, %dot_general3A {dimension_numbers = #tpu.dot_dimension_numbers<[1], [1], [0], [0], [0, 0, 1, 0], [], []>, transpose_lhs_hint = false} : vector<512x64xbf16>, vector<512x64xbf16>, vector<512x512xf32> -> vector<512x512xf32>
      %mul3A_112 = arith.constant 1.250000e-01 : f32
      %mul3A_113 = vector.broadcast %mul3A_112 : f32 to vector<512x512xf32>
      %mul3A_114 = arith.mulf %dot_general3A_111, %mul3A_113 : vector<512x512xf32>
      %lt3A = arith.cmpi slt, %while3A_104, %arg1 : i32
      %ge3A = arith.cmpi sge, %iota3A, %iota3A_0 : vector<512x512xi32>
      %or3A = vector.broadcast %lt3A : i1 to vector<512x512xi1>
      %or3A_115 = arith.ori %or3A, %ge3A : vector<512x512xi1>
      %jit3A = arith.constant 0xFF800000 : f32
      %broadcast_in_dim3A_116 = vector.broadcast %jit3A : f32 to vector<512x512xf32>
      %select_n3A = arith.select %or3A_115, %mul3A_114, %broadcast_in_dim3A_116 : vector<512x512xi1>, vector<512x512xf32>
      %mul3A_117 = arith.constant 512 : i32
      %mul3A_118 = arith.muli %while3A_104, %mul3A_117 : i32
      %swap3A_119 = arith.constant 0 : index
      %swap3A_120 = arith.index_cast %mul3A_118 : i32 to index
      %swap3A_121 = vector.load %arg6[%swap3A_119, %swap3A_120] : memref<512x2048xf32, #tpu.memory_space<vmem>>, vector<512x512xf32>
      tpu.vector_store %arg6[%swap3A_119, %swap3A_120], %select_n3A {strides = array<i32>} : memref<512x2048xf32, #tpu.memory_space<vmem>>, vector<512x512xf32>,
      %reduce_max3A = arith.constant dense<0xFF800000> : vector<512xf32>
      %reduce_max3A_122 = vector.multi_reduction <maximumf>, %select_n3A, %reduce_max3A [1] : vector<512x512xf32> to vector<512xf32>
      %broadcast_in_dim3A_123 = vector.shape_cast %reduce_max3A_122 : vector<512xf32> to vector<512x1xf32>
      %max3A = arith.maximumf %while3A_105, %broadcast_in_dim3A_123 : vector<512x1xf32>
      scf.yield %max3A : vector<512x1xf32>
    }
    %add3A_15 = arith.constant 1 : i32
    %add3A_16 = arith.addi %arg1, %add3A_15 : i32
    %broadcast_in_dim3A_17 = arith.constant 0.000000e+00 : f32
    %broadcast_in_dim3A_18 = vector.broadcast %broadcast_in_dim3A_17 : f32 to vector<512x1xf32>
    %while3A_19 = arith.constant 0 : i32
    %while3A_20 = arith.subi %add3A_16, %while3A_19 : i32
    %while3A_21 = arith.addi %while3A_19, %while3A_20 : i32
    %while3A_22 = arith.constant 1 : i32
    %while3A_23 = arith.divsi %while3A_20, %while3A_22 : i32
    %while3A_24 = arith.muli %while3A_23, %while3A_22 : i32
    %while3A_25 = arith.addi %while3A_19, %while3A_24 : i32
    %while3A_26 = arith.constant 1 : i32
    %while3A_27 = scf.for %while3A_104 = %while3A_19 to %while3A_25 step %while3A_26 iter_args(%while3A_105 = %broadcast_in_dim3A_18) -> (vector<512x1xf32>)  : i32 {
      %mul3A = arith.constant 512 : i32
      %mul3A_106 = arith.muli %while3A_104, %mul3A : i32
      %get3A_107 = arith.constant 0 : index
      %get3A_108 = arith.index_cast %mul3A_106 : i32 to index
      %get3A_109 = vector.load %arg6[%get3A_107, %get3A_108] : memref<512x2048xf32, #tpu.memory_space<vmem>>, vector<512x512xf32>
      %sub3A = vector.broadcast %while3A_14 : vector<512x1xf32> to vector<512x512xf32>
      %sub3A_110 = arith.subf %get3A_109, %sub3A : vector<512x512xf32>
      %exp3A = math.exp %sub3A_110 : vector<512x512xf32>
      %mul3A_111 = arith.constant 512 : i32
      %mul3A_112 = arith.muli %while3A_104, %mul3A_111 : i32
      %swap3A_113 = arith.constant 0 : index
      %swap3A_114 = arith.index_cast %mul3A_112 : i32 to index
      %swap3A_115 = vector.load %arg6[%swap3A_113, %swap3A_114] : memref<512x2048xf32, #tpu.memory_space<vmem>>, vector<512x512xf32>
      tpu.vector_store %arg6[%swap3A_113, %swap3A_114], %exp3A {strides = array<i32>} : memref<512x2048xf32, #tpu.memory_space<vmem>>, vector<512x512xf32>,
      %reduce_sum3A = arith.constant dense<0.000000e+00> : vector<512xf32>
      %reduce_sum3A_116 = vector.multi_reduction <add>, %exp3A, %reduce_sum3A [1] : vector<512x512xf32> to vector<512xf32>
      %broadcast_in_dim3A_117 = vector.shape_cast %reduce_sum3A_116 : vector<512xf32> to vector<512x1xf32>
      %add3A_118 = arith.addf %while3A_105, %broadcast_in_dim3A_117 : vector<512x1xf32>
      scf.yield %add3A_118 : vector<512x1xf32>
    }
    %while3A_28 = arith.constant 1 : i32
    %while3A_29 = scf.for %while3A_104 = %while3A_25 to %while3A_21 step %while3A_28 iter_args(%while3A_105 = %while3A_27) -> (vector<512x1xf32>)  : i32 {
      %mul3A = arith.constant 512 : i32
      %mul3A_106 = arith.muli %while3A_104, %mul3A : i32
      %get3A_107 = arith.constant 0 : index
      %get3A_108 = arith.index_cast %mul3A_106 : i32 to index
      %get3A_109 = vector.load %arg6[%get3A_107, %get3A_108] : memref<512x2048xf32, #tpu.memory_space<vmem>>, vector<512x512xf32>
      %sub3A = vector.broadcast %while3A_14 : vector<512x1xf32> to vector<512x512xf32>
      %sub3A_110 = arith.subf %get3A_109, %sub3A : vector<512x512xf32>
      %exp3A = math.exp %sub3A_110 : vector<512x512xf32>
      %mul3A_111 = arith.constant 512 : i32
      %mul3A_112 = arith.muli %while3A_104, %mul3A_111 : i32
      %swap3A_113 = arith.constant 0 : index
      %swap3A_114 = arith.index_cast %mul3A_112 : i32 to index
      %swap3A_115 = vector.load %arg6[%swap3A_113, %swap3A_114] : memref<512x2048xf32, #tpu.memory_space<vmem>>, vector<512x512xf32>
      tpu.vector_store %arg6[%swap3A_113, %swap3A_114], %exp3A {strides = array<i32>} : memref<512x2048xf32, #tpu.memory_space<vmem>>, vector<512x512xf32>,
      %reduce_sum3A = arith.constant dense<0.000000e+00> : vector<512xf32>
      %reduce_sum3A_116 = vector.multi_reduction <add>, %exp3A, %reduce_sum3A [1] : vector<512x512xf32> to vector<512xf32>
      %broadcast_in_dim3A_117 = vector.shape_cast %reduce_sum3A_116 : vector<512xf32> to vector<512x1xf32>
      %add3A_118 = arith.addf %while3A_105, %broadcast_in_dim3A_117 : vector<512x1xf32>
      scf.yield %add3A_118 : vector<512x1xf32>
    }
    %div3A = arith.constant 1.000000e+00 : f32
    %div3A_30 = vector.broadcast %div3A : f32 to vector<512x1xf32>
    %div3A_31 = arith.divf %div3A_30, %while3A_29 : vector<512x1xf32>
    %add3A_32 = arith.constant 1 : i32
    %add3A_33 = arith.addi %arg1, %add3A_32 : i32
    %broadcast_in_dim3A_34 = arith.constant 0.000000e+00 : f32
    %broadcast_in_dim3A_35 = vector.broadcast %broadcast_in_dim3A_34 : f32 to vector<512x64xf32>
    %while3A_36 = arith.constant 0 : i32
    %while3A_37 = arith.subi %add3A_33, %while3A_36 : i32
    %while3A_38 = arith.addi %while3A_36, %while3A_37 : i32
    %while3A_39 = arith.constant 1 : i32
    %while3A_40 = arith.divsi %while3A_37, %while3A_39 : i32
    %while3A_41 = arith.muli %while3A_40, %while3A_39 : i32
    %while3A_42 = arith.addi %while3A_36, %while3A_41 : i32
    %while3A_43 = arith.constant 1 : i32
    %while3A_44 = scf.for %while3A_104 = %while3A_36 to %while3A_42 step %while3A_43 iter_args(%while3A_105 = %broadcast_in_dim3A_35) -> (vector<512x64xf32>)  : i32 {
      %mul3A = arith.constant 512 : i32
      %mul3A_106 = arith.muli %while3A_104, %mul3A : i32
      %get3A_107 = arith.constant 0 : index
      %get3A_108 = arith.index_cast %mul3A_106 : i32 to index
      %get3A_109 = vector.load %arg6[%get3A_107, %get3A_108] : memref<512x2048xf32, #tpu.memory_space<vmem>>, vector<512x512xf32>
      %mul3A_110 = vector.broadcast %div3A_31 : vector<512x1xf32> to vector<512x512xf32>
      %mul3A_111 = arith.mulf %get3A_109, %mul3A_110 : vector<512x512xf32>
      %convert_element_type3A_112 = arith.truncf %mul3A_111 : vector<512x512xf32> to vector<512x512xbf16>
      %mul3A_113 = arith.constant 512 : i32
      %mul3A_114 = arith.muli %while3A_104, %mul3A_113 : i32
      %get3A_115 = arith.index_cast %mul3A_114 : i32 to index
      %get3A_116 = arith.constant 0 : index
      %get3A_117 = vector.load %arg4[%get3A_115, %get3A_116] : memref<2048x128xf32, #tpu.memory_space<vmem>>, vector<512x64xf32>
      %convert_element_type3A_118 = arith.truncf %get3A_117 : vector<512x64xf32> to vector<512x64xbf16>
      %dot_general3A = arith.constant dense<0.000000e+00> : vector<512x64xf32>
      %dot_general3A_119 = tpu.matmul %convert_element_type3A_112, %convert_element_type3A_118, %dot_general3A {dimension_numbers = #tpu.dot_dimension_numbers<[1], [0], [0], [1], [0, 0, 1, 1], [], []>, transpose_lhs_hint = false} : vector<512x512xbf16>, vector<512x64xbf16>, vector<512x64xf32> -> vector<512x64xf32>
      %add3A_120 = arith.addf %while3A_105, %dot_general3A_119 : vector<512x64xf32>
      scf.yield %add3A_120 : vector<512x64xf32>
    }
    %while3A_45 = arith.constant 1 : i32
    %while3A_46 = scf.for %while3A_104 = %while3A_42 to %while3A_38 step %while3A_45 iter_args(%while3A_105 = %while3A_44) -> (vector<512x64xf32>)  : i32 {
      %mul3A = arith.constant 512 : i32
      %mul3A_106 = arith.muli %while3A_104, %mul3A : i32
      %get3A_107 = arith.constant 0 : index
      %get3A_108 = arith.index_cast %mul3A_106 : i32 to index
      %get3A_109 = vector.load %arg6[%get3A_107, %get3A_108] : memref<512x2048xf32, #tpu.memory_space<vmem>>, vector<512x512xf32>
      %mul3A_110 = vector.broadcast %div3A_31 : vector<512x1xf32> to vector<512x512xf32>
      %mul3A_111 = arith.mulf %get3A_109, %mul3A_110 : vector<512x512xf32>
      %convert_element_type3A_112 = arith.truncf %mul3A_111 : vector<512x512xf32> to vector<512x512xbf16>
      %mul3A_113 = arith.constant 512 : i32
      %mul3A_114 = arith.muli %while3A_104, %mul3A_113 : i32
      %get3A_115 = arith.index_cast %mul3A_114 : i32 to index
      %get3A_116 = arith.constant 0 : index
      %get3A_117 = vector.load %arg4[%get3A_115, %get3A_116] : memref<2048x128xf32, #tpu.memory_space<vmem>>, vector<512x64xf32>
      %convert_element_type3A_118 = arith.truncf %get3A_117 : vector<512x64xf32> to vector<512x64xbf16>
      %dot_general3A = arith.constant dense<0.000000e+00> : vector<512x64xf32>
      %dot_general3A_119 = tpu.matmul %convert_element_type3A_112, %convert_element_type3A_118, %dot_general3A {dimension_numbers = #tpu.dot_dimension_numbers<[1], [0], [0], [1], [0, 0, 1, 1], [], []>, transpose_lhs_hint = false} : vector<512x512xbf16>, vector<512x64xbf16>, vector<512x64xf32> -> vector<512x64xf32>
      %add3A_120 = arith.addf %while3A_105, %dot_general3A_119 : vector<512x64xf32>
      scf.yield %add3A_120 : vector<512x64xf32>
    }
    %swap3A = arith.constant 0 : index
    %swap3A_47 = arith.constant 0 : index
    %swap3A_48 = vector.load %arg5[%swap3A, %swap3A_47] : memref<512x128xf32, #tpu.memory_space<vmem>>, vector<512x64xf32>
    tpu.vector_store %arg5[%swap3A, %swap3A_47], %while3A_46 {strides = array<i32>} : memref<512x128xf32, #tpu.memory_space<vmem>>, vector<512x64xf32>,
    %get3A_49 = arith.constant 0 : index
    %get3A_50 = arith.constant 64 : index
    %get3A_51 = vector.load %arg2[%get3A_49, %get3A_50] : memref<512x128xf32, #tpu.memory_space<vmem>>, vector<512x64xf32>
    %convert_element_type3A_52 = arith.truncf %get3A_51 : vector<512x64xf32> to vector<512x64xbf16>
    %add3A_53 = arith.constant 1 : i32
    %add3A_54 = arith.addi %arg1, %add3A_53 : i32
    %broadcast_in_dim3A_55 = arith.constant 0xFF800000 : f32
    %broadcast_in_dim3A_56 = vector.broadcast %broadcast_in_dim3A_55 : f32 to vector<512x1xf32>
    %while3A_57 = arith.constant 0 : i32
    %while3A_58 = arith.subi %add3A_54, %while3A_57 : i32
    %while3A_59 = arith.addi %while3A_57, %while3A_58 : i32
    %while3A_60 = arith.constant 1 : i32
    %while3A_61 = arith.divsi %while3A_58, %while3A_60 : i32
    %while3A_62 = arith.muli %while3A_61, %while3A_60 : i32
    %while3A_63 = arith.addi %while3A_57, %while3A_62 : i32
    %while3A_64 = arith.constant 1 : i32
    %while3A_65 = scf.for %while3A_104 = %while3A_57 to %while3A_63 step %while3A_64 iter_args(%while3A_105 = %broadcast_in_dim3A_56) -> (vector<512x1xf32>)  : i32 {
      %mul3A = arith.constant 512 : i32
      %mul3A_106 = arith.muli %while3A_104, %mul3A : i32
      %get3A_107 = arith.index_cast %mul3A_106 : i32 to index
      %get3A_108 = arith.constant 64 : index
      %get3A_109 = vector.load %arg3[%get3A_107, %get3A_108] : memref<2048x128xf32, #tpu.memory_space<vmem>>, vector<512x64xf32>
      %convert_element_type3A_110 = arith.truncf %get3A_109 : vector<512x64xf32> to vector<512x64xbf16>
      %dot_general3A = arith.constant dense<0.000000e+00> : vector<512x512xf32>
      %dot_general3A_111 = tpu.matmul %convert_element_type3A_52, %convert_element_type3A_110, %dot_general3A {dimension_numbers = #tpu.dot_dimension_numbers<[1], [1], [0], [0], [0, 0, 1, 0], [], []>, transpose_lhs_hint = false} : vector<512x64xbf16>, vector<512x64xbf16>, vector<512x512xf32> -> vector<512x512xf32>
      %mul3A_112 = arith.constant 1.250000e-01 : f32
      %mul3A_113 = vector.broadcast %mul3A_112 : f32 to vector<512x512xf32>
      %mul3A_114 = arith.mulf %dot_general3A_111, %mul3A_113 : vector<512x512xf32>
      %lt3A = arith.cmpi slt, %while3A_104, %arg1 : i32
      %ge3A = arith.cmpi sge, %iota3A, %iota3A_0 : vector<512x512xi32>
      %or3A = vector.broadcast %lt3A : i1 to vector<512x512xi1>
      %or3A_115 = arith.ori %or3A, %ge3A : vector<512x512xi1>
      %jit3A = arith.constant 0xFF800000 : f32
      %broadcast_in_dim3A_116 = vector.broadcast %jit3A : f32 to vector<512x512xf32>
      %select_n3A = arith.select %or3A_115, %mul3A_114, %broadcast_in_dim3A_116 : vector<512x512xi1>, vector<512x512xf32>
      %mul3A_117 = arith.constant 512 : i32
      %mul3A_118 = arith.muli %while3A_104, %mul3A_117 : i32
      %swap3A_119 = arith.constant 0 : index
      %swap3A_120 = arith.index_cast %mul3A_118 : i32 to index
      %swap3A_121 = vector.load %arg6[%swap3A_119, %swap3A_120] : memref<512x2048xf32, #tpu.memory_space<vmem>>, vector<512x512xf32>
      tpu.vector_store %arg6[%swap3A_119, %swap3A_120], %select_n3A {strides = array<i32>} : memref<512x2048xf32, #tpu.memory_space<vmem>>, vector<512x512xf32>,
      %reduce_max3A = arith.constant dense<0xFF800000> : vector<512xf32>
      %reduce_max3A_122 = vector.multi_reduction <maximumf>, %select_n3A, %reduce_max3A [1] : vector<512x512xf32> to vector<512xf32>
      %broadcast_in_dim3A_123 = vector.shape_cast %reduce_max3A_122 : vector<512xf32> to vector<512x1xf32>
      %max3A = arith.maximumf %while3A_105, %broadcast_in_dim3A_123 : vector<512x1xf32>
      scf.yield %max3A : vector<512x1xf32>
    }
    %while3A_66 = arith.constant 1 : i32
    %while3A_67 = scf.for %while3A_104 = %while3A_63 to %while3A_59 step %while3A_66 iter_args(%while3A_105 = %while3A_65) -> (vector<512x1xf32>)  : i32 {
      %mul3A = arith.constant 512 : i32
      %mul3A_106 = arith.muli %while3A_104, %mul3A : i32
      %get3A_107 = arith.index_cast %mul3A_106 : i32 to index
      %get3A_108 = arith.constant 64 : index
      %get3A_109 = vector.load %arg3[%get3A_107, %get3A_108] : memref<2048x128xf32, #tpu.memory_space<vmem>>, vector<512x64xf32>
      %convert_element_type3A_110 = arith.truncf %get3A_109 : vector<512x64xf32> to vector<512x64xbf16>
      %dot_general3A = arith.constant dense<0.000000e+00> : vector<512x512xf32>
      %dot_general3A_111 = tpu.matmul %convert_element_type3A_52, %convert_element_type3A_110, %dot_general3A {dimension_numbers = #tpu.dot_dimension_numbers<[1], [1], [0], [0], [0, 0, 1, 0], [], []>, transpose_lhs_hint = false} : vector<512x64xbf16>, vector<512x64xbf16>, vector<512x512xf32> -> vector<512x512xf32>
      %mul3A_112 = arith.constant 1.250000e-01 : f32
      %mul3A_113 = vector.broadcast %mul3A_112 : f32 to vector<512x512xf32>
      %mul3A_114 = arith.mulf %dot_general3A_111, %mul3A_113 : vector<512x512xf32>
      %lt3A = arith.cmpi slt, %while3A_104, %arg1 : i32
      %ge3A = arith.cmpi sge, %iota3A, %iota3A_0 : vector<512x512xi32>
      %or3A = vector.broadcast %lt3A : i1 to vector<512x512xi1>
      %or3A_115 = arith.ori %or3A, %ge3A : vector<512x512xi1>
      %jit3A = arith.constant 0xFF800000 : f32
      %broadcast_in_dim3A_116 = vector.broadcast %jit3A : f32 to vector<512x512xf32>
      %select_n3A = arith.select %or3A_115, %mul3A_114, %broadcast_in_dim3A_116 : vector<512x512xi1>, vector<512x512xf32>
      %mul3A_117 = arith.constant 512 : i32
      %mul3A_118 = arith.muli %while3A_104, %mul3A_117 : i32
      %swap3A_119 = arith.constant 0 : index
      %swap3A_120 = arith.index_cast %mul3A_118 : i32 to index
      %swap3A_121 = vector.load %arg6[%swap3A_119, %swap3A_120] : memref<512x2048xf32, #tpu.memory_space<vmem>>, vector<512x512xf32>
      tpu.vector_store %arg6[%swap3A_119, %swap3A_120], %select_n3A {strides = array<i32>} : memref<512x2048xf32, #tpu.memory_space<vmem>>, vector<512x512xf32>,
      %reduce_max3A = arith.constant dense<0xFF800000> : vector<512xf32>
      %reduce_max3A_122 = vector.multi_reduction <maximumf>, %select_n3A, %reduce_max3A [1] : vector<512x512xf32> to vector<512xf32>
      %broadcast_in_dim3A_123 = vector.shape_cast %reduce_max3A_122 : vector<512xf32> to vector<512x1xf32>
      %max3A = arith.maximumf %while3A_105, %broadcast_in_dim3A_123 : vector<512x1xf32>
      scf.yield %max3A : vector<512x1xf32>
    }
    %add3A_68 = arith.constant 1 : i32
    %add3A_69 = arith.addi %arg1, %add3A_68 : i32
    %broadcast_in_dim3A_70 = arith.constant 0.000000e+00 : f32
    %broadcast_in_dim3A_71 = vector.broadcast %broadcast_in_dim3A_70 : f32 to vector<512x1xf32>
    %while3A_72 = arith.constant 0 : i32
    %while3A_73 = arith.subi %add3A_69, %while3A_72 : i32
    %while3A_74 = arith.addi %while3A_72, %while3A_73 : i32
    %while3A_75 = arith.constant 1 : i32
    %while3A_76 = arith.divsi %while3A_73, %while3A_75 : i32
    %while3A_77 = arith.muli %while3A_76, %while3A_75 : i32
    %while3A_78 = arith.addi %while3A_72, %while3A_77 : i32
    %while3A_79 = arith.constant 1 : i32
    %while3A_80 = scf.for %while3A_104 = %while3A_72 to %while3A_78 step %while3A_79 iter_args(%while3A_105 = %broadcast_in_dim3A_71) -> (vector<512x1xf32>)  : i32 {
      %mul3A = arith.constant 512 : i32
      %mul3A_106 = arith.muli %while3A_104, %mul3A : i32
      %get3A_107 = arith.constant 0 : index
      %get3A_108 = arith.index_cast %mul3A_106 : i32 to index
      %get3A_109 = vector.load %arg6[%get3A_107, %get3A_108] : memref<512x2048xf32, #tpu.memory_space<vmem>>, vector<512x512xf32>
      %sub3A = vector.broadcast %while3A_67 : vector<512x1xf32> to vector<512x512xf32>
      %sub3A_110 = arith.subf %get3A_109, %sub3A : vector<512x512xf32>
      %exp3A = math.exp %sub3A_110 : vector<512x512xf32>
      %mul3A_111 = arith.constant 512 : i32
      %mul3A_112 = arith.muli %while3A_104, %mul3A_111 : i32
      %swap3A_113 = arith.constant 0 : index
      %swap3A_114 = arith.index_cast %mul3A_112 : i32 to index
      %swap3A_115 = vector.load %arg6[%swap3A_113, %swap3A_114] : memref<512x2048xf32, #tpu.memory_space<vmem>>, vector<512x512xf32>
      tpu.vector_store %arg6[%swap3A_113, %swap3A_114], %exp3A {strides = array<i32>} : memref<512x2048xf32, #tpu.memory_space<vmem>>, vector<512x512xf32>,
      %reduce_sum3A = arith.constant dense<0.000000e+00> : vector<512xf32>
      %reduce_sum3A_116 = vector.multi_reduction <add>, %exp3A, %reduce_sum3A [1] : vector<512x512xf32> to vector<512xf32>
      %broadcast_in_dim3A_117 = vector.shape_cast %reduce_sum3A_116 : vector<512xf32> to vector<512x1xf32>
      %add3A_118 = arith.addf %while3A_105, %broadcast_in_dim3A_117 : vector<512x1xf32>
      scf.yield %add3A_118 : vector<512x1xf32>
    }
    %while3A_81 = arith.constant 1 : i32
    %while3A_82 = scf.for %while3A_104 = %while3A_78 to %while3A_74 step %while3A_81 iter_args(%while3A_105 = %while3A_80) -> (vector<512x1xf32>)  : i32 {
      %mul3A = arith.constant 512 : i32
      %mul3A_106 = arith.muli %while3A_104, %mul3A : i32
      %get3A_107 = arith.constant 0 : index
      %get3A_108 = arith.index_cast %mul3A_106 : i32 to index
      %get3A_109 = vector.load %arg6[%get3A_107, %get3A_108] : memref<512x2048xf32, #tpu.memory_space<vmem>>, vector<512x512xf32>
      %sub3A = vector.broadcast %while3A_67 : vector<512x1xf32> to vector<512x512xf32>
      %sub3A_110 = arith.subf %get3A_109, %sub3A : vector<512x512xf32>
      %exp3A = math.exp %sub3A_110 : vector<512x512xf32>
      %mul3A_111 = arith.constant 512 : i32
      %mul3A_112 = arith.muli %while3A_104, %mul3A_111 : i32
      %swap3A_113 = arith.constant 0 : index
      %swap3A_114 = arith.index_cast %mul3A_112 : i32 to index
      %swap3A_115 = vector.load %arg6[%swap3A_113, %swap3A_114] : memref<512x2048xf32, #tpu.memory_space<vmem>>, vector<512x512xf32>
      tpu.vector_store %arg6[%swap3A_113, %swap3A_114], %exp3A {strides = array<i32>} : memref<512x2048xf32, #tpu.memory_space<vmem>>, vector<512x512xf32>,
      %reduce_sum3A = arith.constant dense<0.000000e+00> : vector<512xf32>
      %reduce_sum3A_116 = vector.multi_reduction <add>, %exp3A, %reduce_sum3A [1] : vector<512x512xf32> to vector<512xf32>
      %broadcast_in_dim3A_117 = vector.shape_cast %reduce_sum3A_116 : vector<512xf32> to vector<512x1xf32>
      %add3A_118 = arith.addf %while3A_105, %broadcast_in_dim3A_117 : vector<512x1xf32>
      scf.yield %add3A_118 : vector<512x1xf32>
    }
    %div3A_83 = arith.constant 1.000000e+00 : f32
    %div3A_84 = vector.broadcast %div3A_83 : f32 to vector<512x1xf32>
    %div3A_85 = arith.divf %div3A_84, %while3A_82 : vector<512x1xf32>
    %add3A_86 = arith.constant 1 : i32
    %add3A_87 = arith.addi %arg1, %add3A_86 : i32
    %broadcast_in_dim3A_88 = arith.constant 0.000000e+00 : f32
    %broadcast_in_dim3A_89 = vector.broadcast %broadcast_in_dim3A_88 : f32 to vector<512x64xf32>
    %while3A_90 = arith.constant 0 : i32
    %while3A_91 = arith.subi %add3A_87, %while3A_90 : i32
    %while3A_92 = arith.addi %while3A_90, %while3A_91 : i32
    %while3A_93 = arith.constant 1 : i32
    %while3A_94 = arith.divsi %while3A_91, %while3A_93 : i32
    %while3A_95 = arith.muli %while3A_94, %while3A_93 : i32
    %while3A_96 = arith.addi %while3A_90, %while3A_95 : i32
    %while3A_97 = arith.constant 1 : i32
    %while3A_98 = scf.for %while3A_104 = %while3A_90 to %while3A_96 step %while3A_97 iter_args(%while3A_105 = %broadcast_in_dim3A_89) -> (vector<512x64xf32>)  : i32 {
      %mul3A = arith.constant 512 : i32
      %mul3A_106 = arith.muli %while3A_104, %mul3A : i32
      %get3A_107 = arith.constant 0 : index
      %get3A_108 = arith.index_cast %mul3A_106 : i32 to index
      %get3A_109 = vector.load %arg6[%get3A_107, %get3A_108] : memref<512x2048xf32, #tpu.memory_space<vmem>>, vector<512x512xf32>
      %mul3A_110 = vector.broadcast %div3A_85 : vector<512x1xf32> to vector<512x512xf32>
      %mul3A_111 = arith.mulf %get3A_109, %mul3A_110 : vector<512x512xf32>
      %convert_element_type3A_112 = arith.truncf %mul3A_111 : vector<512x512xf32> to vector<512x512xbf16>
      %mul3A_113 = arith.constant 512 : i32
      %mul3A_114 = arith.muli %while3A_104, %mul3A_113 : i32
      %get3A_115 = arith.index_cast %mul3A_114 : i32 to index
      %get3A_116 = arith.constant 64 : index
      %get3A_117 = vector.load %arg4[%get3A_115, %get3A_116] : memref<2048x128xf32, #tpu.memory_space<vmem>>, vector<512x64xf32>
      %convert_element_type3A_118 = arith.truncf %get3A_117 : vector<512x64xf32> to vector<512x64xbf16>
      %dot_general3A = arith.constant dense<0.000000e+00> : vector<512x64xf32>
      %dot_general3A_119 = tpu.matmul %convert_element_type3A_112, %convert_element_type3A_118, %dot_general3A {dimension_numbers = #tpu.dot_dimension_numbers<[1], [0], [0], [1], [0, 0, 1, 1], [], []>, transpose_lhs_hint = false} : vector<512x512xbf16>, vector<512x64xbf16>, vector<512x64xf32> -> vector<512x64xf32>
      %add3A_120 = arith.addf %while3A_105, %dot_general3A_119 : vector<512x64xf32>
      scf.yield %add3A_120 : vector<512x64xf32>
    }
    %while3A_99 = arith.constant 1 : i32
    %while3A_100 = scf.for %while3A_104 = %while3A_96 to %while3A_92 step %while3A_99 iter_args(%while3A_105 = %while3A_98) -> (vector<512x64xf32>)  : i32 {
      %mul3A = arith.constant 512 : i32
      %mul3A_106 = arith.muli %while3A_104, %mul3A : i32
      %get3A_107 = arith.constant 0 : index
      %get3A_108 = arith.index_cast %mul3A_106 : i32 to index
      %get3A_109 = vector.load %arg6[%get3A_107, %get3A_108] : memref<512x2048xf32, #tpu.memory_space<vmem>>, vector<512x512xf32>
      %mul3A_110 = vector.broadcast %div3A_85 : vector<512x1xf32> to vector<512x512xf32>
      %mul3A_111 = arith.mulf %get3A_109, %mul3A_110 : vector<512x512xf32>
      %convert_element_type3A_112 = arith.truncf %mul3A_111 : vector<512x512xf32> to vector<512x512xbf16>
      %mul3A_113 = arith.constant 512 : i32
      %mul3A_114 = arith.muli %while3A_104, %mul3A_113 : i32
      %get3A_115 = arith.index_cast %mul3A_114 : i32 to index
      %get3A_116 = arith.constant 64 : index
      %get3A_117 = vector.load %arg4[%get3A_115, %get3A_116] : memref<2048x128xf32, #tpu.memory_space<vmem>>, vector<512x64xf32>
      %convert_element_type3A_118 = arith.truncf %get3A_117 : vector<512x64xf32> to vector<512x64xbf16>
      %dot_general3A = arith.constant dense<0.000000e+00> : vector<512x64xf32>
      %dot_general3A_119 = tpu.matmul %convert_element_type3A_112, %convert_element_type3A_118, %dot_general3A {dimension_numbers = #tpu.dot_dimension_numbers<[1], [0], [0], [1], [0, 0, 1, 1], [], []>, transpose_lhs_hint = false} : vector<512x512xbf16>, vector<512x64xbf16>, vector<512x64xf32> -> vector<512x64xf32>
      %add3A_120 = arith.addf %while3A_105, %dot_general3A_119 : vector<512x64xf32>
      scf.yield %add3A_120 : vector<512x64xf32>
    }
    %swap3A_101 = arith.constant 0 : index
    %swap3A_102 = arith.constant 64 : index
    %swap3A_103 = vector.load %arg5[%swap3A_101, %swap3A_102] : memref<512x128xf32, #tpu.memory_space<vmem>>, vector<512x64xf32>
    tpu.vector_store %arg5[%swap3A_101, %swap3A_102], %while3A_100 {strides = array<i32>} : memref<512x128xf32, #tpu.memory_space<vmem>>, vector<512x64xf32>,
    return
  }
  func.func @transform_0(%arg0: i32, %arg1: i32) -> (i32, i32) {
    %c0_i32 = arith.constant 0 : i32
    return %arg1, %arg0 : i32, i32
  }
  func.func @transform_1(%arg0: i32, %arg1: i32) -> (i32, i32) {
    %add3A = arith.constant 8 : i32
    %add3A_0 = arith.addi %add3A, %arg0 : i32
    %c0_i32 = arith.constant 0 : i32
    %c0_i32_1 = arith.constant 0 : i32
    return %c0_i32, %add3A_0 : i32, i32
  }
  func.func @transform_2(%arg0: i32, %arg1: i32) -> (i32, i32) {
    %add3A = arith.constant 16 : i32
    %add3A_0 = arith.addi %add3A, %arg0 : i32
    %c0_i32 = arith.constant 0 : i32
    %c0_i32_1 = arith.constant 0 : i32
    return %c0_i32, %add3A_0 : i32, i32
  }
  func.func @transform_3(%arg0: i32, %arg1: i32) -> (i32, i32) {
    %c0_i32 = arith.constant 0 : i32
    return %arg1, %arg0 : i32, i32
  }
}

module attributes {stable_mosaic.version = 14 : i64} {
  func.func @_post_kernel(%arg0: i32, %arg1: memref<256x1024xf32, #tpu.memory_space<vmem>>, %arg2: memref<256x1024xf32, #tpu.memory_space<vmem>>, %arg3: memref<1024x1024xbf16, #tpu.memory_space<vmem>>, %arg4: memref<1x1024xf32, #tpu.memory_space<vmem>>, %arg5: memref<1x1024xf32, #tpu.memory_space<vmem>>, %arg6: memref<1024x8xbf16, #tpu.memory_space<vmem>>, %arg7: memref<256x1024xf32, #tpu.memory_space<vmem>>, %arg8: memref<256x1024xf32, #tpu.memory_space<vmem>>, %arg9: memref<256x8xf32, #tpu.memory_space<vmem>>, %arg10: memref<256x1xi32, #tpu.memory_space<vmem>>, %arg11: memref<256x1xi32, #tpu.memory_space<vmem>>, %arg12: memref<256x1xf32, #tpu.memory_space<vmem>>, %arg13: memref<256x1xf32, #tpu.memory_space<vmem>>) attributes {dimension_semantics = [#tpu.dimension_semantics<arbitrary>], iteration_bounds = array<i64: 8>, scalar_prefetch = 0 : i64, scratch_operands = 0 : i64, tpu.core_type = #tpu.core_type<tc>, window_params = [{transform_indices = @transform_0, window_bounds = array<i64: 256, 1024>}, {transform_indices = @transform_1, window_bounds = array<i64: 256, 1024>}, {pipeline_mode = #tpu.pipeline_mode<synchronous>, transform_indices = @transform_2, window_bounds = array<i64: 1024, 1024>}, {pipeline_mode = #tpu.pipeline_mode<synchronous>, transform_indices = @transform_3, window_bounds = array<i64: 1, 1024>}, {pipeline_mode = #tpu.pipeline_mode<synchronous>, transform_indices = @transform_4, window_bounds = array<i64: 1, 1024>}, {pipeline_mode = #tpu.pipeline_mode<synchronous>, transform_indices = @transform_5, window_bounds = array<i64: 1024, 8>}, {transform_indices = @transform_6, window_bounds = array<i64: 256, 1024>}, {transform_indices = @transform_7, window_bounds = array<i64: 256, 1024>}, {transform_indices = @transform_8, window_bounds = array<i64: 256, 8>}, {transform_indices = @transform_9, window_bounds = array<i64: 256, 1>}, {transform_indices = @transform_10, window_bounds = array<i64: 256, 1>}, {transform_indices = @transform_11, window_bounds = array<i64: 256, 1>}, {transform_indices = @transform_12, window_bounds = array<i64: 256, 1>}]} {
    %get3A = arith.constant 0 : index
    %get3A_0 = arith.constant 0 : index
    %get3A_1 = vector.load %arg2[%get3A, %get3A_0] : memref<256x1024xf32, #tpu.memory_space<vmem>>, vector<256x1024xf32>
    %convert_element_type3A = arith.truncf %get3A_1 : vector<256x1024xf32> to vector<256x1024xbf16>
    %get3A_2 = arith.constant 0 : index
    %get3A_3 = arith.constant 0 : index
    %get3A_4 = vector.load %arg3[%get3A_2, %get3A_3] : memref<1024x1024xbf16, #tpu.memory_space<vmem>>, vector<1024x1024xbf16>
    %dot_general3A = arith.constant dense<0.000000e+00> : vector<256x1024xf32>
    %dot_general3A_5 = tpu.matmul %convert_element_type3A, %get3A_4, %dot_general3A {dimension_numbers = #tpu.dot_dimension_numbers<[1], [0], [0], [1], [0, 0, 1, 1], [], []>, transpose_lhs_hint = false} : vector<256x1024xbf16>, vector<1024x1024xbf16>, vector<256x1024xf32> -> vector<256x1024xf32>
    %get3A_6 = arith.constant 0 : index
    %get3A_7 = arith.constant 0 : index
    %get3A_8 = vector.load %arg1[%get3A_6, %get3A_7] : memref<256x1024xf32, #tpu.memory_space<vmem>>, vector<256x1024xf32>
    %add3A = arith.addf %get3A_8, %dot_general3A_5 : vector<256x1024xf32>
    %swap3A = arith.constant 0 : index
    %swap3A_9 = arith.constant 0 : index
    %swap3A_10 = vector.load %arg7[%swap3A, %swap3A_9] : memref<256x1024xf32, #tpu.memory_space<vmem>>, vector<256x1024xf32>
    tpu.vector_store %arg7[%swap3A, %swap3A_9], %add3A {strides = array<i32>} : memref<256x1024xf32, #tpu.memory_space<vmem>>, vector<256x1024xf32>,
    %get3A_11 = arith.constant 0 : index
    %get3A_12 = arith.constant 0 : index
    %get3A_13 = vector.load %arg4[%get3A_11, %get3A_12] : memref<1x1024xf32, #tpu.memory_space<vmem>>, vector<1x1024xf32>
    %get3A_14 = arith.constant 0 : index
    %get3A_15 = arith.constant 0 : index
    %get3A_16 = vector.load %arg5[%get3A_14, %get3A_15] : memref<1x1024xf32, #tpu.memory_space<vmem>>, vector<1x1024xf32>
    %reduce_sum3A = arith.constant dense<0.000000e+00> : vector<256xf32>
    %reduce_sum3A_17 = vector.multi_reduction <add>, %add3A, %reduce_sum3A [1] : vector<256x1024xf32> to vector<256xf32>
    %broadcast_in_dim3A = vector.shape_cast %reduce_sum3A_17 : vector<256xf32> to vector<256x1xf32>
    %div3A = arith.constant 1.024000e+03 : f32
    %div3A_18 = vector.broadcast %div3A : f32 to vector<256x1xf32>
    %div3A_19 = arith.divf %broadcast_in_dim3A, %div3A_18 : vector<256x1xf32>
    %sub3A = vector.broadcast %div3A_19 : vector<256x1xf32> to vector<256x1024xf32>
    %sub3A_20 = arith.subf %add3A, %sub3A : vector<256x1024xf32>
    %integer_pow3A = arith.mulf %sub3A_20, %sub3A_20 : vector<256x1024xf32>
    %reduce_sum3A_21 = arith.constant dense<0.000000e+00> : vector<256xf32>
    %reduce_sum3A_22 = vector.multi_reduction <add>, %integer_pow3A, %reduce_sum3A_21 [1] : vector<256x1024xf32> to vector<256xf32>
    %broadcast_in_dim3A_23 = vector.shape_cast %reduce_sum3A_22 : vector<256xf32> to vector<256x1xf32>
    %div3A_24 = arith.constant 1.024000e+03 : f32
    %div3A_25 = vector.broadcast %div3A_24 : f32 to vector<256x1xf32>
    %div3A_26 = arith.divf %broadcast_in_dim3A_23, %div3A_25 : vector<256x1xf32>
    %sub3A_27 = vector.broadcast %div3A_19 : vector<256x1xf32> to vector<256x1024xf32>
    %sub3A_28 = arith.subf %add3A, %sub3A_27 : vector<256x1024xf32>
    %add3A_29 = arith.constant 9.99999974E-6 : f32
    %add3A_30 = vector.broadcast %add3A_29 : f32 to vector<256x1xf32>
    %add3A_31 = arith.addf %div3A_26, %add3A_30 : vector<256x1xf32>
    %sqrt3A = math.sqrt %add3A_31 : vector<256x1xf32>
    %div3A_32 = vector.broadcast %sqrt3A : vector<256x1xf32> to vector<256x1024xf32>
    %div3A_33 = arith.divf %sub3A_28, %div3A_32 : vector<256x1024xf32>
    %mul3A = vector.broadcast %get3A_13 : vector<1x1024xf32> to vector<256x1024xf32>
    %mul3A_34 = arith.mulf %div3A_33, %mul3A : vector<256x1024xf32>
    %add3A_35 = vector.broadcast %get3A_16 : vector<1x1024xf32> to vector<256x1024xf32>
    %add3A_36 = arith.addf %mul3A_34, %add3A_35 : vector<256x1024xf32>
    %swap3A_37 = arith.constant 0 : index
    %swap3A_38 = arith.constant 0 : index
    %swap3A_39 = vector.load %arg8[%swap3A_37, %swap3A_38] : memref<256x1024xf32, #tpu.memory_space<vmem>>, vector<256x1024xf32>
    tpu.vector_store %arg8[%swap3A_37, %swap3A_38], %add3A_36 {strides = array<i32>} : memref<256x1024xf32, #tpu.memory_space<vmem>>, vector<256x1024xf32>,
    %convert_element_type3A_40 = arith.truncf %add3A_36 : vector<256x1024xf32> to vector<256x1024xbf16>
    %get3A_41 = arith.constant 0 : index
    %get3A_42 = arith.constant 0 : index
    %get3A_43 = vector.load %arg6[%get3A_41, %get3A_42] : memref<1024x8xbf16, #tpu.memory_space<vmem>>, vector<1024x8xbf16>
    %dot_general3A_44 = arith.constant dense<0.000000e+00> : vector<256x8xf32>
    %dot_general3A_45 = tpu.matmul %convert_element_type3A_40, %get3A_43, %dot_general3A_44 {dimension_numbers = #tpu.dot_dimension_numbers<[1], [0], [0], [1], [0, 0, 1, 1], [], []>, transpose_lhs_hint = false} : vector<256x1024xbf16>, vector<1024x8xbf16>, vector<256x8xf32> -> vector<256x8xf32>
    %iota3A = tpu.iota {dimensions = array<i32: 1>} : vector<256x8xi32>
    %reduce_max3A = arith.constant dense<0xFF800000> : vector<256xf32>
    %reduce_max3A_46 = vector.multi_reduction <maximumf>, %dot_general3A_45, %reduce_max3A [1] : vector<256x8xf32> to vector<256xf32>
    %broadcast_in_dim3A_47 = vector.shape_cast %reduce_max3A_46 : vector<256xf32> to vector<256x1xf32>
    %eq3A = vector.broadcast %broadcast_in_dim3A_47 : vector<256x1xf32> to vector<256x8xf32>
    %eq3A_48 = arith.cmpf oeq, %dot_general3A_45, %eq3A : vector<256x8xf32>
    %jit3A = arith.constant 8 : i32
    %broadcast_in_dim3A_49 = vector.broadcast %jit3A : i32 to vector<256x8xi32>
    %select_n3A = arith.select %eq3A_48, %iota3A, %broadcast_in_dim3A_49 : vector<256x8xi1>, vector<256x8xi32>
    %reduce_min3A = arith.constant dense<2147483647> : vector<256xi32>
    %reduce_min3A_50 = vector.multi_reduction <minsi>, %select_n3A, %reduce_min3A [1] : vector<256x8xi32> to vector<256xi32>
    %broadcast_in_dim3A_51 = vector.shape_cast %reduce_min3A_50 : vector<256xi32> to vector<256x1xi32>
    %eq3A_52 = vector.broadcast %broadcast_in_dim3A_51 : vector<256x1xi32> to vector<256x8xi32>
    %eq3A_53 = arith.cmpi eq, %iota3A, %eq3A_52 : vector<256x8xi32>
    %jit3A_54 = arith.constant 0xFF800000 : f32
    %broadcast_in_dim3A_55 = vector.broadcast %jit3A_54 : f32 to vector<256x8xf32>
    %select_n3A_56 = arith.select %eq3A_53, %broadcast_in_dim3A_55, %dot_general3A_45 : vector<256x8xi1>, vector<256x8xf32>
    %reduce_max3A_57 = arith.constant dense<0xFF800000> : vector<256xf32>
    %reduce_max3A_58 = vector.multi_reduction <maximumf>, %select_n3A_56, %reduce_max3A_57 [1] : vector<256x8xf32> to vector<256xf32>
    %broadcast_in_dim3A_59 = vector.shape_cast %reduce_max3A_58 : vector<256xf32> to vector<256x1xf32>
    %eq3A_60 = vector.broadcast %broadcast_in_dim3A_59 : vector<256x1xf32> to vector<256x8xf32>
    %eq3A_61 = arith.cmpf oeq, %select_n3A_56, %eq3A_60 : vector<256x8xf32>
    %jit3A_62 = arith.constant 8 : i32
    %broadcast_in_dim3A_63 = vector.broadcast %jit3A_62 : i32 to vector<256x8xi32>
    %select_n3A_64 = arith.select %eq3A_61, %iota3A, %broadcast_in_dim3A_63 : vector<256x8xi1>, vector<256x8xi32>
    %reduce_min3A_65 = arith.constant dense<2147483647> : vector<256xi32>
    %reduce_min3A_66 = vector.multi_reduction <minsi>, %select_n3A_64, %reduce_min3A_65 [1] : vector<256x8xi32> to vector<256xi32>
    %broadcast_in_dim3A_67 = vector.shape_cast %reduce_min3A_66 : vector<256xi32> to vector<256x1xi32>
    %eq3A_68 = vector.broadcast %broadcast_in_dim3A_67 : vector<256x1xi32> to vector<256x8xi32>
    %eq3A_69 = arith.cmpi eq, %iota3A, %eq3A_68 : vector<256x8xi32>
    %sub3A_70 = arith.subf %broadcast_in_dim3A_59, %broadcast_in_dim3A_47 : vector<256x1xf32>
    %exp3A = math.exp %sub3A_70 : vector<256x1xf32>
    %add3A_71 = arith.constant 1.000000e+00 : f32
    %add3A_72 = vector.broadcast %add3A_71 : f32 to vector<256x1xf32>
    %add3A_73 = arith.addf %add3A_72, %exp3A : vector<256x1xf32>
    %div3A_74 = arith.constant 1.000000e+00 : f32
    %div3A_75 = vector.broadcast %div3A_74 : f32 to vector<256x1xf32>
    %div3A_76 = arith.divf %div3A_75, %add3A_73 : vector<256x1xf32>
    %add3A_77 = arith.constant 1.000000e+00 : f32
    %add3A_78 = vector.broadcast %add3A_77 : f32 to vector<256x1xf32>
    %add3A_79 = arith.addf %add3A_78, %exp3A : vector<256x1xf32>
    %div3A_80 = arith.divf %exp3A, %add3A_79 : vector<256x1xf32>
    %convert_element_type3A_81 = arith.extui %eq3A_53 : vector<256x8xi1> to vector<256x8xi32>
    %convert_element_type3A_82 = arith.sitofp %convert_element_type3A_81 : vector<256x8xi32> to vector<256x8xf32>
    %mul3A_83 = vector.broadcast %div3A_76 : vector<256x1xf32> to vector<256x8xf32>
    %mul3A_84 = arith.mulf %mul3A_83, %convert_element_type3A_82 : vector<256x8xf32>
    %convert_element_type3A_85 = arith.extui %eq3A_69 : vector<256x8xi1> to vector<256x8xi32>
    %convert_element_type3A_86 = arith.sitofp %convert_element_type3A_85 : vector<256x8xi32> to vector<256x8xf32>
    %mul3A_87 = vector.broadcast %div3A_80 : vector<256x1xf32> to vector<256x8xf32>
    %mul3A_88 = arith.mulf %mul3A_87, %convert_element_type3A_86 : vector<256x8xf32>
    %add3A_89 = arith.addf %mul3A_84, %mul3A_88 : vector<256x8xf32>
    %swap3A_90 = arith.constant 0 : index
    %swap3A_91 = arith.constant 0 : index
    %swap3A_92 = vector.load %arg9[%swap3A_90, %swap3A_91] : memref<256x8xf32, #tpu.memory_space<vmem>>, vector<256x8xf32>
    tpu.vector_store %arg9[%swap3A_90, %swap3A_91], %add3A_89 {strides = array<i32>} : memref<256x8xf32, #tpu.memory_space<vmem>>, vector<256x8xf32>,
    %swap3A_93 = arith.constant 0 : index
    %swap3A_94 = arith.constant 0 : index
    %swap3A_95 = vector.load %arg10[%swap3A_93, %swap3A_94] : memref<256x1xi32, #tpu.memory_space<vmem>>, vector<256x1xi32>
    tpu.vector_store %arg10[%swap3A_93, %swap3A_94], %broadcast_in_dim3A_51 {strides = array<i32>} : memref<256x1xi32, #tpu.memory_space<vmem>>, vector<256x1xi32>,
    %swap3A_96 = arith.constant 0 : index
    %swap3A_97 = arith.constant 0 : index
    %swap3A_98 = vector.load %arg11[%swap3A_96, %swap3A_97] : memref<256x1xi32, #tpu.memory_space<vmem>>, vector<256x1xi32>
    tpu.vector_store %arg11[%swap3A_96, %swap3A_97], %broadcast_in_dim3A_67 {strides = array<i32>} : memref<256x1xi32, #tpu.memory_space<vmem>>, vector<256x1xi32>,
    %swap3A_99 = arith.constant 0 : index
    %swap3A_100 = arith.constant 0 : index
    %swap3A_101 = vector.load %arg12[%swap3A_99, %swap3A_100] : memref<256x1xf32, #tpu.memory_space<vmem>>, vector<256x1xf32>
    tpu.vector_store %arg12[%swap3A_99, %swap3A_100], %div3A_76 {strides = array<i32>} : memref<256x1xf32, #tpu.memory_space<vmem>>, vector<256x1xf32>,
    %swap3A_102 = arith.constant 0 : index
    %swap3A_103 = arith.constant 0 : index
    %swap3A_104 = vector.load %arg13[%swap3A_102, %swap3A_103] : memref<256x1xf32, #tpu.memory_space<vmem>>, vector<256x1xf32>
    tpu.vector_store %arg13[%swap3A_102, %swap3A_103], %div3A_80 {strides = array<i32>} : memref<256x1xf32, #tpu.memory_space<vmem>>, vector<256x1xf32>,
    return
  }
  func.func @transform_0(%arg0: i32) -> (i32, i32) {
    %c0_i32 = arith.constant 0 : i32
    %c0_i32_0 = arith.constant 0 : i32
    return %arg0, %c0_i32 : i32, i32
  }
  func.func @transform_1(%arg0: i32) -> (i32, i32) {
    %c0_i32 = arith.constant 0 : i32
    %c0_i32_0 = arith.constant 0 : i32
    return %arg0, %c0_i32 : i32, i32
  }
  func.func @transform_2(%arg0: i32) -> (i32, i32) {
    %c0_i32 = arith.constant 0 : i32
    %c0_i32_0 = arith.constant 0 : i32
    %c0_i32_1 = arith.constant 0 : i32
    return %c0_i32, %c0_i32_0 : i32, i32
  }
  func.func @transform_3(%arg0: i32) -> (i32, i32) {
    %c0_i32 = arith.constant 0 : i32
    %c0_i32_0 = arith.constant 0 : i32
    %c0_i32_1 = arith.constant 0 : i32
    return %c0_i32, %c0_i32_0 : i32, i32
  }
  func.func @transform_4(%arg0: i32) -> (i32, i32) {
    %c0_i32 = arith.constant 0 : i32
    %c0_i32_0 = arith.constant 0 : i32
    %c0_i32_1 = arith.constant 0 : i32
    return %c0_i32, %c0_i32_0 : i32, i32
  }
  func.func @transform_5(%arg0: i32) -> (i32, i32) {
    %c0_i32 = arith.constant 0 : i32
    %c0_i32_0 = arith.constant 0 : i32
    %c0_i32_1 = arith.constant 0 : i32
    return %c0_i32, %c0_i32_0 : i32, i32
  }
  func.func @transform_6(%arg0: i32) -> (i32, i32) {
    %c0_i32 = arith.constant 0 : i32
    %c0_i32_0 = arith.constant 0 : i32
    return %arg0, %c0_i32 : i32, i32
  }
  func.func @transform_7(%arg0: i32) -> (i32, i32) {
    %c0_i32 = arith.constant 0 : i32
    %c0_i32_0 = arith.constant 0 : i32
    return %arg0, %c0_i32 : i32, i32
  }
  func.func @transform_8(%arg0: i32) -> (i32, i32) {
    %c0_i32 = arith.constant 0 : i32
    %c0_i32_0 = arith.constant 0 : i32
    return %arg0, %c0_i32 : i32, i32
  }
  func.func @transform_9(%arg0: i32) -> (i32, i32) {
    %c0_i32 = arith.constant 0 : i32
    %c0_i32_0 = arith.constant 0 : i32
    return %arg0, %c0_i32 : i32, i32
  }
  func.func @transform_10(%arg0: i32) -> (i32, i32) {
    %c0_i32 = arith.constant 0 : i32
    %c0_i32_0 = arith.constant 0 : i32
    return %arg0, %c0_i32 : i32, i32
  }
  func.func @transform_11(%arg0: i32) -> (i32, i32) {
    %c0_i32 = arith.constant 0 : i32
    %c0_i32_0 = arith.constant 0 : i32
    return %arg0, %c0_i32 : i32, i32
  }
  func.func @transform_12(%arg0: i32) -> (i32, i32) {
    %c0_i32 = arith.constant 0 : i32
    %c0_i32_0 = arith.constant 0 : i32
    return %arg0, %c0_i32 : i32, i32
  }
}

module attributes {stable_mosaic.version = 14 : i64} {
  func.func @_route_kernel(%arg0: i32, %arg1: memref<4096x1xi32, #tpu.memory_space<vmem>>, %arg2: memref<4096x1xi32, #tpu.memory_space<vmem>>, %arg3: memref<40x1xi32, #tpu.memory_space<vmem>>, %arg4: memref<40x1xi32, #tpu.memory_space<vmem>>, %arg5: memref<32x8xf32, #tpu.memory_space<vmem>>, %arg6: memref<32x8xf32, #tpu.memory_space<vmem>>) attributes {dimension_semantics = [#tpu.dimension_semantics<arbitrary>], iteration_bounds = array<i64: 1>, scalar_prefetch = 0 : i64, scratch_operands = 2 : i64, tpu.core_type = #tpu.core_type<tc>, window_params = [{pipeline_mode = #tpu.pipeline_mode<synchronous>, transform_indices = @transform_0, window_bounds = array<i64: 4096, 1>}, {pipeline_mode = #tpu.pipeline_mode<synchronous>, transform_indices = @transform_1, window_bounds = array<i64: 4096, 1>}, {pipeline_mode = #tpu.pipeline_mode<synchronous>, transform_indices = @transform_2, window_bounds = array<i64: 40, 1>}, {pipeline_mode = #tpu.pipeline_mode<synchronous>, transform_indices = @transform_3, window_bounds = array<i64: 40, 1>}]} {
    %iota3A = tpu.iota {dimensions = array<i32: 1>} : vector<128x8xi32>
    %iota3A_0 = tpu.iota {dimensions = array<i32: 0>} : vector<128x128xi32>
    %iota3A_1 = tpu.iota {dimensions = array<i32: 1>} : vector<128x128xi32>
    %gt3A = arith.cmpi sgt, %iota3A_0, %iota3A_1 : vector<128x128xi32>
    %convert_element_type3A = arith.extui %gt3A : vector<128x128xi1> to vector<128x128xi32>
    %convert_element_type3A_2 = arith.sitofp %convert_element_type3A : vector<128x128xi32> to vector<128x128xf32>
    %scan3A = arith.constant 0 : i32
    %scan3A_3 = arith.constant 32 : i32
    %scan3A_4 = arith.addi %scan3A, %scan3A_3 : i32
    %scan3A_5 = arith.constant 1 : i32
    scf.for %scan3A_62 = %scan3A to %scan3A_4 step %scan3A_5  : i32 {
      %mul3A_63 = arith.constant 128 : i32
      %mul3A_64 = arith.muli %scan3A_62, %mul3A_63 : i32
      %get3A_65 = arith.index_cast %mul3A_64 : i32 to index
      %get3A_66 = arith.constant 0 : index
      %get3A_67 = vector.load %arg1[%get3A_65, %get3A_66] : memref<4096x1xi32, #tpu.memory_space<vmem>>, vector<128x1xi32>
      %eq3A = vector.broadcast %get3A_67 : vector<128x1xi32> to vector<128x8xi32>
      %eq3A_68 = arith.cmpi eq, %iota3A, %eq3A : vector<128x8xi32>
      %convert_element_type3A_69 = arith.extui %eq3A_68 : vector<128x8xi1> to vector<128x8xi32>
      %convert_element_type3A_70 = arith.sitofp %convert_element_type3A_69 : vector<128x8xi32> to vector<128x8xf32>
      %reduce_sum3A_71 = arith.constant dense<0.000000e+00> : vector<8xf32>
      %reduce_sum3A_72 = vector.multi_reduction <add>, %convert_element_type3A_70, %reduce_sum3A_71 [0] : vector<128x8xf32> to vector<8xf32>
      %broadcast_in_dim3A_73 = vector.shape_cast %reduce_sum3A_72 : vector<8xf32> to vector<1x8xf32>
      %swap3A_74 = arith.index_cast %scan3A_62 : i32 to index
      %swap3A_75 = arith.constant 0 : index
      %swap3A_76 = vector.load %arg5[%swap3A_74, %swap3A_75] : memref<32x8xf32, #tpu.memory_space<vmem>>, vector<1x8xf32>
      tpu.vector_store %arg5[%swap3A_74, %swap3A_75], %broadcast_in_dim3A_73 {strides = array<i32>} : memref<32x8xf32, #tpu.memory_space<vmem>>, vector<1x8xf32>,
    }
    %scan3A_6 = arith.constant 32 : i32
    %get3A = arith.constant 0 : index
    %get3A_7 = arith.constant 0 : index
    %get3A_8 = vector.load %arg5[%get3A, %get3A_7] : memref<32x8xf32, #tpu.memory_space<vmem>>, vector<32x8xf32>
    %iota3A_9 = tpu.iota {dimensions = array<i32: 0>} : vector<32x32xi32>
    %iota3A_10 = tpu.iota {dimensions = array<i32: 1>} : vector<32x32xi32>
    %gt3A_11 = arith.cmpi sgt, %iota3A_9, %iota3A_10 : vector<32x32xi32>
    %convert_element_type3A_12 = arith.extui %gt3A_11 : vector<32x32xi1> to vector<32x32xi32>
    %convert_element_type3A_13 = arith.sitofp %convert_element_type3A_12 : vector<32x32xi32> to vector<32x32xf32>
    %dot_general3A = arith.constant dense<0.000000e+00> : vector<32x8xf32>
    %dot_general3A_14 = tpu.matmul %convert_element_type3A_13, %get3A_8, %dot_general3A {dimension_numbers = #tpu.dot_dimension_numbers<[1], [0], [0], [1], [0, 0, 1, 1], [], []>, transpose_lhs_hint = false} : vector<32x32xf32>, vector<32x8xf32>, vector<32x8xf32> -> vector<32x8xf32>
    %swap3A = arith.constant 0 : index
    %swap3A_15 = arith.constant 0 : index
    %swap3A_16 = vector.load %arg6[%swap3A, %swap3A_15] : memref<32x8xf32, #tpu.memory_space<vmem>>, vector<32x8xf32>
    tpu.vector_store %arg6[%swap3A, %swap3A_15], %dot_general3A_14 {strides = array<i32>} : memref<32x8xf32, #tpu.memory_space<vmem>>, vector<32x8xf32>,
    %reduce_sum3A = arith.constant dense<0.000000e+00> : vector<8xf32>
    %reduce_sum3A_17 = vector.multi_reduction <add>, %get3A_8, %reduce_sum3A [0] : vector<32x8xf32> to vector<8xf32>
    %broadcast_in_dim3A = vector.shape_cast %reduce_sum3A_17 : vector<8xf32> to vector<1x8xf32>
    %div3A = arith.constant 1.280000e+02 : f32
    %div3A_18 = vector.broadcast %div3A : f32 to vector<1x8xf32>
    %div3A_19 = arith.divf %broadcast_in_dim3A, %div3A_18 : vector<1x8xf32>
    %ceil3A = math.ceil %div3A_19 : vector<1x8xf32>
    %mul3A = arith.constant 1.280000e+02 : f32
    %mul3A_20 = vector.broadcast %mul3A : f32 to vector<1x8xf32>
    %mul3A_21 = arith.mulf %ceil3A, %mul3A_20 : vector<1x8xf32>
    %iota3A_22 = tpu.iota {dimensions = array<i32: 0>} : vector<8x8xi32>
    %iota3A_23 = tpu.iota {dimensions = array<i32: 1>} : vector<8x8xi32>
    %lt3A = arith.cmpi slt, %iota3A_22, %iota3A_23 : vector<8x8xi32>
    %convert_element_type3A_24 = arith.extui %lt3A : vector<8x8xi1> to vector<8x8xi32>
    %convert_element_type3A_25 = arith.sitofp %convert_element_type3A_24 : vector<8x8xi32> to vector<8x8xf32>
    %dot_general3A_26 = arith.constant dense<0.000000e+00> : vector<1x8xf32>
    %dot_general3A_27 = tpu.matmul %mul3A_21, %convert_element_type3A_25, %dot_general3A_26 {dimension_numbers = #tpu.dot_dimension_numbers<[1], [0], [0], [1], [0, 0, 1, 1], [], []>, transpose_lhs_hint = false} : vector<1x8xf32>, vector<8x8xf32>, vector<1x8xf32> -> vector<1x8xf32>
    %reduce_sum3A_28 = vector.shape_cast %mul3A_21 : vector<1x8xf32> to vector<1x1x8xf32>
    %reduce_sum3A_29 = arith.constant dense<0.000000e+00> : vector<1xf32>
    %reduce_sum3A_30 = vector.multi_reduction <add>, %reduce_sum3A_28, %reduce_sum3A_29 [1, 2] : vector<1x1x8xf32> to vector<1xf32>
    %reduce_sum3A_31 = vector.shape_cast %reduce_sum3A_30 : vector<1xf32> to vector<1x1x1xf32>
    %reduce_sum3A_32 = vector.extract %reduce_sum3A_31[0, 0, 0] : f32 from vector<1x1x1xf32>
    %scan3A_33 = arith.constant 0 : i32
    %scan3A_34 = arith.constant 32 : i32
    %scan3A_35 = arith.addi %scan3A_33, %scan3A_34 : i32
    %scan3A_36 = arith.constant 1 : i32
    scf.for %scan3A_62 = %scan3A_33 to %scan3A_35 step %scan3A_36  : i32 {
      %mul3A_63 = arith.constant 128 : i32
      %mul3A_64 = arith.muli %scan3A_62, %mul3A_63 : i32
      %get3A_65 = arith.index_cast %mul3A_64 : i32 to index
      %get3A_66 = arith.constant 0 : index
      %get3A_67 = vector.load %arg1[%get3A_65, %get3A_66] : memref<4096x1xi32, #tpu.memory_space<vmem>>, vector<128x1xi32>
      %eq3A = vector.broadcast %get3A_67 : vector<128x1xi32> to vector<128x8xi32>
      %eq3A_68 = arith.cmpi eq, %iota3A, %eq3A : vector<128x8xi32>
      %convert_element_type3A_69 = arith.extui %eq3A_68 : vector<128x8xi1> to vector<128x8xi32>
      %convert_element_type3A_70 = arith.sitofp %convert_element_type3A_69 : vector<128x8xi32> to vector<128x8xf32>
      %dot_general3A_71 = arith.constant dense<0.000000e+00> : vector<128x8xf32>
      %dot_general3A_72 = tpu.matmul %convert_element_type3A_2, %convert_element_type3A_70, %dot_general3A_71 {dimension_numbers = #tpu.dot_dimension_numbers<[1], [0], [0], [1], [0, 0, 1, 1], [], []>, transpose_lhs_hint = false} : vector<128x128xf32>, vector<128x8xf32>, vector<128x8xf32> -> vector<128x8xf32>
      %get3A_73 = arith.index_cast %scan3A_62 : i32 to index
      %get3A_74 = arith.constant 0 : index
      %get3A_75 = vector.load %arg6[%get3A_73, %get3A_74] : memref<32x8xf32, #tpu.memory_space<vmem>>, vector<1x8xf32>
      %add3A = vector.broadcast %get3A_75 : vector<1x8xf32> to vector<128x8xf32>
      %add3A_76 = arith.addf %dot_general3A_72, %add3A : vector<128x8xf32>
      %add3A_77 = vector.broadcast %dot_general3A_27 : vector<1x8xf32> to vector<128x8xf32>
      %add3A_78 = arith.addf %add3A_77, %add3A_76 : vector<128x8xf32>
      %mul3A_79 = arith.mulf %add3A_78, %convert_element_type3A_70 : vector<128x8xf32>
      %reduce_sum3A_80 = arith.constant dense<0.000000e+00> : vector<128xf32>
      %reduce_sum3A_81 = vector.multi_reduction <add>, %mul3A_79, %reduce_sum3A_80 [1] : vector<128x8xf32> to vector<128xf32>
      %broadcast_in_dim3A_82 = vector.shape_cast %reduce_sum3A_81 : vector<128xf32> to vector<128x1xf32>
      %convert_element_type3A_83 = arith.fptosi %broadcast_in_dim3A_82 : vector<128x1xf32> to vector<128x1xi32>
      %mul3A_84 = arith.constant 128 : i32
      %mul3A_85 = arith.muli %scan3A_62, %mul3A_84 : i32
      %swap3A_86 = arith.index_cast %mul3A_85 : i32 to index
      %swap3A_87 = arith.constant 0 : index
      %swap3A_88 = vector.load %arg2[%swap3A_86, %swap3A_87] : memref<4096x1xi32, #tpu.memory_space<vmem>>, vector<128x1xi32>
      tpu.vector_store %arg2[%swap3A_86, %swap3A_87], %convert_element_type3A_83 {strides = array<i32>} : memref<4096x1xi32, #tpu.memory_space<vmem>>, vector<128x1xi32>,
    }
    %scan3A_37 = arith.constant 32 : i32
    %iota3A_38 = tpu.iota {dimensions = array<i32: 0>} : vector<40x1xi32>
    %mul3A_39 = arith.constant 128 : i32
    %mul3A_40 = vector.broadcast %mul3A_39 : i32 to vector<40x1xi32>
    %mul3A_41 = arith.muli %iota3A_38, %mul3A_40 : vector<40x1xi32>
    %convert_element_type3A_42 = arith.sitofp %mul3A_41 : vector<40x1xi32> to vector<40x1xf32>
    %ge3A = vector.broadcast %convert_element_type3A_42 : vector<40x1xf32> to vector<40x8xf32>
    %ge3A_43 = vector.broadcast %dot_general3A_27 : vector<1x8xf32> to vector<40x8xf32>
    %ge3A_44 = arith.cmpf oge, %ge3A, %ge3A_43 : vector<40x8xf32>
    %convert_element_type3A_45 = arith.extui %ge3A_44 : vector<40x8xi1> to vector<40x8xi32>
    %reduce_sum3A_46 = arith.constant dense<0> : vector<40xi32>
    %reduce_sum3A_47 = vector.multi_reduction <add>, %convert_element_type3A_45, %reduce_sum3A_46 [1] : vector<40x8xi32> to vector<40xi32>
    %broadcast_in_dim3A_48 = vector.shape_cast %reduce_sum3A_47 : vector<40xi32> to vector<40x1xi32>
    %sub3A = arith.constant 1 : i32
    %sub3A_49 = vector.broadcast %sub3A : i32 to vector<40x1xi32>
    %sub3A_50 = arith.subi %broadcast_in_dim3A_48, %sub3A_49 : vector<40x1xi32>
    %max3A = arith.constant 0 : i32
    %max3A_51 = vector.broadcast %max3A : i32 to vector<40x1xi32>
    %max3A_52 = arith.maxsi %sub3A_50, %max3A_51 : vector<40x1xi32>
    %swap3A_53 = arith.constant 0 : index
    %swap3A_54 = arith.constant 0 : index
    %swap3A_55 = vector.load %arg3[%swap3A_53, %swap3A_54] : memref<40x1xi32, #tpu.memory_space<vmem>>, vector<40x1xi32>
    tpu.vector_store %arg3[%swap3A_53, %swap3A_54], %max3A_52 {strides = array<i32>} : memref<40x1xi32, #tpu.memory_space<vmem>>, vector<40x1xi32>,
    %lt3A_56 = vector.broadcast %reduce_sum3A_32 : f32 to vector<40x1xf32>
    %lt3A_57 = arith.cmpf olt, %convert_element_type3A_42, %lt3A_56 : vector<40x1xf32>
    %convert_element_type3A_58 = arith.extui %lt3A_57 : vector<40x1xi1> to vector<40x1xi32>
    %swap3A_59 = arith.constant 0 : index
    %swap3A_60 = arith.constant 0 : index
    %swap3A_61 = vector.load %arg4[%swap3A_59, %swap3A_60] : memref<40x1xi32, #tpu.memory_space<vmem>>, vector<40x1xi32>
    tpu.vector_store %arg4[%swap3A_59, %swap3A_60], %convert_element_type3A_58 {strides = array<i32>} : memref<40x1xi32, #tpu.memory_space<vmem>>, vector<40x1xi32>,
    return
  }
  func.func @transform_0(%arg0: i32) -> (i32, i32) {
    %c0_i32 = arith.constant 0 : i32
    %c0_i32_0 = arith.constant 0 : i32
    %c0_i32_1 = arith.constant 0 : i32
    return %c0_i32, %c0_i32_0 : i32, i32
  }
  func.func @transform_1(%arg0: i32) -> (i32, i32) {
    %c0_i32 = arith.constant 0 : i32
    %c0_i32_0 = arith.constant 0 : i32
    %c0_i32_1 = arith.constant 0 : i32
    return %c0_i32, %c0_i32_0 : i32, i32
  }
  func.func @transform_2(%arg0: i32) -> (i32, i32) {
    %c0_i32 = arith.constant 0 : i32
    %c0_i32_0 = arith.constant 0 : i32
    %c0_i32_1 = arith.constant 0 : i32
    return %c0_i32, %c0_i32_0 : i32, i32
  }
  func.func @transform_3(%arg0: i32) -> (i32, i32) {
    %c0_i32 = arith.constant 0 : i32
    %c0_i32_0 = arith.constant 0 : i32
    %c0_i32_1 = arith.constant 0 : i32
    return %c0_i32, %c0_i32_0 : i32, i32
  }
}

module attributes {stable_mosaic.version = 14 : i64} {
  func.func @_moe_half_kernel(%arg0: i32, %arg1: memref<40xi32, #tpu.memory_space<smem>>, %arg2: memref<40xi32, #tpu.memory_space<smem>>, %arg3: memref<2048x1024xbf16, #tpu.memory_space<vmem>>, %arg4: memref<1x2048xi32, #tpu.memory_space<vmem>>, %arg5: memref<1x2048xi32, #tpu.memory_space<vmem>>, %arg6: memref<1x2048xf32, #tpu.memory_space<vmem>>, %arg7: memref<1x2048xf32, #tpu.memory_space<vmem>>, %arg8: memref<1x1024x2048xbf16, #tpu.memory_space<vmem>>, %arg9: memref<1x1x2048xf32, #tpu.memory_space<vmem>>, %arg10: memref<1x2048x1024xbf16, #tpu.memory_space<vmem>>, %arg11: memref<1x1x1024xf32, #tpu.memory_space<vmem>>, %arg12: memref<128x1024xf32, #tpu.memory_space<vmem>>) attributes {dimension_semantics = [#tpu.dimension_semantics<arbitrary>], iteration_bounds = array<i64: 40>, scalar_prefetch = 2 : i64, scratch_operands = 0 : i64, tpu.core_type = #tpu.core_type<tc>, window_params = [{pipeline_mode = #tpu.pipeline_mode<synchronous>, transform_indices = @transform_0, window_bounds = array<i64: 2048, 1024>}, {pipeline_mode = #tpu.pipeline_mode<synchronous>, transform_indices = @transform_1, window_bounds = array<i64: 1, 2048>}, {pipeline_mode = #tpu.pipeline_mode<synchronous>, transform_indices = @transform_2, window_bounds = array<i64: 1, 2048>}, {pipeline_mode = #tpu.pipeline_mode<synchronous>, transform_indices = @transform_3, window_bounds = array<i64: 1, 2048>}, {pipeline_mode = #tpu.pipeline_mode<synchronous>, transform_indices = @transform_4, window_bounds = array<i64: 1, 2048>}, {transform_indices = @transform_5, window_bounds = array<i64: 1, 1024, 2048>}, {transform_indices = @transform_6, window_bounds = array<i64: 1, 1, 2048>}, {transform_indices = @transform_7, window_bounds = array<i64: 1, 2048, 1024>}, {transform_indices = @transform_8, window_bounds = array<i64: 1, 1, 1024>}, {transform_indices = @transform_9, window_bounds = array<i64: 128, 1024>}]} {
    %get3A = arith.index_cast %arg0 : i32 to index
    %get3A_0 = memref.load %arg2[%get3A] : memref<40xi32, #tpu.memory_space<smem>>
    %eq3A = arith.constant 1 : i32
    %eq3A_1 = arith.cmpi eq, %get3A_0, %eq3A : i32
    %convert_element_type3A = arith.extui %eq3A_1 : i1 to i32
    %cond3A = arith.constant 0 : i32
    %cond3A_2 = arith.cmpi ne, %convert_element_type3A, %cond3A : i32
    scf.if %cond3A_2 {
      %mul3A = arith.constant 128 : i32
      %mul3A_3 = arith.muli %arg0, %mul3A : i32
      %iota3A = tpu.iota {dimensions = array<i32: 0>} : vector<128x1xi32>
      %add3A = vector.broadcast %mul3A_3 : i32 to vector<128x1xi32>
      %add3A_4 = arith.addi %iota3A, %add3A : vector<128x1xi32>
      %get3A_5 = arith.constant 0 : index
      %get3A_6 = arith.constant 0 : index
      %get3A_7 = vector.load %arg4[%get3A_5, %get3A_6] : memref<1x2048xi32, #tpu.memory_space<vmem>>, vector<1x2048xi32>
      %eq3A_8 = vector.broadcast %get3A_7 : vector<1x2048xi32> to vector<128x2048xi32>
      %eq3A_9 = vector.broadcast %add3A_4 : vector<128x1xi32> to vector<128x2048xi32>
      %eq3A_10 = arith.cmpi eq, %eq3A_8, %eq3A_9 : vector<128x2048xi32>
      %convert_element_type3A_11 = arith.extui %eq3A_10 : vector<128x2048xi1> to vector<128x2048xi32>
      %convert_element_type3A_12 = arith.sitofp %convert_element_type3A_11 : vector<128x2048xi32> to vector<128x2048xf32>
      %convert_element_type3A_13 = arith.truncf %convert_element_type3A_12 : vector<128x2048xf32> to vector<128x2048xbf16>
      %get3A_14 = arith.constant 0 : index
      %get3A_15 = arith.constant 0 : index
      %get3A_16 = vector.load %arg5[%get3A_14, %get3A_15] : memref<1x2048xi32, #tpu.memory_space<vmem>>, vector<1x2048xi32>
      %eq3A_17 = vector.broadcast %get3A_16 : vector<1x2048xi32> to vector<128x2048xi32>
      %eq3A_18 = vector.broadcast %add3A_4 : vector<128x1xi32> to vector<128x2048xi32>
      %eq3A_19 = arith.cmpi eq, %eq3A_17, %eq3A_18 : vector<128x2048xi32>
      %convert_element_type3A_20 = arith.extui %eq3A_19 : vector<128x2048xi1> to vector<128x2048xi32>
      %convert_element_type3A_21 = arith.sitofp %convert_element_type3A_20 : vector<128x2048xi32> to vector<128x2048xf32>
      %convert_element_type3A_22 = arith.truncf %convert_element_type3A_21 : vector<128x2048xf32> to vector<128x2048xbf16>
      %add3A_23 = arith.addf %convert_element_type3A_13, %convert_element_type3A_22 : vector<128x2048xbf16>
      %get3A_24 = arith.constant 0 : index
      %get3A_25 = arith.constant 0 : index
      %get3A_26 = vector.load %arg3[%get3A_24, %get3A_25] : memref<2048x1024xbf16, #tpu.memory_space<vmem>>, vector<2048x1024xbf16>
      %dot_general3A = arith.constant dense<0.000000e+00> : vector<128x1024xf32>
      %dot_general3A_27 = tpu.matmul %add3A_23, %get3A_26, %dot_general3A {dimension_numbers = #tpu.dot_dimension_numbers<[1], [0], [0], [1], [0, 0, 1, 1], [], []>, transpose_lhs_hint = false} : vector<128x2048xbf16>, vector<2048x1024xbf16>, vector<128x1024xf32> -> vector<128x1024xf32>
      %convert_element_type3A_28 = arith.truncf %dot_general3A_27 : vector<128x1024xf32> to vector<128x1024xbf16>
      %get3A_29 = arith.constant 0 : index
      %get3A_30 = arith.constant 0 : index
      %get3A_31 = arith.constant 0 : index
      %get3A_32 = vector.load %arg8[%get3A_29, %get3A_30, %get3A_31] : memref<1x1024x2048xbf16, #tpu.memory_space<vmem>>, vector<1x1024x2048xbf16>
      %get3A_33 = vector.shape_cast %get3A_32 : vector<1x1024x2048xbf16> to vector<1024x2048xbf16>
      %dot_general3A_34 = arith.constant dense<0.000000e+00> : vector<128x2048xf32>
      %dot_general3A_35 = tpu.matmul %convert_element_type3A_28, %get3A_33, %dot_general3A_34 {dimension_numbers = #tpu.dot_dimension_numbers<[1], [0], [0], [1], [0, 0, 1, 1], [], []>, transpose_lhs_hint = false} : vector<128x1024xbf16>, vector<1024x2048xbf16>, vector<128x2048xf32> -> vector<128x2048xf32>
      %get3A_36 = arith.constant 0 : index
      %get3A_37 = arith.constant 0 : index
      %get3A_38 = arith.constant 0 : index
      %get3A_39 = vector.load %arg9[%get3A_36, %get3A_37, %get3A_38] : memref<1x1x2048xf32, #tpu.memory_space<vmem>>, vector<1x1x2048xf32>
      %get3A_40 = vector.shape_cast %get3A_39 : vector<1x1x2048xf32> to vector<1x2048xf32>
      %add3A_41 = vector.broadcast %get3A_40 : vector<1x2048xf32> to vector<128x2048xf32>
      %add3A_42 = arith.addf %dot_general3A_35, %add3A_41 : vector<128x2048xf32>
      %mul3A_43 = arith.constant 5.000000e-01 : f32
      %mul3A_44 = vector.broadcast %mul3A_43 : f32 to vector<128x2048xf32>
      %mul3A_45 = arith.mulf %add3A_42, %mul3A_44 : vector<128x2048xf32>
      %mul3A_46 = arith.constant 0.707106769 : f32
      %mul3A_47 = vector.broadcast %mul3A_46 : f32 to vector<128x2048xf32>
      %mul3A_48 = arith.mulf %add3A_42, %mul3A_47 : vector<128x2048xf32>
      %erf3A = math.erf %mul3A_48 : vector<128x2048xf32>
      %add3A_49 = arith.constant 1.000000e+00 : f32
      %add3A_50 = vector.broadcast %add3A_49 : f32 to vector<128x2048xf32>
      %add3A_51 = arith.addf %add3A_50, %erf3A : vector<128x2048xf32>
      %mul3A_52 = arith.mulf %mul3A_45, %add3A_51 : vector<128x2048xf32>
      %convert_element_type3A_53 = arith.truncf %mul3A_52 : vector<128x2048xf32> to vector<128x2048xbf16>
      %get3A_54 = arith.constant 0 : index
      %get3A_55 = arith.constant 0 : index
      %get3A_56 = arith.constant 0 : index
      %get3A_57 = vector.load %arg10[%get3A_54, %get3A_55, %get3A_56] : memref<1x2048x1024xbf16, #tpu.memory_space<vmem>>, vector<1x2048x1024xbf16>
      %get3A_58 = vector.shape_cast %get3A_57 : vector<1x2048x1024xbf16> to vector<2048x1024xbf16>
      %dot_general3A_59 = arith.constant dense<0.000000e+00> : vector<128x1024xf32>
      %dot_general3A_60 = tpu.matmul %convert_element_type3A_53, %get3A_58, %dot_general3A_59 {dimension_numbers = #tpu.dot_dimension_numbers<[1], [0], [0], [1], [0, 0, 1, 1], [], []>, transpose_lhs_hint = false} : vector<128x2048xbf16>, vector<2048x1024xbf16>, vector<128x1024xf32> -> vector<128x1024xf32>
      %swap3A = arith.constant 0 : index
      %swap3A_61 = arith.constant 0 : index
      %swap3A_62 = vector.load %arg12[%swap3A, %swap3A_61] : memref<128x1024xf32, #tpu.memory_space<vmem>>, vector<128x1024xf32>
      tpu.vector_store %arg12[%swap3A, %swap3A_61], %dot_general3A_60 {strides = array<i32>} : memref<128x1024xf32, #tpu.memory_space<vmem>>, vector<128x1024xf32>,
    } else {
    }
    return
  }
  func.func @transform_0(%arg0: i32, %arg1: memref<40xi32, #tpu.memory_space<smem>>, %arg2: memref<40xi32, #tpu.memory_space<smem>>) -> (i32, i32) {
    %c0_i32 = arith.constant 0 : i32
    %c0_i32_0 = arith.constant 0 : i32
    %c0_i32_1 = arith.constant 0 : i32
    return %c0_i32, %c0_i32_0 : i32, i32
  }
  func.func @transform_1(%arg0: i32, %arg1: memref<40xi32, #tpu.memory_space<smem>>, %arg2: memref<40xi32, #tpu.memory_space<smem>>) -> (i32, i32) {
    %c0_i32 = arith.constant 0 : i32
    %c0_i32_0 = arith.constant 0 : i32
    %c0_i32_1 = arith.constant 0 : i32
    return %c0_i32, %c0_i32_0 : i32, i32
  }
  func.func @transform_2(%arg0: i32, %arg1: memref<40xi32, #tpu.memory_space<smem>>, %arg2: memref<40xi32, #tpu.memory_space<smem>>) -> (i32, i32) {
    %c0_i32 = arith.constant 0 : i32
    %c0_i32_0 = arith.constant 0 : i32
    %c0_i32_1 = arith.constant 0 : i32
    return %c0_i32, %c0_i32_0 : i32, i32
  }
  func.func @transform_3(%arg0: i32, %arg1: memref<40xi32, #tpu.memory_space<smem>>, %arg2: memref<40xi32, #tpu.memory_space<smem>>) -> (i32, i32) {
    %c0_i32 = arith.constant 0 : i32
    %c0_i32_0 = arith.constant 0 : i32
    %c0_i32_1 = arith.constant 0 : i32
    return %c0_i32, %c0_i32_0 : i32, i32
  }
  func.func @transform_4(%arg0: i32, %arg1: memref<40xi32, #tpu.memory_space<smem>>, %arg2: memref<40xi32, #tpu.memory_space<smem>>) -> (i32, i32) {
    %c0_i32 = arith.constant 0 : i32
    %c0_i32_0 = arith.constant 0 : i32
    %c0_i32_1 = arith.constant 0 : i32
    return %c0_i32, %c0_i32_0 : i32, i32
  }
  func.func @transform_5(%arg0: i32, %arg1: memref<40xi32, #tpu.memory_space<smem>>, %arg2: memref<40xi32, #tpu.memory_space<smem>>) -> (i32, i32, i32) {
    %get3A = arith.index_cast %arg0 : i32 to index
    %get3A_0 = memref.load %arg1[%get3A] : memref<40xi32, #tpu.memory_space<smem>>
    %c0_i32 = arith.constant 0 : i32
    %c0_i32_1 = arith.constant 0 : i32
    %c0_i32_2 = arith.constant 0 : i32
    return %get3A_0, %c0_i32, %c0_i32_1 : i32, i32, i32
  }
  func.func @transform_6(%arg0: i32, %arg1: memref<40xi32, #tpu.memory_space<smem>>, %arg2: memref<40xi32, #tpu.memory_space<smem>>) -> (i32, i32, i32) {
    %get3A = arith.index_cast %arg0 : i32 to index
    %get3A_0 = memref.load %arg1[%get3A] : memref<40xi32, #tpu.memory_space<smem>>
    %c0_i32 = arith.constant 0 : i32
    %c0_i32_1 = arith.constant 0 : i32
    %c0_i32_2 = arith.constant 0 : i32
    return %get3A_0, %c0_i32, %c0_i32_1 : i32, i32, i32
  }
  func.func @transform_7(%arg0: i32, %arg1: memref<40xi32, #tpu.memory_space<smem>>, %arg2: memref<40xi32, #tpu.memory_space<smem>>) -> (i32, i32, i32) {
    %get3A = arith.index_cast %arg0 : i32 to index
    %get3A_0 = memref.load %arg1[%get3A] : memref<40xi32, #tpu.memory_space<smem>>
    %c0_i32 = arith.constant 0 : i32
    %c0_i32_1 = arith.constant 0 : i32
    %c0_i32_2 = arith.constant 0 : i32
    return %get3A_0, %c0_i32, %c0_i32_1 : i32, i32, i32
  }
  func.func @transform_8(%arg0: i32, %arg1: memref<40xi32, #tpu.memory_space<smem>>, %arg2: memref<40xi32, #tpu.memory_space<smem>>) -> (i32, i32, i32) {
    %get3A = arith.index_cast %arg0 : i32 to index
    %get3A_0 = memref.load %arg1[%get3A] : memref<40xi32, #tpu.memory_space<smem>>
    %c0_i32 = arith.constant 0 : i32
    %c0_i32_1 = arith.constant 0 : i32
    %c0_i32_2 = arith.constant 0 : i32
    return %get3A_0, %c0_i32, %c0_i32_1 : i32, i32, i32
  }
  func.func @transform_9(%arg0: i32, %arg1: memref<40xi32, #tpu.memory_space<smem>>, %arg2: memref<40xi32, #tpu.memory_space<smem>>) -> (i32, i32) {
    %c0_i32 = arith.constant 0 : i32
    %c0_i32_0 = arith.constant 0 : i32
    return %arg0, %c0_i32 : i32, i32
  }
}

module attributes {stable_mosaic.version = 14 : i64} {
  func.func @_moe_half_kernel(%arg0: i32, %arg1: memref<40xi32, #tpu.memory_space<smem>>, %arg2: memref<40xi32, #tpu.memory_space<smem>>, %arg3: memref<2048x1024xbf16, #tpu.memory_space<vmem>>, %arg4: memref<1x2048xi32, #tpu.memory_space<vmem>>, %arg5: memref<1x2048xi32, #tpu.memory_space<vmem>>, %arg6: memref<1x2048xf32, #tpu.memory_space<vmem>>, %arg7: memref<1x2048xf32, #tpu.memory_space<vmem>>, %arg8: memref<1x1024x2048xbf16, #tpu.memory_space<vmem>>, %arg9: memref<1x1x2048xf32, #tpu.memory_space<vmem>>, %arg10: memref<1x2048x1024xbf16, #tpu.memory_space<vmem>>, %arg11: memref<1x1x1024xf32, #tpu.memory_space<vmem>>, %arg12: memref<128x1024xf32, #tpu.memory_space<vmem>>, %arg13: memref<128x1024xf32, #tpu.memory_space<vmem>>) attributes {dimension_semantics = [#tpu.dimension_semantics<arbitrary>], iteration_bounds = array<i64: 40>, scalar_prefetch = 2 : i64, scratch_operands = 0 : i64, tpu.core_type = #tpu.core_type<tc>, window_params = [{pipeline_mode = #tpu.pipeline_mode<synchronous>, transform_indices = @transform_0, window_bounds = array<i64: 2048, 1024>}, {pipeline_mode = #tpu.pipeline_mode<synchronous>, transform_indices = @transform_1, window_bounds = array<i64: 1, 2048>}, {pipeline_mode = #tpu.pipeline_mode<synchronous>, transform_indices = @transform_2, window_bounds = array<i64: 1, 2048>}, {pipeline_mode = #tpu.pipeline_mode<synchronous>, transform_indices = @transform_3, window_bounds = array<i64: 1, 2048>}, {pipeline_mode = #tpu.pipeline_mode<synchronous>, transform_indices = @transform_4, window_bounds = array<i64: 1, 2048>}, {transform_indices = @transform_5, window_bounds = array<i64: 1, 1024, 2048>}, {transform_indices = @transform_6, window_bounds = array<i64: 1, 1, 2048>}, {transform_indices = @transform_7, window_bounds = array<i64: 1, 2048, 1024>}, {transform_indices = @transform_8, window_bounds = array<i64: 1, 1, 1024>}, {transform_indices = @transform_9, window_bounds = array<i64: 128, 1024>}, {transform_indices = @transform_10, window_bounds = array<i64: 128, 1024>}]} {
    %get3A = arith.index_cast %arg0 : i32 to index
    %get3A_0 = memref.load %arg2[%get3A] : memref<40xi32, #tpu.memory_space<smem>>
    %eq3A = arith.constant 1 : i32
    %eq3A_1 = arith.cmpi eq, %get3A_0, %eq3A : i32
    %convert_element_type3A = arith.extui %eq3A_1 : i1 to i32
    %cond3A = arith.constant 0 : i32
    %cond3A_2 = arith.cmpi ne, %convert_element_type3A, %cond3A : i32
    scf.if %cond3A_2 {
      %mul3A = arith.constant 128 : i32
      %mul3A_7 = arith.muli %arg0, %mul3A : i32
      %iota3A = tpu.iota {dimensions = array<i32: 0>} : vector<128x1xi32>
      %add3A = vector.broadcast %mul3A_7 : i32 to vector<128x1xi32>
      %add3A_8 = arith.addi %iota3A, %add3A : vector<128x1xi32>
      %get3A_9 = arith.constant 0 : index
      %get3A_10 = arith.constant 0 : index
      %get3A_11 = vector.load %arg4[%get3A_9, %get3A_10] : memref<1x2048xi32, #tpu.memory_space<vmem>>, vector<1x2048xi32>
      %eq3A_12 = vector.broadcast %get3A_11 : vector<1x2048xi32> to vector<128x2048xi32>
      %eq3A_13 = vector.broadcast %add3A_8 : vector<128x1xi32> to vector<128x2048xi32>
      %eq3A_14 = arith.cmpi eq, %eq3A_12, %eq3A_13 : vector<128x2048xi32>
      %convert_element_type3A_15 = arith.extui %eq3A_14 : vector<128x2048xi1> to vector<128x2048xi32>
      %convert_element_type3A_16 = arith.sitofp %convert_element_type3A_15 : vector<128x2048xi32> to vector<128x2048xf32>
      %convert_element_type3A_17 = arith.truncf %convert_element_type3A_16 : vector<128x2048xf32> to vector<128x2048xbf16>
      %get3A_18 = arith.constant 0 : index
      %get3A_19 = arith.constant 0 : index
      %get3A_20 = vector.load %arg5[%get3A_18, %get3A_19] : memref<1x2048xi32, #tpu.memory_space<vmem>>, vector<1x2048xi32>
      %eq3A_21 = vector.broadcast %get3A_20 : vector<1x2048xi32> to vector<128x2048xi32>
      %eq3A_22 = vector.broadcast %add3A_8 : vector<128x1xi32> to vector<128x2048xi32>
      %eq3A_23 = arith.cmpi eq, %eq3A_21, %eq3A_22 : vector<128x2048xi32>
      %convert_element_type3A_24 = arith.extui %eq3A_23 : vector<128x2048xi1> to vector<128x2048xi32>
      %convert_element_type3A_25 = arith.sitofp %convert_element_type3A_24 : vector<128x2048xi32> to vector<128x2048xf32>
      %convert_element_type3A_26 = arith.truncf %convert_element_type3A_25 : vector<128x2048xf32> to vector<128x2048xbf16>
      %add3A_27 = arith.addf %convert_element_type3A_17, %convert_element_type3A_26 : vector<128x2048xbf16>
      %get3A_28 = arith.constant 0 : index
      %get3A_29 = arith.constant 0 : index
      %get3A_30 = vector.load %arg3[%get3A_28, %get3A_29] : memref<2048x1024xbf16, #tpu.memory_space<vmem>>, vector<2048x1024xbf16>
      %dot_general3A = arith.constant dense<0.000000e+00> : vector<128x1024xf32>
      %dot_general3A_31 = tpu.matmul %add3A_27, %get3A_30, %dot_general3A {dimension_numbers = #tpu.dot_dimension_numbers<[1], [0], [0], [1], [0, 0, 1, 1], [], []>, transpose_lhs_hint = false} : vector<128x2048xbf16>, vector<2048x1024xbf16>, vector<128x1024xf32> -> vector<128x1024xf32>
      %convert_element_type3A_32 = arith.truncf %dot_general3A_31 : vector<128x1024xf32> to vector<128x1024xbf16>
      %get3A_33 = arith.constant 0 : index
      %get3A_34 = arith.constant 0 : index
      %get3A_35 = arith.constant 0 : index
      %get3A_36 = vector.load %arg8[%get3A_33, %get3A_34, %get3A_35] : memref<1x1024x2048xbf16, #tpu.memory_space<vmem>>, vector<1x1024x2048xbf16>
      %get3A_37 = vector.shape_cast %get3A_36 : vector<1x1024x2048xbf16> to vector<1024x2048xbf16>
      %dot_general3A_38 = arith.constant dense<0.000000e+00> : vector<128x2048xf32>
      %dot_general3A_39 = tpu.matmul %convert_element_type3A_32, %get3A_37, %dot_general3A_38 {dimension_numbers = #tpu.dot_dimension_numbers<[1], [0], [0], [1], [0, 0, 1, 1], [], []>, transpose_lhs_hint = false} : vector<128x1024xbf16>, vector<1024x2048xbf16>, vector<128x2048xf32> -> vector<128x2048xf32>
      %get3A_40 = arith.constant 0 : index
      %get3A_41 = arith.constant 0 : index
      %get3A_42 = arith.constant 0 : index
      %get3A_43 = vector.load %arg9[%get3A_40, %get3A_41, %get3A_42] : memref<1x1x2048xf32, #tpu.memory_space<vmem>>, vector<1x1x2048xf32>
      %get3A_44 = vector.shape_cast %get3A_43 : vector<1x1x2048xf32> to vector<1x2048xf32>
      %add3A_45 = vector.broadcast %get3A_44 : vector<1x2048xf32> to vector<128x2048xf32>
      %add3A_46 = arith.addf %dot_general3A_39, %add3A_45 : vector<128x2048xf32>
      %mul3A_47 = arith.constant 5.000000e-01 : f32
      %mul3A_48 = vector.broadcast %mul3A_47 : f32 to vector<128x2048xf32>
      %mul3A_49 = arith.mulf %add3A_46, %mul3A_48 : vector<128x2048xf32>
      %mul3A_50 = arith.constant 0.707106769 : f32
      %mul3A_51 = vector.broadcast %mul3A_50 : f32 to vector<128x2048xf32>
      %mul3A_52 = arith.mulf %add3A_46, %mul3A_51 : vector<128x2048xf32>
      %erf3A = math.erf %mul3A_52 : vector<128x2048xf32>
      %add3A_53 = arith.constant 1.000000e+00 : f32
      %add3A_54 = vector.broadcast %add3A_53 : f32 to vector<128x2048xf32>
      %add3A_55 = arith.addf %add3A_54, %erf3A : vector<128x2048xf32>
      %mul3A_56 = arith.mulf %mul3A_49, %add3A_55 : vector<128x2048xf32>
      %convert_element_type3A_57 = arith.truncf %mul3A_56 : vector<128x2048xf32> to vector<128x2048xbf16>
      %get3A_58 = arith.constant 0 : index
      %get3A_59 = arith.constant 0 : index
      %get3A_60 = arith.constant 0 : index
      %get3A_61 = vector.load %arg10[%get3A_58, %get3A_59, %get3A_60] : memref<1x2048x1024xbf16, #tpu.memory_space<vmem>>, vector<1x2048x1024xbf16>
      %get3A_62 = vector.shape_cast %get3A_61 : vector<1x2048x1024xbf16> to vector<2048x1024xbf16>
      %dot_general3A_63 = arith.constant dense<0.000000e+00> : vector<128x1024xf32>
      %dot_general3A_64 = tpu.matmul %convert_element_type3A_57, %get3A_62, %dot_general3A_63 {dimension_numbers = #tpu.dot_dimension_numbers<[1], [0], [0], [1], [0, 0, 1, 1], [], []>, transpose_lhs_hint = false} : vector<128x2048xbf16>, vector<2048x1024xbf16>, vector<128x1024xf32> -> vector<128x1024xf32>
      %get3A_65 = arith.constant 0 : index
      %get3A_66 = arith.constant 0 : index
      %get3A_67 = vector.load %arg4[%get3A_65, %get3A_66] : memref<1x2048xi32, #tpu.memory_space<vmem>>, vector<1x2048xi32>
      %eq3A_68 = vector.broadcast %get3A_67 : vector<1x2048xi32> to vector<128x2048xi32>
      %eq3A_69 = vector.broadcast %add3A_8 : vector<128x1xi32> to vector<128x2048xi32>
      %eq3A_70 = arith.cmpi eq, %eq3A_68, %eq3A_69 : vector<128x2048xi32>
      %get3A_71 = arith.constant 0 : index
      %get3A_72 = arith.constant 0 : index
      %get3A_73 = vector.load %arg6[%get3A_71, %get3A_72] : memref<1x2048xf32, #tpu.memory_space<vmem>>, vector<1x2048xf32>
      %jit3A = arith.constant 0.000000e+00 : f32
      %broadcast_in_dim3A = vector.shape_cast %get3A_73 : vector<1x2048xf32> to vector<1x2048xf32>
      %broadcast_in_dim3A_74 = vector.broadcast %broadcast_in_dim3A : vector<1x2048xf32> to vector<128x2048xf32>
      %broadcast_in_dim3A_75 = vector.broadcast %jit3A : f32 to vector<128x2048xf32>
      %select_n3A = arith.select %eq3A_70, %broadcast_in_dim3A_74, %broadcast_in_dim3A_75 : vector<128x2048xi1>, vector<128x2048xf32>
      %get3A_76 = arith.constant 0 : index
      %get3A_77 = arith.constant 0 : index
      %get3A_78 = vector.load %arg5[%get3A_76, %get3A_77] : memref<1x2048xi32, #tpu.memory_space<vmem>>, vector<1x2048xi32>
      %eq3A_79 = vector.broadcast %get3A_78 : vector<1x2048xi32> to vector<128x2048xi32>
      %eq3A_80 = vector.broadcast %add3A_8 : vector<128x1xi32> to vector<128x2048xi32>
      %eq3A_81 = arith.cmpi eq, %eq3A_79, %eq3A_80 : vector<128x2048xi32>
      %get3A_82 = arith.constant 0 : index
      %get3A_83 = arith.constant 0 : index
      %get3A_84 = vector.load %arg7[%get3A_82, %get3A_83] : memref<1x2048xf32, #tpu.memory_space<vmem>>, vector<1x2048xf32>
      %jit3A_85 = arith.constant 0.000000e+00 : f32
      %broadcast_in_dim3A_86 = vector.shape_cast %get3A_84 : vector<1x2048xf32> to vector<1x2048xf32>
      %broadcast_in_dim3A_87 = vector.broadcast %broadcast_in_dim3A_86 : vector<1x2048xf32> to vector<128x2048xf32>
      %broadcast_in_dim3A_88 = vector.broadcast %jit3A_85 : f32 to vector<128x2048xf32>
      %select_n3A_89 = arith.select %eq3A_81, %broadcast_in_dim3A_87, %broadcast_in_dim3A_88 : vector<128x2048xi1>, vector<128x2048xf32>
      %add3A_90 = arith.addf %select_n3A, %select_n3A_89 : vector<128x2048xf32>
      %reduce_sum3A = arith.constant dense<0.000000e+00> : vector<128xf32>
      %reduce_sum3A_91 = vector.multi_reduction <add>, %add3A_90, %reduce_sum3A [1] : vector<128x2048xf32> to vector<128xf32>
      %broadcast_in_dim3A_92 = vector.shape_cast %reduce_sum3A_91 : vector<128xf32> to vector<128x1xf32>
      %get3A_93 = arith.constant 0 : index
      %get3A_94 = arith.constant 0 : index
      %get3A_95 = vector.load %arg12[%get3A_93, %get3A_94] : memref<128x1024xf32, #tpu.memory_space<vmem>>, vector<128x1024xf32>
      %add3A_96 = arith.addf %get3A_95, %dot_general3A_64 : vector<128x1024xf32>
      %get3A_97 = arith.constant 0 : index
      %get3A_98 = arith.constant 0 : index
      %get3A_99 = arith.constant 0 : index
      %get3A_100 = vector.load %arg11[%get3A_97, %get3A_98, %get3A_99] : memref<1x1x1024xf32, #tpu.memory_space<vmem>>, vector<1x1x1024xf32>
      %get3A_101 = vector.shape_cast %get3A_100 : vector<1x1x1024xf32> to vector<1x1024xf32>
      %add3A_102 = vector.broadcast %get3A_101 : vector<1x1024xf32> to vector<128x1024xf32>
      %add3A_103 = arith.addf %add3A_96, %add3A_102 : vector<128x1024xf32>
      %mul3A_104 = vector.broadcast %broadcast_in_dim3A_92 : vector<128x1xf32> to vector<128x1024xf32>
      %mul3A_105 = arith.mulf %mul3A_104, %add3A_103 : vector<128x1024xf32>
      %swap3A = arith.constant 0 : index
      %swap3A_106 = arith.constant 0 : index
      %swap3A_107 = vector.load %arg13[%swap3A, %swap3A_106] : memref<128x1024xf32, #tpu.memory_space<vmem>>, vector<128x1024xf32>
      tpu.vector_store %arg13[%swap3A, %swap3A_106], %mul3A_105 {strides = array<i32>} : memref<128x1024xf32, #tpu.memory_space<vmem>>, vector<128x1024xf32>,
    } else {
    }
    %not3A = arith.constant true
    %not3A_3 = arith.xori %eq3A_1, %not3A : i1
    %convert_element_type3A_4 = arith.extui %not3A_3 : i1 to i32
    %cond3A_5 = arith.constant 0 : i32
    %cond3A_6 = arith.cmpi ne, %convert_element_type3A_4, %cond3A_5 : i32
    scf.if %cond3A_6 {
      %broadcast_in_dim3A = arith.constant 0.000000e+00 : f32
      %broadcast_in_dim3A_7 = vector.broadcast %broadcast_in_dim3A : f32 to vector<128x1024xf32>
      %swap3A = arith.constant 0 : index
      %swap3A_8 = arith.constant 0 : index
      %swap3A_9 = vector.load %arg13[%swap3A, %swap3A_8] : memref<128x1024xf32, #tpu.memory_space<vmem>>, vector<128x1024xf32>
      tpu.vector_store %arg13[%swap3A, %swap3A_8], %broadcast_in_dim3A_7 {strides = array<i32>} : memref<128x1024xf32, #tpu.memory_space<vmem>>, vector<128x1024xf32>,
    } else {
    }
    return
  }
  func.func @transform_0(%arg0: i32, %arg1: memref<40xi32, #tpu.memory_space<smem>>, %arg2: memref<40xi32, #tpu.memory_space<smem>>) -> (i32, i32) {
    %c0_i32 = arith.constant 0 : i32
    %c0_i32_0 = arith.constant 0 : i32
    %c0_i32_1 = arith.constant 0 : i32
    return %c0_i32, %c0_i32_0 : i32, i32
  }
  func.func @transform_1(%arg0: i32, %arg1: memref<40xi32, #tpu.memory_space<smem>>, %arg2: memref<40xi32, #tpu.memory_space<smem>>) -> (i32, i32) {
    %c0_i32 = arith.constant 0 : i32
    %c0_i32_0 = arith.constant 0 : i32
    %c0_i32_1 = arith.constant 0 : i32
    return %c0_i32, %c0_i32_0 : i32, i32
  }
  func.func @transform_2(%arg0: i32, %arg1: memref<40xi32, #tpu.memory_space<smem>>, %arg2: memref<40xi32, #tpu.memory_space<smem>>) -> (i32, i32) {
    %c0_i32 = arith.constant 0 : i32
    %c0_i32_0 = arith.constant 0 : i32
    %c0_i32_1 = arith.constant 0 : i32
    return %c0_i32, %c0_i32_0 : i32, i32
  }
  func.func @transform_3(%arg0: i32, %arg1: memref<40xi32, #tpu.memory_space<smem>>, %arg2: memref<40xi32, #tpu.memory_space<smem>>) -> (i32, i32) {
    %c0_i32 = arith.constant 0 : i32
    %c0_i32_0 = arith.constant 0 : i32
    %c0_i32_1 = arith.constant 0 : i32
    return %c0_i32, %c0_i32_0 : i32, i32
  }
  func.func @transform_4(%arg0: i32, %arg1: memref<40xi32, #tpu.memory_space<smem>>, %arg2: memref<40xi32, #tpu.memory_space<smem>>) -> (i32, i32) {
    %c0_i32 = arith.constant 0 : i32
    %c0_i32_0 = arith.constant 0 : i32
    %c0_i32_1 = arith.constant 0 : i32
    return %c0_i32, %c0_i32_0 : i32, i32
  }
  func.func @transform_5(%arg0: i32, %arg1: memref<40xi32, #tpu.memory_space<smem>>, %arg2: memref<40xi32, #tpu.memory_space<smem>>) -> (i32, i32, i32) {
    %get3A = arith.index_cast %arg0 : i32 to index
    %get3A_0 = memref.load %arg1[%get3A] : memref<40xi32, #tpu.memory_space<smem>>
    %c0_i32 = arith.constant 0 : i32
    %c1_i32 = arith.constant 1 : i32
    %c0_i32_1 = arith.constant 0 : i32
    return %get3A_0, %c0_i32, %c1_i32 : i32, i32, i32
  }
  func.func @transform_6(%arg0: i32, %arg1: memref<40xi32, #tpu.memory_space<smem>>, %arg2: memref<40xi32, #tpu.memory_space<smem>>) -> (i32, i32, i32) {
    %get3A = arith.index_cast %arg0 : i32 to index
    %get3A_0 = memref.load %arg1[%get3A] : memref<40xi32, #tpu.memory_space<smem>>
    %c0_i32 = arith.constant 0 : i32
    %c1_i32 = arith.constant 1 : i32
    %c0_i32_1 = arith.constant 0 : i32
    return %get3A_0, %c0_i32, %c1_i32 : i32, i32, i32
  }
  func.func @transform_7(%arg0: i32, %arg1: memref<40xi32, #tpu.memory_space<smem>>, %arg2: memref<40xi32, #tpu.memory_space<smem>>) -> (i32, i32, i32) {
    %get3A = arith.index_cast %arg0 : i32 to index
    %get3A_0 = memref.load %arg1[%get3A] : memref<40xi32, #tpu.memory_space<smem>>
    %c1_i32 = arith.constant 1 : i32
    %c0_i32 = arith.constant 0 : i32
    %c0_i32_1 = arith.constant 0 : i32
    return %get3A_0, %c1_i32, %c0_i32 : i32, i32, i32
  }
  func.func @transform_8(%arg0: i32, %arg1: memref<40xi32, #tpu.memory_space<smem>>, %arg2: memref<40xi32, #tpu.memory_space<smem>>) -> (i32, i32, i32) {
    %get3A = arith.index_cast %arg0 : i32 to index
    %get3A_0 = memref.load %arg1[%get3A] : memref<40xi32, #tpu.memory_space<smem>>
    %c0_i32 = arith.constant 0 : i32
    %c0_i32_1 = arith.constant 0 : i32
    %c0_i32_2 = arith.constant 0 : i32
    return %get3A_0, %c0_i32, %c0_i32_1 : i32, i32, i32
  }
  func.func @transform_9(%arg0: i32, %arg1: memref<40xi32, #tpu.memory_space<smem>>, %arg2: memref<40xi32, #tpu.memory_space<smem>>) -> (i32, i32) {
    %c0_i32 = arith.constant 0 : i32
    %c0_i32_0 = arith.constant 0 : i32
    return %arg0, %c0_i32 : i32, i32
  }
  func.func @transform_10(%arg0: i32, %arg1: memref<40xi32, #tpu.memory_space<smem>>, %arg2: memref<40xi32, #tpu.memory_space<smem>>) -> (i32, i32) {
    %c0_i32 = arith.constant 0 : i32
    %c0_i32_0 = arith.constant 0 : i32
    return %arg0, %c0_i32 : i32, i32
  }
}

</mosaic_0001>

<sc_bundles>
// kernel: kernel.9.cloned.1.call-start
scs
__scs_entry_jumppad:
0x0: {  	(pc) =	sbr.rel $0x88, $3  }
0x1: {  	(tag) =	ssettag $0x0;
	lr =	simm.s32 $0x1  }
0x2: {  	[smem:$0x3F95] =	sst lr;
	_ =	strace $0xD0000000  }
0x3: {  	_ = 	snop  }
0x4: {  	_ = 	snop  }
0x5: {  	_ = 	snop  }
0x6: {  	_ = 	snop  }
0x7: {  	_ = 	snop  }
__scs_overlays_trampoline_lowered:
0x8: {  	[smem:$0x3FA4] =	sst s0  }
0x9: {  	[smem:$0x3FA5] =	sst s1  }
0xa: {  	[smem:$0x3FA6] =	sst s2  }
0xb: {  	[smem:$0x3FA7] =	sst s3  }
0xc: {  	[smem:$0x3FA8] =	sst s4  }
0xd: {  	[smem:$0x3FA9] =	sst s5  }
0xe: {  	[smem:$0x3FAA] =	sst s6  }
0xf: {  	[smem:$0x3FAB] =	sst s7  }
0x10: {  	[smem:$0x3FAC] =	sst s8  }
0x11: {  	[smem:$0x3FAD] =	sst s9;
	s0 =	simm.s32 @!p0 $0x0  }
0x12: {  	s1 =	sld [smem:$0x3F93];
	s0 =	simm.s32 @p0 $0x1  }
0x13: {  	[smem:$0x3FAE] =	sst s0;
	s0 =	simm.s32 @!p1 $0x0  }
0x14: {  	s2 =	sld [smem:$0x3F92];
	s0 =	simm.s32 @p1 $0x1  }
0x15: {  	[smem:$0x3FAF] =	sst s0;
	s0 =	simm.s32 @!p2 $0x0  }
0x16: {  	s3 =	sld [smem:$0x3FDB];
	s0 =	simm.s32 @p2 $0x1  }
0x17: {  	s4 =	simm.s32 $0x1BF5;
	[smem:$0x3FB1] =	sst s0  }
0x18: {  	s0 =	sld [smem:$0x3F94];
	_ =	swait.ge [sflag:s4], $0x0  }
0x19: {  	s7 =	sld [smem:$0x3F95]  }
0x1a: {  	s8 =	sadd.s32 $0xFFFFE003, lr  }
0x1b: {  	s9 =	sadd.s32 $0xFFFFFEF7, lr;
	s5 =	simm.s32 $0xFFFFFFFF;
	p2 =	slt.u32 s8, $0xFFFFF086  }
0x1c: {  	p1 =	slt.u32 s9, $0xF7A;
	s5 =	simm.s32 @!p2 $0x0  }
0x1d: {  	s5 =	simm.s32 @p1 $0x1;
	p0 =	seq.s32 s7, s2  }
0x1e: {  	s7 =	smul.u32 @!p0 $0xF7A, s2;
	p2 =	seq.s32 @!p0 s5, $0x0  }
0x1f: {  	s9 =	smul.u32 $0xF7A, s1;
	s8 =	simm.s32 @!p0 $0x1BF5;
	p2 =	por !p2, p0  }
0x20: {  	[sflag:s8] =	ssyncset.s32 @!p0 $0xFFFFF086;
	s6 =	sadd.s32 @!p0 s3, s7;
	s7 =	simm.s32 @!p0 $0x108  }
0x21: {  	s3 =	sadd.s32 s3, s9;
	s6 =	sadd.s32 @!p0 $0x88, s6;
	s7 =	simm.s32 @p2 $0x1082  }
0x22: {  	[simem:s7], [sflag:s8] =	dma.local @!p0 [hbm:s6], $0xF7A  }
0x23: {  	s9 =	sor.u32 $0xD0000000, s2;
	s6 =	simm.s32 $0x108;
	_ =	swait.ge @!p0 [sflag:s8], $0x0  }
0x24: {  	s3 =	sadd.s32 $0x88, s3;
	s6 =	simm.s32 @!p1 $0x1082;
	[sflag:s4] =	ssyncset.s32 $0xFFFFF086  }
0x25: {  	[simem:s6], [sflag:s4] =	dma.local [hbm:s3], $0xF7A  }
0x26: {  	[smem:$0x3F95] =	sst s1;
	(tag) =	ssettag s2;
	_ =	strace s9  }
0x27: {  	s1 =	sld [smem:$0x3FA5]  }
0x28: {  	s2 =	sld [smem:$0x3FA6]  }
0x29: {  	s4 =	sld [smem:$0x3FA8]  }
0x2a: {  	p0 =	seq.s32 s5, $0x0;
	s5 =	sld [smem:$0x3FA9]  }
0x2b: {  	s6 =	sld [smem:$0x3FAA]  }
0x2c: {  	s7 =	sld [smem:$0x3FAB]  }
0x2d: {  	s3 =	simm.s32 $0x108;
	s8 =	sld [smem:$0x3FAC]  }
0x2e: {  	s3 =	simm.s32 @!p0 $0x1082;
	s9 =	sld [smem:$0x3FAD]  }
0x2f: {  	lr =	sadd.s32 s0, s3;
	s0 =	sld [smem:$0x3FA4]  }
0x30: {  	s3 =	sld [smem:$0x3FA7]  }
0x31: {  	[smem:$0x3FB0] =	sst s10  }
0x32: {  	s10 =	sld [smem:$0x3FAE];
	_ =	sdelay $0x3  }
0x33: {  	p0 =	seq.s32 s10, $0x1;
	s10 =	sld [smem:$0x3FB0];
	_ =	sdelay $0x3  }
0x34: {  	[smem:$0x3FB0] =	sst s10  }
0x35: {  	s10 =	sld [smem:$0x3FAF];
	_ =	sdelay $0x3  }
0x36: {  	p1 =	seq.s32 s10, $0x1;
	s10 =	sld [smem:$0x3FB0];
	_ =	sdelay $0x3  }
0x37: {  	[smem:$0x3FB0] =	sst s10  }
0x38: {  	s10 =	sld [smem:$0x3FB1]  }
0x39: {  	_ = 	snop;
	(pc) =	sbr.ind lr, $3  }
0x3a: {  	_ = 	snop  }
0x3b: {  	_ = 	snop  }
0x3c: {  	p2 =	seq.s32 s10, $0x1;
	s10 =	sld [smem:$0x3FB0]  }
0x3d: {  	_ =	shalt  }
0x3e: {  	_ =	shalt  }
0x3f: {  	_ =	shalt  }
0x40: {  	_ =	shalt  }
0x41: {  	_ =	shalt  }
0x42: {  	_ =	shalt  }
0x43: {  	_ =	shalt  }
0x44: {  	_ =	shalt  }
0x45: {  	_ =	shalt  }
0x46: {  	_ =	shalt  }
0x47: {  	_ =	shalt  }
0x48: {  	_ =	shalt  }
0x49: {  	_ =	shalt  }
0x4a: {  	_ =	shalt  }
0x4b: {  	_ =	shalt  }
0x4c: {  	_ =	shalt  }
0x4d: {  	_ =	shalt  }
0x4e: {  	_ =	shalt  }
0x4f: {  	_ =	shalt  }
0x50: {  	_ =	shalt  }
0x51: {  	_ =	shalt  }
0x52: {  	_ =	shalt  }
0x53: {  	_ =	shalt  }
0x54: {  	_ =	shalt  }
0x55: {  	_ =	shalt  }
0x56: {  	_ =	shalt  }
0x57: {  	_ =	shalt  }
0x58: {  	_ =	shalt  }
0x59: {  	_ =	shalt  }
0x5a: {  	_ =	shalt  }
0x5b: {  	_ =	shalt  }
0x5c: {  	_ =	shalt  }
0x5d: {  	_ =	shalt  }
0x5e: {  	_ =	shalt  }
0x5f: {  	_ =	shalt  }
0x60: {  	_ =	shalt  }
0x61: {  	_ =	shalt  }
0x62: {  	_ =	shalt  }
0x63: {  	_ =	shalt  }
0x64: {  	_ =	shalt  }
0x65: {  	_ =	shalt  }
0x66: {  	_ =	shalt  }
0x67: {  	_ =	shalt  }
0x68: {  	_ =	shalt  }
0x69: {  	_ =	shalt  }
0x6a: {  	_ =	shalt  }
0x6b: {  	_ =	shalt  }
0x6c: {  	_ =	shalt  }
0x6d: {  	_ =	shalt  }
0x6e: {  	_ =	shalt  }
0x6f: {  	_ =	shalt  }
0x70: {  	_ =	shalt  }
0x71: {  	_ =	shalt  }
0x72: {  	_ =	shalt  }
0x73: {  	_ =	shalt  }
0x74: {  	_ =	shalt  }
0x75: {  	_ =	shalt  }
0x76: {  	_ =	shalt  }
0x77: {  	_ =	shalt  }
0x78: {  	_ =	shalt  }
0x79: {  	_ =	shalt  }
0x7a: {  	_ =	shalt  }
0x7b: {  	_ =	shalt  }
0x7c: {  	_ =	shalt  }
0x7d: {  	_ =	shalt  }
0x7e: {  	_ =	shalt  }
0x7f: {  	_ =	shalt  }
0x80: {  	_ =	shalt  }
0x81: {  	_ =	shalt  }
0x82: {  	_ =	shalt  }
0x83: {  	_ =	shalt  }
0x84: {  	_ =	shalt  }
0x85: {  	_ =	shalt  }
0x86: {  	_ =	shalt  }
0x87: {  	_ =	shalt  }
.Lfunc_end0:
.L_simem_size_0:
called_computation_lowered:
.L_overlay_start_0:
0x88: {  	s2 =	sld [smem:$0x3FD9]  }
0x89: {  	s3 =	sld [smem:$0x3FFE];
	_ =	sdelay $0x1  }
0x8a: {  	s1 =	srdreg.scid  }
0x8b: {  	s0 =	sand.u32 $0x1, s1  }
0x8c: {  	s17 =	sshll.u32 s0, $0xA;
	s2 =	sadd.s32 s3, s2  }
0x8d: {  	s2 =	sadd.s32 s2, s17  }
0x8e: {  	[smem:$0x3FBC] =	sst s2  }
0x8f: {  	_ = 	snop  }
0x90: {  	s2 =	sld [smem:$0x3FD0];
	(tm) =	ssettm $0x1  }
0x91: {  	s18 =	sld [smem:$0x3FFB];
	_ =	sdelay $0x3  }
0x92: {  	_ =	strace s18  }
0x93: {  	s3 =	sld [smem:$0x3FFC];
	_ =	sdelay $0x3  }
0x94: {  	_ =	strace s3  }
0x95: {  	s3 =	sld [smem:$0x3FFD];
	_ =	sdelay $0x3  }
0x96: {  	_ =	strace s3  }
0x97: {  	_ =	strace $0x8FFFFFFF  }
0x98: {  	s19 =	sld [smem:$0x3FDB];
	_ =	sdelay $0x1  }
0x99: {  	s4 =	simm.s32 $_scs_section_size  }
0x9a: {  	s5 =	simm.s32 $_size__tile_overlayer_lowered;
	s6 =	simm.s32 $_tile_overlayer_lowered  }
0x9b: {  	s22 =	simm.s32 $0x1BFF;
	s21 =	sshll.u32 s6, $0x1;
	s3 =	sadd.s32 s4, s19  }
0x9c: {  	s7 =	simm.s32 $0x0;
	s20 =	sshll.u32 s5, $0x1;
	s5 =	sadd.s32 s21, s3  }
0x9d: {  	[timem:s7], [sflag:s22] =	dma.local [hbm:s5], s20  }
0x9e: {  	_ =	swait.ge [sflag:s22], s20  }
0x9f: {  	s4 =	ssub.s32 $0x0, s20;
	[sflag:s22] =	ssyncset.done $0x0  }
0xa0: {  	[sflag:s22] =	ssyncadd.s32 s4;
	_ =	sdelay $0x1  }
0xa1: {  	s23 =	simm.s32 $0x1B8B  }
0xa2: {  	_ =	swait.ge [sflag:s23], $0x1  }
0xa3: {  	[sflag:s23] =	ssyncset.done $0x0  }
0xa4: {  	s25 =	simm.s32 $0x1B8E;
	s24 =	sld [smem:$0x3FFE];
	[sflag:s23] =	ssyncadd.s32 $0xFFFFFFFF  }
0xa5: {  	s26 =	simm.s32 $execute0_lowered;
	[smem:$0x3FD2] =	sst s25  }
0xa6: {  	s5 =	sshll.u32 s26, $0x1;
	_ =	strace $0x80000046;
	[dreg:$0x1] =	wrdreg $0xFFFFFFFF  }
0xa7: {  	s28 =	simm.s32 $_size_execute0_lowered;
	s3 =	sadd.s32 s3, s5;
	[dreg:$0x0] =	wrdreg $0x0  }
0xa8: {  	s5 =	sshll.u32 s28, $0x1;
	[dreg:$0x2] =	wrdreg s3  }
0xa9: {  	[dreg:$0x3] =	wrdreg s5  }
0xaa: {  	[dreg:$0x4] =	wrdreg $0xC0  }
0xab: {  	_ =	task [dreg:s7], $0x5FFFF  }
0xac: {  	[dreg:$0x1] =	wrdreg $0xFFFFFFFF  }
0xad: {  	[dreg:$0x0] =	wrdreg $0x60  }
0xae: {  	[dreg:$0x2] =	wrdreg s24  }
0xaf: {  	[dreg:$0x3] =	wrdreg s2  }
0xb0: {  	[dreg:$0x4] =	wrdreg $0x9  }
0xb1: {  	_ =	task.clear_ibuf [dreg:s7], $0x5FFFF;
	_ =	strace $0x90000046  }
0xb2: {  	s29 =	simm.s32 $0x9;
	_ =	strace $0x80000048  }
0xb3: {  	_ =	swait.ge [sflag:s29], $0x1  }
0xb4: {  	[sflag:s29] =	ssyncadd.s32 $0xFFFFFFFF  }
0xb5: {  	_ =	strace $0x90000048  }
0xb6: {  	_ =	sfence  }
0xb7: {  	s30 =	sld [smem:$0x0];
	_ =	sdelay $0x2  }
0xb8: {  	s31 =	sshll.u32 s1, $0xD;
	s1 =	sshrl.u32 s1, $0x2  }
0xb9: {  	s3 =	sand.u32 $0x4000, s31;
	s1 =	sadd.s32 s1, s30  }
0xba: {  	s0 =	sor.u32 s3, s0;
	s1 =	sshll.u32 s1, $0x11  }
0xbb: {  	s0 =	sor.u32 s1, s0  }
0xbc: {  	s0 =	sadd.s32 $0x8F2B, s0  }
0xbd: {  	[sflag:s0] =	ssyncadd.remote.s32 $0x1  }
0xbe: {  	_ =	sfence.sel $0xFFFF  }
0xbf: {  	[dreg:$0x0] =	wrdreg $0xFFFFFFFF;
	(pc) =	sbr.abs _section_cstart, $3  }
0xc0: {  	[dreg:$0x1] =	wrdreg $0xFFFFFFFF  }
0xc1: {  	_ =	task.clear_ibuf [dreg:s7], $0x2FFFF;
	_ =	strace $0x9FFFFFFF  }
0xc2: {  	(tm) =	ssettm $0x7FFFFFFF  }
0xc3: {  	_ =	shalt  }
tec
execute0_lowered:
.L_overlay_start_1:
0x0: {  	(tag) =	ssettag $0x1  }
0x1: {  	s0 =	rddreg [dreg:$0x0]  }
0x2: {  	s2 =	rddreg [dreg:$0x1];
	s1 =	simm.s32 $0x0  }
0x3: {  	s4 =	srdreg.scid;
	s5 =	stileid.u32;
	s16 =	simm.s32 $0x100  }
0x4: {  	s17 =	simm.s32 $0x2;
	s31 =	simm.s32 $0x80;
	s18 =	simm.s32 $0x16900  }
0x5: {  	s19 =	simm.s32 $0x17100;
	s20 =	simm.s32 $0x17900;
	s21 =	simm.s32 $0x1  }
0x6: {  	s22 =	simm.s32 $0x0;
	[smem:$0x7FF] =	sst s1;
	s3 =	sadd.s32 $0x529800, s0  }
0x7: {  	s4 =	sand.u32 $0x1, s4;
	s11 =	sadd.s32 $0x49800, s0;
	s5 =	sshll.u32 s5, $0x7  }
0x8: {  	s12 =	sadd.s32 $0x1800, s0;
	s13 =	sadd.s32 $0x1A00, s0;
	s7 =	sadd.s32 $0x529900, s0  }
0x9: {  	s8 =	sadd.s32 $0x529A00, s0;
	s6 =	sshll.u32 s4, $0x6;
	s4 =	ssub.s32 $0x2, s4  }
0xa: {  	s9 =	sadd.s32 $0x529B00, s0;
	s10 =	sor.u32 s6, s5;
	s28 =	sshrl.u32 s4, $0x1  }
0xb: {  	_ =	strace $0x80000047;
	s14 =	sshll.u32 s10, $0x7;
	s15 =	ssub.s32 s4, s28  }
0xc: {  	s6 =	sshrl.u32 s10, $0x3;
	s29 =	sor.u32 $0x20, s10;
	s4 =	sadd.s32 s11, s14  }
0xd: {  	s5 =	sadd.s32 s12, s6;
	s6 =	sadd.s32 s13, s6;
	s10 =	sadd.s32 s2, s14  }
0xe: {  	v2 =	vlaneseq.u32;
	s30 =	sshll.u32 s29, $0x7;
	s0 =	sshrl.u32 s29, $0x3;
	s15 =	smax.u32 s15, $0x1  }
0xf: {  	vm0 =	vmmov $0xffff;
	v1 =	vshrl.u32 v2, $0x3;
	s11 =	sadd.s32 s11, s30;
	s12 =	sadd.s32 s12, s0;
	s13 =	sadd.s32 s13, s0  }
0x10: {  	v0 =	vand.u32 $0x7, v2;
	v2 =	vor.u32 $0x8, v2;
	v1 =	vmul.u32 $0x8, v1;
	s14 =	sadd.s32 s2, s30;
	s0 =	simm.s32 $0x15900;
	s2 =	simm.s32 $0x16100  }
.LBB2_1:
0x11: {  	[tilespmem:s16], [sflag:$0x2] =	stream.linear.gather [hbm4b:s4+s1], $0x8000, $0x38;
	[tilespmem:$0x18100] =	vst v63  }
0x12: {  	_ =	swait.ge [sflag:s17], $0x8000  }
0x13: {  	[sflag:s17] =	ssyncset.done $0x0  }
0x14: {  	[sflag:s17] =	ssyncadd.s32 $0xFFFF8000  }
0x15: {  	[tilespmem:s1], [sflag:$0x2] =	stream.linear.gather [hbm4b:s5+s1], $0x20, $0x38;
	[tilespmem:$0x18100] =	vst v63  }
0x16: {  	_ =	swait.ge [sflag:s17], $0x20  }
0x17: {  	[sflag:s17] =	ssyncset.done $0x0  }
0x18: {  	[sflag:s17] =	ssyncadd.s32 $0xFFFFFFE0  }
0x19: {  	[tilespmem:s31], [sflag:$0x2] =	stream.linear.gather [hbm4b:s6+s1], $0x20, $0x38;
	[tilespmem:$0x18100] =	vst v63  }
0x1a: {  	_ =	swait.ge [sflag:s17], $0x20  }
0x1b: {  	[sflag:s17] =	ssyncset.done $0x0  }
0x1c: {  	[sflag:s17] =	ssyncadd.s32 $0xFFFFFFE0  }
0x1d: {  	v3 =	vld [tilespmem:$0x0];
	_ =	sdelay $0x4  }
0x1e: {  	v4 =	vshll.u32 v3, $0x3  }
0x1f: {  	v3 =	vand.u32 $0x7, v3;
	v4 =	vand.u32 $0xFFFFFFC0, v4  }
0x20: {  	v3 =	vor.u32 v3, v4  }
0x21: {  	v4 =	vperm.xlane v3, v0;
	_ =	sdelay $0x1  }
0x22: {  	v4 =	vadd.s32 v1, v4;
	_ =	sdelay $0x3  }
0x23: {  	s23 =	simm.s32 $0x8100  }
0x24: {  	[tilespmem:s23], [sflag:$0x1] =	stream.indirect_vreg.gather [hbm4b:s3+s1], $0x80, v4, vm0, $0xb8;
	[tilespmem:$0x18100] =	vst v63  }
0x25: {  	s28 =	simm.s32 $0x8900;
	v3 =	vperm.xlane v3, v2  }
0x26: {  	[tilespmem:s28], [sflag:$0x1] =	stream.indirect_vreg.gather [hbm4b:s7+s1], $0x80, v4, vm0, $0xb8;
	[tilespmem:$0x18100] =	vst v63  }
0x27: {  	s29 =	simm.s32 $0x9100;
	v3 =	vadd.s32 v1, v3  }
0x28: {  	[tilespmem:s29], [sflag:$0x1] =	stream.indirect_vreg.gather [hbm4b:s8+s1], $0x80, v4, vm0, $0xb8;
	[tilespmem:$0x18100] =	vst v63  }
0x29: {  	s30 =	simm.s32 $0x9900  }
0x2a: {  	[tilespmem:s30], [sflag:$0x1] =	stream.indirect_vreg.gather [hbm4b:s9+s1], $0x80, v4, vm0, $0xb8;
	[tilespmem:$0x18100] =	vst v63  }
0x2b: {  	s24 =	simm.s32 $0xA100  }
0x2c: {  	[tilespmem:s24], [sflag:$0x1] =	stream.indirect_vreg.gather [hbm4b:s3+s1], $0x80, v3, vm0, $0xb8;
	[tilespmem:$0x18100] =	vst v63  }
0x2d: {  	s25 =	simm.s32 $0xA900  }
0x2e: {  	[tilespmem:s25], [sflag:$0x1] =	stream.indirect_vreg.gather [hbm4b:s7+s1], $0x80, v3, vm0, $0xb8;
	[tilespmem:$0x18100] =	vst v63  }
0x2f: {  	s26 =	simm.s32 $0xB100  }
0x30: {  	[tilespmem:s26], [sflag:$0x1] =	stream.indirect_vreg.gather [hbm4b:s8+s1], $0x80, v3, vm0, $0xb8;
	[tilespmem:$0x18100] =	vst v63  }
0x31: {  	s28 =	simm.s32 $0xB900  }
0x32: {  	[tilespmem:s28], [sflag:$0x1] =	stream.indirect_vreg.gather [hbm4b:s9+s1], $0x80, v3, vm0, $0xb8;
	[tilespmem:$0x18100] =	vst v63  }
0x33: {  	v3 =	vld [tilespmem:$0x10];
	_ =	sdelay $0x4  }
0x34: {  	v4 =	vshll.u32 v3, $0x3  }
0x35: {  	v3 =	vand.u32 $0x7, v3;
	v4 =	vand.u32 $0xFFFFFFC0, v4  }
0x36: {  	v3 =	vor.u32 v3, v4  }
0x37: {  	v4 =	vperm.xlane v3, v0;
	_ =	sdelay $0x1  }
0x38: {  	v4 =	vadd.s32 v1, v4;
	_ =	sdelay $0x3  }
0x39: {  	s29 =	simm.s32 $0xC100  }
0x3a: {  	[tilespmem:s29], [sflag:$0x1] =	stream.indirect_vreg.gather [hbm4b:s3+s1], $0x80, v4, vm0, $0xb8;
	[tilespmem:$0x18100] =	vst v63  }
0x3b: {  	s30 =	simm.s32 $0xC900;
	v3 =	vperm.xlane v3, v2  }
0x3c: {  	[tilespmem:s30], [sflag:$0x1] =	stream.indirect_vreg.gather [hbm4b:s7+s1], $0x80, v4, vm0, $0xb8;
	[tilespmem:$0x18100] =	vst v63  }
0x3d: {  	s24 =	simm.s32 $0xD100;
	v3 =	vadd.s32 v1, v3  }
0x3e: {  	[tilespmem:s24], [sflag:$0x1] =	stream.indirect_vreg.gather [hbm4b:s8+s1], $0x80, v4, vm0, $0xb8;
	[tilespmem:$0x18100] =	vst v63  }
0x3f: {  	s25 =	simm.s32 $0xD900  }
0x40: {  	[tilespmem:s25], [sflag:$0x1] =	stream.indirect_vreg.gather [hbm4b:s9+s1], $0x80, v4, vm0, $0xb8;
	[tilespmem:$0x18100] =	vst v63  }
0x41: {  	s26 =	simm.s32 $0xE100  }
0x42: {  	[tilespmem:s26], [sflag:$0x1] =	stream.indirect_vreg.gather [hbm4b:s3+s1], $0x80, v3, vm0, $0xb8;
	[tilespmem:$0x18100] =	vst v63  }
0x43: {  	s28 =	simm.s32 $0xE900  }
0x44: {  	[tilespmem:s28], [sflag:$0x1] =	stream.indirect_vreg.gather [hbm4b:s7+s1], $0x80, v3, vm0, $0xb8;
	[tilespmem:$0x18100] =	vst v63  }
0x45: {  	s29 =	simm.s32 $0xF100  }
0x46: {  	[tilespmem:s29], [sflag:$0x1] =	stream.indirect_vreg.gather [hbm4b:s8+s1], $0x80, v3, vm0, $0xb8;
	[tilespmem:$0x18100] =	vst v63  }
0x47: {  	s30 =	simm.s32 $0xF900  }
0x48: {  	[tilespmem:s30], [sflag:$0x1] =	stream.indirect_vreg.gather [hbm4b:s9+s1], $0x80, v3, vm0, $0xb8;
	[tilespmem:$0x18100] =	vst v63  }
0x49: {  	v3 =	vld [tilespmem:$0x80];
	_ =	sdelay $0x4  }
0x4a: {  	v4 =	vshll.u32 v3, $0x3  }
0x4b: {  	v3 =	vand.u32 $0x7, v3;
	v4 =	vand.u32 $0xFFFFFFC0, v4  }
0x4c: {  	v3 =	vor.u32 v3, v4  }
0x4d: {  	v4 =	vperm.xlane v3, v0;
	_ =	sdelay $0x1  }
0x4e: {  	v4 =	vadd.s32 v1, v4;
	_ =	sdelay $0x3  }
0x4f: {  	s24 =	simm.s32 $0x10100  }
0x50: {  	[tilespmem:s24], [sflag:$0x1] =	stream.indirect_vreg.gather [hbm4b:s3+s1], $0x80, v4, vm0, $0xb8;
	[tilespmem:$0x18100] =	vst v63  }
0x51: {  	s25 =	simm.s32 $0x10900;
	v3 =	vperm.xlane v3, v2  }
0x52: {  	[tilespmem:s25], [sflag:$0x1] =	stream.indirect_vreg.gather [hbm4b:s7+s1], $0x80, v4, vm0, $0xb8;
	[tilespmem:$0x18100] =	vst v63  }
0x53: {  	s26 =	simm.s32 $0x11100;
	v3 =	vadd.s32 v1, v3  }
0x54: {  	[tilespmem:s26], [sflag:$0x1] =	stream.indirect_vreg.gather [hbm4b:s8+s1], $0x80, v4, vm0, $0xb8;
	[tilespmem:$0x18100] =	vst v63  }
0x55: {  	s28 =	simm.s32 $0x11900  }
0x56: {  	[tilespmem:s28], [sflag:$0x1] =	stream.indirect_vreg.gather [hbm4b:s9+s1], $0x80, v4, vm0, $0xb8;
	[tilespmem:$0x18100] =	vst v63  }
0x57: {  	s29 =	simm.s32 $0x12100  }
0x58: {  	[tilespmem:s29], [sflag:$0x1] =	stream.indirect_vreg.gather [hbm4b:s3+s1], $0x80, v3, vm0, $0xb8;
	[tilespmem:$0x18100] =	vst v63  }
0x59: {  	s30 =	simm.s32 $0x12900  }
0x5a: {  	[tilespmem:s30], [sflag:$0x1] =	stream.indirect_vreg.gather [hbm4b:s7+s1], $0x80, v3, vm0, $0xb8;
	[tilespmem:$0x18100] =	vst v63  }
0x5b: {  	s24 =	simm.s32 $0x13100  }
0x5c: {  	[tilespmem:s24], [sflag:$0x1] =	stream.indirect_vreg.gather [hbm4b:s8+s1], $0x80, v3, vm0, $0xb8;
	[tilespmem:$0x18100] =	vst v63  }
0x5d: {  	s25 =	simm.s32 $0x13900  }
0x5e: {  	[tilespmem:s25], [sflag:$0x1] =	stream.indirect_vreg.gather [hbm4b:s9+s1], $0x80, v3, vm0, $0xb8;
	[tilespmem:$0x18100] =	vst v63  }
0x5f: {  	v3 =	vld [tilespmem:$0x90];
	_ =	sdelay $0x4  }
0x60: {  	v4 =	vshll.u32 v3, $0x3  }
0x61: {  	v3 =	vand.u32 $0x7, v3;
	v4 =	vand.u32 $0xFFFFFFC0, v4  }
0x62: {  	v3 =	vor.u32 v3, v4  }
0x63: {  	v4 =	vperm.xlane v3, v0;
	_ =	sdelay $0x1  }
0x64: {  	v4 =	vadd.s32 v1, v4;
	_ =	sdelay $0x3  }
0x65: {  	s26 =	simm.s32 $0x14100  }
0x66: {  	[tilespmem:s26], [sflag:$0x1] =	stream.indirect_vreg.gather [hbm4b:s3+s1], $0x80, v4, vm0, $0xb8;
	[tilespmem:$0x18100] =	vst v63  }
0x67: {  	s28 =	simm.s32 $0x14900;
	v3 =	vperm.xlane v3, v2  }
0x68: {  	[tilespmem:s28], [sflag:$0x1] =	stream.indirect_vreg.gather [hbm4b:s7+s1], $0x80, v4, vm0, $0xb8;
	[tilespmem:$0x18100] =	vst v63  }
0x69: {  	s29 =	simm.s32 $0x15100;
	v3 =	vadd.s32 v1, v3  }
0x6a: {  	[tilespmem:s29], [sflag:$0x1] =	stream.indirect_vreg.gather [hbm4b:s8+s1], $0x80, v4, vm0, $0xb8;
	[tilespmem:$0x18100] =	vst v63  }
0x6b: {  	_ = 	snop  }
0x6c: {  	[tilespmem:s0], [sflag:$0x1] =	stream.indirect_vreg.gather [hbm4b:s9+s1], $0x80, v4, vm0, $0xb8;
	[tilespmem:$0x18100] =	vst v63  }
0x6d: {  	_ = 	snop  }
0x6e: {  	[tilespmem:s2], [sflag:$0x1] =	stream.indirect_vreg.gather [hbm4b:s3+s1], $0x80, v3, vm0, $0xb8;
	[tilespmem:$0x18100] =	vst v63  }
0x6f: {  	_ = 	snop  }
0x70: {  	[tilespmem:s18], [sflag:$0x1] =	stream.indirect_vreg.gather [hbm4b:s7+s1], $0x80, v3, vm0, $0xb8;
	[tilespmem:$0x18100] =	vst v63  }
0x71: {  	_ = 	snop  }
0x72: {  	[tilespmem:s19], [sflag:$0x1] =	stream.indirect_vreg.gather [hbm4b:s8+s1], $0x80, v3, vm0, $0xb8;
	[tilespmem:$0x18100] =	vst v63  }
0x73: {  	_ = 	snop  }
0x74: {  	[tilespmem:s20], [sflag:$0x1] =	stream.indirect_vreg.gather [hbm4b:s9+s1], $0x80, v3, vm0, $0xb8;
	[tilespmem:$0x18100] =	vst v63  }
0x75: {  	_ =	swait.ge [sflag:s21], $0x8000  }
0x76: {  	[sflag:s21] =	ssyncset.done $0x0  }
0x77: {  	[sflag:s21] =	ssyncadd.s32 $0xFFFF8000  }
0x78: {  	_ =	swait.ge [sflag:s21], $0x8000  }
0x79: {  	s30 =	sand.u32 $0x70, s1;
	s24 =	sand.u32 $0x1C00, s1;
	[sflag:s21] =	ssyncset.done $0x0  }
0x7a: {  	s23 =	sor.u32 s30, s24;
	[sflag:s21] =	ssyncadd.s32 $0xFFFF8000  }
0x7b: {  	v3 =	vld [tilespmem:s23+$0x8100]  }
0x7c: {  	v4 =	vld [tilespmem:s23+$0x100];
	_ =	sdelay $0x1  }
0x7d: {  	v5 =	vld [tilespmem:s23+$0x10100];
	_ =	sdelay $0x2  }
0x7e: {  	v3 =	vadd.f32 v3, v4  }
0x7f: {  	s24 =	simm.s32 $0x80;
	s25 =	simm.s32 $0x10  }
0x80: {  	s25 =	sand.u32 $0x70, s25;
	s26 =	sand.u32 $0x1C00, s24;
	v3 =	vadd.f32 v5, v3  }
0x81: {  	s26 =	sor.u32 s25, s26;
	s25 =	simm.s32 $0x20  }
.LBB2_2:
0x82: {  	p0 =	sne.s32 s25, $0x3F0;
	v4 =	vld [tilespmem:s26+$0x8100];
	[tilespmem:s23+$0x100] =	vst v3;
	s23 =	smov.u32 s26  }
0x83: {  	v3 =	vld [tilespmem:s23+$0x100];
	_ =	sdelay $0x1  }
0x84: {  	v5 =	vld [tilespmem:s23+$0x10100];
	_ =	sdelay $0x1  }
.Ltmp0:
0x85: {  	(pc) =	sbr.rel @p0 .LBB2_2-.Ltmp0, $4  }
0x86: {  	v3 =	vadd.f32 v4, v3  }
0x87: {  	s24 =	sadd.s32 $0x80, s24  }
0x88: {  	s26 =	sand.u32 $0x70, s25;
	s28 =	sand.u32 $0x1C00, s24;
	v3 =	vadd.f32 v5, v3  }
0x89: {  	s25 =	sadd.s32 $0x10, s25;
	s26 =	sor.u32 s26, s28  }
0x8a: {  	v4 =	vld [tilespmem:s26+$0x8100];
	[tilespmem:s23+$0x100] =	vst v3  }
0x8b: {  	v3 =	vld [tilespmem:s26+$0x100];
	_ =	sdelay $0x1  }
0x8c: {  	v5 =	vld [tilespmem:s26+$0x10100];
	_ =	sdelay $0x2  }
0x8d: {  	v3 =	vadd.f32 v4, v3;
	_ =	sdelay $0x1  }
0x8e: {  	s25 =	simm.s32 $0x0;
	v3 =	vadd.f32 v5, v3  }
0x8f: {  	s24 =	sand.u32 $0x70, s25;
	s23 =	sand.u32 $0x1C00, s25  }
0x90: {  	s23 =	sor.u32 s23, s24;
	[tilespmem:s26+$0x100] =	vst v3  }
0x91: {  	v3 =	vld [tilespmem:s23+$0x8180]  }
0x92: {  	v4 =	vld [tilespmem:s23+$0x180];
	_ =	sdelay $0x1  }
0x93: {  	v5 =	vld [tilespmem:s23+$0x10180];
	_ =	sdelay $0x2  }
0x94: {  	v3 =	vadd.f32 v3, v4  }
0x95: {  	s25 =	simm.s32 $0x80;
	s26 =	simm.s32 $0x10  }
0x96: {  	s30 =	sand.u32 $0x1C00, s25;
	s24 =	sand.u32 $0x70, s26;
	v3 =	vadd.f32 v5, v3  }
0x97: {  	s28 =	simm.s32 $0x20;
	s26 =	smov.u32 s23;
	s29 =	sor.u32 s30, s24  }
.LBB2_4:
0x98: {  	p0 =	sne.s32 s28, $0x3F0;
	v4 =	vld [tilespmem:s29+$0x8180];
	[tilespmem:s26+$0x180] =	vst v3;
	s26 =	smov.u32 s29  }
0x99: {  	v3 =	vld [tilespmem:s26+$0x180];
	_ =	sdelay $0x1  }
0x9a: {  	v5 =	vld [tilespmem:s26+$0x10180];
	_ =	sdelay $0x1  }
.Ltmp1:
0x9b: {  	(pc) =	sbr.rel @p0 .LBB2_4-.Ltmp1, $4  }
0x9c: {  	v3 =	vadd.f32 v4, v3  }
0x9d: {  	s25 =	sadd.s32 $0x80, s25  }
0x9e: {  	s29 =	sand.u32 $0x70, s28;
	s30 =	sand.u32 $0x1C00, s25;
	v3 =	vadd.f32 v5, v3  }
0x9f: {  	s28 =	sadd.s32 $0x10, s28;
	s29 =	sor.u32 s30, s29  }
0xa0: {  	v4 =	vld [tilespmem:s29+$0x8180];
	[tilespmem:s26+$0x180] =	vst v3  }
0xa1: {  	v3 =	vld [tilespmem:s29+$0x180];
	_ =	sdelay $0x1  }
0xa2: {  	v5 =	vld [tilespmem:s29+$0x10180];
	_ =	sdelay $0x2  }
0xa3: {  	v3 =	vadd.f32 v4, v3;
	_ =	sdelay $0x1  }
0xa4: {  	v3 =	vadd.f32 v5, v3;
	_ =	sdelay $0x1  }
0xa5: {  	[tilespmem:s29+$0x180] =	vst v3  }
0xa6: {  	v3 =	vld [tilespmem:s23+$0x8200]  }
0xa7: {  	v4 =	vld [tilespmem:s23+$0x200];
	_ =	sdelay $0x1  }
0xa8: {  	v5 =	vld [tilespmem:s23+$0x10200];
	_ =	sdelay $0x2  }
0xa9: {  	v3 =	vadd.f32 v3, v4  }
0xaa: {  	s25 =	simm.s32 $0x80  }
0xab: {  	s30 =	sand.u32 $0x1C00, s25;
	v3 =	vadd.f32 v5, v3  }
0xac: {  	s26 =	sor.u32 s30, s24;
	s24 =	simm.s32 $0x20  }
.LBB2_6:
0xad: {  	p0 =	sne.s32 s24, $0x3F0;
	v4 =	vld [tilespmem:s26+$0x8200];
	[tilespmem:s23+$0x200] =	vst v3;
	s23 =	smov.u32 s26  }
0xae: {  	v3 =	vld [tilespmem:s23+$0x200];
	_ =	sdelay $0x1  }
0xaf: {  	v5 =	vld [tilespmem:s23+$0x10200];
	_ =	sdelay $0x1  }
.Ltmp2:
0xb0: {  	(pc) =	sbr.rel @p0 .LBB2_6-.Ltmp2, $4  }
0xb1: {  	v3 =	vadd.f32 v4, v3  }
0xb2: {  	s25 =	sadd.s32 $0x80, s25  }
0xb3: {  	s26 =	sand.u32 $0x70, s24;
	s28 =	sand.u32 $0x1C00, s25;
	v3 =	vadd.f32 v5, v3  }
0xb4: {  	s24 =	sadd.s32 $0x10, s24;
	s26 =	sor.u32 s28, s26  }
0xb5: {  	v4 =	vld [tilespmem:s26+$0x8200];
	[tilespmem:s23+$0x200] =	vst v3  }
0xb6: {  	v3 =	vld [tilespmem:s26+$0x200];
	_ =	sdelay $0x1  }
0xb7: {  	v5 =	vld [tilespmem:s26+$0x10200];
	_ =	sdelay $0x2  }
0xb8: {  	v3 =	vadd.f32 v4, v3;
	_ =	sdelay $0x1  }
0xb9: {  	s25 =	simm.s32 $0x0;
	v3 =	vadd.f32 v5, v3  }
0xba: {  	s24 =	sand.u32 $0x70, s25;
	s23 =	sand.u32 $0x1C00, s25  }
0xbb: {  	s23 =	sor.u32 s23, s24;
	[tilespmem:s26+$0x200] =	vst v3  }
0xbc: {  	v3 =	vld [tilespmem:s23+$0x8280]  }
0xbd: {  	v4 =	vld [tilespmem:s23+$0x280];
	_ =	sdelay $0x1  }
0xbe: {  	v5 =	vld [tilespmem:s23+$0x10280];
	_ =	sdelay $0x2  }
0xbf: {  	v3 =	vadd.f32 v3, v4  }
0xc0: {  	s25 =	simm.s32 $0x80;
	s26 =	simm.s32 $0x10  }
0xc1: {  	s30 =	sand.u32 $0x1C00, s25;
	s24 =	sand.u32 $0x70, s26;
	v3 =	vadd.f32 v5, v3  }
0xc2: {  	s28 =	simm.s32 $0x20;
	s26 =	smov.u32 s23;
	s29 =	sor.u32 s30, s24  }
.LBB2_8:
0xc3: {  	p0 =	sne.s32 s28, $0x3F0;
	v4 =	vld [tilespmem:s29+$0x8280];
	[tilespmem:s26+$0x280] =	vst v3;
	s26 =	smov.u32 s29  }
0xc4: {  	v3 =	vld [tilespmem:s26+$0x280];
	_ =	sdelay $0x1  }
0xc5: {  	v5 =	vld [tilespmem:s26+$0x10280];
	_ =	sdelay $0x1  }
.Ltmp3:
0xc6: {  	(pc) =	sbr.rel @p0 .LBB2_8-.Ltmp3, $4  }
0xc7: {  	v3 =	vadd.f32 v4, v3  }
0xc8: {  	s25 =	sadd.s32 $0x80, s25  }
0xc9: {  	s29 =	sand.u32 $0x70, s28;
	s30 =	sand.u32 $0x1C00, s25;
	v3 =	vadd.f32 v5, v3  }
0xca: {  	s28 =	sadd.s32 $0x10, s28;
	s29 =	sor.u32 s30, s29  }
0xcb: {  	v4 =	vld [tilespmem:s29+$0x8280];
	[tilespmem:s26+$0x280] =	vst v3  }
0xcc: {  	v3 =	vld [tilespmem:s29+$0x280];
	_ =	sdelay $0x1  }
0xcd: {  	v5 =	vld [tilespmem:s29+$0x10280];
	_ =	sdelay $0x2  }
0xce: {  	v3 =	vadd.f32 v4, v3;
	_ =	sdelay $0x1  }
0xcf: {  	v3 =	vadd.f32 v5, v3;
	_ =	sdelay $0x1  }
0xd0: {  	[tilespmem:s29+$0x280] =	vst v3  }
0xd1: {  	v3 =	vld [tilespmem:s23+$0x8300]  }
0xd2: {  	v4 =	vld [tilespmem:s23+$0x300];
	_ =	sdelay $0x1  }
0xd3: {  	v5 =	vld [tilespmem:s23+$0x10300];
	_ =	sdelay $0x2  }
0xd4: {  	v3 =	vadd.f32 v3, v4  }
0xd5: {  	s25 =	simm.s32 $0x80  }
0xd6: {  	s30 =	sand.u32 $0x1C00, s25;
	v3 =	vadd.f32 v5, v3  }
0xd7: {  	s26 =	sor.u32 s30, s24;
	s24 =	simm.s32 $0x20  }
.LBB2_10:
0xd8: {  	p0 =	sne.s32 s24, $0x3F0;
	v4 =	vld [tilespmem:s26+$0x8300];
	[tilespmem:s23+$0x300] =	vst v3;
	s23 =	smov.u32 s26  }
0xd9: {  	v3 =	vld [tilespmem:s23+$0x300];
	_ =	sdelay $0x1  }
0xda: {  	v5 =	vld [tilespmem:s23+$0x10300];
	_ =	sdelay $0x1  }
.Ltmp4:
0xdb: {  	(pc) =	sbr.rel @p0 .LBB2_10-.Ltmp4, $4  }
0xdc: {  	v3 =	vadd.f32 v4, v3  }
0xdd: {  	s25 =	sadd.s32 $0x80, s25  }
0xde: {  	s26 =	sand.u32 $0x70, s24;
	s28 =	sand.u32 $0x1C00, s25;
	v3 =	vadd.f32 v5, v3  }
0xdf: {  	s24 =	sadd.s32 $0x10, s24;
	s26 =	sor.u32 s28, s26  }
0xe0: {  	v4 =	vld [tilespmem:s26+$0x8300];
	[tilespmem:s23+$0x300] =	vst v3  }
0xe1: {  	v3 =	vld [tilespmem:s26+$0x300];
	_ =	sdelay $0x1  }
0xe2: {  	v5 =	vld [tilespmem:s26+$0x10300];
	_ =	sdelay $0x2  }
0xe3: {  	v3 =	vadd.f32 v4, v3;
	_ =	sdelay $0x1  }
0xe4: {  	s25 =	simm.s32 $0x0;
	v3 =	vadd.f32 v5, v3  }
0xe5: {  	s24 =	sand.u32 $0x70, s25;
	s23 =	sand.u32 $0x1C00, s25  }
0xe6: {  	s23 =	sor.u32 s23, s24;
	[tilespmem:s26+$0x300] =	vst v3  }
0xe7: {  	v3 =	vld [tilespmem:s23+$0x8380]  }
0xe8: {  	v4 =	vld [tilespmem:s23+$0x380];
	_ =	sdelay $0x1  }
0xe9: {  	v5 =	vld [tilespmem:s23+$0x10380];
	_ =	sdelay $0x2  }
0xea: {  	v3 =	vadd.f32 v3, v4  }
0xeb: {  	s25 =	simm.s32 $0x80;
	s26 =	simm.s32 $0x10  }
0xec: {  	s30 =	sand.u32 $0x1C00, s25;
	s24 =	sand.u32 $0x70, s26;
	v3 =	vadd.f32 v5, v3  }
0xed: {  	s28 =	simm.s32 $0x20;
	s26 =	smov.u32 s23;
	s29 =	sor.u32 s30, s24  }
.LBB2_12:
0xee: {  	p0 =	sne.s32 s28, $0x3F0;
	v4 =	vld [tilespmem:s29+$0x8380];
	[tilespmem:s26+$0x380] =	vst v3;
	s26 =	smov.u32 s29  }
0xef: {  	v3 =	vld [tilespmem:s26+$0x380];
	_ =	sdelay $0x1  }
0xf0: {  	v5 =	vld [tilespmem:s26+$0x10380];
	_ =	sdelay $0x1  }
.Ltmp5:
0xf1: {  	(pc) =	sbr.rel @p0 .LBB2_12-.Ltmp5, $4  }
0xf2: {  	v3 =	vadd.f32 v4, v3  }
0xf3: {  	s25 =	sadd.s32 $0x80, s25  }
0xf4: {  	s29 =	sand.u32 $0x70, s28;
	s30 =	sand.u32 $0x1C00, s25;
	v3 =	vadd.f32 v5, v3  }
0xf5: {  	s28 =	sadd.s32 $0x10, s28;
	s29 =	sor.u32 s30, s29  }
0xf6: {  	v4 =	vld [tilespmem:s29+$0x8380];
	[tilespmem:s26+$0x380] =	vst v3  }
0xf7: {  	v3 =	vld [tilespmem:s29+$0x380];
	_ =	sdelay $0x1  }
0xf8: {  	v5 =	vld [tilespmem:s29+$0x10380];
	_ =	sdelay $0x2  }
0xf9: {  	v3 =	vadd.f32 v4, v3;
	_ =	sdelay $0x1  }
0xfa: {  	v3 =	vadd.f32 v5, v3;
	_ =	sdelay $0x1  }
0xfb: {  	[tilespmem:s29+$0x380] =	vst v3  }
0xfc: {  	v3 =	vld [tilespmem:s23+$0x8400]  }
0xfd: {  	v4 =	vld [tilespmem:s23+$0x400];
	_ =	sdelay $0x1  }
0xfe: {  	v5 =	vld [tilespmem:s23+$0x10400];
	_ =	sdelay $0x2  }
0xff: {  	v3 =	vadd.f32 v3, v4  }
0x100: {  	s25 =	simm.s32 $0x80  }
0x101: {  	s30 =	sand.u32 $0x1C00, s25;
	v3 =	vadd.f32 v5, v3  }
0x102: {  	s26 =	sor.u32 s30, s24;
	s24 =	simm.s32 $0x20  }
.LBB2_14:
0x103: {  	p0 =	sne.s32 s24, $0x3F0;
	v4 =	vld [tilespmem:s26+$0x8400];
	[tilespmem:s23+$0x400] =	vst v3;
	s23 =	smov.u32 s26  }
0x104: {  	v3 =	vld [tilespmem:s23+$0x400];
	_ =	sdelay $0x1  }
0x105: {  	v5 =	vld [tilespmem:s23+$0x10400];
	_ =	sdelay $0x1  }
.Ltmp6:
0x106: {  	(pc) =	sbr.rel @p0 .LBB2_14-.Ltmp6, $4  }
0x107: {  	v3 =	vadd.f32 v4, v3  }
0x108: {  	s25 =	sadd.s32 $0x80, s25  }
0x109: {  	s26 =	sand.u32 $0x70, s24;
	s28 =	sand.u32 $0x1C00, s25;
	v3 =	vadd.f32 v5, v3  }
0x10a: {  	s24 =	sadd.s32 $0x10, s24;
	s26 =	sor.u32 s28, s26  }
0x10b: {  	v4 =	vld [tilespmem:s26+$0x8400];
	[tilespmem:s23+$0x400] =	vst v3  }
0x10c: {  	v3 =	vld [tilespmem:s26+$0x400];
	_ =	sdelay $0x1  }
0x10d: {  	v5 =	vld [tilespmem:s26+$0x10400];
	_ =	sdelay $0x2  }
0x10e: {  	v3 =	vadd.f32 v4, v3;
	_ =	sdelay $0x1  }
0x10f: {  	s24 =	simm.s32 $0x0;
	v3 =	vadd.f32 v5, v3  }
0x110: {  	s30 =	sor.u32 s24, s24  }
0x111: {  	s25 =	sor.u32 $0x380, s30;
	[tilespmem:s26+$0x400] =	vst v3  }
0x112: {  	v3 =	vld [tilespmem:s25+$0x8100]  }
0x113: {  	v4 =	vld [tilespmem:s25+$0x100];
	_ =	sdelay $0x1  }
0x114: {  	v5 =	vld [tilespmem:s25+$0x10100];
	_ =	sdelay $0x2  }
0x115: {  	v3 =	vadd.f32 v3, v4  }
0x116: {  	s23 =	simm.s32 $0x10;
	s26 =	simm.s32 $0x80  }
0x117: {  	s28 =	sor.u32 s26, s23;
	v3 =	vadd.f32 v5, v3  }
0x118: {  	s29 =	sor.u32 $0x380, s28;
	s28 =	simm.s32 $0x20  }
.LBB2_16:
0x119: {  	p0 =	sne.s32 s28, $0x3F0;
	v4 =	vld [tilespmem:s29+$0x8100];
	[tilespmem:s25+$0x100] =	vst v3;
	s25 =	smov.u32 s29  }
0x11a: {  	v3 =	vld [tilespmem:s25+$0x100];
	_ =	sdelay $0x1  }
0x11b: {  	v5 =	vld [tilespmem:s25+$0x10100];
	_ =	sdelay $0x1  }
.Ltmp7:
0x11c: {  	(pc) =	sbr.rel @p0 .LBB2_16-.Ltmp7, $4  }
0x11d: {  	v3 =	vadd.f32 v4, v3  }
0x11e: {  	s26 =	sadd.s32 $0x80, s26  }
0x11f: {  	s29 =	sor.u32 s26, s28;
	v3 =	vadd.f32 v5, v3  }
0x120: {  	s28 =	sadd.s32 $0x10, s28;
	s29 =	sor.u32 $0x380, s29  }
0x121: {  	v4 =	vld [tilespmem:s29+$0x8100];
	[tilespmem:s25+$0x100] =	vst v3  }
0x122: {  	v3 =	vld [tilespmem:s29+$0x100];
	_ =	sdelay $0x1  }
0x123: {  	v5 =	vld [tilespmem:s29+$0x10100];
	_ =	sdelay $0x2  }
0x124: {  	v3 =	vadd.f32 v4, v3;
	_ =	sdelay $0x1  }
0x125: {  	v3 =	vadd.f32 v5, v3  }
0x126: {  	s28 =	sand.u32 $0x70, s24;
	s30 =	sand.u32 $0x1C00, s24  }
0x127: {  	s24 =	sor.u32 s30, s28;
	[tilespmem:s29+$0x100] =	vst v3  }
0x128: {  	v3 =	vld [tilespmem:s24+$0xA100]  }
0x129: {  	v4 =	vld [tilespmem:s24+$0x2100];
	_ =	sdelay $0x1  }
0x12a: {  	v5 =	vld [tilespmem:s24+$0x12100];
	_ =	sdelay $0x2  }
0x12b: {  	v3 =	vadd.f32 v3, v4  }
0x12c: {  	s25 =	simm.s32 $0x80  }
0x12d: {  	s23 =	sand.u32 $0x70, s23;
	s26 =	sand.u32 $0x1C00, s25;
	v3 =	vadd.f32 v5, v3  }
0x12e: {  	s26 =	sor.u32 s26, s23;
	s23 =	simm.s32 $0x20  }
.LBB2_18:
0x12f: {  	p0 =	sne.s32 s23, $0x3F0;
	v4 =	vld [tilespmem:s26+$0xA100];
	[tilespmem:s24+$0x2100] =	vst v3;
	s24 =	smov.u32 s26  }
0x130: {  	v3 =	vld [tilespmem:s24+$0x2100];
	_ =	sdelay $0x1  }
0x131: {  	v5 =	vld [tilespmem:s24+$0x12100];
	_ =	sdelay $0x1  }
.Ltmp8:
0x132: {  	(pc) =	sbr.rel @p0 .LBB2_18-.Ltmp8, $4  }
0x133: {  	v3 =	vadd.f32 v4, v3  }
0x134: {  	s25 =	sadd.s32 $0x80, s25  }
0x135: {  	s26 =	sand.u32 $0x70, s23;
	s28 =	sand.u32 $0x1C00, s25;
	v3 =	vadd.f32 v5, v3  }
0x136: {  	s23 =	sadd.s32 $0x10, s23;
	s26 =	sor.u32 s28, s26  }
0x137: {  	v4 =	vld [tilespmem:s26+$0xA100];
	[tilespmem:s24+$0x2100] =	vst v3  }
0x138: {  	v3 =	vld [tilespmem:s26+$0x2100];
	_ =	sdelay $0x1  }
0x139: {  	v5 =	vld [tilespmem:s26+$0x12100];
	_ =	sdelay $0x2  }
0x13a: {  	v3 =	vadd.f32 v4, v3;
	_ =	sdelay $0x1  }
0x13b: {  	s23 =	simm.s32 $0x0;
	v3 =	vadd.f32 v5, v3  }
0x13c: {  	s25 =	sand.u32 $0x70, s23;
	s23 =	sand.u32 $0x1C00, s23  }
0x13d: {  	s23 =	sor.u32 s23, s25;
	[tilespmem:s26+$0x2100] =	vst v3  }
0x13e: {  	v3 =	vld [tilespmem:s23+$0xA180]  }
0x13f: {  	v4 =	vld [tilespmem:s23+$0x2180];
	_ =	sdelay $0x1  }
0x140: {  	v5 =	vld [tilespmem:s23+$0x12180];
	_ =	sdelay $0x2  }
0x141: {  	v3 =	vadd.f32 v3, v4  }
0x142: {  	s25 =	simm.s32 $0x80;
	s26 =	simm.s32 $0x10  }
0x143: {  	s30 =	sand.u32 $0x1C00, s25;
	s24 =	sand.u32 $0x70, s26;
	v3 =	vadd.f32 v5, v3  }
0x144: {  	s28 =	simm.s32 $0x20;
	s26 =	smov.u32 s23;
	s29 =	sor.u32 s30, s24  }
.LBB2_20:
0x145: {  	p0 =	sne.s32 s28, $0x3F0;
	v4 =	vld [tilespmem:s29+$0xA180];
	[tilespmem:s26+$0x2180] =	vst v3;
	s26 =	smov.u32 s29  }
0x146: {  	v3 =	vld [tilespmem:s26+$0x2180];
	_ =	sdelay $0x1  }
0x147: {  	v5 =	vld [tilespmem:s26+$0x12180];
	_ =	sdelay $0x1  }
.Ltmp9:
0x148: {  	(pc) =	sbr.rel @p0 .LBB2_20-.Ltmp9, $4  }
0x149: {  	v3 =	vadd.f32 v4, v3  }
0x14a: {  	s25 =	sadd.s32 $0x80, s25  }
0x14b: {  	s29 =	sand.u32 $0x70, s28;
	s30 =	sand.u32 $0x1C00, s25;
	v3 =	vadd.f32 v5, v3  }
0x14c: {  	s28 =	sadd.s32 $0x10, s28;
	s29 =	sor.u32 s30, s29  }
0x14d: {  	v4 =	vld [tilespmem:s29+$0xA180];
	[tilespmem:s26+$0x2180] =	vst v3  }
0x14e: {  	v3 =	vld [tilespmem:s29+$0x2180];
	_ =	sdelay $0x1  }
0x14f: {  	v5 =	vld [tilespmem:s29+$0x12180];
	_ =	sdelay $0x2  }
0x150: {  	v3 =	vadd.f32 v4, v3;
	_ =	sdelay $0x1  }
0x151: {  	v3 =	vadd.f32 v5, v3;
	_ =	sdelay $0x1  }
0x152: {  	[tilespmem:s29+$0x2180] =	vst v3  }
0x153: {  	v3 =	vld [tilespmem:s23+$0xA200]  }
0x154: {  	v4 =	vld [tilespmem:s23+$0x2200];
	_ =	sdelay $0x1  }
0x155: {  	v5 =	vld [tilespmem:s23+$0x12200];
	_ =	sdelay $0x2  }
0x156: {  	v3 =	vadd.f32 v3, v4  }
0x157: {  	s25 =	simm.s32 $0x80  }
0x158: {  	s30 =	sand.u32 $0x1C00, s25;
	v3 =	vadd.f32 v5, v3  }
0x159: {  	s26 =	sor.u32 s30, s24;
	s24 =	simm.s32 $0x20  }
.LBB2_22:
0x15a: {  	p0 =	sne.s32 s24, $0x3F0;
	v4 =	vld [tilespmem:s26+$0xA200];
	[tilespmem:s23+$0x2200] =	vst v3;
	s23 =	smov.u32 s26  }
0x15b: {  	v3 =	vld [tilespmem:s23+$0x2200];
	_ =	sdelay $0x1  }
0x15c: {  	v5 =	vld [tilespmem:s23+$0x12200];
	_ =	sdelay $0x1  }
.Ltmp10:
0x15d: {  	(pc) =	sbr.rel @p0 .LBB2_22-.Ltmp10, $4  }
0x15e: {  	v3 =	vadd.f32 v4, v3  }
0x15f: {  	s25 =	sadd.s32 $0x80, s25  }
0x160: {  	s26 =	sand.u32 $0x70, s24;
	s28 =	sand.u32 $0x1C00, s25;
	v3 =	vadd.f32 v5, v3  }
0x161: {  	s24 =	sadd.s32 $0x10, s24;
	s26 =	sor.u32 s28, s26  }
0x162: {  	v4 =	vld [tilespmem:s26+$0xA200];
	[tilespmem:s23+$0x2200] =	vst v3  }
0x163: {  	v3 =	vld [tilespmem:s26+$0x2200];
	_ =	sdelay $0x1  }
0x164: {  	v5 =	vld [tilespmem:s26+$0x12200];
	_ =	sdelay $0x2  }
0x165: {  	v3 =	vadd.f32 v4, v3;
	_ =	sdelay $0x1  }
0x166: {  	s25 =	simm.s32 $0x0;
	v3 =	vadd.f32 v5, v3  }
0x167: {  	s24 =	sand.u32 $0x70, s25;
	s23 =	sand.u32 $0x1C00, s25  }
0x168: {  	s23 =	sor.u32 s23, s24;
	[tilespmem:s26+$0x2200] =	vst v3  }
0x169: {  	v3 =	vld [tilespmem:s23+$0xA280]  }
0x16a: {  	v4 =	vld [tilespmem:s23+$0x2280];
	_ =	sdelay $0x1  }
0x16b: {  	v5 =	vld [tilespmem:s23+$0x12280];
	_ =	sdelay $0x2  }
0x16c: {  	v3 =	vadd.f32 v3, v4  }
0x16d: {  	s25 =	simm.s32 $0x80;
	s26 =	simm.s32 $0x10  }
0x16e: {  	s30 =	sand.u32 $0x1C00, s25;
	s24 =	sand.u32 $0x70, s26;
	v3 =	vadd.f32 v5, v3  }
0x16f: {  	s28 =	simm.s32 $0x20;
	s26 =	smov.u32 s23;
	s29 =	sor.u32 s30, s24  }
.LBB2_24:
0x170: {  	p0 =	sne.s32 s28, $0x3F0;
	v4 =	vld [tilespmem:s29+$0xA280];
	[tilespmem:s26+$0x2280] =	vst v3;
	s26 =	smov.u32 s29  }
0x171: {  	v3 =	vld [tilespmem:s26+$0x2280];
	_ =	sdelay $0x1  }
0x172: {  	v5 =	vld [tilespmem:s26+$0x12280];
	_ =	sdelay $0x1  }
.Ltmp11:
0x173: {  	(pc) =	sbr.rel @p0 .LBB2_24-.Ltmp11, $4  }
0x174: {  	v3 =	vadd.f32 v4, v3  }
0x175: {  	s25 =	sadd.s32 $0x80, s25  }
0x176: {  	s29 =	sand.u32 $0x70, s28;
	s30 =	sand.u32 $0x1C00, s25;
	v3 =	vadd.f32 v5, v3  }
0x177: {  	s28 =	sadd.s32 $0x10, s28;
	s29 =	sor.u32 s30, s29  }
0x178: {  	v4 =	vld [tilespmem:s29+$0xA280];
	[tilespmem:s26+$0x2280] =	vst v3  }
0x179: {  	v3 =	vld [tilespmem:s29+$0x2280];
	_ =	sdelay $0x1  }
0x17a: {  	v5 =	vld [tilespmem:s29+$0x12280];
	_ =	sdelay $0x2  }
0x17b: {  	v3 =	vadd.f32 v4, v3;
	_ =	sdelay $0x1  }
0x17c: {  	v3 =	vadd.f32 v5, v3;
	_ =	sdelay $0x1  }
0x17d: {  	[tilespmem:s29+$0x2280] =	vst v3  }
0x17e: {  	v3 =	vld [tilespmem:s23+$0xA300]  }
0x17f: {  	v4 =	vld [tilespmem:s23+$0x2300];
	_ =	sdelay $0x1  }
0x180: {  	v5 =	vld [tilespmem:s23+$0x12300];
	_ =	sdelay $0x2  }
0x181: {  	v3 =	vadd.f32 v3, v4  }
0x182: {  	s25 =	simm.s32 $0x80  }
0x183: {  	s30 =	sand.u32 $0x1C00, s25;
	v3 =	vadd.f32 v5, v3  }
0x184: {  	s26 =	sor.u32 s30, s24;
	s24 =	simm.s32 $0x20  }
.LBB2_26:
0x185: {  	p0 =	sne.s32 s24, $0x3F0;
	v4 =	vld [tilespmem:s26+$0xA300];
	[tilespmem:s23+$0x2300] =	vst v3;
	s23 =	smov.u32 s26  }
0x186: {  	v3 =	vld [tilespmem:s23+$0x2300];
	_ =	sdelay $0x1  }
0x187: {  	v5 =	vld [tilespmem:s23+$0x12300];
	_ =	sdelay $0x1  }
.Ltmp12:
0x188: {  	(pc) =	sbr.rel @p0 .LBB2_26-.Ltmp12, $4  }
0x189: {  	v3 =	vadd.f32 v4, v3  }
0x18a: {  	s25 =	sadd.s32 $0x80, s25  }
0x18b: {  	s26 =	sand.u32 $0x70, s24;
	s28 =	sand.u32 $0x1C00, s25;
	v3 =	vadd.f32 v5, v3  }
0x18c: {  	s24 =	sadd.s32 $0x10, s24;
	s26 =	sor.u32 s28, s26  }
0x18d: {  	v4 =	vld [tilespmem:s26+$0xA300];
	[tilespmem:s23+$0x2300] =	vst v3  }
0x18e: {  	v3 =	vld [tilespmem:s26+$0x2300];
	_ =	sdelay $0x1  }
0x18f: {  	v5 =	vld [tilespmem:s26+$0x12300];
	_ =	sdelay $0x2  }
0x190: {  	v3 =	vadd.f32 v4, v3;
	_ =	sdelay $0x1  }
0x191: {  	s25 =	simm.s32 $0x0;
	v3 =	vadd.f32 v5, v3  }
0x192: {  	s24 =	sand.u32 $0x70, s25;
	s23 =	sand.u32 $0x1C00, s25  }
0x193: {  	s23 =	sor.u32 s23, s24;
	[tilespmem:s26+$0x2300] =	vst v3  }
0x194: {  	v3 =	vld [tilespmem:s23+$0xA380]  }
0x195: {  	v4 =	vld [tilespmem:s23+$0x2380];
	_ =	sdelay $0x1  }
0x196: {  	v5 =	vld [tilespmem:s23+$0x12380];
	_ =	sdelay $0x2  }
0x197: {  	v3 =	vadd.f32 v3, v4  }
0x198: {  	s25 =	simm.s32 $0x80;
	s26 =	simm.s32 $0x10  }
0x199: {  	s30 =	sand.u32 $0x1C00, s25;
	s24 =	sand.u32 $0x70, s26;
	v3 =	vadd.f32 v5, v3  }
0x19a: {  	s28 =	simm.s32 $0x20;
	s26 =	smov.u32 s23;
	s29 =	sor.u32 s30, s24  }
.LBB2_28:
0x19b: {  	p0 =	sne.s32 s28, $0x3F0;
	v4 =	vld [tilespmem:s29+$0xA380];
	[tilespmem:s26+$0x2380] =	vst v3;
	s26 =	smov.u32 s29  }
0x19c: {  	v3 =	vld [tilespmem:s26+$0x2380];
	_ =	sdelay $0x1  }
0x19d: {  	v5 =	vld [tilespmem:s26+$0x12380];
	_ =	sdelay $0x1  }
.Ltmp13:
0x19e: {  	(pc) =	sbr.rel @p0 .LBB2_28-.Ltmp13, $4  }
0x19f: {  	v3 =	vadd.f32 v4, v3  }
0x1a0: {  	s25 =	sadd.s32 $0x80, s25  }
0x1a1: {  	s29 =	sand.u32 $0x70, s28;
	s30 =	sand.u32 $0x1C00, s25;
	v3 =	vadd.f32 v5, v3  }
0x1a2: {  	s28 =	sadd.s32 $0x10, s28;
	s29 =	sor.u32 s30, s29  }
0x1a3: {  	v4 =	vld [tilespmem:s29+$0xA380];
	[tilespmem:s26+$0x2380] =	vst v3  }
0x1a4: {  	v3 =	vld [tilespmem:s29+$0x2380];
	_ =	sdelay $0x1  }
0x1a5: {  	v5 =	vld [tilespmem:s29+$0x12380];
	_ =	sdelay $0x2  }
0x1a6: {  	v3 =	vadd.f32 v4, v3;
	_ =	sdelay $0x1  }
0x1a7: {  	v3 =	vadd.f32 v5, v3;
	_ =	sdelay $0x1  }
0x1a8: {  	[tilespmem:s29+$0x2380] =	vst v3  }
0x1a9: {  	v3 =	vld [tilespmem:s23+$0xA400]  }
0x1aa: {  	v4 =	vld [tilespmem:s23+$0x2400];
	_ =	sdelay $0x1  }
0x1ab: {  	v5 =	vld [tilespmem:s23+$0x12400];
	_ =	sdelay $0x2  }
0x1ac: {  	v3 =	vadd.f32 v3, v4  }
0x1ad: {  	s25 =	simm.s32 $0x80  }
0x1ae: {  	s30 =	sand.u32 $0x1C00, s25;
	v3 =	vadd.f32 v5, v3  }
0x1af: {  	s26 =	sor.u32 s30, s24;
	s24 =	simm.s32 $0x20  }
.LBB2_30:
0x1b0: {  	p0 =	sne.s32 s24, $0x3F0;
	v4 =	vld [tilespmem:s26+$0xA400];
	[tilespmem:s23+$0x2400] =	vst v3;
	s23 =	smov.u32 s26  }
0x1b1: {  	v3 =	vld [tilespmem:s23+$0x2400];
	_ =	sdelay $0x1  }
0x1b2: {  	v5 =	vld [tilespmem:s23+$0x12400];
	_ =	sdelay $0x1  }
.Ltmp14:
0x1b3: {  	(pc) =	sbr.rel @p0 .LBB2_30-.Ltmp14, $4  }
0x1b4: {  	v3 =	vadd.f32 v4, v3  }
0x1b5: {  	s25 =	sadd.s32 $0x80, s25  }
0x1b6: {  	s26 =	sand.u32 $0x70, s24;
	s28 =	sand.u32 $0x1C00, s25;
	v3 =	vadd.f32 v5, v3  }
0x1b7: {  	s24 =	sadd.s32 $0x10, s24;
	s26 =	sor.u32 s28, s26  }
0x1b8: {  	v4 =	vld [tilespmem:s26+$0xA400];
	[tilespmem:s23+$0x2400] =	vst v3  }
0x1b9: {  	v3 =	vld [tilespmem:s26+$0x2400];
	_ =	sdelay $0x1  }
0x1ba: {  	v5 =	vld [tilespmem:s26+$0x12400];
	_ =	sdelay $0x2  }
0x1bb: {  	v3 =	vadd.f32 v4, v3;
	_ =	sdelay $0x1  }
0x1bc: {  	s24 =	simm.s32 $0x0;
	v3 =	vadd.f32 v5, v3  }
0x1bd: {  	s30 =	sor.u32 s24, s24  }
0x1be: {  	s25 =	sor.u32 $0x2380, s30;
	[tilespmem:s26+$0x2400] =	vst v3  }
0x1bf: {  	v3 =	vld [tilespmem:s25+$0x8100]  }
0x1c0: {  	v4 =	vld [tilespmem:s25+$0x100];
	_ =	sdelay $0x1  }
0x1c1: {  	v5 =	vld [tilespmem:s25+$0x10100];
	_ =	sdelay $0x2  }
0x1c2: {  	v3 =	vadd.f32 v3, v4  }
0x1c3: {  	s23 =	simm.s32 $0x10;
	s26 =	simm.s32 $0x80  }
0x1c4: {  	s28 =	sor.u32 s26, s23;
	v3 =	vadd.f32 v5, v3  }
0x1c5: {  	s29 =	sor.u32 $0x2380, s28;
	s28 =	simm.s32 $0x20  }
.LBB2_32:
0x1c6: {  	p0 =	sne.s32 s28, $0x3F0;
	v4 =	vld [tilespmem:s29+$0x8100];
	[tilespmem:s25+$0x100] =	vst v3;
	s25 =	smov.u32 s29  }
0x1c7: {  	v3 =	vld [tilespmem:s25+$0x100];
	_ =	sdelay $0x1  }
0x1c8: {  	v5 =	vld [tilespmem:s25+$0x10100];
	_ =	sdelay $0x1  }
.Ltmp15:
0x1c9: {  	(pc) =	sbr.rel @p0 .LBB2_32-.Ltmp15, $4  }
0x1ca: {  	v3 =	vadd.f32 v4, v3  }
0x1cb: {  	s26 =	sadd.s32 $0x80, s26  }
0x1cc: {  	s29 =	sor.u32 s26, s28;
	v3 =	vadd.f32 v5, v3  }
0x1cd: {  	s28 =	sadd.s32 $0x10, s28;
	s29 =	sor.u32 $0x2380, s29  }
0x1ce: {  	v4 =	vld [tilespmem:s29+$0x8100];
	[tilespmem:s25+$0x100] =	vst v3  }
0x1cf: {  	v3 =	vld [tilespmem:s29+$0x100];
	_ =	sdelay $0x1  }
0x1d0: {  	v5 =	vld [tilespmem:s29+$0x10100];
	_ =	sdelay $0x2  }
0x1d1: {  	v3 =	vadd.f32 v4, v3;
	_ =	sdelay $0x1  }
0x1d2: {  	v3 =	vadd.f32 v5, v3  }
0x1d3: {  	s28 =	sand.u32 $0x70, s24;
	s30 =	sand.u32 $0x1C00, s24  }
0x1d4: {  	s24 =	sor.u32 s30, s28;
	[tilespmem:s29+$0x100] =	vst v3  }
0x1d5: {  	v3 =	vld [tilespmem:s24+$0xC100]  }
0x1d6: {  	v4 =	vld [tilespmem:s24+$0x4100];
	_ =	sdelay $0x1  }
0x1d7: {  	v5 =	vld [tilespmem:s24+$0x14100];
	_ =	sdelay $0x2  }
0x1d8: {  	v3 =	vadd.f32 v3, v4  }
0x1d9: {  	s25 =	simm.s32 $0x80  }
0x1da: {  	s23 =	sand.u32 $0x70, s23;
	s26 =	sand.u32 $0x1C00, s25;
	v3 =	vadd.f32 v5, v3  }
0x1db: {  	s26 =	sor.u32 s26, s23;
	s23 =	simm.s32 $0x20  }
.LBB2_34:
0x1dc: {  	p0 =	sne.s32 s23, $0x3F0;
	v4 =	vld [tilespmem:s26+$0xC100];
	[tilespmem:s24+$0x4100] =	vst v3;
	s24 =	smov.u32 s26  }
0x1dd: {  	v3 =	vld [tilespmem:s24+$0x4100];
	_ =	sdelay $0x1  }
0x1de: {  	v5 =	vld [tilespmem:s24+$0x14100];
	_ =	sdelay $0x1  }
.Ltmp16:
0x1df: {  	(pc) =	sbr.rel @p0 .LBB2_34-.Ltmp16, $4  }
0x1e0: {  	v3 =	vadd.f32 v4, v3  }
0x1e1: {  	s25 =	sadd.s32 $0x80, s25  }
0x1e2: {  	s26 =	sand.u32 $0x70, s23;
	s28 =	sand.u32 $0x1C00, s25;
	v3 =	vadd.f32 v5, v3  }
0x1e3: {  	s23 =	sadd.s32 $0x10, s23;
	s26 =	sor.u32 s28, s26  }
0x1e4: {  	v4 =	vld [tilespmem:s26+$0xC100];
	[tilespmem:s24+$0x4100] =	vst v3  }
0x1e5: {  	v3 =	vld [tilespmem:s26+$0x4100];
	_ =	sdelay $0x1  }
0x1e6: {  	v5 =	vld [tilespmem:s26+$0x14100];
	_ =	sdelay $0x2  }
0x1e7: {  	v3 =	vadd.f32 v4, v3;
	_ =	sdelay $0x1  }
0x1e8: {  	s23 =	simm.s32 $0x0;
	v3 =	vadd.f32 v5, v3  }
0x1e9: {  	s25 =	sand.u32 $0x70, s23;
	s23 =	sand.u32 $0x1C00, s23  }
0x1ea: {  	s23 =	sor.u32 s23, s25;
	[tilespmem:s26+$0x4100] =	vst v3  }
0x1eb: {  	v3 =	vld [tilespmem:s23+$0xC180]  }
0x1ec: {  	v4 =	vld [tilespmem:s23+$0x4180];
	_ =	sdelay $0x1  }
0x1ed: {  	v5 =	vld [tilespmem:s23+$0x14180];
	_ =	sdelay $0x2  }
0x1ee: {  	v3 =	vadd.f32 v3, v4  }
0x1ef: {  	s25 =	simm.s32 $0x80;
	s26 =	simm.s32 $0x10  }
0x1f0: {  	s30 =	sand.u32 $0x1C00, s25;
	s24 =	sand.u32 $0x70, s26;
	v3 =	vadd.f32 v5, v3  }
0x1f1: {  	s28 =	simm.s32 $0x20;
	s26 =	smov.u32 s23;
	s29 =	sor.u32 s30, s24  }
.LBB2_36:
0x1f2: {  	p0 =	sne.s32 s28, $0x3F0;
	v4 =	vld [tilespmem:s29+$0xC180];
	[tilespmem:s26+$0x4180] =	vst v3;
	s26 =	smov.u32 s29  }
0x1f3: {  	v3 =	vld [tilespmem:s26+$0x4180];
	_ =	sdelay $0x1  }
0x1f4: {  	v5 =	vld [tilespmem:s26+$0x14180];
	_ =	sdelay $0x1  }
.Ltmp17:
0x1f5: {  	(pc) =	sbr.rel @p0 .LBB2_36-.Ltmp17, $4  }
0x1f6: {  	v3 =	vadd.f32 v4, v3  }
0x1f7: {  	s25 =	sadd.s32 $0x80, s25  }
0x1f8: {  	s29 =	sand.u32 $0x70, s28;
	s30 =	sand.u32 $0x1C00, s25;
	v3 =	vadd.f32 v5, v3  }
0x1f9: {  	s28 =	sadd.s32 $0x10, s28;
	s29 =	sor.u32 s30, s29  }
0x1fa: {  	v4 =	vld [tilespmem:s29+$0xC180];
	[tilespmem:s26+$0x4180] =	vst v3  }
0x1fb: {  	v3 =	vld [tilespmem:s29+$0x4180];
	_ =	sdelay $0x1  }
0x1fc: {  	v5 =	vld [tilespmem:s29+$0x14180];
	_ =	sdelay $0x2  }
0x1fd: {  	v3 =	vadd.f32 v4, v3;
	_ =	sdelay $0x1  }
0x1fe: {  	v3 =	vadd.f32 v5, v3;
	_ =	sdelay $0x1  }
0x1ff: {  	[tilespmem:s29+$0x4180] =	vst v3  }
0x200: {  	v3 =	vld [tilespmem:s23+$0xC200]  }
0x201: {  	v4 =	vld [tilespmem:s23+$0x4200];
	_ =	sdelay $0x1  }
0x202: {  	v5 =	vld [tilespmem:s23+$0x14200];
	_ =	sdelay $0x2  }
0x203: {  	v3 =	vadd.f32 v3, v4  }
0x204: {  	s25 =	simm.s32 $0x80  }
0x205: {  	s30 =	sand.u32 $0x1C00, s25;
	v3 =	vadd.f32 v5, v3  }
0x206: {  	s26 =	sor.u32 s30, s24;
	s24 =	simm.s32 $0x20  }
.LBB2_38:
0x207: {  	p0 =	sne.s32 s24, $0x3F0;
	v4 =	vld [tilespmem:s26+$0xC200];
	[tilespmem:s23+$0x4200] =	vst v3;
	s23 =	smov.u32 s26  }
0x208: {  	v3 =	vld [tilespmem:s23+$0x4200];
	_ =	sdelay $0x1  }
0x209: {  	v5 =	vld [tilespmem:s23+$0x14200];
	_ =	sdelay $0x1  }
.Ltmp18:
0x20a: {  	(pc) =	sbr.rel @p0 .LBB2_38-.Ltmp18, $4  }
0x20b: {  	v3 =	vadd.f32 v4, v3  }
0x20c: {  	s25 =	sadd.s32 $0x80, s25  }
0x20d: {  	s26 =	sand.u32 $0x70, s24;
	s28 =	sand.u32 $0x1C00, s25;
	v3 =	vadd.f32 v5, v3  }
0x20e: {  	s24 =	sadd.s32 $0x10, s24;
	s26 =	sor.u32 s28, s26  }
0x20f: {  	v4 =	vld [tilespmem:s26+$0xC200];
	[tilespmem:s23+$0x4200] =	vst v3  }
0x210: {  	v3 =	vld [tilespmem:s26+$0x4200];
	_ =	sdelay $0x1  }
0x211: {  	v5 =	vld [tilespmem:s26+$0x14200];
	_ =	sdelay $0x2  }
0x212: {  	v3 =	vadd.f32 v4, v3;
	_ =	sdelay $0x1  }
0x213: {  	s25 =	simm.s32 $0x0;
	v3 =	vadd.f32 v5, v3  }
0x214: {  	s24 =	sand.u32 $0x70, s25;
	s23 =	sand.u32 $0x1C00, s25  }
0x215: {  	s23 =	sor.u32 s23, s24;
	[tilespmem:s26+$0x4200] =	vst v3  }
0x216: {  	v3 =	vld [tilespmem:s23+$0xC280]  }
0x217: {  	v4 =	vld [tilespmem:s23+$0x4280];
	_ =	sdelay $0x1  }
0x218: {  	v5 =	vld [tilespmem:s23+$0x14280];
	_ =	sdelay $0x2  }
0x219: {  	v3 =	vadd.f32 v3, v4  }
0x21a: {  	s25 =	simm.s32 $0x80;
	s26 =	simm.s32 $0x10  }
0x21b: {  	s30 =	sand.u32 $0x1C00, s25;
	s24 =	sand.u32 $0x70, s26;
	v3 =	vadd.f32 v5, v3  }
0x21c: {  	s28 =	simm.s32 $0x20;
	s26 =	smov.u32 s23;
	s29 =	sor.u32 s30, s24  }
.LBB2_40:
0x21d: {  	p0 =	sne.s32 s28, $0x3F0;
	v4 =	vld [tilespmem:s29+$0xC280];
	[tilespmem:s26+$0x4280] =	vst v3;
	s26 =	smov.u32 s29  }
0x21e: {  	v3 =	vld [tilespmem:s26+$0x4280];
	_ =	sdelay $0x1  }
0x21f: {  	v5 =	vld [tilespmem:s26+$0x14280];
	_ =	sdelay $0x1  }
.Ltmp19:
0x220: {  	(pc) =	sbr.rel @p0 .LBB2_40-.Ltmp19, $4  }
0x221: {  	v3 =	vadd.f32 v4, v3  }
0x222: {  	s25 =	sadd.s32 $0x80, s25  }
0x223: {  	s29 =	sand.u32 $0x70, s28;
	s30 =	sand.u32 $0x1C00, s25;
	v3 =	vadd.f32 v5, v3  }
0x224: {  	s28 =	sadd.s32 $0x10, s28;
	s29 =	sor.u32 s30, s29  }
0x225: {  	v4 =	vld [tilespmem:s29+$0xC280];
	[tilespmem:s26+$0x4280] =	vst v3  }
0x226: {  	v3 =	vld [tilespmem:s29+$0x4280];
	_ =	sdelay $0x1  }
0x227: {  	v5 =	vld [tilespmem:s29+$0x14280];
	_ =	sdelay $0x2  }
0x228: {  	v3 =	vadd.f32 v4, v3;
	_ =	sdelay $0x1  }
0x229: {  	v3 =	vadd.f32 v5, v3;
	_ =	sdelay $0x1  }
0x22a: {  	[tilespmem:s29+$0x4280] =	vst v3  }
0x22b: {  	v3 =	vld [tilespmem:s23+$0xC300]  }
0x22c: {  	v4 =	vld [tilespmem:s23+$0x4300];
	_ =	sdelay $0x1  }
0x22d: {  	v5 =	vld [tilespmem:s23+$0x14300];
	_ =	sdelay $0x2  }
0x22e: {  	v3 =	vadd.f32 v3, v4  }
0x22f: {  	s25 =	simm.s32 $0x80  }
0x230: {  	s30 =	sand.u32 $0x1C00, s25;
	v3 =	vadd.f32 v5, v3  }
0x231: {  	s26 =	sor.u32 s30, s24;
	s24 =	simm.s32 $0x20  }
.LBB2_42:
0x232: {  	p0 =	sne.s32 s24, $0x3F0;
	v4 =	vld [tilespmem:s26+$0xC300];
	[tilespmem:s23+$0x4300] =	vst v3;
	s23 =	smov.u32 s26  }
0x233: {  	v3 =	vld [tilespmem:s23+$0x4300];
	_ =	sdelay $0x1  }
0x234: {  	v5 =	vld [tilespmem:s23+$0x14300];
	_ =	sdelay $0x1  }
.Ltmp20:
0x235: {  	(pc) =	sbr.rel @p0 .LBB2_42-.Ltmp20, $4  }
0x236: {  	v3 =	vadd.f32 v4, v3  }
0x237: {  	s25 =	sadd.s32 $0x80, s25  }
0x238: {  	s26 =	sand.u32 $0x70, s24;
	s28 =	sand.u32 $0x1C00, s25;
	v3 =	vadd.f32 v5, v3  }
0x239: {  	s24 =	sadd.s32 $0x10, s24;
	s26 =	sor.u32 s28, s26  }
0x23a: {  	v4 =	vld [tilespmem:s26+$0xC300];
	[tilespmem:s23+$0x4300] =	vst v3  }
0x23b: {  	v3 =	vld [tilespmem:s26+$0x4300];
	_ =	sdelay $0x1  }
0x23c: {  	v5 =	vld [tilespmem:s26+$0x14300];
	_ =	sdelay $0x2  }
0x23d: {  	v3 =	vadd.f32 v4, v3;
	_ =	sdelay $0x1  }
0x23e: {  	s25 =	simm.s32 $0x0;
	v3 =	vadd.f32 v5, v3  }
0x23f: {  	s24 =	sand.u32 $0x70, s25;
	s23 =	sand.u32 $0x1C00, s25  }
0x240: {  	s23 =	sor.u32 s23, s24;
	[tilespmem:s26+$0x4300] =	vst v3  }
0x241: {  	v3 =	vld [tilespmem:s23+$0xC380]  }
0x242: {  	v4 =	vld [tilespmem:s23+$0x4380];
	_ =	sdelay $0x1  }
0x243: {  	v5 =	vld [tilespmem:s23+$0x14380];
	_ =	sdelay $0x2  }
0x244: {  	v3 =	vadd.f32 v3, v4  }
0x245: {  	s25 =	simm.s32 $0x80;
	s26 =	simm.s32 $0x10  }
0x246: {  	s30 =	sand.u32 $0x1C00, s25;
	s24 =	sand.u32 $0x70, s26;
	v3 =	vadd.f32 v5, v3  }
0x247: {  	s28 =	simm.s32 $0x20;
	s26 =	smov.u32 s23;
	s29 =	sor.u32 s30, s24  }
.LBB2_44:
0x248: {  	p0 =	sne.s32 s28, $0x3F0;
	v4 =	vld [tilespmem:s29+$0xC380];
	[tilespmem:s26+$0x4380] =	vst v3;
	s26 =	smov.u32 s29  }
0x249: {  	v3 =	vld [tilespmem:s26+$0x4380];
	_ =	sdelay $0x1  }
0x24a: {  	v5 =	vld [tilespmem:s26+$0x14380];
	_ =	sdelay $0x1  }
.Ltmp21:
0x24b: {  	(pc) =	sbr.rel @p0 .LBB2_44-.Ltmp21, $4  }
0x24c: {  	v3 =	vadd.f32 v4, v3  }
0x24d: {  	s25 =	sadd.s32 $0x80, s25  }
0x24e: {  	s29 =	sand.u32 $0x70, s28;
	s30 =	sand.u32 $0x1C00, s25;
	v3 =	vadd.f32 v5, v3  }
0x24f: {  	s28 =	sadd.s32 $0x10, s28;
	s29 =	sor.u32 s30, s29  }
0x250: {  	v4 =	vld [tilespmem:s29+$0xC380];
	[tilespmem:s26+$0x4380] =	vst v3  }
0x251: {  	v3 =	vld [tilespmem:s29+$0x4380];
	_ =	sdelay $0x1  }
0x252: {  	v5 =	vld [tilespmem:s29+$0x14380];
	_ =	sdelay $0x2  }
0x253: {  	v3 =	vadd.f32 v4, v3;
	_ =	sdelay $0x1  }
0x254: {  	v3 =	vadd.f32 v5, v3;
	_ =	sdelay $0x1  }
0x255: {  	[tilespmem:s29+$0x4380] =	vst v3  }
0x256: {  	v3 =	vld [tilespmem:s23+$0xC400]  }
0x257: {  	v4 =	vld [tilespmem:s23+$0x4400];
	_ =	sdelay $0x1  }
0x258: {  	v5 =	vld [tilespmem:s23+$0x14400];
	_ =	sdelay $0x2  }
0x259: {  	v3 =	vadd.f32 v3, v4  }
0x25a: {  	s25 =	simm.s32 $0x80  }
0x25b: {  	s30 =	sand.u32 $0x1C00, s25;
	v3 =	vadd.f32 v5, v3  }
0x25c: {  	s26 =	sor.u32 s30, s24;
	s24 =	simm.s32 $0x20  }
.LBB2_46:
0x25d: {  	p0 =	sne.s32 s24, $0x3F0;
	v4 =	vld [tilespmem:s26+$0xC400];
	[tilespmem:s23+$0x4400] =	vst v3;
	s23 =	smov.u32 s26  }
0x25e: {  	v3 =	vld [tilespmem:s23+$0x4400];
	_ =	sdelay $0x1  }
0x25f: {  	v5 =	vld [tilespmem:s23+$0x14400];
	_ =	sdelay $0x1  }
.Ltmp22:
0x260: {  	(pc) =	sbr.rel @p0 .LBB2_46-.Ltmp22, $4  }
0x261: {  	v3 =	vadd.f32 v4, v3  }
0x262: {  	s25 =	sadd.s32 $0x80, s25  }
0x263: {  	s26 =	sand.u32 $0x70, s24;
	s28 =	sand.u32 $0x1C00, s25;
	v3 =	vadd.f32 v5, v3  }
0x264: {  	s24 =	sadd.s32 $0x10, s24;
	s26 =	sor.u32 s28, s26  }
0x265: {  	v4 =	vld [tilespmem:s26+$0xC400];
	[tilespmem:s23+$0x4400] =	vst v3  }
0x266: {  	v3 =	vld [tilespmem:s26+$0x4400];
	_ =	sdelay $0x1  }
0x267: {  	v5 =	vld [tilespmem:s26+$0x14400];
	_ =	sdelay $0x2  }
0x268: {  	v3 =	vadd.f32 v4, v3;
	_ =	sdelay $0x1  }
0x269: {  	s24 =	simm.s32 $0x0;
	v3 =	vadd.f32 v5, v3  }
0x26a: {  	s30 =	sor.u32 s24, s24  }
0x26b: {  	s25 =	sor.u32 $0x4380, s30;
	[tilespmem:s26+$0x4400] =	vst v3  }
0x26c: {  	v3 =	vld [tilespmem:s25+$0x8100]  }
0x26d: {  	v4 =	vld [tilespmem:s25+$0x100];
	_ =	sdelay $0x1  }
0x26e: {  	v5 =	vld [tilespmem:s25+$0x10100];
	_ =	sdelay $0x2  }
0x26f: {  	v3 =	vadd.f32 v3, v4  }
0x270: {  	s23 =	simm.s32 $0x10;
	s26 =	simm.s32 $0x80  }
0x271: {  	s28 =	sor.u32 s26, s23;
	v3 =	vadd.f32 v5, v3  }
0x272: {  	s29 =	sor.u32 $0x4380, s28;
	s28 =	simm.s32 $0x20  }
.LBB2_48:
0x273: {  	p0 =	sne.s32 s28, $0x3F0;
	v4 =	vld [tilespmem:s29+$0x8100];
	[tilespmem:s25+$0x100] =	vst v3;
	s25 =	smov.u32 s29  }
0x274: {  	v3 =	vld [tilespmem:s25+$0x100];
	_ =	sdelay $0x1  }
0x275: {  	v5 =	vld [tilespmem:s25+$0x10100];
	_ =	sdelay $0x1  }
.Ltmp23:
0x276: {  	(pc) =	sbr.rel @p0 .LBB2_48-.Ltmp23, $4  }
0x277: {  	v3 =	vadd.f32 v4, v3  }
0x278: {  	s26 =	sadd.s32 $0x80, s26  }
0x279: {  	s29 =	sor.u32 s26, s28;
	v3 =	vadd.f32 v5, v3  }
0x27a: {  	s28 =	sadd.s32 $0x10, s28;
	s29 =	sor.u32 $0x4380, s29  }
0x27b: {  	v4 =	vld [tilespmem:s29+$0x8100];
	[tilespmem:s25+$0x100] =	vst v3  }
0x27c: {  	v3 =	vld [tilespmem:s29+$0x100];
	_ =	sdelay $0x1  }
0x27d: {  	v5 =	vld [tilespmem:s29+$0x10100];
	_ =	sdelay $0x2  }
0x27e: {  	v3 =	vadd.f32 v4, v3;
	_ =	sdelay $0x1  }
0x27f: {  	v3 =	vadd.f32 v5, v3  }
0x280: {  	s28 =	sand.u32 $0x70, s24;
	s30 =	sand.u32 $0x1C00, s24  }
0x281: {  	s24 =	sor.u32 s30, s28;
	[tilespmem:s29+$0x100] =	vst v3  }
0x282: {  	v3 =	vld [tilespmem:s24+$0xE100]  }
0x283: {  	v4 =	vld [tilespmem:s24+$0x6100];
	_ =	sdelay $0x1  }
0x284: {  	v5 =	vld [tilespmem:s24+$0x16100];
	_ =	sdelay $0x2  }
0x285: {  	v3 =	vadd.f32 v3, v4  }
0x286: {  	s25 =	simm.s32 $0x80  }
0x287: {  	s23 =	sand.u32 $0x70, s23;
	s26 =	sand.u32 $0x1C00, s25;
	v3 =	vadd.f32 v5, v3  }
0x288: {  	s26 =	sor.u32 s26, s23;
	s23 =	simm.s32 $0x20  }
.LBB2_50:
0x289: {  	p0 =	sne.s32 s23, $0x3F0;
	v4 =	vld [tilespmem:s26+$0xE100];
	[tilespmem:s24+$0x6100] =	vst v3;
	s24 =	smov.u32 s26  }
0x28a: {  	v3 =	vld [tilespmem:s24+$0x6100];
	_ =	sdelay $0x1  }
0x28b: {  	v5 =	vld [tilespmem:s24+$0x16100];
	_ =	sdelay $0x1  }
.Ltmp24:
0x28c: {  	(pc) =	sbr.rel @p0 .LBB2_50-.Ltmp24, $4  }
0x28d: {  	v3 =	vadd.f32 v4, v3  }
0x28e: {  	s25 =	sadd.s32 $0x80, s25  }
0x28f: {  	s26 =	sand.u32 $0x70, s23;
	s28 =	sand.u32 $0x1C00, s25;
	v3 =	vadd.f32 v5, v3  }
0x290: {  	s23 =	sadd.s32 $0x10, s23;
	s26 =	sor.u32 s28, s26  }
0x291: {  	v4 =	vld [tilespmem:s26+$0xE100];
	[tilespmem:s24+$0x6100] =	vst v3  }
0x292: {  	v3 =	vld [tilespmem:s26+$0x6100];
	_ =	sdelay $0x1  }
0x293: {  	v5 =	vld [tilespmem:s26+$0x16100];
	_ =	sdelay $0x2  }
0x294: {  	v3 =	vadd.f32 v4, v3;
	_ =	sdelay $0x1  }
0x295: {  	s23 =	simm.s32 $0x0;
	v3 =	vadd.f32 v5, v3  }
0x296: {  	s25 =	sand.u32 $0x70, s23;
	s23 =	sand.u32 $0x1C00, s23  }
0x297: {  	s23 =	sor.u32 s23, s25;
	[tilespmem:s26+$0x6100] =	vst v3  }
0x298: {  	v3 =	vld [tilespmem:s23+$0xE180]  }
0x299: {  	v4 =	vld [tilespmem:s23+$0x6180];
	_ =	sdelay $0x1  }
0x29a: {  	v5 =	vld [tilespmem:s23+$0x16180];
	_ =	sdelay $0x2  }
0x29b: {  	v3 =	vadd.f32 v3, v4  }
0x29c: {  	s25 =	simm.s32 $0x80;
	s26 =	simm.s32 $0x10  }
0x29d: {  	s30 =	sand.u32 $0x1C00, s25;
	s24 =	sand.u32 $0x70, s26;
	v3 =	vadd.f32 v5, v3  }
0x29e: {  	s28 =	simm.s32 $0x20;
	s26 =	smov.u32 s23;
	s29 =	sor.u32 s30, s24  }
.LBB2_52:
0x29f: {  	p0 =	sne.s32 s28, $0x3F0;
	v4 =	vld [tilespmem:s29+$0xE180];
	[tilespmem:s26+$0x6180] =	vst v3;
	s26 =	smov.u32 s29  }
0x2a0: {  	v3 =	vld [tilespmem:s26+$0x6180];
	_ =	sdelay $0x1  }
0x2a1: {  	v5 =	vld [tilespmem:s26+$0x16180];
	_ =	sdelay $0x1  }
.Ltmp25:
0x2a2: {  	(pc) =	sbr.rel @p0 .LBB2_52-.Ltmp25, $4  }
0x2a3: {  	v3 =	vadd.f32 v4, v3  }
0x2a4: {  	s25 =	sadd.s32 $0x80, s25  }
0x2a5: {  	s29 =	sand.u32 $0x70, s28;
	s30 =	sand.u32 $0x1C00, s25;
	v3 =	vadd.f32 v5, v3  }
0x2a6: {  	s28 =	sadd.s32 $0x10, s28;
	s29 =	sor.u32 s30, s29  }
0x2a7: {  	v4 =	vld [tilespmem:s29+$0xE180];
	[tilespmem:s26+$0x6180] =	vst v3  }
0x2a8: {  	v3 =	vld [tilespmem:s29+$0x6180];
	_ =	sdelay $0x1  }
0x2a9: {  	v5 =	vld [tilespmem:s29+$0x16180];
	_ =	sdelay $0x2  }
0x2aa: {  	v3 =	vadd.f32 v4, v3;
	_ =	sdelay $0x1  }
0x2ab: {  	v3 =	vadd.f32 v5, v3;
	_ =	sdelay $0x1  }
0x2ac: {  	[tilespmem:s29+$0x6180] =	vst v3  }
0x2ad: {  	v3 =	vld [tilespmem:s23+$0xE200]  }
0x2ae: {  	v4 =	vld [tilespmem:s23+$0x6200];
	_ =	sdelay $0x1  }
0x2af: {  	v5 =	vld [tilespmem:s23+$0x16200];
	_ =	sdelay $0x2  }
0x2b0: {  	v3 =	vadd.f32 v3, v4  }
0x2b1: {  	s25 =	simm.s32 $0x80  }
0x2b2: {  	s30 =	sand.u32 $0x1C00, s25;
	v3 =	vadd.f32 v5, v3  }
0x2b3: {  	s26 =	sor.u32 s30, s24;
	s24 =	simm.s32 $0x20  }
.LBB2_54:
0x2b4: {  	p0 =	sne.s32 s24, $0x3F0;
	v4 =	vld [tilespmem:s26+$0xE200];
	[tilespmem:s23+$0x6200] =	vst v3;
	s23 =	smov.u32 s26  }
0x2b5: {  	v3 =	vld [tilespmem:s23+$0x6200];
	_ =	sdelay $0x1  }
0x2b6: {  	v5 =	vld [tilespmem:s23+$0x16200];
	_ =	sdelay $0x1  }
.Ltmp26:
0x2b7: {  	(pc) =	sbr.rel @p0 .LBB2_54-.Ltmp26, $4  }
0x2b8: {  	v3 =	vadd.f32 v4, v3  }
0x2b9: {  	s25 =	sadd.s32 $0x80, s25  }
0x2ba: {  	s26 =	sand.u32 $0x70, s24;
	s28 =	sand.u32 $0x1C00, s25;
	v3 =	vadd.f32 v5, v3  }
0x2bb: {  	s24 =	sadd.s32 $0x10, s24;
	s26 =	sor.u32 s28, s26  }
0x2bc: {  	v4 =	vld [tilespmem:s26+$0xE200];
	[tilespmem:s23+$0x6200] =	vst v3  }
0x2bd: {  	v3 =	vld [tilespmem:s26+$0x6200];
	_ =	sdelay $0x1  }
0x2be: {  	v5 =	vld [tilespmem:s26+$0x16200];
	_ =	sdelay $0x2  }
0x2bf: {  	v3 =	vadd.f32 v4, v3;
	_ =	sdelay $0x1  }
0x2c0: {  	s25 =	simm.s32 $0x0;
	v3 =	vadd.f32 v5, v3  }
0x2c1: {  	s24 =	sand.u32 $0x70, s25;
	s23 =	sand.u32 $0x1C00, s25  }
0x2c2: {  	s23 =	sor.u32 s23, s24;
	[tilespmem:s26+$0x6200] =	vst v3  }
0x2c3: {  	v3 =	vld [tilespmem:s23+$0xE280]  }
0x2c4: {  	v4 =	vld [tilespmem:s23+$0x6280];
	_ =	sdelay $0x1  }
0x2c5: {  	v5 =	vld [tilespmem:s23+$0x16280];
	_ =	sdelay $0x2  }
0x2c6: {  	v3 =	vadd.f32 v3, v4  }
0x2c7: {  	s25 =	simm.s32 $0x80;
	s26 =	simm.s32 $0x10  }
0x2c8: {  	s30 =	sand.u32 $0x1C00, s25;
	s24 =	sand.u32 $0x70, s26;
	v3 =	vadd.f32 v5, v3  }
0x2c9: {  	s28 =	simm.s32 $0x20;
	s26 =	smov.u32 s23;
	s29 =	sor.u32 s30, s24  }
.LBB2_56:
0x2ca: {  	p0 =	sne.s32 s28, $0x3F0;
	v4 =	vld [tilespmem:s29+$0xE280];
	[tilespmem:s26+$0x6280] =	vst v3;
	s26 =	smov.u32 s29  }
0x2cb: {  	v3 =	vld [tilespmem:s26+$0x6280];
	_ =	sdelay $0x1  }
0x2cc: {  	v5 =	vld [tilespmem:s26+$0x16280];
	_ =	sdelay $0x1  }
.Ltmp27:
0x2cd: {  	(pc) =	sbr.rel @p0 .LBB2_56-.Ltmp27, $4  }
0x2ce: {  	v3 =	vadd.f32 v4, v3  }
0x2cf: {  	s25 =	sadd.s32 $0x80, s25  }
0x2d0: {  	s29 =	sand.u32 $0x70, s28;
	s30 =	sand.u32 $0x1C00, s25;
	v3 =	vadd.f32 v5, v3  }
0x2d1: {  	s28 =	sadd.s32 $0x10, s28;
	s29 =	sor.u32 s30, s29  }
0x2d2: {  	v4 =	vld [tilespmem:s29+$0xE280];
	[tilespmem:s26+$0x6280] =	vst v3  }
0x2d3: {  	v3 =	vld [tilespmem:s29+$0x6280];
	_ =	sdelay $0x1  }
0x2d4: {  	v5 =	vld [tilespmem:s29+$0x16280];
	_ =	sdelay $0x2  }
0x2d5: {  	v3 =	vadd.f32 v4, v3;
	_ =	sdelay $0x1  }
0x2d6: {  	v3 =	vadd.f32 v5, v3;
	_ =	sdelay $0x1  }
0x2d7: {  	[tilespmem:s29+$0x6280] =	vst v3  }
0x2d8: {  	v3 =	vld [tilespmem:s23+$0xE300]  }
0x2d9: {  	v4 =	vld [tilespmem:s23+$0x6300];
	_ =	sdelay $0x1  }
0x2da: {  	v5 =	vld [tilespmem:s23+$0x16300];
	_ =	sdelay $0x2  }
0x2db: {  	v3 =	vadd.f32 v3, v4  }
0x2dc: {  	s25 =	simm.s32 $0x80  }
0x2dd: {  	s30 =	sand.u32 $0x1C00, s25;
	v3 =	vadd.f32 v5, v3  }
0x2de: {  	s26 =	sor.u32 s30, s24;
	s24 =	simm.s32 $0x20  }
.LBB2_58:
0x2df: {  	p0 =	sne.s32 s24, $0x3F0;
	v4 =	vld [tilespmem:s26+$0xE300];
	[tilespmem:s23+$0x6300] =	vst v3;
	s23 =	smov.u32 s26  }
0x2e0: {  	v3 =	vld [tilespmem:s23+$0x6300];
	_ =	sdelay $0x1  }
0x2e1: {  	v5 =	vld [tilespmem:s23+$0x16300];
	_ =	sdelay $0x1  }
.Ltmp28:
0x2e2: {  	(pc) =	sbr.rel @p0 .LBB2_58-.Ltmp28, $4  }
0x2e3: {  	v3 =	vadd.f32 v4, v3  }
0x2e4: {  	s25 =	sadd.s32 $0x80, s25  }
0x2e5: {  	s26 =	sand.u32 $0x70, s24;
	s28 =	sand.u32 $0x1C00, s25;
	v3 =	vadd.f32 v5, v3  }
0x2e6: {  	s24 =	sadd.s32 $0x10, s24;
	s26 =	sor.u32 s28, s26  }
0x2e7: {  	v4 =	vld [tilespmem:s26+$0xE300];
	[tilespmem:s23+$0x6300] =	vst v3  }
0x2e8: {  	v3 =	vld [tilespmem:s26+$0x6300];
	_ =	sdelay $0x1  }
0x2e9: {  	v5 =	vld [tilespmem:s26+$0x16300];
	_ =	sdelay $0x2  }
0x2ea: {  	v3 =	vadd.f32 v4, v3;
	_ =	sdelay $0x1  }
0x2eb: {  	s25 =	simm.s32 $0x0;
	v3 =	vadd.f32 v5, v3  }
0x2ec: {  	s24 =	sand.u32 $0x70, s25;
	s23 =	sand.u32 $0x1C00, s25  }
0x2ed: {  	s23 =	sor.u32 s23, s24;
	[tilespmem:s26+$0x6300] =	vst v3  }
0x2ee: {  	v3 =	vld [tilespmem:s23+$0xE380]  }
0x2ef: {  	v4 =	vld [tilespmem:s23+$0x6380];
	_ =	sdelay $0x1  }
0x2f0: {  	v5 =	vld [tilespmem:s23+$0x16380];
	_ =	sdelay $0x2  }
0x2f1: {  	v3 =	vadd.f32 v3, v4  }
0x2f2: {  	s25 =	simm.s32 $0x80;
	s26 =	simm.s32 $0x10  }
0x2f3: {  	s30 =	sand.u32 $0x1C00, s25;
	s24 =	sand.u32 $0x70, s26;
	v3 =	vadd.f32 v5, v3  }
0x2f4: {  	s28 =	simm.s32 $0x20;
	s26 =	smov.u32 s23;
	s29 =	sor.u32 s30, s24  }
.LBB2_60:
0x2f5: {  	p0 =	sne.s32 s28, $0x3F0;
	v4 =	vld [tilespmem:s29+$0xE380];
	[tilespmem:s26+$0x6380] =	vst v3;
	s26 =	smov.u32 s29  }
0x2f6: {  	v3 =	vld [tilespmem:s26+$0x6380];
	_ =	sdelay $0x1  }
0x2f7: {  	v5 =	vld [tilespmem:s26+$0x16380];
	_ =	sdelay $0x1  }
.Ltmp29:
0x2f8: {  	(pc) =	sbr.rel @p0 .LBB2_60-.Ltmp29, $4  }
0x2f9: {  	v3 =	vadd.f32 v4, v3  }
0x2fa: {  	s25 =	sadd.s32 $0x80, s25  }
0x2fb: {  	s29 =	sand.u32 $0x70, s28;
	s30 =	sand.u32 $0x1C00, s25;
	v3 =	vadd.f32 v5, v3  }
0x2fc: {  	s28 =	sadd.s32 $0x10, s28;
	s29 =	sor.u32 s30, s29  }
0x2fd: {  	v4 =	vld [tilespmem:s29+$0xE380];
	[tilespmem:s26+$0x6380] =	vst v3  }
0x2fe: {  	v3 =	vld [tilespmem:s29+$0x6380];
	_ =	sdelay $0x1  }
0x2ff: {  	v5 =	vld [tilespmem:s29+$0x16380];
	_ =	sdelay $0x2  }
0x300: {  	v3 =	vadd.f32 v4, v3;
	_ =	sdelay $0x1  }
0x301: {  	v3 =	vadd.f32 v5, v3;
	_ =	sdelay $0x1  }
0x302: {  	[tilespmem:s29+$0x6380] =	vst v3  }
0x303: {  	v3 =	vld [tilespmem:s23+$0xE400]  }
0x304: {  	v4 =	vld [tilespmem:s23+$0x6400];
	_ =	sdelay $0x1  }
0x305: {  	v5 =	vld [tilespmem:s23+$0x16400];
	_ =	sdelay $0x2  }
0x306: {  	v3 =	vadd.f32 v3, v4  }
0x307: {  	s25 =	simm.s32 $0x80  }
0x308: {  	s30 =	sand.u32 $0x1C00, s25;
	v3 =	vadd.f32 v5, v3  }
0x309: {  	s26 =	sor.u32 s30, s24;
	s24 =	simm.s32 $0x20  }
.LBB2_62:
0x30a: {  	p0 =	sne.s32 s24, $0x3F0;
	v4 =	vld [tilespmem:s26+$0xE400];
	[tilespmem:s23+$0x6400] =	vst v3;
	s23 =	smov.u32 s26  }
0x30b: {  	v3 =	vld [tilespmem:s23+$0x6400];
	_ =	sdelay $0x1  }
0x30c: {  	v5 =	vld [tilespmem:s23+$0x16400];
	_ =	sdelay $0x1  }
.Ltmp30:
0x30d: {  	(pc) =	sbr.rel @p0 .LBB2_62-.Ltmp30, $4  }
0x30e: {  	v3 =	vadd.f32 v4, v3  }
0x30f: {  	s25 =	sadd.s32 $0x80, s25  }
0x310: {  	s26 =	sand.u32 $0x70, s24;
	s28 =	sand.u32 $0x1C00, s25;
	v3 =	vadd.f32 v5, v3  }
0x311: {  	s24 =	sadd.s32 $0x10, s24;
	s26 =	sor.u32 s28, s26  }
0x312: {  	v4 =	vld [tilespmem:s26+$0xE400];
	[tilespmem:s23+$0x6400] =	vst v3  }
0x313: {  	v3 =	vld [tilespmem:s26+$0x6400];
	_ =	sdelay $0x1  }
0x314: {  	v5 =	vld [tilespmem:s26+$0x16400];
	_ =	sdelay $0x2  }
0x315: {  	v3 =	vadd.f32 v4, v3;
	_ =	sdelay $0x1  }
0x316: {  	s30 =	simm.s32 $0x0;
	v3 =	vadd.f32 v5, v3  }
0x317: {  	s23 =	sor.u32 s30, s30  }
0x318: {  	s23 =	sor.u32 $0x6380, s23;
	[tilespmem:s26+$0x6400] =	vst v3  }
0x319: {  	v3 =	vld [tilespmem:s23+$0x8100]  }
0x31a: {  	v4 =	vld [tilespmem:s23+$0x100];
	_ =	sdelay $0x1  }
0x31b: {  	v5 =	vld [tilespmem:s23+$0x10100];
	_ =	sdelay $0x2  }
0x31c: {  	v3 =	vadd.f32 v3, v4  }
0x31d: {  	s25 =	simm.s32 $0x10;
	s24 =	simm.s32 $0x80  }
0x31e: {  	s25 =	sor.u32 s24, s25;
	v3 =	vadd.f32 v5, v3  }
0x31f: {  	s26 =	sor.u32 $0x6380, s25;
	s25 =	simm.s32 $0x20  }
.LBB2_64:
0x320: {  	p0 =	sne.s32 s25, $0x3F0;
	v4 =	vld [tilespmem:s26+$0x8100];
	[tilespmem:s23+$0x100] =	vst v3;
	s23 =	smov.u32 s26  }
0x321: {  	v3 =	vld [tilespmem:s23+$0x100];
	_ =	sdelay $0x1  }
0x322: {  	v5 =	vld [tilespmem:s23+$0x10100];
	_ =	sdelay $0x1  }
.Ltmp31:
0x323: {  	(pc) =	sbr.rel @p0 .LBB2_64-.Ltmp31, $4  }
0x324: {  	v3 =	vadd.f32 v4, v3  }
0x325: {  	s24 =	sadd.s32 $0x80, s24  }
0x326: {  	s26 =	sor.u32 s24, s25;
	v3 =	vadd.f32 v5, v3  }
0x327: {  	s25 =	sadd.s32 $0x10, s25;
	s26 =	sor.u32 $0x6380, s26  }
0x328: {  	v4 =	vld [tilespmem:s26+$0x8100];
	[tilespmem:s23+$0x100] =	vst v3  }
0x329: {  	v3 =	vld [tilespmem:s26+$0x100];
	_ =	sdelay $0x1  }
0x32a: {  	v5 =	vld [tilespmem:s26+$0x10100];
	_ =	sdelay $0x2  }
0x32b: {  	v3 =	vadd.f32 v4, v3;
	_ =	sdelay $0x1  }
0x32c: {  	v3 =	vadd.f32 v5, v3;
	_ =	sdelay $0x1  }
0x32d: {  	s23 =	simm.s32 $0x0;
	[tilespmem:s26+$0x100] =	vst v3  }
0x32e: {  	[hbm4b:s10+s23] =	stream.linear.scatter [tilespmem:s16], [sflag:$0x2], $0x8000, $0x38;
	[tilespmem:$0x18100] =	vst v63  }
0x32f: {  	_ =	swait.ge [sflag:s17], $0x8000  }
0x330: {  	[sflag:s17] =	ssyncset.done $0x0  }
0x331: {  	[sflag:s17] =	ssyncadd.s32 $0xFFFF8000  }
0x332: {  	[tilespmem:s16], [sflag:$0x2] =	stream.linear.gather [hbm4b:s11+s23], $0x8000, $0x38;
	[tilespmem:$0x18100] =	vst v63  }
0x333: {  	_ =	swait.ge [sflag:s17], $0x8000  }
0x334: {  	[sflag:s17] =	ssyncset.done $0x0  }
0x335: {  	[sflag:s17] =	ssyncadd.s32 $0xFFFF8000  }
0x336: {  	[tilespmem:s23], [sflag:$0x2] =	stream.linear.gather [hbm4b:s12+s23], $0x20, $0x38;
	[tilespmem:$0x18100] =	vst v63  }
0x337: {  	_ =	swait.ge [sflag:s17], $0x20  }
0x338: {  	[sflag:s17] =	ssyncset.done $0x0  }
0x339: {  	[sflag:s17] =	ssyncadd.s32 $0xFFFFFFE0  }
0x33a: {  	[tilespmem:s31], [sflag:$0x2] =	stream.linear.gather [hbm4b:s13+s23], $0x20, $0x38;
	[tilespmem:$0x18100] =	vst v63  }
0x33b: {  	_ =	swait.ge [sflag:s17], $0x20  }
0x33c: {  	[sflag:s17] =	ssyncset.done $0x0  }
0x33d: {  	[sflag:s17] =	ssyncadd.s32 $0xFFFFFFE0  }
0x33e: {  	v3 =	vld [tilespmem:$0x0];
	_ =	sdelay $0x4  }
0x33f: {  	v4 =	vshll.u32 v3, $0x3  }
0x340: {  	v3 =	vand.u32 $0x7, v3;
	v4 =	vand.u32 $0xFFFFFFC0, v4  }
0x341: {  	v3 =	vor.u32 v3, v4  }
0x342: {  	v4 =	vperm.xlane v3, v0;
	_ =	sdelay $0x1  }
0x343: {  	v4 =	vadd.s32 v1, v4;
	_ =	sdelay $0x3  }
0x344: {  	s24 =	simm.s32 $0x8100  }
0x345: {  	[tilespmem:s24], [sflag:$0x1] =	stream.indirect_vreg.gather [hbm4b:s3+s23], $0x80, v4, vm0, $0xb8;
	[tilespmem:$0x18100] =	vst v63  }
0x346: {  	s26 =	simm.s32 $0x8900;
	v3 =	vperm.xlane v3, v2  }
0x347: {  	[tilespmem:s26], [sflag:$0x1] =	stream.indirect_vreg.gather [hbm4b:s7+s23], $0x80, v4, vm0, $0xb8;
	[tilespmem:$0x18100] =	vst v63  }
0x348: {  	s31 =	simm.s32 $0x9100;
	v3 =	vadd.s32 v1, v3  }
0x349: {  	[tilespmem:s31], [sflag:$0x1] =	stream.indirect_vreg.gather [hbm4b:s8+s23], $0x80, v4, vm0, $0xb8;
	[tilespmem:$0x18100] =	vst v63  }
0x34a: {  	s25 =	simm.s32 $0x9900  }
0x34b: {  	[tilespmem:s25], [sflag:$0x1] =	stream.indirect_vreg.gather [hbm4b:s9+s23], $0x80, v4, vm0, $0xb8;
	[tilespmem:$0x18100] =	vst v63  }
0x34c: {  	s26 =	simm.s32 $0xA100  }
0x34d: {  	[tilespmem:s26], [sflag:$0x1] =	stream.indirect_vreg.gather [hbm4b:s3+s23], $0x80, v3, vm0, $0xb8;
	[tilespmem:$0x18100] =	vst v63  }
0x34e: {  	s31 =	simm.s32 $0xA900  }
0x34f: {  	[tilespmem:s31], [sflag:$0x1] =	stream.indirect_vreg.gather [hbm4b:s7+s23], $0x80, v3, vm0, $0xb8;
	[tilespmem:$0x18100] =	vst v63  }
0x350: {  	s25 =	simm.s32 $0xB100  }
0x351: {  	[tilespmem:s25], [sflag:$0x1] =	stream.indirect_vreg.gather [hbm4b:s8+s23], $0x80, v3, vm0, $0xb8;
	[tilespmem:$0x18100] =	vst v63  }
0x352: {  	s26 =	simm.s32 $0xB900  }
0x353: {  	[tilespmem:s26], [sflag:$0x1] =	stream.indirect_vreg.gather [hbm4b:s9+s23], $0x80, v3, vm0, $0xb8;
	[tilespmem:$0x18100] =	vst v63  }
0x354: {  	v3 =	vld [tilespmem:$0x10];
	_ =	sdelay $0x4  }
0x355: {  	v4 =	vshll.u32 v3, $0x3  }
0x356: {  	v3 =	vand.u32 $0x7, v3;
	v4 =	vand.u32 $0xFFFFFFC0, v4  }
0x357: {  	v3 =	vor.u32 v3, v4  }
0x358: {  	v4 =	vperm.xlane v3, v0;
	_ =	sdelay $0x1  }
0x359: {  	v4 =	vadd.s32 v1, v4;
	_ =	sdelay $0x3  }
0x35a: {  	s31 =	simm.s32 $0xC100  }
0x35b: {  	[tilespmem:s31], [sflag:$0x1] =	stream.indirect_vreg.gather [hbm4b:s3+s23], $0x80, v4, vm0, $0xb8;
	[tilespmem:$0x18100] =	vst v63  }
0x35c: {  	s25 =	simm.s32 $0xC900;
	v3 =	vperm.xlane v3, v2  }
0x35d: {  	[tilespmem:s25], [sflag:$0x1] =	stream.indirect_vreg.gather [hbm4b:s7+s23], $0x80, v4, vm0, $0xb8;
	[tilespmem:$0x18100] =	vst v63  }
0x35e: {  	s26 =	simm.s32 $0xD100;
	v3 =	vadd.s32 v1, v3  }
0x35f: {  	[tilespmem:s26], [sflag:$0x1] =	stream.indirect_vreg.gather [hbm4b:s8+s23], $0x80, v4, vm0, $0xb8;
	[tilespmem:$0x18100] =	vst v63  }
0x360: {  	s31 =	simm.s32 $0xD900  }
0x361: {  	[tilespmem:s31], [sflag:$0x1] =	stream.indirect_vreg.gather [hbm4b:s9+s23], $0x80, v4, vm0, $0xb8;
	[tilespmem:$0x18100] =	vst v63  }
0x362: {  	s25 =	simm.s32 $0xE100  }
0x363: {  	[tilespmem:s25], [sflag:$0x1] =	stream.indirect_vreg.gather [hbm4b:s3+s23], $0x80, v3, vm0, $0xb8;
	[tilespmem:$0x18100] =	vst v63  }
0x364: {  	s26 =	simm.s32 $0xE900  }
0x365: {  	[tilespmem:s26], [sflag:$0x1] =	stream.indirect_vreg.gather [hbm4b:s7+s23], $0x80, v3, vm0, $0xb8;
	[tilespmem:$0x18100] =	vst v63  }
0x366: {  	s31 =	simm.s32 $0xF100  }
0x367: {  	[tilespmem:s31], [sflag:$0x1] =	stream.indirect_vreg.gather [hbm4b:s8+s23], $0x80, v3, vm0, $0xb8;
	[tilespmem:$0x18100] =	vst v63  }
0x368: {  	s25 =	simm.s32 $0xF900  }
0x369: {  	[tilespmem:s25], [sflag:$0x1] =	stream.indirect_vreg.gather [hbm4b:s9+s23], $0x80, v3, vm0, $0xb8;
	[tilespmem:$0x18100] =	vst v63  }
0x36a: {  	v3 =	vld [tilespmem:$0x80];
	_ =	sdelay $0x4  }
0x36b: {  	v4 =	vshll.u32 v3, $0x3  }
0x36c: {  	v3 =	vand.u32 $0x7, v3;
	v4 =	vand.u32 $0xFFFFFFC0, v4  }
0x36d: {  	v3 =	vor.u32 v3, v4  }
0x36e: {  	v4 =	vperm.xlane v3, v0;
	_ =	sdelay $0x1  }
0x36f: {  	v4 =	vadd.s32 v1, v4;
	_ =	sdelay $0x3  }
0x370: {  	s26 =	simm.s32 $0x10100  }
0x371: {  	[tilespmem:s26], [sflag:$0x1] =	stream.indirect_vreg.gather [hbm4b:s3+s23], $0x80, v4, vm0, $0xb8;
	[tilespmem:$0x18100] =	vst v63  }
0x372: {  	s31 =	simm.s32 $0x10900;
	v3 =	vperm.xlane v3, v2  }
0x373: {  	[tilespmem:s31], [sflag:$0x1] =	stream.indirect_vreg.gather [hbm4b:s7+s23], $0x80, v4, vm0, $0xb8;
	[tilespmem:$0x18100] =	vst v63  }
0x374: {  	s25 =	simm.s32 $0x11100;
	v3 =	vadd.s32 v1, v3  }
0x375: {  	[tilespmem:s25], [sflag:$0x1] =	stream.indirect_vreg.gather [hbm4b:s8+s23], $0x80, v4, vm0, $0xb8;
	[tilespmem:$0x18100] =	vst v63  }
0x376: {  	s26 =	simm.s32 $0x11900  }
0x377: {  	[tilespmem:s26], [sflag:$0x1] =	stream.indirect_vreg.gather [hbm4b:s9+s23], $0x80, v4, vm0, $0xb8;
	[tilespmem:$0x18100] =	vst v63  }
0x378: {  	s31 =	simm.s32 $0x12100  }
0x379: {  	[tilespmem:s31], [sflag:$0x1] =	stream.indirect_vreg.gather [hbm4b:s3+s23], $0x80, v3, vm0, $0xb8;
	[tilespmem:$0x18100] =	vst v63  }
0x37a: {  	s25 =	simm.s32 $0x12900  }
0x37b: {  	[tilespmem:s25], [sflag:$0x1] =	stream.indirect_vreg.gather [hbm4b:s7+s23], $0x80, v3, vm0, $0xb8;
	[tilespmem:$0x18100] =	vst v63  }
0x37c: {  	s26 =	simm.s32 $0x13100  }
0x37d: {  	[tilespmem:s26], [sflag:$0x1] =	stream.indirect_vreg.gather [hbm4b:s8+s23], $0x80, v3, vm0, $0xb8;
	[tilespmem:$0x18100] =	vst v63  }
0x37e: {  	s31 =	simm.s32 $0x13900  }
0x37f: {  	[tilespmem:s31], [sflag:$0x1] =	stream.indirect_vreg.gather [hbm4b:s9+s23], $0x80, v3, vm0, $0xb8;
	[tilespmem:$0x18100] =	vst v63  }
0x380: {  	v3 =	vld [tilespmem:$0x90];
	_ =	sdelay $0x4  }
0x381: {  	v4 =	vshll.u32 v3, $0x3  }
0x382: {  	v3 =	vand.u32 $0x7, v3;
	v4 =	vand.u32 $0xFFFFFFC0, v4  }
0x383: {  	v3 =	vor.u32 v3, v4  }
0x384: {  	v4 =	vperm.xlane v3, v0;
	_ =	sdelay $0x1  }
0x385: {  	v4 =	vadd.s32 v1, v4;
	_ =	sdelay $0x3  }
0x386: {  	s25 =	simm.s32 $0x14100  }
0x387: {  	[tilespmem:s25], [sflag:$0x1] =	stream.indirect_vreg.gather [hbm4b:s3+s23], $0x80, v4, vm0, $0xb8;
	[tilespmem:$0x18100] =	vst v63  }
0x388: {  	s26 =	simm.s32 $0x14900;
	v3 =	vperm.xlane v3, v2  }
0x389: {  	[tilespmem:s26], [sflag:$0x1] =	stream.indirect_vreg.gather [hbm4b:s7+s23], $0x80, v4, vm0, $0xb8;
	[tilespmem:$0x18100] =	vst v63  }
0x38a: {  	s31 =	simm.s32 $0x15100;
	v3 =	vadd.s32 v1, v3  }
0x38b: {  	[tilespmem:s31], [sflag:$0x1] =	stream.indirect_vreg.gather [hbm4b:s8+s23], $0x80, v4, vm0, $0xb8;
	[tilespmem:$0x18100] =	vst v63  }
0x38c: {  	_ = 	snop  }
0x38d: {  	[tilespmem:s0], [sflag:$0x1] =	stream.indirect_vreg.gather [hbm4b:s9+s23], $0x80, v4, vm0, $0xb8;
	[tilespmem:$0x18100] =	vst v63  }
0x38e: {  	_ = 	snop  }
0x38f: {  	[tilespmem:s2], [sflag:$0x1] =	stream.indirect_vreg.gather [hbm4b:s3+s23], $0x80, v3, vm0, $0xb8;
	[tilespmem:$0x18100] =	vst v63  }
0x390: {  	_ = 	snop  }
0x391: {  	[tilespmem:s18], [sflag:$0x1] =	stream.indirect_vreg.gather [hbm4b:s7+s23], $0x80, v3, vm0, $0xb8;
	[tilespmem:$0x18100] =	vst v63  }
0x392: {  	_ = 	snop  }
0x393: {  	[tilespmem:s19], [sflag:$0x1] =	stream.indirect_vreg.gather [hbm4b:s8+s23], $0x80, v3, vm0, $0xb8;
	[tilespmem:$0x18100] =	vst v63  }
0x394: {  	_ = 	snop  }
0x395: {  	[tilespmem:s20], [sflag:$0x1] =	stream.indirect_vreg.gather [hbm4b:s9+s23], $0x80, v3, vm0, $0xb8;
	[tilespmem:$0x18100] =	vst v63  }
0x396: {  	_ =	swait.ge [sflag:s21], $0x8000  }
0x397: {  	[sflag:s21] =	ssyncset.done $0x0  }
0x398: {  	[sflag:s21] =	ssyncadd.s32 $0xFFFF8000  }
0x399: {  	_ =	swait.ge [sflag:s21], $0x8000  }
0x39a: {  	s24 =	sand.u32 $0x70, s23;
	s23 =	sand.u32 $0x1C00, s23;
	[sflag:s21] =	ssyncset.done $0x0  }
0x39b: {  	s26 =	sor.u32 s24, s23;
	[sflag:s21] =	ssyncadd.s32 $0xFFFF8000  }
0x39c: {  	v3 =	vld [tilespmem:s26+$0x8100]  }
0x39d: {  	v4 =	vld [tilespmem:s26+$0x100];
	_ =	sdelay $0x1  }
0x39e: {  	v5 =	vld [tilespmem:s26+$0x10100];
	_ =	sdelay $0x2  }
0x39f: {  	v3 =	vadd.f32 v3, v4  }
0x3a0: {  	s28 =	simm.s32 $0x80;
	s25 =	simm.s32 $0x10  }
0x3a1: {  	s29 =	sand.u32 $0x1C00, s28;
	s25 =	sand.u32 $0x70, s25;
	v3 =	vadd.f32 v5, v3  }
0x3a2: {  	s30 =	sor.u32 s25, s29;
	s29 =	simm.s32 $0x20  }
.LBB2_66:
0x3a3: {  	p0 =	sne.s32 s29, $0x3F0;
	v4 =	vld [tilespmem:s30+$0x8100];
	[tilespmem:s26+$0x100] =	vst v3;
	s26 =	smov.u32 s30  }
0x3a4: {  	v3 =	vld [tilespmem:s26+$0x100];
	_ =	sdelay $0x1  }
0x3a5: {  	v5 =	vld [tilespmem:s26+$0x10100];
	_ =	sdelay $0x1  }
.Ltmp32:
0x3a6: {  	(pc) =	sbr.rel @p0 .LBB2_66-.Ltmp32, $4  }
0x3a7: {  	v3 =	vadd.f32 v4, v3  }
0x3a8: {  	s28 =	sadd.s32 $0x80, s28  }
0x3a9: {  	s30 =	sand.u32 $0x70, s29;
	s31 =	sand.u32 $0x1C00, s28;
	v3 =	vadd.f32 v5, v3  }
0x3aa: {  	s29 =	sadd.s32 $0x10, s29;
	s30 =	sor.u32 s30, s31  }
0x3ab: {  	v4 =	vld [tilespmem:s30+$0x8100];
	[tilespmem:s26+$0x100] =	vst v3  }
0x3ac: {  	v3 =	vld [tilespmem:s30+$0x100];
	_ =	sdelay $0x1  }
0x3ad: {  	v5 =	vld [tilespmem:s30+$0x10100];
	_ =	sdelay $0x2  }
0x3ae: {  	v3 =	vadd.f32 v4, v3;
	_ =	sdelay $0x1  }
0x3af: {  	v3 =	vadd.f32 v5, v3;
	_ =	sdelay $0x1  }
0x3b0: {  	s23 =	sor.u32 s23, s24;
	[tilespmem:s30+$0x100] =	vst v3  }
0x3b1: {  	v3 =	vld [tilespmem:s23+$0x8180]  }
0x3b2: {  	v4 =	vld [tilespmem:s23+$0x180];
	_ =	sdelay $0x1  }
0x3b3: {  	v5 =	vld [tilespmem:s23+$0x10180];
	_ =	sdelay $0x2  }
0x3b4: {  	v3 =	vadd.f32 v3, v4  }
0x3b5: {  	s24 =	simm.s32 $0x80  }
0x3b6: {  	s31 =	sand.u32 $0x1C00, s24;
	v3 =	vadd.f32 v5, v3  }
0x3b7: {  	s26 =	sor.u32 s31, s25;
	s25 =	simm.s32 $0x20  }
.LBB2_68:
0x3b8: {  	p0 =	sne.s32 s25, $0x3F0;
	v4 =	vld [tilespmem:s26+$0x8180];
	[tilespmem:s23+$0x180] =	vst v3;
	s23 =	smov.u32 s26  }
0x3b9: {  	v3 =	vld [tilespmem:s23+$0x180];
	_ =	sdelay $0x1  }
0x3ba: {  	v5 =	vld [tilespmem:s23+$0x10180];
	_ =	sdelay $0x1  }
.Ltmp33:
0x3bb: {  	(pc) =	sbr.rel @p0 .LBB2_68-.Ltmp33, $4  }
0x3bc: {  	v3 =	vadd.f32 v4, v3  }
0x3bd: {  	s24 =	sadd.s32 $0x80, s24  }
0x3be: {  	s26 =	sand.u32 $0x70, s25;
	s28 =	sand.u32 $0x1C00, s24;
	v3 =	vadd.f32 v5, v3  }
0x3bf: {  	s25 =	sadd.s32 $0x10, s25;
	s26 =	sor.u32 s28, s26  }
0x3c0: {  	v4 =	vld [tilespmem:s26+$0x8180];
	[tilespmem:s23+$0x180] =	vst v3  }
0x3c1: {  	v3 =	vld [tilespmem:s26+$0x180];
	_ =	sdelay $0x1  }
0x3c2: {  	v5 =	vld [tilespmem:s26+$0x10180];
	_ =	sdelay $0x2  }
0x3c3: {  	v3 =	vadd.f32 v4, v3;
	_ =	sdelay $0x1  }
0x3c4: {  	s25 =	simm.s32 $0x0;
	v3 =	vadd.f32 v5, v3  }
0x3c5: {  	s24 =	sand.u32 $0x70, s25;
	s23 =	sand.u32 $0x1C00, s25  }
0x3c6: {  	s23 =	sor.u32 s23, s24;
	[tilespmem:s26+$0x180] =	vst v3  }
0x3c7: {  	v3 =	vld [tilespmem:s23+$0x8200]  }
0x3c8: {  	v4 =	vld [tilespmem:s23+$0x200];
	_ =	sdelay $0x1  }
0x3c9: {  	v5 =	vld [tilespmem:s23+$0x10200];
	_ =	sdelay $0x2  }
0x3ca: {  	v3 =	vadd.f32 v3, v4  }
0x3cb: {  	s30 =	simm.s32 $0x10;
	s25 =	simm.s32 $0x80  }
0x3cc: {  	s24 =	sand.u32 $0x70, s30;
	s31 =	sand.u32 $0x1C00, s25;
	v3 =	vadd.f32 v5, v3  }
0x3cd: {  	s28 =	simm.s32 $0x20;
	s29 =	sor.u32 s31, s24;
	s26 =	smov.u32 s23  }
.LBB2_70:
0x3ce: {  	p0 =	sne.s32 s28, $0x3F0;
	v4 =	vld [tilespmem:s29+$0x8200];
	[tilespmem:s26+$0x200] =	vst v3;
	s26 =	smov.u32 s29  }
0x3cf: {  	v3 =	vld [tilespmem:s26+$0x200];
	_ =	sdelay $0x1  }
0x3d0: {  	v5 =	vld [tilespmem:s26+$0x10200];
	_ =	sdelay $0x1  }
.Ltmp34:
0x3d1: {  	(pc) =	sbr.rel @p0 .LBB2_70-.Ltmp34, $4  }
0x3d2: {  	v3 =	vadd.f32 v4, v3  }
0x3d3: {  	s25 =	sadd.s32 $0x80, s25  }
0x3d4: {  	s29 =	sand.u32 $0x70, s28;
	s30 =	sand.u32 $0x1C00, s25;
	v3 =	vadd.f32 v5, v3  }
0x3d5: {  	s28 =	sadd.s32 $0x10, s28;
	s29 =	sor.u32 s30, s29  }
0x3d6: {  	v4 =	vld [tilespmem:s29+$0x8200];
	[tilespmem:s26+$0x200] =	vst v3  }
0x3d7: {  	v3 =	vld [tilespmem:s29+$0x200];
	_ =	sdelay $0x1  }
0x3d8: {  	v5 =	vld [tilespmem:s29+$0x10200];
	_ =	sdelay $0x2  }
0x3d9: {  	v3 =	vadd.f32 v4, v3;
	_ =	sdelay $0x1  }
0x3da: {  	v3 =	vadd.f32 v5, v3;
	_ =	sdelay $0x1  }
0x3db: {  	[tilespmem:s29+$0x200] =	vst v3  }
0x3dc: {  	v3 =	vld [tilespmem:s23+$0x8280]  }
0x3dd: {  	v4 =	vld [tilespmem:s23+$0x280];
	_ =	sdelay $0x1  }
0x3de: {  	v5 =	vld [tilespmem:s23+$0x10280];
	_ =	sdelay $0x2  }
0x3df: {  	v3 =	vadd.f32 v3, v4  }
0x3e0: {  	s25 =	simm.s32 $0x80  }
0x3e1: {  	s31 =	sand.u32 $0x1C00, s25;
	v3 =	vadd.f32 v5, v3  }
0x3e2: {  	s26 =	sor.u32 s31, s24;
	s24 =	simm.s32 $0x20  }
.LBB2_72:
0x3e3: {  	p0 =	sne.s32 s24, $0x3F0;
	v4 =	vld [tilespmem:s26+$0x8280];
	[tilespmem:s23+$0x280] =	vst v3;
	s23 =	smov.u32 s26  }
0x3e4: {  	v3 =	vld [tilespmem:s23+$0x280];
	_ =	sdelay $0x1  }
0x3e5: {  	v5 =	vld [tilespmem:s23+$0x10280];
	_ =	sdelay $0x1  }
.Ltmp35:
0x3e6: {  	(pc) =	sbr.rel @p0 .LBB2_72-.Ltmp35, $4  }
0x3e7: {  	v3 =	vadd.f32 v4, v3  }
0x3e8: {  	s25 =	sadd.s32 $0x80, s25  }
0x3e9: {  	s26 =	sand.u32 $0x70, s24;
	s28 =	sand.u32 $0x1C00, s25;
	v3 =	vadd.f32 v5, v3  }
0x3ea: {  	s24 =	sadd.s32 $0x10, s24;
	s26 =	sor.u32 s28, s26  }
0x3eb: {  	v4 =	vld [tilespmem:s26+$0x8280];
	[tilespmem:s23+$0x280] =	vst v3  }
0x3ec: {  	v3 =	vld [tilespmem:s26+$0x280];
	_ =	sdelay $0x1  }
0x3ed: {  	v5 =	vld [tilespmem:s26+$0x10280];
	_ =	sdelay $0x2  }
0x3ee: {  	v3 =	vadd.f32 v4, v3;
	_ =	sdelay $0x1  }
0x3ef: {  	s25 =	simm.s32 $0x0;
	v3 =	vadd.f32 v5, v3  }
0x3f0: {  	s24 =	sand.u32 $0x70, s25;
	s23 =	sand.u32 $0x1C00, s25  }
0x3f1: {  	s23 =	sor.u32 s23, s24;
	[tilespmem:s26+$0x280] =	vst v3  }
0x3f2: {  	v3 =	vld [tilespmem:s23+$0x8300]  }
0x3f3: {  	v4 =	vld [tilespmem:s23+$0x300];
	_ =	sdelay $0x1  }
0x3f4: {  	v5 =	vld [tilespmem:s23+$0x10300];
	_ =	sdelay $0x2  }
0x3f5: {  	v3 =	vadd.f32 v3, v4  }
0x3f6: {  	s25 =	simm.s32 $0x80;
	s26 =	simm.s32 $0x10  }
0x3f7: {  	s28 =	simm.s32 $0x20;
	s30 =	sand.u32 $0x1C00, s25;
	s24 =	sand.u32 $0x70, s26;
	v3 =	vadd.f32 v5, v3  }
0x3f8: {  	s31 =	simm.s32 $0x80;
	s26 =	smov.u32 s23;
	s29 =	sor.u32 s30, s24  }
.LBB2_74:
0x3f9: {  	p0 =	sne.s32 s28, $0x3F0;
	v4 =	vld [tilespmem:s29+$0x8300];
	[tilespmem:s26+$0x300] =	vst v3;
	s26 =	smov.u32 s29  }
0x3fa: {  	v3 =	vld [tilespmem:s26+$0x300];
	_ =	sdelay $0x1  }
0x3fb: {  	v5 =	vld [tilespmem:s26+$0x10300];
	_ =	sdelay $0x1  }
.Ltmp36:
0x3fc: {  	(pc) =	sbr.rel @p0 .LBB2_74-.Ltmp36, $4  }
0x3fd: {  	v3 =	vadd.f32 v4, v3  }
0x3fe: {  	s25 =	sadd.s32 $0x80, s25  }
0x3ff: {  	s29 =	sand.u32 $0x70, s28;
	s30 =	sand.u32 $0x1C00, s25;
	v3 =	vadd.f32 v5, v3  }
0x400: {  	s28 =	sadd.s32 $0x10, s28;
	s29 =	sor.u32 s30, s29  }
0x401: {  	v4 =	vld [tilespmem:s29+$0x8300];
	[tilespmem:s26+$0x300] =	vst v3  }
0x402: {  	v3 =	vld [tilespmem:s29+$0x300];
	_ =	sdelay $0x1  }
0x403: {  	v5 =	vld [tilespmem:s29+$0x10300];
	_ =	sdelay $0x2  }
0x404: {  	v3 =	vadd.f32 v4, v3;
	_ =	sdelay $0x1  }
0x405: {  	v3 =	vadd.f32 v5, v3;
	_ =	sdelay $0x1  }
0x406: {  	[tilespmem:s29+$0x300] =	vst v3  }
0x407: {  	v3 =	vld [tilespmem:s23+$0x8380]  }
0x408: {  	v4 =	vld [tilespmem:s23+$0x380];
	_ =	sdelay $0x1  }
0x409: {  	v5 =	vld [tilespmem:s23+$0x10380];
	_ =	sdelay $0x2  }
0x40a: {  	v3 =	vadd.f32 v3, v4  }
0x40b: {  	s25 =	simm.s32 $0x80  }
0x40c: {  	s30 =	sand.u32 $0x1C00, s25;
	v3 =	vadd.f32 v5, v3  }
0x40d: {  	s26 =	sor.u32 s30, s24;
	s24 =	simm.s32 $0x20  }
.LBB2_76:
0x40e: {  	p0 =	sne.s32 s24, $0x3F0;
	v4 =	vld [tilespmem:s26+$0x8380];
	[tilespmem:s23+$0x380] =	vst v3;
	s23 =	smov.u32 s26  }
0x40f: {  	v3 =	vld [tilespmem:s23+$0x380];
	_ =	sdelay $0x1  }
0x410: {  	v5 =	vld [tilespmem:s23+$0x10380];
	_ =	sdelay $0x1  }
.Ltmp37:
0x411: {  	(pc) =	sbr.rel @p0 .LBB2_76-.Ltmp37, $4  }
0x412: {  	v3 =	vadd.f32 v4, v3  }
0x413: {  	s25 =	sadd.s32 $0x80, s25  }
0x414: {  	s26 =	sand.u32 $0x70, s24;
	s28 =	sand.u32 $0x1C00, s25;
	v3 =	vadd.f32 v5, v3  }
0x415: {  	s24 =	sadd.s32 $0x10, s24;
	s26 =	sor.u32 s28, s26  }
0x416: {  	v4 =	vld [tilespmem:s26+$0x8380];
	[tilespmem:s23+$0x380] =	vst v3  }
0x417: {  	v3 =	vld [tilespmem:s26+$0x380];
	_ =	sdelay $0x1  }
0x418: {  	v5 =	vld [tilespmem:s26+$0x10380];
	_ =	sdelay $0x2  }
0x419: {  	v3 =	vadd.f32 v4, v3;
	_ =	sdelay $0x1  }
0x41a: {  	s23 =	simm.s32 $0x0;
	v3 =	vadd.f32 v5, v3  }
0x41b: {  	s24 =	sand.u32 $0x70, s23;
	s25 =	sand.u32 $0x1C00, s23  }
0x41c: {  	s25 =	sor.u32 s25, s24;
	[tilespmem:s26+$0x380] =	vst v3  }
0x41d: {  	v3 =	vld [tilespmem:s25+$0x8400]  }
0x41e: {  	v4 =	vld [tilespmem:s25+$0x400];
	_ =	sdelay $0x1  }
0x41f: {  	v5 =	vld [tilespmem:s25+$0x10400];
	_ =	sdelay $0x2  }
0x420: {  	v3 =	vadd.f32 v3, v4  }
0x421: {  	s24 =	simm.s32 $0x10;
	s26 =	simm.s32 $0x80  }
0x422: {  	s28 =	sand.u32 $0x70, s24;
	s29 =	sand.u32 $0x1C00, s26;
	v3 =	vadd.f32 v5, v3  }
0x423: {  	s29 =	sor.u32 s29, s28;
	s28 =	simm.s32 $0x20  }
.LBB2_78:
0x424: {  	p0 =	sne.s32 s28, $0x3F0;
	v4 =	vld [tilespmem:s29+$0x8400];
	[tilespmem:s25+$0x400] =	vst v3;
	s25 =	smov.u32 s29  }
0x425: {  	v3 =	vld [tilespmem:s25+$0x400];
	_ =	sdelay $0x1  }
0x426: {  	v5 =	vld [tilespmem:s25+$0x10400];
	_ =	sdelay $0x1  }
.Ltmp38:
0x427: {  	(pc) =	sbr.rel @p0 .LBB2_78-.Ltmp38, $4  }
0x428: {  	v3 =	vadd.f32 v4, v3  }
0x429: {  	s26 =	sadd.s32 $0x80, s26  }
0x42a: {  	s29 =	sand.u32 $0x70, s28;
	s30 =	sand.u32 $0x1C00, s26;
	v3 =	vadd.f32 v5, v3  }
0x42b: {  	s28 =	sadd.s32 $0x10, s28;
	s29 =	sor.u32 s30, s29  }
0x42c: {  	v4 =	vld [tilespmem:s29+$0x8400];
	[tilespmem:s25+$0x400] =	vst v3  }
0x42d: {  	v3 =	vld [tilespmem:s29+$0x400];
	_ =	sdelay $0x1  }
0x42e: {  	v5 =	vld [tilespmem:s29+$0x10400];
	_ =	sdelay $0x2  }
0x42f: {  	v3 =	vadd.f32 v4, v3;
	_ =	sdelay $0x1  }
0x430: {  	v3 =	vadd.f32 v5, v3  }
0x431: {  	s23 =	sor.u32 s23, s23  }
0x432: {  	s23 =	sor.u32 $0x380, s23;
	[tilespmem:s29+$0x400] =	vst v3  }
0x433: {  	v3 =	vld [tilespmem:s23+$0x8100]  }
0x434: {  	v4 =	vld [tilespmem:s23+$0x100];
	_ =	sdelay $0x1  }
0x435: {  	v5 =	vld [tilespmem:s23+$0x10100];
	_ =	sdelay $0x2  }
0x436: {  	v3 =	vadd.f32 v3, v4  }
0x437: {  	s25 =	simm.s32 $0x80  }
0x438: {  	s24 =	sor.u32 s25, s24;
	v3 =	vadd.f32 v5, v3  }
0x439: {  	s26 =	sor.u32 $0x380, s24;
	s24 =	simm.s32 $0x20  }
.LBB2_80:
0x43a: {  	p0 =	sne.s32 s24, $0x3F0;
	v4 =	vld [tilespmem:s26+$0x8100];
	[tilespmem:s23+$0x100] =	vst v3;
	s23 =	smov.u32 s26  }
0x43b: {  	v3 =	vld [tilespmem:s23+$0x100];
	_ =	sdelay $0x1  }
0x43c: {  	v5 =	vld [tilespmem:s23+$0x10100];
	_ =	sdelay $0x1  }
.Ltmp39:
0x43d: {  	(pc) =	sbr.rel @p0 .LBB2_80-.Ltmp39, $4  }
0x43e: {  	v3 =	vadd.f32 v4, v3  }
0x43f: {  	s25 =	sadd.s32 $0x80, s25  }
0x440: {  	s26 =	sor.u32 s25, s24;
	v3 =	vadd.f32 v5, v3  }
0x441: {  	s24 =	sadd.s32 $0x10, s24;
	s26 =	sor.u32 $0x380, s26  }
0x442: {  	v4 =	vld [tilespmem:s26+$0x8100];
	[tilespmem:s23+$0x100] =	vst v3  }
0x443: {  	v3 =	vld [tilespmem:s26+$0x100];
	_ =	sdelay $0x1  }
0x444: {  	v5 =	vld [tilespmem:s26+$0x10100];
	_ =	sdelay $0x2  }
0x445: {  	v3 =	vadd.f32 v4, v3;
	_ =	sdelay $0x1  }
0x446: {  	s25 =	simm.s32 $0x0;
	v3 =	vadd.f32 v5, v3  }
0x447: {  	s24 =	sand.u32 $0x70, s25;
	s23 =	sand.u32 $0x1C00, s25  }
0x448: {  	s23 =	sor.u32 s23, s24;
	[tilespmem:s26+$0x100] =	vst v3  }
0x449: {  	v3 =	vld [tilespmem:s23+$0xA100]  }
0x44a: {  	v4 =	vld [tilespmem:s23+$0x2100];
	_ =	sdelay $0x1  }
0x44b: {  	v5 =	vld [tilespmem:s23+$0x12100];
	_ =	sdelay $0x2  }
0x44c: {  	v3 =	vadd.f32 v3, v4  }
0x44d: {  	s25 =	simm.s32 $0x80;
	s26 =	simm.s32 $0x10  }
0x44e: {  	s30 =	sand.u32 $0x1C00, s25;
	s24 =	sand.u32 $0x70, s26;
	v3 =	vadd.f32 v5, v3  }
0x44f: {  	s28 =	simm.s32 $0x20;
	s26 =	smov.u32 s23;
	s29 =	sor.u32 s30, s24  }
.LBB2_82:
0x450: {  	p0 =	sne.s32 s28, $0x3F0;
	v4 =	vld [tilespmem:s29+$0xA100];
	[tilespmem:s26+$0x2100] =	vst v3;
	s26 =	smov.u32 s29  }
0x451: {  	v3 =	vld [tilespmem:s26+$0x2100];
	_ =	sdelay $0x1  }
0x452: {  	v5 =	vld [tilespmem:s26+$0x12100];
	_ =	sdelay $0x1  }
.Ltmp40:
0x453: {  	(pc) =	sbr.rel @p0 .LBB2_82-.Ltmp40, $4  }
0x454: {  	v3 =	vadd.f32 v4, v3  }
0x455: {  	s25 =	sadd.s32 $0x80, s25  }
0x456: {  	s29 =	sand.u32 $0x70, s28;
	s30 =	sand.u32 $0x1C00, s25;
	v3 =	vadd.f32 v5, v3  }
0x457: {  	s28 =	sadd.s32 $0x10, s28;
	s29 =	sor.u32 s30, s29  }
0x458: {  	v4 =	vld [tilespmem:s29+$0xA100];
	[tilespmem:s26+$0x2100] =	vst v3  }
0x459: {  	v3 =	vld [tilespmem:s29+$0x2100];
	_ =	sdelay $0x1  }
0x45a: {  	v5 =	vld [tilespmem:s29+$0x12100];
	_ =	sdelay $0x2  }
0x45b: {  	v3 =	vadd.f32 v4, v3;
	_ =	sdelay $0x1  }
0x45c: {  	v3 =	vadd.f32 v5, v3;
	_ =	sdelay $0x1  }
0x45d: {  	[tilespmem:s29+$0x2100] =	vst v3  }
0x45e: {  	v3 =	vld [tilespmem:s23+$0xA180]  }
0x45f: {  	v4 =	vld [tilespmem:s23+$0x2180];
	_ =	sdelay $0x1  }
0x460: {  	v5 =	vld [tilespmem:s23+$0x12180];
	_ =	sdelay $0x2  }
0x461: {  	v3 =	vadd.f32 v3, v4  }
0x462: {  	s25 =	simm.s32 $0x80  }
0x463: {  	s30 =	sand.u32 $0x1C00, s25;
	v3 =	vadd.f32 v5, v3  }
0x464: {  	s26 =	sor.u32 s30, s24;
	s24 =	simm.s32 $0x20  }
.LBB2_84:
0x465: {  	p0 =	sne.s32 s24, $0x3F0;
	v4 =	vld [tilespmem:s26+$0xA180];
	[tilespmem:s23+$0x2180] =	vst v3;
	s23 =	smov.u32 s26  }
0x466: {  	v3 =	vld [tilespmem:s23+$0x2180];
	_ =	sdelay $0x1  }
0x467: {  	v5 =	vld [tilespmem:s23+$0x12180];
	_ =	sdelay $0x1  }
.Ltmp41:
0x468: {  	(pc) =	sbr.rel @p0 .LBB2_84-.Ltmp41, $4  }
0x469: {  	v3 =	vadd.f32 v4, v3  }
0x46a: {  	s25 =	sadd.s32 $0x80, s25  }
0x46b: {  	s26 =	sand.u32 $0x70, s24;
	s28 =	sand.u32 $0x1C00, s25;
	v3 =	vadd.f32 v5, v3  }
0x46c: {  	s24 =	sadd.s32 $0x10, s24;
	s26 =	sor.u32 s28, s26  }
0x46d: {  	v4 =	vld [tilespmem:s26+$0xA180];
	[tilespmem:s23+$0x2180] =	vst v3  }
0x46e: {  	v3 =	vld [tilespmem:s26+$0x2180];
	_ =	sdelay $0x1  }
0x46f: {  	v5 =	vld [tilespmem:s26+$0x12180];
	_ =	sdelay $0x2  }
0x470: {  	v3 =	vadd.f32 v4, v3;
	_ =	sdelay $0x1  }
0x471: {  	s25 =	simm.s32 $0x0;
	v3 =	vadd.f32 v5, v3  }
0x472: {  	s24 =	sand.u32 $0x70, s25;
	s23 =	sand.u32 $0x1C00, s25  }
0x473: {  	s23 =	sor.u32 s23, s24;
	[tilespmem:s26+$0x2180] =	vst v3  }
0x474: {  	v3 =	vld [tilespmem:s23+$0xA200]  }
0x475: {  	v4 =	vld [tilespmem:s23+$0x2200];
	_ =	sdelay $0x1  }
0x476: {  	v5 =	vld [tilespmem:s23+$0x12200];
	_ =	sdelay $0x2  }
0x477: {  	v3 =	vadd.f32 v3, v4  }
0x478: {  	s25 =	simm.s32 $0x80;
	s26 =	simm.s32 $0x10  }
0x479: {  	s30 =	sand.u32 $0x1C00, s25;
	s24 =	sand.u32 $0x70, s26;
	v3 =	vadd.f32 v5, v3  }
0x47a: {  	s28 =	simm.s32 $0x20;
	s26 =	smov.u32 s23;
	s29 =	sor.u32 s30, s24  }
.LBB2_86:
0x47b: {  	p0 =	sne.s32 s28, $0x3F0;
	v4 =	vld [tilespmem:s29+$0xA200];
	[tilespmem:s26+$0x2200] =	vst v3;
	s26 =	smov.u32 s29  }
0x47c: {  	v3 =	vld [tilespmem:s26+$0x2200];
	_ =	sdelay $0x1  }
0x47d: {  	v5 =	vld [tilespmem:s26+$0x12200];
	_ =	sdelay $0x1  }
.Ltmp42:
0x47e: {  	(pc) =	sbr.rel @p0 .LBB2_86-.Ltmp42, $4  }
0x47f: {  	v3 =	vadd.f32 v4, v3  }
0x480: {  	s25 =	sadd.s32 $0x80, s25  }
0x481: {  	s29 =	sand.u32 $0x70, s28;
	s30 =	sand.u32 $0x1C00, s25;
	v3 =	vadd.f32 v5, v3  }
0x482: {  	s28 =	sadd.s32 $0x10, s28;
	s29 =	sor.u32 s30, s29  }
0x483: {  	v4 =	vld [tilespmem:s29+$0xA200];
	[tilespmem:s26+$0x2200] =	vst v3  }
0x484: {  	v3 =	vld [tilespmem:s29+$0x2200];
	_ =	sdelay $0x1  }
0x485: {  	v5 =	vld [tilespmem:s29+$0x12200];
	_ =	sdelay $0x2  }
0x486: {  	v3 =	vadd.f32 v4, v3;
	_ =	sdelay $0x1  }
0x487: {  	v3 =	vadd.f32 v5, v3;
	_ =	sdelay $0x1  }
0x488: {  	[tilespmem:s29+$0x2200] =	vst v3  }
0x489: {  	v3 =	vld [tilespmem:s23+$0xA280]  }
0x48a: {  	v4 =	vld [tilespmem:s23+$0x2280];
	_ =	sdelay $0x1  }
0x48b: {  	v5 =	vld [tilespmem:s23+$0x12280];
	_ =	sdelay $0x2  }
0x48c: {  	v3 =	vadd.f32 v3, v4  }
0x48d: {  	s25 =	simm.s32 $0x80  }
0x48e: {  	s30 =	sand.u32 $0x1C00, s25;
	v3 =	vadd.f32 v5, v3  }
0x48f: {  	s26 =	sor.u32 s30, s24;
	s24 =	simm.s32 $0x20  }
.LBB2_88:
0x490: {  	p0 =	sne.s32 s24, $0x3F0;
	v4 =	vld [tilespmem:s26+$0xA280];
	[tilespmem:s23+$0x2280] =	vst v3;
	s23 =	smov.u32 s26  }
0x491: {  	v3 =	vld [tilespmem:s23+$0x2280];
	_ =	sdelay $0x1  }
0x492: {  	v5 =	vld [tilespmem:s23+$0x12280];
	_ =	sdelay $0x1  }
.Ltmp43:
0x493: {  	(pc) =	sbr.rel @p0 .LBB2_88-.Ltmp43, $4  }
0x494: {  	v3 =	vadd.f32 v4, v3  }
0x495: {  	s25 =	sadd.s32 $0x80, s25  }
0x496: {  	s26 =	sand.u32 $0x70, s24;
	s28 =	sand.u32 $0x1C00, s25;
	v3 =	vadd.f32 v5, v3  }
0x497: {  	s24 =	sadd.s32 $0x10, s24;
	s26 =	sor.u32 s28, s26  }
0x498: {  	v4 =	vld [tilespmem:s26+$0xA280];
	[tilespmem:s23+$0x2280] =	vst v3  }
0x499: {  	v3 =	vld [tilespmem:s26+$0x2280];
	_ =	sdelay $0x1  }
0x49a: {  	v5 =	vld [tilespmem:s26+$0x12280];
	_ =	sdelay $0x2  }
0x49b: {  	v3 =	vadd.f32 v4, v3;
	_ =	sdelay $0x1  }
0x49c: {  	s25 =	simm.s32 $0x0;
	v3 =	vadd.f32 v5, v3  }
0x49d: {  	s24 =	sand.u32 $0x70, s25;
	s23 =	sand.u32 $0x1C00, s25  }
0x49e: {  	s23 =	sor.u32 s23, s24;
	[tilespmem:s26+$0x2280] =	vst v3  }
0x49f: {  	v3 =	vld [tilespmem:s23+$0xA300]  }
0x4a0: {  	v4 =	vld [tilespmem:s23+$0x2300];
	_ =	sdelay $0x1  }
0x4a1: {  	v5 =	vld [tilespmem:s23+$0x12300];
	_ =	sdelay $0x2  }
0x4a2: {  	v3 =	vadd.f32 v3, v4  }
0x4a3: {  	s25 =	simm.s32 $0x80;
	s26 =	simm.s32 $0x10  }
0x4a4: {  	s30 =	sand.u32 $0x1C00, s25;
	s24 =	sand.u32 $0x70, s26;
	v3 =	vadd.f32 v5, v3  }
0x4a5: {  	s28 =	simm.s32 $0x20;
	s26 =	smov.u32 s23;
	s29 =	sor.u32 s30, s24  }
.LBB2_90:
0x4a6: {  	p0 =	sne.s32 s28, $0x3F0;
	v4 =	vld [tilespmem:s29+$0xA300];
	[tilespmem:s26+$0x2300] =	vst v3;
	s26 =	smov.u32 s29  }
0x4a7: {  	v3 =	vld [tilespmem:s26+$0x2300];
	_ =	sdelay $0x1  }
0x4a8: {  	v5 =	vld [tilespmem:s26+$0x12300];
	_ =	sdelay $0x1  }
.Ltmp44:
0x4a9: {  	(pc) =	sbr.rel @p0 .LBB2_90-.Ltmp44, $4  }
0x4aa: {  	v3 =	vadd.f32 v4, v3  }
0x4ab: {  	s25 =	sadd.s32 $0x80, s25  }
0x4ac: {  	s29 =	sand.u32 $0x70, s28;
	s30 =	sand.u32 $0x1C00, s25;
	v3 =	vadd.f32 v5, v3  }
0x4ad: {  	s28 =	sadd.s32 $0x10, s28;
	s29 =	sor.u32 s30, s29  }
0x4ae: {  	v4 =	vld [tilespmem:s29+$0xA300];
	[tilespmem:s26+$0x2300] =	vst v3  }
0x4af: {  	v3 =	vld [tilespmem:s29+$0x2300];
	_ =	sdelay $0x1  }
0x4b0: {  	v5 =	vld [tilespmem:s29+$0x12300];
	_ =	sdelay $0x2  }
0x4b1: {  	v3 =	vadd.f32 v4, v3;
	_ =	sdelay $0x1  }
0x4b2: {  	v3 =	vadd.f32 v5, v3;
	_ =	sdelay $0x1  }
0x4b3: {  	[tilespmem:s29+$0x2300] =	vst v3  }
0x4b4: {  	v3 =	vld [tilespmem:s23+$0xA380]  }
0x4b5: {  	v4 =	vld [tilespmem:s23+$0x2380];
	_ =	sdelay $0x1  }
0x4b6: {  	v5 =	vld [tilespmem:s23+$0x12380];
	_ =	sdelay $0x2  }
0x4b7: {  	v3 =	vadd.f32 v3, v4  }
0x4b8: {  	s25 =	simm.s32 $0x80  }
0x4b9: {  	s30 =	sand.u32 $0x1C00, s25;
	v3 =	vadd.f32 v5, v3  }
0x4ba: {  	s26 =	sor.u32 s30, s24;
	s24 =	simm.s32 $0x20  }
.LBB2_92:
0x4bb: {  	p0 =	sne.s32 s24, $0x3F0;
	v4 =	vld [tilespmem:s26+$0xA380];
	[tilespmem:s23+$0x2380] =	vst v3;
	s23 =	smov.u32 s26  }
0x4bc: {  	v3 =	vld [tilespmem:s23+$0x2380];
	_ =	sdelay $0x1  }
0x4bd: {  	v5 =	vld [tilespmem:s23+$0x12380];
	_ =	sdelay $0x1  }
.Ltmp45:
0x4be: {  	(pc) =	sbr.rel @p0 .LBB2_92-.Ltmp45, $4  }
0x4bf: {  	v3 =	vadd.f32 v4, v3  }
0x4c0: {  	s25 =	sadd.s32 $0x80, s25  }
0x4c1: {  	s26 =	sand.u32 $0x70, s24;
	s28 =	sand.u32 $0x1C00, s25;
	v3 =	vadd.f32 v5, v3  }
0x4c2: {  	s24 =	sadd.s32 $0x10, s24;
	s26 =	sor.u32 s28, s26  }
0x4c3: {  	v4 =	vld [tilespmem:s26+$0xA380];
	[tilespmem:s23+$0x2380] =	vst v3  }
0x4c4: {  	v3 =	vld [tilespmem:s26+$0x2380];
	_ =	sdelay $0x1  }
0x4c5: {  	v5 =	vld [tilespmem:s26+$0x12380];
	_ =	sdelay $0x2  }
0x4c6: {  	v3 =	vadd.f32 v4, v3;
	_ =	sdelay $0x1  }
0x4c7: {  	s23 =	simm.s32 $0x0;
	v3 =	vadd.f32 v5, v3  }
0x4c8: {  	s24 =	sand.u32 $0x70, s23;
	s25 =	sand.u32 $0x1C00, s23  }
0x4c9: {  	s25 =	sor.u32 s25, s24;
	[tilespmem:s26+$0x2380] =	vst v3  }
0x4ca: {  	v3 =	vld [tilespmem:s25+$0xA400]  }
0x4cb: {  	v4 =	vld [tilespmem:s25+$0x2400];
	_ =	sdelay $0x1  }
0x4cc: {  	v5 =	vld [tilespmem:s25+$0x12400];
	_ =	sdelay $0x2  }
0x4cd: {  	v3 =	vadd.f32 v3, v4  }
0x4ce: {  	s24 =	simm.s32 $0x10;
	s26 =	simm.s32 $0x80  }
0x4cf: {  	s28 =	sand.u32 $0x70, s24;
	s29 =	sand.u32 $0x1C00, s26;
	v3 =	vadd.f32 v5, v3  }
0x4d0: {  	s29 =	sor.u32 s29, s28;
	s28 =	simm.s32 $0x20  }
.LBB2_94:
0x4d1: {  	p0 =	sne.s32 s28, $0x3F0;
	v4 =	vld [tilespmem:s29+$0xA400];
	[tilespmem:s25+$0x2400] =	vst v3;
	s25 =	smov.u32 s29  }
0x4d2: {  	v3 =	vld [tilespmem:s25+$0x2400];
	_ =	sdelay $0x1  }
0x4d3: {  	v5 =	vld [tilespmem:s25+$0x12400];
	_ =	sdelay $0x1  }
.Ltmp46:
0x4d4: {  	(pc) =	sbr.rel @p0 .LBB2_94-.Ltmp46, $4  }
0x4d5: {  	v3 =	vadd.f32 v4, v3  }
0x4d6: {  	s26 =	sadd.s32 $0x80, s26  }
0x4d7: {  	s29 =	sand.u32 $0x70, s28;
	s30 =	sand.u32 $0x1C00, s26;
	v3 =	vadd.f32 v5, v3  }
0x4d8: {  	s28 =	sadd.s32 $0x10, s28;
	s29 =	sor.u32 s30, s29  }
0x4d9: {  	v4 =	vld [tilespmem:s29+$0xA400];
	[tilespmem:s25+$0x2400] =	vst v3  }
0x4da: {  	v3 =	vld [tilespmem:s29+$0x2400];
	_ =	sdelay $0x1  }
0x4db: {  	v5 =	vld [tilespmem:s29+$0x12400];
	_ =	sdelay $0x2  }
0x4dc: {  	v3 =	vadd.f32 v4, v3;
	_ =	sdelay $0x1  }
0x4dd: {  	v3 =	vadd.f32 v5, v3  }
0x4de: {  	s23 =	sor.u32 s23, s23  }
0x4df: {  	s23 =	sor.u32 $0x2380, s23;
	[tilespmem:s29+$0x2400] =	vst v3  }
0x4e0: {  	v3 =	vld [tilespmem:s23+$0x8100]  }
0x4e1: {  	v4 =	vld [tilespmem:s23+$0x100];
	_ =	sdelay $0x1  }
0x4e2: {  	v5 =	vld [tilespmem:s23+$0x10100];
	_ =	sdelay $0x2  }
0x4e3: {  	v3 =	vadd.f32 v3, v4  }
0x4e4: {  	s25 =	simm.s32 $0x80  }
0x4e5: {  	s24 =	sor.u32 s25, s24;
	v3 =	vadd.f32 v5, v3  }
0x4e6: {  	s26 =	sor.u32 $0x2380, s24;
	s24 =	simm.s32 $0x20  }
.LBB2_96:
0x4e7: {  	p0 =	sne.s32 s24, $0x3F0;
	v4 =	vld [tilespmem:s26+$0x8100];
	[tilespmem:s23+$0x100] =	vst v3;
	s23 =	smov.u32 s26  }
0x4e8: {  	v3 =	vld [tilespmem:s23+$0x100];
	_ =	sdelay $0x1  }
0x4e9: {  	v5 =	vld [tilespmem:s23+$0x10100];
	_ =	sdelay $0x1  }
.Ltmp47:
0x4ea: {  	(pc) =	sbr.rel @p0 .LBB2_96-.Ltmp47, $4  }
0x4eb: {  	v3 =	vadd.f32 v4, v3  }
0x4ec: {  	s25 =	sadd.s32 $0x80, s25  }
0x4ed: {  	s26 =	sor.u32 s25, s24;
	v3 =	vadd.f32 v5, v3  }
0x4ee: {  	s24 =	sadd.s32 $0x10, s24;
	s26 =	sor.u32 $0x2380, s26  }
0x4ef: {  	v4 =	vld [tilespmem:s26+$0x8100];
	[tilespmem:s23+$0x100] =	vst v3  }
0x4f0: {  	v3 =	vld [tilespmem:s26+$0x100];
	_ =	sdelay $0x1  }
0x4f1: {  	v5 =	vld [tilespmem:s26+$0x10100];
	_ =	sdelay $0x2  }
0x4f2: {  	v3 =	vadd.f32 v4, v3;
	_ =	sdelay $0x1  }
0x4f3: {  	s25 =	simm.s32 $0x0;
	v3 =	vadd.f32 v5, v3  }
0x4f4: {  	s24 =	sand.u32 $0x70, s25;
	s23 =	sand.u32 $0x1C00, s25  }
0x4f5: {  	s23 =	sor.u32 s23, s24;
	[tilespmem:s26+$0x100] =	vst v3  }
0x4f6: {  	v3 =	vld [tilespmem:s23+$0xC100]  }
0x4f7: {  	v4 =	vld [tilespmem:s23+$0x4100];
	_ =	sdelay $0x1  }
0x4f8: {  	v5 =	vld [tilespmem:s23+$0x14100];
	_ =	sdelay $0x2  }
0x4f9: {  	v3 =	vadd.f32 v3, v4  }
0x4fa: {  	s25 =	simm.s32 $0x80;
	s26 =	simm.s32 $0x10  }
0x4fb: {  	s30 =	sand.u32 $0x1C00, s25;
	s24 =	sand.u32 $0x70, s26;
	v3 =	vadd.f32 v5, v3  }
0x4fc: {  	s28 =	simm.s32 $0x20;
	s26 =	smov.u32 s23;
	s29 =	sor.u32 s30, s24  }
.LBB2_98:
0x4fd: {  	p0 =	sne.s32 s28, $0x3F0;
	v4 =	vld [tilespmem:s29+$0xC100];
	[tilespmem:s26+$0x4100] =	vst v3;
	s26 =	smov.u32 s29  }
0x4fe: {  	v3 =	vld [tilespmem:s26+$0x4100];
	_ =	sdelay $0x1  }
0x4ff: {  	v5 =	vld [tilespmem:s26+$0x14100];
	_ =	sdelay $0x1  }
.Ltmp48:
0x500: {  	(pc) =	sbr.rel @p0 .LBB2_98-.Ltmp48, $4  }
0x501: {  	v3 =	vadd.f32 v4, v3  }
0x502: {  	s25 =	sadd.s32 $0x80, s25  }
0x503: {  	s29 =	sand.u32 $0x70, s28;
	s30 =	sand.u32 $0x1C00, s25;
	v3 =	vadd.f32 v5, v3  }
0x504: {  	s28 =	sadd.s32 $0x10, s28;
	s29 =	sor.u32 s30, s29  }
0x505: {  	v4 =	vld [tilespmem:s29+$0xC100];
	[tilespmem:s26+$0x4100] =	vst v3  }
0x506: {  	v3 =	vld [tilespmem:s29+$0x4100];
	_ =	sdelay $0x1  }
0x507: {  	v5 =	vld [tilespmem:s29+$0x14100];
	_ =	sdelay $0x2  }
0x508: {  	v3 =	vadd.f32 v4, v3;
	_ =	sdelay $0x1  }
0x509: {  	v3 =	vadd.f32 v5, v3;
	_ =	sdelay $0x1  }
0x50a: {  	[tilespmem:s29+$0x4100] =	vst v3  }
0x50b: {  	v3 =	vld [tilespmem:s23+$0xC180]  }
0x50c: {  	v4 =	vld [tilespmem:s23+$0x4180];
	_ =	sdelay $0x1  }
0x50d: {  	v5 =	vld [tilespmem:s23+$0x14180];
	_ =	sdelay $0x2  }
0x50e: {  	v3 =	vadd.f32 v3, v4  }
0x50f: {  	s25 =	simm.s32 $0x80  }
0x510: {  	s30 =	sand.u32 $0x1C00, s25;
	v3 =	vadd.f32 v5, v3  }
0x511: {  	s26 =	sor.u32 s30, s24;
	s24 =	simm.s32 $0x20  }
.LBB2_100:
0x512: {  	p0 =	sne.s32 s24, $0x3F0;
	v4 =	vld [tilespmem:s26+$0xC180];
	[tilespmem:s23+$0x4180] =	vst v3;
	s23 =	smov.u32 s26  }
0x513: {  	v3 =	vld [tilespmem:s23+$0x4180];
	_ =	sdelay $0x1  }
0x514: {  	v5 =	vld [tilespmem:s23+$0x14180];
	_ =	sdelay $0x1  }
.Ltmp49:
0x515: {  	(pc) =	sbr.rel @p0 .LBB2_100-.Ltmp49, $4  }
0x516: {  	v3 =	vadd.f32 v4, v3  }
0x517: {  	s25 =	sadd.s32 $0x80, s25  }
0x518: {  	s26 =	sand.u32 $0x70, s24;
	s28 =	sand.u32 $0x1C00, s25;
	v3 =	vadd.f32 v5, v3  }
0x519: {  	s24 =	sadd.s32 $0x10, s24;
	s26 =	sor.u32 s28, s26  }
0x51a: {  	v4 =	vld [tilespmem:s26+$0xC180];
	[tilespmem:s23+$0x4180] =	vst v3  }
0x51b: {  	v3 =	vld [tilespmem:s26+$0x4180];
	_ =	sdelay $0x1  }
0x51c: {  	v5 =	vld [tilespmem:s26+$0x14180];
	_ =	sdelay $0x2  }
0x51d: {  	v3 =	vadd.f32 v4, v3;
	_ =	sdelay $0x1  }
0x51e: {  	s25 =	simm.s32 $0x0;
	v3 =	vadd.f32 v5, v3  }
0x51f: {  	s24 =	sand.u32 $0x70, s25;
	s23 =	sand.u32 $0x1C00, s25  }
0x520: {  	s23 =	sor.u32 s23, s24;
	[tilespmem:s26+$0x4180] =	vst v3  }
0x521: {  	v3 =	vld [tilespmem:s23+$0xC200]  }
0x522: {  	v4 =	vld [tilespmem:s23+$0x4200];
	_ =	sdelay $0x1  }
0x523: {  	v5 =	vld [tilespmem:s23+$0x14200];
	_ =	sdelay $0x2  }
0x524: {  	v3 =	vadd.f32 v3, v4  }
0x525: {  	s25 =	simm.s32 $0x80;
	s26 =	simm.s32 $0x10  }
0x526: {  	s30 =	sand.u32 $0x1C00, s25;
	s24 =	sand.u32 $0x70, s26;
	v3 =	vadd.f32 v5, v3  }
0x527: {  	s28 =	simm.s32 $0x20;
	s26 =	smov.u32 s23;
	s29 =	sor.u32 s30, s24  }
.LBB2_102:
0x528: {  	p0 =	sne.s32 s28, $0x3F0;
	v4 =	vld [tilespmem:s29+$0xC200];
	[tilespmem:s26+$0x4200] =	vst v3;
	s26 =	smov.u32 s29  }
0x529: {  	v3 =	vld [tilespmem:s26+$0x4200];
	_ =	sdelay $0x1  }
0x52a: {  	v5 =	vld [tilespmem:s26+$0x14200];
	_ =	sdelay $0x1  }
.Ltmp50:
0x52b: {  	(pc) =	sbr.rel @p0 .LBB2_102-.Ltmp50, $4  }
0x52c: {  	v3 =	vadd.f32 v4, v3  }
0x52d: {  	s25 =	sadd.s32 $0x80, s25  }
0x52e: {  	s29 =	sand.u32 $0x70, s28;
	s30 =	sand.u32 $0x1C00, s25;
	v3 =	vadd.f32 v5, v3  }
0x52f: {  	s28 =	sadd.s32 $0x10, s28;
	s29 =	sor.u32 s30, s29  }
0x530: {  	v4 =	vld [tilespmem:s29+$0xC200];
	[tilespmem:s26+$0x4200] =	vst v3  }
0x531: {  	v3 =	vld [tilespmem:s29+$0x4200];
	_ =	sdelay $0x1  }
0x532: {  	v5 =	vld [tilespmem:s29+$0x14200];
	_ =	sdelay $0x2  }
0x533: {  	v3 =	vadd.f32 v4, v3;
	_ =	sdelay $0x1  }
0x534: {  	v3 =	vadd.f32 v5, v3;
	_ =	sdelay $0x1  }
0x535: {  	[tilespmem:s29+$0x4200] =	vst v3  }
0x536: {  	v3 =	vld [tilespmem:s23+$0xC280]  }
0x537: {  	v4 =	vld [tilespmem:s23+$0x4280];
	_ =	sdelay $0x1  }
0x538: {  	v5 =	vld [tilespmem:s23+$0x14280];
	_ =	sdelay $0x2  }
0x539: {  	v3 =	vadd.f32 v3, v4  }
0x53a: {  	s25 =	simm.s32 $0x80  }
0x53b: {  	s30 =	sand.u32 $0x1C00, s25;
	v3 =	vadd.f32 v5, v3  }
0x53c: {  	s26 =	sor.u32 s30, s24;
	s24 =	simm.s32 $0x20  }
.LBB2_104:
0x53d: {  	p0 =	sne.s32 s24, $0x3F0;
	v4 =	vld [tilespmem:s26+$0xC280];
	[tilespmem:s23+$0x4280] =	vst v3;
	s23 =	smov.u32 s26  }
0x53e: {  	v3 =	vld [tilespmem:s23+$0x4280];
	_ =	sdelay $0x1  }
0x53f: {  	v5 =	vld [tilespmem:s23+$0x14280];
	_ =	sdelay $0x1  }
.Ltmp51:
0x540: {  	(pc) =	sbr.rel @p0 .LBB2_104-.Ltmp51, $4  }
0x541: {  	v3 =	vadd.f32 v4, v3  }
0x542: {  	s25 =	sadd.s32 $0x80, s25  }
0x543: {  	s26 =	sand.u32 $0x70, s24;
	s28 =	sand.u32 $0x1C00, s25;
	v3 =	vadd.f32 v5, v3  }
0x544: {  	s24 =	sadd.s32 $0x10, s24;
	s26 =	sor.u32 s28, s26  }
0x545: {  	v4 =	vld [tilespmem:s26+$0xC280];
	[tilespmem:s23+$0x4280] =	vst v3  }
0x546: {  	v3 =	vld [tilespmem:s26+$0x4280];
	_ =	sdelay $0x1  }
0x547: {  	v5 =	vld [tilespmem:s26+$0x14280];
	_ =	sdelay $0x2  }
0x548: {  	v3 =	vadd.f32 v4, v3;
	_ =	sdelay $0x1  }
0x549: {  	s25 =	simm.s32 $0x0;
	v3 =	vadd.f32 v5, v3  }
0x54a: {  	s24 =	sand.u32 $0x70, s25;
	s23 =	sand.u32 $0x1C00, s25  }
0x54b: {  	s23 =	sor.u32 s23, s24;
	[tilespmem:s26+$0x4280] =	vst v3  }
0x54c: {  	v3 =	vld [tilespmem:s23+$0xC300]  }
0x54d: {  	v4 =	vld [tilespmem:s23+$0x4300];
	_ =	sdelay $0x1  }
0x54e: {  	v5 =	vld [tilespmem:s23+$0x14300];
	_ =	sdelay $0x2  }
0x54f: {  	v3 =	vadd.f32 v3, v4  }
0x550: {  	s25 =	simm.s32 $0x80;
	s26 =	simm.s32 $0x10  }
0x551: {  	s30 =	sand.u32 $0x1C00, s25;
	s24 =	sand.u32 $0x70, s26;
	v3 =	vadd.f32 v5, v3  }
0x552: {  	s28 =	simm.s32 $0x20;
	s26 =	smov.u32 s23;
	s29 =	sor.u32 s30, s24  }
.LBB2_106:
0x553: {  	p0 =	sne.s32 s28, $0x3F0;
	v4 =	vld [tilespmem:s29+$0xC300];
	[tilespmem:s26+$0x4300] =	vst v3;
	s26 =	smov.u32 s29  }
0x554: {  	v3 =	vld [tilespmem:s26+$0x4300];
	_ =	sdelay $0x1  }
0x555: {  	v5 =	vld [tilespmem:s26+$0x14300];
	_ =	sdelay $0x1  }
.Ltmp52:
0x556: {  	(pc) =	sbr.rel @p0 .LBB2_106-.Ltmp52, $4  }
0x557: {  	v3 =	vadd.f32 v4, v3  }
0x558: {  	s25 =	sadd.s32 $0x80, s25  }
0x559: {  	s29 =	sand.u32 $0x70, s28;
	s30 =	sand.u32 $0x1C00, s25;
	v3 =	vadd.f32 v5, v3  }
0x55a: {  	s28 =	sadd.s32 $0x10, s28;
	s29 =	sor.u32 s30, s29  }
0x55b: {  	v4 =	vld [tilespmem:s29+$0xC300];
	[tilespmem:s26+$0x4300] =	vst v3  }
0x55c: {  	v3 =	vld [tilespmem:s29+$0x4300];
	_ =	sdelay $0x1  }
0x55d: {  	v5 =	vld [tilespmem:s29+$0x14300];
	_ =	sdelay $0x2  }
0x55e: {  	v3 =	vadd.f32 v4, v3;
	_ =	sdelay $0x1  }
0x55f: {  	v3 =	vadd.f32 v5, v3;
	_ =	sdelay $0x1  }
0x560: {  	[tilespmem:s29+$0x4300] =	vst v3  }
0x561: {  	v3 =	vld [tilespmem:s23+$0xC380]  }
0x562: {  	v4 =	vld [tilespmem:s23+$0x4380];
	_ =	sdelay $0x1  }
0x563: {  	v5 =	vld [tilespmem:s23+$0x14380];
	_ =	sdelay $0x2  }
0x564: {  	v3 =	vadd.f32 v3, v4  }
0x565: {  	s25 =	simm.s32 $0x80  }
0x566: {  	s30 =	sand.u32 $0x1C00, s25;
	v3 =	vadd.f32 v5, v3  }
0x567: {  	s26 =	sor.u32 s30, s24;
	s24 =	simm.s32 $0x20  }
.LBB2_108:
0x568: {  	p0 =	sne.s32 s24, $0x3F0;
	v4 =	vld [tilespmem:s26+$0xC380];
	[tilespmem:s23+$0x4380] =	vst v3;
	s23 =	smov.u32 s26  }
0x569: {  	v3 =	vld [tilespmem:s23+$0x4380];
	_ =	sdelay $0x1  }
0x56a: {  	v5 =	vld [tilespmem:s23+$0x14380];
	_ =	sdelay $0x1  }
.Ltmp53:
0x56b: {  	(pc) =	sbr.rel @p0 .LBB2_108-.Ltmp53, $4  }
0x56c: {  	v3 =	vadd.f32 v4, v3  }
0x56d: {  	s25 =	sadd.s32 $0x80, s25  }
0x56e: {  	s26 =	sand.u32 $0x70, s24;
	s28 =	sand.u32 $0x1C00, s25;
	v3 =	vadd.f32 v5, v3  }
0x56f: {  	s24 =	sadd.s32 $0x10, s24;
	s26 =	sor.u32 s28, s26  }
0x570: {  	v4 =	vld [tilespmem:s26+$0xC380];
	[tilespmem:s23+$0x4380] =	vst v3  }
0x571: {  	v3 =	vld [tilespmem:s26+$0x4380];
	_ =	sdelay $0x1  }
0x572: {  	v5 =	vld [tilespmem:s26+$0x14380];
	_ =	sdelay $0x2  }
0x573: {  	v3 =	vadd.f32 v4, v3;
	_ =	sdelay $0x1  }
0x574: {  	s23 =	simm.s32 $0x0;
	v3 =	vadd.f32 v5, v3  }
0x575: {  	s24 =	sand.u32 $0x70, s23;
	s25 =	sand.u32 $0x1C00, s23  }
0x576: {  	s25 =	sor.u32 s25, s24;
	[tilespmem:s26+$0x4380] =	vst v3  }
0x577: {  	v3 =	vld [tilespmem:s25+$0xC400]  }
0x578: {  	v4 =	vld [tilespmem:s25+$0x4400];
	_ =	sdelay $0x1  }
0x579: {  	v5 =	vld [tilespmem:s25+$0x14400];
	_ =	sdelay $0x2  }
0x57a: {  	v3 =	vadd.f32 v3, v4  }
0x57b: {  	s24 =	simm.s32 $0x10;
	s26 =	simm.s32 $0x80  }
0x57c: {  	s28 =	sand.u32 $0x70, s24;
	s29 =	sand.u32 $0x1C00, s26;
	v3 =	vadd.f32 v5, v3  }
0x57d: {  	s29 =	sor.u32 s29, s28;
	s28 =	simm.s32 $0x20  }
.LBB2_110:
0x57e: {  	p0 =	sne.s32 s28, $0x3F0;
	v4 =	vld [tilespmem:s29+$0xC400];
	[tilespmem:s25+$0x4400] =	vst v3;
	s25 =	smov.u32 s29  }
0x57f: {  	v3 =	vld [tilespmem:s25+$0x4400];
	_ =	sdelay $0x1  }
0x580: {  	v5 =	vld [tilespmem:s25+$0x14400];
	_ =	sdelay $0x1  }
.Ltmp54:
0x581: {  	(pc) =	sbr.rel @p0 .LBB2_110-.Ltmp54, $4  }
0x582: {  	v3 =	vadd.f32 v4, v3  }
0x583: {  	s26 =	sadd.s32 $0x80, s26  }
0x584: {  	s29 =	sand.u32 $0x70, s28;
	s30 =	sand.u32 $0x1C00, s26;
	v3 =	vadd.f32 v5, v3  }
0x585: {  	s28 =	sadd.s32 $0x10, s28;
	s29 =	sor.u32 s30, s29  }
0x586: {  	v4 =	vld [tilespmem:s29+$0xC400];
	[tilespmem:s25+$0x4400] =	vst v3  }
0x587: {  	v3 =	vld [tilespmem:s29+$0x4400];
	_ =	sdelay $0x1  }
0x588: {  	v5 =	vld [tilespmem:s29+$0x14400];
	_ =	sdelay $0x2  }
0x589: {  	v3 =	vadd.f32 v4, v3;
	_ =	sdelay $0x1  }
0x58a: {  	v3 =	vadd.f32 v5, v3  }
0x58b: {  	s23 =	sor.u32 s23, s23  }
0x58c: {  	s23 =	sor.u32 $0x4380, s23;
	[tilespmem:s29+$0x4400] =	vst v3  }
0x58d: {  	v3 =	vld [tilespmem:s23+$0x8100]  }
0x58e: {  	v4 =	vld [tilespmem:s23+$0x100];
	_ =	sdelay $0x1  }
0x58f: {  	v5 =	vld [tilespmem:s23+$0x10100];
	_ =	sdelay $0x2  }
0x590: {  	v3 =	vadd.f32 v3, v4  }
0x591: {  	s25 =	simm.s32 $0x80  }
0x592: {  	s24 =	sor.u32 s25, s24;
	v3 =	vadd.f32 v5, v3  }
0x593: {  	s26 =	sor.u32 $0x4380, s24;
	s24 =	simm.s32 $0x20  }
.LBB2_112:
0x594: {  	p0 =	sne.s32 s24, $0x3F0;
	v4 =	vld [tilespmem:s26+$0x8100];
	[tilespmem:s23+$0x100] =	vst v3;
	s23 =	smov.u32 s26  }
0x595: {  	v3 =	vld [tilespmem:s23+$0x100];
	_ =	sdelay $0x1  }
0x596: {  	v5 =	vld [tilespmem:s23+$0x10100];
	_ =	sdelay $0x1  }
.Ltmp55:
0x597: {  	(pc) =	sbr.rel @p0 .LBB2_112-.Ltmp55, $4  }
0x598: {  	v3 =	vadd.f32 v4, v3  }
0x599: {  	s25 =	sadd.s32 $0x80, s25  }
0x59a: {  	s26 =	sor.u32 s25, s24;
	v3 =	vadd.f32 v5, v3  }
0x59b: {  	s24 =	sadd.s32 $0x10, s24;
	s26 =	sor.u32 $0x4380, s26  }
0x59c: {  	v4 =	vld [tilespmem:s26+$0x8100];
	[tilespmem:s23+$0x100] =	vst v3  }
0x59d: {  	v3 =	vld [tilespmem:s26+$0x100];
	_ =	sdelay $0x1  }
0x59e: {  	v5 =	vld [tilespmem:s26+$0x10100];
	_ =	sdelay $0x2  }
0x59f: {  	v3 =	vadd.f32 v4, v3;
	_ =	sdelay $0x1  }
0x5a0: {  	s25 =	simm.s32 $0x0;
	v3 =	vadd.f32 v5, v3  }
0x5a1: {  	s24 =	sand.u32 $0x70, s25;
	s23 =	sand.u32 $0x1C00, s25  }
0x5a2: {  	s23 =	sor.u32 s23, s24;
	[tilespmem:s26+$0x100] =	vst v3  }
0x5a3: {  	v3 =	vld [tilespmem:s23+$0xE100]  }
0x5a4: {  	v4 =	vld [tilespmem:s23+$0x6100];
	_ =	sdelay $0x1  }
0x5a5: {  	v5 =	vld [tilespmem:s23+$0x16100];
	_ =	sdelay $0x2  }
0x5a6: {  	v3 =	vadd.f32 v3, v4  }
0x5a7: {  	s25 =	simm.s32 $0x80;
	s26 =	simm.s32 $0x10  }
0x5a8: {  	s30 =	sand.u32 $0x1C00, s25;
	s24 =	sand.u32 $0x70, s26;
	v3 =	vadd.f32 v5, v3  }
0x5a9: {  	s28 =	simm.s32 $0x20;
	s26 =	smov.u32 s23;
	s29 =	sor.u32 s30, s24  }
.LBB2_114:
0x5aa: {  	p0 =	sne.s32 s28, $0x3F0;
	v4 =	vld [tilespmem:s29+$0xE100];
	[tilespmem:s26+$0x6100] =	vst v3;
	s26 =	smov.u32 s29  }
0x5ab: {  	v3 =	vld [tilespmem:s26+$0x6100];
	_ =	sdelay $0x1  }
0x5ac: {  	v5 =	vld [tilespmem:s26+$0x16100];
	_ =	sdelay $0x1  }
.Ltmp56:
0x5ad: {  	(pc) =	sbr.rel @p0 .LBB2_114-.Ltmp56, $4  }
0x5ae: {  	v3 =	vadd.f32 v4, v3  }
0x5af: {  	s25 =	sadd.s32 $0x80, s25  }
0x5b0: {  	s29 =	sand.u32 $0x70, s28;
	s30 =	sand.u32 $0x1C00, s25;
	v3 =	vadd.f32 v5, v3  }
0x5b1: {  	s28 =	sadd.s32 $0x10, s28;
	s29 =	sor.u32 s30, s29  }
0x5b2: {  	v4 =	vld [tilespmem:s29+$0xE100];
	[tilespmem:s26+$0x6100] =	vst v3  }
0x5b3: {  	v3 =	vld [tilespmem:s29+$0x6100];
	_ =	sdelay $0x1  }
0x5b4: {  	v5 =	vld [tilespmem:s29+$0x16100];
	_ =	sdelay $0x2  }
0x5b5: {  	v3 =	vadd.f32 v4, v3;
	_ =	sdelay $0x1  }
0x5b6: {  	v3 =	vadd.f32 v5, v3;
	_ =	sdelay $0x1  }
0x5b7: {  	[tilespmem:s29+$0x6100] =	vst v3  }
0x5b8: {  	v3 =	vld [tilespmem:s23+$0xE180]  }
0x5b9: {  	v4 =	vld [tilespmem:s23+$0x6180];
	_ =	sdelay $0x1  }
0x5ba: {  	v5 =	vld [tilespmem:s23+$0x16180];
	_ =	sdelay $0x2  }
0x5bb: {  	v3 =	vadd.f32 v3, v4  }
0x5bc: {  	s25 =	simm.s32 $0x80  }
0x5bd: {  	s30 =	sand.u32 $0x1C00, s25;
	v3 =	vadd.f32 v5, v3  }
0x5be: {  	s26 =	sor.u32 s30, s24;
	s24 =	simm.s32 $0x20  }
.LBB2_116:
0x5bf: {  	p0 =	sne.s32 s24, $0x3F0;
	v4 =	vld [tilespmem:s26+$0xE180];
	[tilespmem:s23+$0x6180] =	vst v3;
	s23 =	smov.u32 s26  }
0x5c0: {  	v3 =	vld [tilespmem:s23+$0x6180];
	_ =	sdelay $0x1  }
0x5c1: {  	v5 =	vld [tilespmem:s23+$0x16180];
	_ =	sdelay $0x1  }
.Ltmp57:
0x5c2: {  	(pc) =	sbr.rel @p0 .LBB2_116-.Ltmp57, $4  }
0x5c3: {  	v3 =	vadd.f32 v4, v3  }
0x5c4: {  	s25 =	sadd.s32 $0x80, s25  }
0x5c5: {  	s26 =	sand.u32 $0x70, s24;
	s28 =	sand.u32 $0x1C00, s25;
	v3 =	vadd.f32 v5, v3  }
0x5c6: {  	s24 =	sadd.s32 $0x10, s24;
	s26 =	sor.u32 s28, s26  }
0x5c7: {  	v4 =	vld [tilespmem:s26+$0xE180];
	[tilespmem:s23+$0x6180] =	vst v3  }
0x5c8: {  	v3 =	vld [tilespmem:s26+$0x6180];
	_ =	sdelay $0x1  }
0x5c9: {  	v5 =	vld [tilespmem:s26+$0x16180];
	_ =	sdelay $0x2  }
0x5ca: {  	v3 =	vadd.f32 v4, v3;
	_ =	sdelay $0x1  }
0x5cb: {  	s25 =	simm.s32 $0x0;
	v3 =	vadd.f32 v5, v3  }
0x5cc: {  	s24 =	sand.u32 $0x70, s25;
	s23 =	sand.u32 $0x1C00, s25  }
0x5cd: {  	s23 =	sor.u32 s23, s24;
	[tilespmem:s26+$0x6180] =	vst v3  }
0x5ce: {  	v3 =	vld [tilespmem:s23+$0xE200]  }
0x5cf: {  	v4 =	vld [tilespmem:s23+$0x6200];
	_ =	sdelay $0x1  }
0x5d0: {  	v5 =	vld [tilespmem:s23+$0x16200];
	_ =	sdelay $0x2  }
0x5d1: {  	v3 =	vadd.f32 v3, v4  }
0x5d2: {  	s25 =	simm.s32 $0x80;
	s26 =	simm.s32 $0x10  }
0x5d3: {  	s30 =	sand.u32 $0x1C00, s25;
	s24 =	sand.u32 $0x70, s26;
	v3 =	vadd.f32 v5, v3  }
0x5d4: {  	s28 =	simm.s32 $0x20;
	s26 =	smov.u32 s23;
	s29 =	sor.u32 s30, s24  }
.LBB2_118:
0x5d5: {  	p0 =	sne.s32 s28, $0x3F0;
	v4 =	vld [tilespmem:s29+$0xE200];
	[tilespmem:s26+$0x6200] =	vst v3;
	s26 =	smov.u32 s29  }
0x5d6: {  	v3 =	vld [tilespmem:s26+$0x6200];
	_ =	sdelay $0x1  }
0x5d7: {  	v5 =	vld [tilespmem:s26+$0x16200];
	_ =	sdelay $0x1  }
.Ltmp58:
0x5d8: {  	(pc) =	sbr.rel @p0 .LBB2_118-.Ltmp58, $4  }
0x5d9: {  	v3 =	vadd.f32 v4, v3  }
0x5da: {  	s25 =	sadd.s32 $0x80, s25  }
0x5db: {  	s29 =	sand.u32 $0x70, s28;
	s30 =	sand.u32 $0x1C00, s25;
	v3 =	vadd.f32 v5, v3  }
0x5dc: {  	s28 =	sadd.s32 $0x10, s28;
	s29 =	sor.u32 s30, s29  }
0x5dd: {  	v4 =	vld [tilespmem:s29+$0xE200];
	[tilespmem:s26+$0x6200] =	vst v3  }
0x5de: {  	v3 =	vld [tilespmem:s29+$0x6200];
	_ =	sdelay $0x1  }
0x5df: {  	v5 =	vld [tilespmem:s29+$0x16200];
	_ =	sdelay $0x2  }
0x5e0: {  	v3 =	vadd.f32 v4, v3;
	_ =	sdelay $0x1  }
0x5e1: {  	v3 =	vadd.f32 v5, v3;
	_ =	sdelay $0x1  }
0x5e2: {  	[tilespmem:s29+$0x6200] =	vst v3  }
0x5e3: {  	v3 =	vld [tilespmem:s23+$0xE280]  }
0x5e4: {  	v4 =	vld [tilespmem:s23+$0x6280];
	_ =	sdelay $0x1  }
0x5e5: {  	v5 =	vld [tilespmem:s23+$0x16280];
	_ =	sdelay $0x2  }
0x5e6: {  	v3 =	vadd.f32 v3, v4  }
0x5e7: {  	s25 =	simm.s32 $0x80  }
0x5e8: {  	s30 =	sand.u32 $0x1C00, s25;
	v3 =	vadd.f32 v5, v3  }
0x5e9: {  	s26 =	sor.u32 s30, s24;
	s24 =	simm.s32 $0x20  }
.LBB2_120:
0x5ea: {  	p0 =	sne.s32 s24, $0x3F0;
	v4 =	vld [tilespmem:s26+$0xE280];
	[tilespmem:s23+$0x6280] =	vst v3;
	s23 =	smov.u32 s26  }
0x5eb: {  	v3 =	vld [tilespmem:s23+$0x6280];
	_ =	sdelay $0x1  }
0x5ec: {  	v5 =	vld [tilespmem:s23+$0x16280];
	_ =	sdelay $0x1  }
.Ltmp59:
0x5ed: {  	(pc) =	sbr.rel @p0 .LBB2_120-.Ltmp59, $4  }
0x5ee: {  	v3 =	vadd.f32 v4, v3  }
0x5ef: {  	s25 =	sadd.s32 $0x80, s25  }
0x5f0: {  	s26 =	sand.u32 $0x70, s24;
	s28 =	sand.u32 $0x1C00, s25;
	v3 =	vadd.f32 v5, v3  }
0x5f1: {  	s24 =	sadd.s32 $0x10, s24;
	s26 =	sor.u32 s28, s26  }
0x5f2: {  	v4 =	vld [tilespmem:s26+$0xE280];
	[tilespmem:s23+$0x6280] =	vst v3  }
0x5f3: {  	v3 =	vld [tilespmem:s26+$0x6280];
	_ =	sdelay $0x1  }
0x5f4: {  	v5 =	vld [tilespmem:s26+$0x16280];
	_ =	sdelay $0x2  }
0x5f5: {  	v3 =	vadd.f32 v4, v3;
	_ =	sdelay $0x1  }
0x5f6: {  	s25 =	simm.s32 $0x0;
	v3 =	vadd.f32 v5, v3  }
0x5f7: {  	s24 =	sand.u32 $0x70, s25;
	s23 =	sand.u32 $0x1C00, s25  }
0x5f8: {  	s23 =	sor.u32 s23, s24;
	[tilespmem:s26+$0x6280] =	vst v3  }
0x5f9: {  	v3 =	vld [tilespmem:s23+$0xE300]  }
0x5fa: {  	v4 =	vld [tilespmem:s23+$0x6300];
	_ =	sdelay $0x1  }
0x5fb: {  	v5 =	vld [tilespmem:s23+$0x16300];
	_ =	sdelay $0x2  }
0x5fc: {  	v3 =	vadd.f32 v3, v4  }
0x5fd: {  	s25 =	simm.s32 $0x80;
	s26 =	simm.s32 $0x10  }
0x5fe: {  	s30 =	sand.u32 $0x1C00, s25;
	s24 =	sand.u32 $0x70, s26;
	v3 =	vadd.f32 v5, v3  }
0x5ff: {  	s28 =	simm.s32 $0x20;
	s26 =	smov.u32 s23;
	s29 =	sor.u32 s30, s24  }
.LBB2_122:
0x600: {  	p0 =	sne.s32 s28, $0x3F0;
	v4 =	vld [tilespmem:s29+$0xE300];
	[tilespmem:s26+$0x6300] =	vst v3;
	s26 =	smov.u32 s29  }
0x601: {  	v3 =	vld [tilespmem:s26+$0x6300];
	_ =	sdelay $0x1  }
0x602: {  	v5 =	vld [tilespmem:s26+$0x16300];
	_ =	sdelay $0x1  }
.Ltmp60:
0x603: {  	(pc) =	sbr.rel @p0 .LBB2_122-.Ltmp60, $4  }
0x604: {  	v3 =	vadd.f32 v4, v3  }
0x605: {  	s25 =	sadd.s32 $0x80, s25  }
0x606: {  	s29 =	sand.u32 $0x70, s28;
	s30 =	sand.u32 $0x1C00, s25;
	v3 =	vadd.f32 v5, v3  }
0x607: {  	s28 =	sadd.s32 $0x10, s28;
	s29 =	sor.u32 s30, s29  }
0x608: {  	v4 =	vld [tilespmem:s29+$0xE300];
	[tilespmem:s26+$0x6300] =	vst v3  }
0x609: {  	v3 =	vld [tilespmem:s29+$0x6300];
	_ =	sdelay $0x1  }
0x60a: {  	v5 =	vld [tilespmem:s29+$0x16300];
	_ =	sdelay $0x2  }
0x60b: {  	v3 =	vadd.f32 v4, v3;
	_ =	sdelay $0x1  }
0x60c: {  	v3 =	vadd.f32 v5, v3;
	_ =	sdelay $0x1  }
0x60d: {  	[tilespmem:s29+$0x6300] =	vst v3  }
0x60e: {  	v3 =	vld [tilespmem:s23+$0xE380]  }
0x60f: {  	v4 =	vld [tilespmem:s23+$0x6380];
	_ =	sdelay $0x1  }
0x610: {  	v5 =	vld [tilespmem:s23+$0x16380];
	_ =	sdelay $0x2  }
0x611: {  	v3 =	vadd.f32 v3, v4  }
0x612: {  	s25 =	simm.s32 $0x80  }
0x613: {  	s30 =	sand.u32 $0x1C00, s25;
	v3 =	vadd.f32 v5, v3  }
0x614: {  	s26 =	sor.u32 s30, s24;
	s24 =	simm.s32 $0x20  }
.LBB2_124:
0x615: {  	p0 =	sne.s32 s24, $0x3F0;
	v4 =	vld [tilespmem:s26+$0xE380];
	[tilespmem:s23+$0x6380] =	vst v3;
	s23 =	smov.u32 s26  }
0x616: {  	v3 =	vld [tilespmem:s23+$0x6380];
	_ =	sdelay $0x1  }
0x617: {  	v5 =	vld [tilespmem:s23+$0x16380];
	_ =	sdelay $0x1  }
.Ltmp61:
0x618: {  	(pc) =	sbr.rel @p0 .LBB2_124-.Ltmp61, $4  }
0x619: {  	v3 =	vadd.f32 v4, v3  }
0x61a: {  	s25 =	sadd.s32 $0x80, s25  }
0x61b: {  	s26 =	sand.u32 $0x70, s24;
	s28 =	sand.u32 $0x1C00, s25;
	v3 =	vadd.f32 v5, v3  }
0x61c: {  	s24 =	sadd.s32 $0x10, s24;
	s26 =	sor.u32 s28, s26  }
0x61d: {  	v4 =	vld [tilespmem:s26+$0xE380];
	[tilespmem:s23+$0x6380] =	vst v3  }
0x61e: {  	v3 =	vld [tilespmem:s26+$0x6380];
	_ =	sdelay $0x1  }
0x61f: {  	v5 =	vld [tilespmem:s26+$0x16380];
	_ =	sdelay $0x2  }
0x620: {  	v3 =	vadd.f32 v4, v3;
	_ =	sdelay $0x1  }
0x621: {  	s23 =	simm.s32 $0x0;
	v3 =	vadd.f32 v5, v3  }
0x622: {  	s24 =	sand.u32 $0x70, s23;
	s25 =	sand.u32 $0x1C00, s23  }
0x623: {  	s25 =	sor.u32 s25, s24;
	[tilespmem:s26+$0x6380] =	vst v3  }
0x624: {  	v3 =	vld [tilespmem:s25+$0xE400]  }
0x625: {  	v4 =	vld [tilespmem:s25+$0x6400];
	_ =	sdelay $0x1  }
0x626: {  	v5 =	vld [tilespmem:s25+$0x16400];
	_ =	sdelay $0x2  }
0x627: {  	v3 =	vadd.f32 v3, v4  }
0x628: {  	s24 =	simm.s32 $0x10;
	s26 =	simm.s32 $0x80  }
0x629: {  	s28 =	sand.u32 $0x70, s24;
	s29 =	sand.u32 $0x1C00, s26;
	v3 =	vadd.f32 v5, v3  }
0x62a: {  	s29 =	sor.u32 s29, s28;
	s28 =	simm.s32 $0x20  }
.LBB2_126:
0x62b: {  	p0 =	sne.s32 s28, $0x3F0;
	v4 =	vld [tilespmem:s29+$0xE400];
	[tilespmem:s25+$0x6400] =	vst v3;
	s25 =	smov.u32 s29  }
0x62c: {  	v3 =	vld [tilespmem:s25+$0x6400];
	_ =	sdelay $0x1  }
0x62d: {  	v5 =	vld [tilespmem:s25+$0x16400];
	_ =	sdelay $0x1  }
.Ltmp62:
0x62e: {  	(pc) =	sbr.rel @p0 .LBB2_126-.Ltmp62, $4  }
0x62f: {  	v3 =	vadd.f32 v4, v3  }
0x630: {  	s26 =	sadd.s32 $0x80, s26  }
0x631: {  	s29 =	sand.u32 $0x70, s28;
	s30 =	sand.u32 $0x1C00, s26;
	v3 =	vadd.f32 v5, v3  }
0x632: {  	s28 =	sadd.s32 $0x10, s28;
	s29 =	sor.u32 s30, s29  }
0x633: {  	v4 =	vld [tilespmem:s29+$0xE400];
	[tilespmem:s25+$0x6400] =	vst v3  }
0x634: {  	v3 =	vld [tilespmem:s29+$0x6400];
	_ =	sdelay $0x1  }
0x635: {  	v5 =	vld [tilespmem:s29+$0x16400];
	_ =	sdelay $0x2  }
0x636: {  	v3 =	vadd.f32 v4, v3;
	_ =	sdelay $0x1  }
0x637: {  	v3 =	vadd.f32 v5, v3  }
0x638: {  	s23 =	sor.u32 s23, s23  }
0x639: {  	s23 =	sor.u32 $0x6380, s23;
	[tilespmem:s29+$0x6400] =	vst v3  }
0x63a: {  	v3 =	vld [tilespmem:s23+$0x8100]  }
0x63b: {  	v4 =	vld [tilespmem:s23+$0x100];
	_ =	sdelay $0x1  }
0x63c: {  	v5 =	vld [tilespmem:s23+$0x10100];
	_ =	sdelay $0x2  }
0x63d: {  	v3 =	vadd.f32 v3, v4  }
0x63e: {  	s25 =	simm.s32 $0x80  }
0x63f: {  	s24 =	sor.u32 s25, s24;
	v3 =	vadd.f32 v5, v3  }
0x640: {  	s26 =	sor.u32 $0x6380, s24;
	s24 =	simm.s32 $0x20  }
.LBB2_128:
0x641: {  	p0 =	sne.s32 s24, $0x3F0;
	v4 =	vld [tilespmem:s26+$0x8100];
	[tilespmem:s23+$0x100] =	vst v3;
	s23 =	smov.u32 s26  }
0x642: {  	v3 =	vld [tilespmem:s23+$0x100];
	_ =	sdelay $0x1  }
0x643: {  	v5 =	vld [tilespmem:s23+$0x10100];
	_ =	sdelay $0x1  }
.Ltmp63:
0x644: {  	(pc) =	sbr.rel @p0 .LBB2_128-.Ltmp63, $4  }
0x645: {  	v3 =	vadd.f32 v4, v3  }
0x646: {  	s25 =	sadd.s32 $0x80, s25  }
0x647: {  	s26 =	sor.u32 s25, s24;
	v3 =	vadd.f32 v5, v3  }
0x648: {  	s24 =	sadd.s32 $0x10, s24;
	s26 =	sor.u32 $0x6380, s26  }
0x649: {  	v4 =	vld [tilespmem:s26+$0x8100];
	[tilespmem:s23+$0x100] =	vst v3  }
0x64a: {  	v3 =	vld [tilespmem:s26+$0x100];
	_ =	sdelay $0x1  }
0x64b: {  	v5 =	vld [tilespmem:s26+$0x10100];
	_ =	sdelay $0x2  }
0x64c: {  	v3 =	vadd.f32 v4, v3;
	_ =	sdelay $0x1  }
0x64d: {  	s22 =	sadd.s32 $0x1, s22;
	v3 =	vadd.f32 v5, v3  }
0x64e: {  	p0 =	sne.s32 s22, s15  }
.Ltmp64:
0x64f: {  	[tilespmem:s26+$0x100] =	vst v3;
	(pc) =	sbr.rel @p0 .LBB2_1-.Ltmp64, $4  }
0x650: {  	[hbm4b:s14+s1] =	stream.linear.scatter [tilespmem:s16], [sflag:$0x2], $0x8000, $0x38;
	[tilespmem:$0x18100] =	vst v63  }
0x651: {  	_ =	swait.ge [sflag:s17], $0x8000  }
0x652: {  	[sflag:s17] =	ssyncset.done $0x0  }
0x653: {  	[sflag:s17] =	ssyncadd.s32 $0xFFFF8000  }
0x654: {  	_ =	sfence.sel $0x180000  }
0x655: {  	[bflag:$0x0] =	sbarrier.arrive $0xFFFF  }
0x656: {  	_ =	strace $0x90000047  }
0x657: {  	s0 =	stileid.u32;
	[bflag:$0x2] =	sbarrier.arrive $0xFFFF  }
0x658: {  	p0 =	sne.s32 s0, $0x0;
	s0 =	rddreg [dreg:$0x2]  }
0x659: {  	s0 =	sadd.s32 @!p0 $0x100000, s0  }
0x65a: {  	[sflag:s0] =	ssyncadd.tile.s32 @!p0 $0x1;
	_ =	shalt  }
.Lfunc_end2:
_tile_overlayer_lowered:
.L_overlay_start_2:
0x65b: {  	(tag) =	ssettag $0x2  }
0x65c: {  	s0 =	rddreg [dreg:$0x0];
	s2 =	stileid.u32  }
0x65d: {  	s1 =	rddreg [dreg:$0x1];
	p0 =	sne.s32 s2, $0x0  }
0x65e: {  	s3 =	rddreg [dreg:$0x2];
	[bflag:$0x3] =	sbarrier.arrive $0xFFFF;
	s2 =	simm.s32 @!p0 $0x1C02  }
0x65f: {  	[timem:s3], [sflag:s2] =	dma.local @!p0 [hbm:s0], s1  }
0x660: {  	s0 =	simm.s32 @!p0 $0x2  }
0x661: {  	_ =	swait.ge @!p0 [sflag:s0], s1  }
0x662: {  	s1 =	ssub.s32 @!p0 $0x0, s1;
	[sflag:s0] =	ssyncset.done @!p0 $0x0  }
0x663: {  	[sflag:s0] =	ssyncadd.s32 @!p0 s1  }
0x664: {  	[bflag:$0x3] =	sbarrier.arrive $0xFFFF  }
0x665: {  	_ =	shalt  }

</sc_bundles>
